<compile_context>
chip_gen: v7x
topology: tpu7x:2x2x1
jax: 0.10.2.dev20260603
libtpu: 0.0.44.dev20260713+nightly
codegen_flags: <defaults>
</compile_context>

<pallas_src>
import functools

import jax
import jax.numpy as jnp
from jax import lax
from jax.experimental import pallas as pl
from jax.experimental.pallas import tpu as pltpu
from jax.experimental.pallas import tpu_sc as plsc

N = 10000
NPAD = 10240
F = 128
FH = F // 2
NC, NS = 2, 16
NW = NC * NS
K = 80
RPT = NPAD // NS
ZR = 128

_mesh = plsc.VectorSubcoreMesh(core_axis_name="c", subcore_axis_name="s")


def _accumulate(x_hbm, gidx_hbm, sidx_hbm, zfeat_hbm,
                gidx_v, sidx_v, buf_a, buf_b, acc_sh, sem_a, sem_b,
                cid, sid, base):
    nchunk = gidx_hbm.shape[2]
    for t in range(RPT // ZR):
        pltpu.sync_copy(zfeat_hbm, acc_sh.at[pl.ds(base + t * ZR, ZR)])
    pltpu.sync_copy(gidx_hbm.at[cid, sid], gidx_v)
    pltpu.sync_copy(sidx_hbm.at[sid], sidx_v)
    plsc.subcore_barrier()

    pltpu.async_copy(x_hbm.at[gidx_v.at[0]], buf_a, sem_a)

    def step(jj, _):
        j = 2 * jj
        pltpu.async_copy(x_hbm.at[gidx_v.at[j + 1]], buf_b, sem_b)
        pltpu.make_async_copy(x_hbm.at[gidx_v.at[j]], buf_a, sem_a).wait()
        pltpu.sync_copy(buf_a, acc_sh.at[sidx_v.at[j]], add=True)

        @pl.when(j + 2 < nchunk)
        def _issue():
            pltpu.async_copy(x_hbm.at[gidx_v.at[j + 2]], buf_a, sem_a)

        pltpu.make_async_copy(x_hbm.at[gidx_v.at[j + 1]], buf_b, sem_b).wait()
        pltpu.sync_copy(buf_b, acc_sh.at[sidx_v.at[j + 1]], add=True)
        return _

    lax.fori_loop(0, nchunk // 2, step, None)
    plsc.subcore_barrier()


def _prop_body(x_hbm, gidx_hbm, sidx_hbm, zfeat_hbm, out_hbm,
               gidx_v, sidx_v, buf_a, buf_b, acc_sh, sem_a, sem_b):
    cid = lax.axis_index("c")
    sid = lax.axis_index("s")
    base = sid * RPT
    _accumulate(x_hbm, gidx_hbm, sidx_hbm, zfeat_hbm,
                gidx_v, sidx_v, buf_a, buf_b, acc_sh, sem_a, sem_b,
                cid, sid, base)
    for t in range(RPT // ZR):
        off = base + t * ZR
        pltpu.sync_copy(acc_sh.at[pl.ds(off, ZR)],
                        out_hbm.at[cid, pl.ds(off, ZR)])


def _prop_scaled_body(x_hbm, gidx_hbm, sidx_hbm, zfeat_hbm, inv_hbm, out_hbm,
                      gidx_v, sidx_v, buf_a, buf_b, inv_v, tbuf, acc_sh,
                      sem_a, sem_b):
    cid = lax.axis_index("c")
    sid = lax.axis_index("s")
    base = sid * RPT
    _accumulate(x_hbm, gidx_hbm, sidx_hbm, zfeat_hbm,
                gidx_v, sidx_v, buf_a, buf_b, acc_sh, sem_a, sem_b,
                cid, sid, base)
    pltpu.sync_copy(inv_hbm.at[pl.ds(base, RPT)], inv_v)
    for t in range(RPT // ZR):
        off = base + t * ZR
        pltpu.sync_copy(acc_sh.at[pl.ds(off, ZR)], tbuf)

        def rowbody(r, _, t=t):
            iv = inv_v[t * ZR + r, :]
            for q in range(FH // 16):
                tbuf[r, pl.ds(16 * q, 16)] = tbuf[r, pl.ds(16 * q, 16)] * iv
            return _

        lax.fori_loop(0, ZR, rowbody, None)
        pltpu.sync_copy(tbuf, out_hbm.at[cid, pl.ds(off, ZR)])


def _prop_scratch(nchunk):
    return [
        pltpu.VMEM((nchunk, K), jnp.int32),
        pltpu.VMEM((nchunk, K), jnp.int32),
        pltpu.VMEM((K, FH), jnp.float32),
        pltpu.VMEM((K, FH), jnp.float32),
    ]


def _make_prop(nchunk):
    return functools.partial(
        pl.kernel,
        out_type=jax.ShapeDtypeStruct((NC, NPAD, FH), jnp.float32),
        mesh=_mesh,
        scratch_types=_prop_scratch(nchunk) + [
            pltpu.VMEM_SHARED((NPAD, FH), jnp.float32),
            pltpu.SemaphoreType.DMA,
            pltpu.SemaphoreType.DMA,
        ],
        compiler_params=pltpu.CompilerParams(use_tc_tiling_on_sc=False),
    )(_prop_body)


def _make_prop_scaled(nchunk):
    return functools.partial(
        pl.kernel,
        out_type=jax.ShapeDtypeStruct((NC, NPAD, FH), jnp.float32),
        mesh=_mesh,
        scratch_types=_prop_scratch(nchunk) + [
            pltpu.VMEM((RPT, 16), jnp.float32),
            pltpu.VMEM((ZR, FH), jnp.float32),
            pltpu.VMEM_SHARED((NPAD, FH), jnp.float32),
            pltpu.SemaphoreType.DMA,
            pltpu.SemaphoreType.DMA,
        ],
        compiler_params=pltpu.CompilerParams(use_tc_tiling_on_sc=False),
    )(_prop_scaled_body)


def _hist_body(ridx_hbm, cidx_hbm, ones_hbm, zh_hbm, out_hbm,
               ridx_v, cidx_v, ones_v, zh_v, dacc_sh, bacc_sh):
    nchunk = ridx_hbm.shape[1]
    cid = lax.axis_index("c")
    sid = lax.axis_index("s")
    wid = sid * NC + cid
    base = sid * RPT
    pltpu.sync_copy(zh_hbm, zh_v)
    pltpu.sync_copy(zh_v, dacc_sh.at[pl.ds(base, RPT)])
    pltpu.sync_copy(zh_v, bacc_sh.at[pl.ds(base, RPT)])
    pltpu.sync_copy(ones_hbm, ones_v)
    pltpu.sync_copy(ridx_hbm.at[wid], ridx_v)
    pltpu.sync_copy(cidx_hbm.at[wid], cidx_v)
    plsc.subcore_barrier()

    def step(j, _):
        pltpu.sync_copy(ones_v, dacc_sh.at[ridx_v.at[j]], add=True)
        pltpu.sync_copy(ones_v, bacc_sh.at[cidx_v.at[j]], add=True)
        return _

    lax.fori_loop(0, nchunk, step, None)
    plsc.subcore_barrier()
    pltpu.sync_copy(dacc_sh.at[pl.ds(base, RPT)],
                    out_hbm.at[cid, 0, pl.ds(base, RPT)])
    pltpu.sync_copy(bacc_sh.at[pl.ds(base, RPT)],
                    out_hbm.at[cid, 1, pl.ds(base, RPT)])


def _make_hist(nchunk):
    return functools.partial(
        pl.kernel,
        out_type=jax.ShapeDtypeStruct((NC, 2, NPAD, 16), jnp.float32),
        mesh=_mesh,
        scratch_types=[
            pltpu.VMEM((nchunk, K), jnp.int32),
            pltpu.VMEM((nchunk, K), jnp.int32),
            pltpu.VMEM((K, 16), jnp.float32),
            pltpu.VMEM((RPT, 16), jnp.float32),
            pltpu.VMEM_SHARED((NPAD, 16), jnp.float32),
            pltpu.VMEM_SHARED((NPAD, 16), jnp.float32),
        ],
        compiler_params=pltpu.CompilerParams(use_tc_tiling_on_sc=False),
    )(_hist_body)



BR = 400


def _mm_body(x_ref, w_ref, o_ref):
    o_ref[...] = jnp.dot(x_ref[...], w_ref[...],
                         preferred_element_type=jnp.float32)


def _tc_matmul(x, w):
    return pl.pallas_call(
        _mm_body,
        grid=(N // BR,),
        in_specs=[
            pl.BlockSpec((BR, F), lambda i: (i, 0)),
            pl.BlockSpec((F, F), lambda i: (0, 0)),
        ],
        out_specs=pl.BlockSpec((BR, F), lambda i: (i, 0)),
        out_shape=jax.ShapeDtypeStruct((N, F), jnp.float32),
    )(x, w)


def _inv_from_hist(h_ref):
    cnt = h_ref[0, 0, :, 0:1] + h_ref[1, 0, :, 0:1]
    return jnp.where(cnt == 0.0, 0.0, 1.0 / cnt)


def _inv16_body(h_ref, o_ref):
    cnt = h_ref[0, 0] + h_ref[1, 0]
    o_ref[...] = jnp.where(cnt == 0.0, 0.0, 1.0 / cnt)


def _tc_inv16(h, which):
    brh = 1024
    return pl.pallas_call(
        _inv16_body,
        grid=(NPAD // brh,),
        in_specs=[
            pl.BlockSpec((NC, 1, brh, 16), lambda i, w=which: (0, w, i, 0)),
        ],
        out_specs=pl.BlockSpec((brh, 16), lambda i: (i, 0)),
        out_shape=jax.ShapeDtypeStruct((NPAD, 16), jnp.float32),
    )(h)


def _convmm_body(p_ref, h_ref, bi_ref, w_ref, bo_ref, o_ref):
    inv = _inv_from_hist(h_ref)
    pre = jnp.concatenate([inv * p_ref[0], inv * p_ref[1]], axis=1)
    hcol = jax.nn.relu(pre + bi_ref[...])
    o_ref[...] = jnp.dot(hcol, w_ref[...],
                         preferred_element_type=jnp.float32) + bo_ref[...]


def _tc_convmm(p, h, which, b_in, w, b_out):
    return pl.pallas_call(
        _convmm_body,
        grid=(N // BR,),
        in_specs=[
            pl.BlockSpec((NC, BR, FH), lambda i: (0, i, 0)),
            pl.BlockSpec((NC, 1, BR, 16), lambda i, w=which: (0, w, i, 0)),
            pl.BlockSpec((1, F), lambda i: (0, 0)),
            pl.BlockSpec((F, F), lambda i: (0, 0)),
            pl.BlockSpec((1, F), lambda i: (0, 0)),
        ],
        out_specs=pl.BlockSpec((BR, F), lambda i: (i, 0)),
        out_shape=jax.ShapeDtypeStruct((N, F), jnp.float32),
    )(p, h, b_in.reshape(1, F), w, b_out.reshape(1, F))


@jax.jit
def kernel(x, edge_index, W1, b1, W2, b2, Wl, bl):
    E = edge_index.shape[1]
    nck = E // NS // K
    nch = E // NW // K

    row = edge_index[0].astype(jnp.int32)
    col = edge_index[1].astype(jnp.int32)
    core = jnp.arange(NC, dtype=jnp.int32).reshape(NC, 1, 1, 1)
    row_g = 2 * row.reshape(1, NS, nck, K) + core
    col_gb = col.reshape(1, NS, nck, K) + NPAD * core
    row_s = row.reshape(NS, nck, K)
    col_s = col.reshape(NS, nck, K)
    row32 = row.reshape(NW, nch, K)
    col32 = col.reshape(NW, nch, K)

    zfeat = jnp.zeros((ZR, FH), jnp.float32)
    zhist = jnp.zeros((RPT, 16), jnp.float32)
    ones = jnp.ones((K, 16), jnp.float32)
    zb = jnp.zeros((F,), jnp.float32)

    sc_prop = _make_prop(nck)
    sc_prop_scaled = _make_prop_scaled(nck)
    hist = _make_hist(nch)(row32, col32, ones, zhist)
    invb = _tc_inv16(hist, 1)

    t1 = _tc_matmul(x, W1).reshape(2 * N, FH)
    e1 = sc_prop_scaled(t1, row_g, col_s, zfeat, invb)
    q1 = sc_prop(e1.reshape(NC * NPAD, FH), col_gb, row_s, zfeat)
    t2 = _tc_convmm(q1, hist, 0, b1, W2, zb).reshape(2 * N, FH)

    e2 = sc_prop_scaled(t2, row_g, col_s, zfeat, invb)
    q2 = sc_prop(e2.reshape(NC * NPAD, FH), col_gb, row_s, zfeat)
    return _tc_convmm(q2, hist, 0, b2, Wl, bl)

# --- scband reference (transcript-rebuilt; emitter-appended) ---
"""Pipeline reference for scband-hyper-gcn-11922829213805 (READ-ONLY COPY).

The authoritative reference and input builder live on the scoring server;
editing this copy changes nothing except your own understanding.
"""

import jax, jax.numpy as jnp
import numpy as np

# Faithful JAX translation of PyG HypergraphConv (use_attention=False):
#   x' = lin(x) (no bias); D_v = sum_e w_e over incidences at node v; B_e = |e|
#   edge feats = scatter_add over (v,e) of B_e^{-1} * x'_v at e
#   node out  = scatter_add over (v,e) of D_v^{-1} * edge_feats_e at v, then + bias
# HyperGCN stacks two convs with ReLU (dropout is identity in eval mode) + final Linear.

def hypergraph_conv(x, edge_index, W, b):
    x = x @ W
    row = edge_index[0]
    col = edge_index[1]
    num_nodes = x.shape[0]
    num_edges = 10000  # static bound on hyperedge ids; unused slots stay zero
    hyperedge_weight = jnp.ones((num_edges,), dtype=x.dtype)
    D = jnp.zeros((num_nodes,), dtype=x.dtype).at[row].add(hyperedge_weight[col])
    D = jnp.where(D == 0, jnp.zeros_like(D), 1.0 / D)
    B = jnp.zeros((num_edges,), dtype=x.dtype).at[col].add(jnp.ones((col.shape[0],), dtype=x.dtype))
    B = jnp.where(B == 0, jnp.zeros_like(B), 1.0 / B)
    # propagate node -> hyperedge, norm_i = B[col]
    e = jnp.zeros((num_edges, x.shape[1]), dtype=x.dtype).at[col].add(B[col][:, None] * x[row])
    # propagate hyperedge -> node (flipped), norm_i = D[row]
    out = jnp.zeros((num_nodes, x.shape[1]), dtype=x.dtype).at[row].add(D[row][:, None] * e[col])
    return out + b


def setup_inputs(seed: int = 0) -> dict:
    key = jax.random.key(seed)
    ks = jax.random.split(key, 8)
    N, E, d_in, d_hid, d_out = 10000, 320000, 128, 128, 128
    num_hyperedges = 10000
    x = jax.random.normal(ks[0], (N, d_in), dtype=jnp.float32)
    edge_index = jax.random.randint(ks[1], (2, E), 0, num_hyperedges).astype(jnp.int64)
    s1 = 1.0 / np.sqrt(d_in)
    W1 = jax.random.uniform(ks[2], (d_in, d_hid), minval=-s1, maxval=s1, dtype=jnp.float32)
    b1 = jnp.zeros((d_hid,), dtype=jnp.float32)
    s2 = 1.0 / np.sqrt(d_hid)
    W2 = jax.random.uniform(ks[3], (d_hid, d_hid), minval=-s2, maxval=s2, dtype=jnp.float32)
    b2 = jnp.zeros((d_hid,), dtype=jnp.float32)
    Wl = jax.random.uniform(ks[4], (d_hid, d_out), minval=-s2, maxval=s2, dtype=jnp.float32)
    bl = jax.random.uniform(ks[5], (d_out,), minval=-s2, maxval=s2, dtype=jnp.float32)
    return {"x": x, "edge_index": edge_index, "W1": W1, "b1": b1, "W2": W2, "b2": b2, "Wl": Wl, "bl": bl}


def reference(x, edge_index, W1, b1, W2, b2, Wl, bl):
    h = jax.nn.relu(hypergraph_conv(x, edge_index, W1, b1))
    # dropout: identity in eval mode
    h = jax.nn.relu(hypergraph_conv(h, edge_index, W2, b2))
    return h @ Wl + bl

if __name__ == "__main__":
    import jax
    _d = setup_inputs()
    print(jax.jit(kernel)(*tuple(_d.values())))

</pallas_src>

<mosaic_0001>
#map = affine_map<(d0, d1) -> (0, 0)>
#map1 = affine_map<(d0, d1) -> (0, 0, 0, 0)>
#map2 = affine_map<(d0, d1) -> (0, 0, 0)>
module attributes {stable_mosaic.version = 14 : i64} {
  func.func @_prop_body(%arg0: i32, %arg1: i32, %arg2: memref<20480x64xf32, #tpu.memory_space<hbm>>, %arg3: memref<2x16x250x80xi32, #tpu.memory_space<hbm>>, %arg4: memref<16x250x80xi32, #tpu.memory_space<hbm>>, %arg5: memref<128x64xf32, #tpu.memory_space<hbm>>, %arg6: memref<2x10240x64xf32, #tpu.memory_space<hbm>>, %arg7: memref<250x80xi32, #tpu.memory_space<vmem>>, %arg8: memref<250x80xi32, #tpu.memory_space<vmem>>, %arg9: memref<80x64xf32, #tpu.memory_space<vmem>>, %arg10: memref<80x64xf32, #tpu.memory_space<vmem>>, %arg11: memref<10240x64xf32, #tpu.memory_space<vmem_shared>>, %arg12: memref<!tpu.dma_semaphore, #tpu.memory_space<semaphore_mem>>, %arg13: memref<!tpu.dma_semaphore, #tpu.memory_space<semaphore_mem>>) attributes {dimension_semantics = [#tpu.dimension_semantics<core_parallel>, #tpu.dimension_semantics<subcore_parallel>], iteration_bounds = array<i64: 2, 16>, scalar_prefetch = 0 : i64, scratch_operands = 7 : i64, tpu.core_type = #tpu.core_type<sc_vector_subcore>, window_params = [{transform_indices = #map}, {transform_indices = #map1}, {transform_indices = #map2}, {transform_indices = #map}, {transform_indices = #map2}]} {
    %mul3A = arith.constant 640 : i32
    %mul3A_0 = arith.muli %arg1, %mul3A : i32
    %add3A = arith.constant 0 : i32
    %add3A_1 = arith.addi %mul3A_0, %add3A : i32
    "tpu.region"() ({
      %run_scoped3A = tpu.sem_alloc : memref<!tpu.dma_semaphore, #tpu.memory_space<semaphore_mem>>
      %dma_start3A_31 = arith.constant 0 : i32
      %dma_start3A_32 = tpu.memref_slice %arg11[%add3A_1, %dma_start3A_31] : memref<10240x64xf32, #tpu.memory_space<vmem_shared>> -> memref<128x64xf32, #tpu.memory_space<vmem_shared>>
      tpu.enqueue_dma source(%arg5 : memref<128x64xf32, #tpu.memory_space<hbm>>) target(%dma_start3A_32 : memref<128x64xf32, #tpu.memory_space<vmem_shared>>) target_semaphore(%run_scoped3A : memref<!tpu.dma_semaphore, #tpu.memory_space<semaphore_mem>>)
      %dma_wait3A = arith.constant 0 : i32
      %dma_wait3A_33 = tpu.memref_slice %arg11[%add3A_1, %dma_wait3A] : memref<10240x64xf32, #tpu.memory_space<vmem_shared>> -> memref<128x64xf32, #tpu.memory_space<vmem_shared>>
      tpu.wait_dma2 semaphore(%run_scoped3A : memref<!tpu.dma_semaphore, #tpu.memory_space<semaphore_mem>>) src(%arg5 : memref<128x64xf32, #tpu.memory_space<hbm>>) dst(%dma_wait3A_33 : memref<128x64xf32, #tpu.memory_space<vmem_shared>>)
      tpu.yield
    }) : () -> ()
    %add3A_2 = arith.constant 128 : i32
    %add3A_3 = arith.addi %mul3A_0, %add3A_2 : i32
    "tpu.region"() ({
      %run_scoped3A = tpu.sem_alloc : memref<!tpu.dma_semaphore, #tpu.memory_space<semaphore_mem>>
      %dma_start3A_31 = arith.constant 0 : i32
      %dma_start3A_32 = tpu.memref_slice %arg11[%add3A_3, %dma_start3A_31] : memref<10240x64xf32, #tpu.memory_space<vmem_shared>> -> memref<128x64xf32, #tpu.memory_space<vmem_shared>>
      tpu.enqueue_dma source(%arg5 : memref<128x64xf32, #tpu.memory_space<hbm>>) target(%dma_start3A_32 : memref<128x64xf32, #tpu.memory_space<vmem_shared>>) target_semaphore(%run_scoped3A : memref<!tpu.dma_semaphore, #tpu.memory_space<semaphore_mem>>)
      %dma_wait3A = arith.constant 0 : i32
      %dma_wait3A_33 = tpu.memref_slice %arg11[%add3A_3, %dma_wait3A] : memref<10240x64xf32, #tpu.memory_space<vmem_shared>> -> memref<128x64xf32, #tpu.memory_space<vmem_shared>>
      tpu.wait_dma2 semaphore(%run_scoped3A : memref<!tpu.dma_semaphore, #tpu.memory_space<semaphore_mem>>) src(%arg5 : memref<128x64xf32, #tpu.memory_space<hbm>>) dst(%dma_wait3A_33 : memref<128x64xf32, #tpu.memory_space<vmem_shared>>)
      tpu.yield
    }) : () -> ()
    %add3A_4 = arith.constant 256 : i32
    %add3A_5 = arith.addi %mul3A_0, %add3A_4 : i32
    "tpu.region"() ({
      %run_scoped3A = tpu.sem_alloc : memref<!tpu.dma_semaphore, #tpu.memory_space<semaphore_mem>>
      %dma_start3A_31 = arith.constant 0 : i32
      %dma_start3A_32 = tpu.memref_slice %arg11[%add3A_5, %dma_start3A_31] : memref<10240x64xf32, #tpu.memory_space<vmem_shared>> -> memref<128x64xf32, #tpu.memory_space<vmem_shared>>
      tpu.enqueue_dma source(%arg5 : memref<128x64xf32, #tpu.memory_space<hbm>>) target(%dma_start3A_32 : memref<128x64xf32, #tpu.memory_space<vmem_shared>>) target_semaphore(%run_scoped3A : memref<!tpu.dma_semaphore, #tpu.memory_space<semaphore_mem>>)
      %dma_wait3A = arith.constant 0 : i32
      %dma_wait3A_33 = tpu.memref_slice %arg11[%add3A_5, %dma_wait3A] : memref<10240x64xf32, #tpu.memory_space<vmem_shared>> -> memref<128x64xf32, #tpu.memory_space<vmem_shared>>
      tpu.wait_dma2 semaphore(%run_scoped3A : memref<!tpu.dma_semaphore, #tpu.memory_space<semaphore_mem>>) src(%arg5 : memref<128x64xf32, #tpu.memory_space<hbm>>) dst(%dma_wait3A_33 : memref<128x64xf32, #tpu.memory_space<vmem_shared>>)
      tpu.yield
    }) : () -> ()
    %add3A_6 = arith.constant 384 : i32
    %add3A_7 = arith.addi %mul3A_0, %add3A_6 : i32
    "tpu.region"() ({
      %run_scoped3A = tpu.sem_alloc : memref<!tpu.dma_semaphore, #tpu.memory_space<semaphore_mem>>
      %dma_start3A_31 = arith.constant 0 : i32
      %dma_start3A_32 = tpu.memref_slice %arg11[%add3A_7, %dma_start3A_31] : memref<10240x64xf32, #tpu.memory_space<vmem_shared>> -> memref<128x64xf32, #tpu.memory_space<vmem_shared>>
      tpu.enqueue_dma source(%arg5 : memref<128x64xf32, #tpu.memory_space<hbm>>) target(%dma_start3A_32 : memref<128x64xf32, #tpu.memory_space<vmem_shared>>) target_semaphore(%run_scoped3A : memref<!tpu.dma_semaphore, #tpu.memory_space<semaphore_mem>>)
      %dma_wait3A = arith.constant 0 : i32
      %dma_wait3A_33 = tpu.memref_slice %arg11[%add3A_7, %dma_wait3A] : memref<10240x64xf32, #tpu.memory_space<vmem_shared>> -> memref<128x64xf32, #tpu.memory_space<vmem_shared>>
      tpu.wait_dma2 semaphore(%run_scoped3A : memref<!tpu.dma_semaphore, #tpu.memory_space<semaphore_mem>>) src(%arg5 : memref<128x64xf32, #tpu.memory_space<hbm>>) dst(%dma_wait3A_33 : memref<128x64xf32, #tpu.memory_space<vmem_shared>>)
      tpu.yield
    }) : () -> ()
    %add3A_8 = arith.constant 512 : i32
    %add3A_9 = arith.addi %mul3A_0, %add3A_8 : i32
    "tpu.region"() ({
      %run_scoped3A = tpu.sem_alloc : memref<!tpu.dma_semaphore, #tpu.memory_space<semaphore_mem>>
      %dma_start3A_31 = arith.constant 0 : i32
      %dma_start3A_32 = tpu.memref_slice %arg11[%add3A_9, %dma_start3A_31] : memref<10240x64xf32, #tpu.memory_space<vmem_shared>> -> memref<128x64xf32, #tpu.memory_space<vmem_shared>>
      tpu.enqueue_dma source(%arg5 : memref<128x64xf32, #tpu.memory_space<hbm>>) target(%dma_start3A_32 : memref<128x64xf32, #tpu.memory_space<vmem_shared>>) target_semaphore(%run_scoped3A : memref<!tpu.dma_semaphore, #tpu.memory_space<semaphore_mem>>)
      %dma_wait3A = arith.constant 0 : i32
      %dma_wait3A_33 = tpu.memref_slice %arg11[%add3A_9, %dma_wait3A] : memref<10240x64xf32, #tpu.memory_space<vmem_shared>> -> memref<128x64xf32, #tpu.memory_space<vmem_shared>>
      tpu.wait_dma2 semaphore(%run_scoped3A : memref<!tpu.dma_semaphore, #tpu.memory_space<semaphore_mem>>) src(%arg5 : memref<128x64xf32, #tpu.memory_space<hbm>>) dst(%dma_wait3A_33 : memref<128x64xf32, #tpu.memory_space<vmem_shared>>)
      tpu.yield
    }) : () -> ()
    "tpu.region"() ({
      %run_scoped3A = tpu.sem_alloc : memref<!tpu.dma_semaphore, #tpu.memory_space<semaphore_mem>>
      %dma_start3A_31 = arith.constant 0 : i32
      %dma_start3A_32 = arith.constant 0 : i32
      %dma_start3A_33 = tpu.memref_slice %arg3[%arg0, %arg1, %dma_start3A_31, %dma_start3A_32] : memref<2x16x250x80xi32, #tpu.memory_space<hbm>> -> memref<1x1x250x80xi32, #tpu.memory_space<hbm>>
      %dma_start3A_34 = tpu.memref_squeeze %dma_start3A_33 : memref<1x1x250x80xi32, #tpu.memory_space<hbm>> -> memref<250x80xi32, #tpu.memory_space<hbm>>
      %dma_start3A_35 = arith.constant 0 : i32
      %dma_start3A_36 = arith.constant 0 : i32
      %dma_start3A_37 = tpu.memref_slice %arg3[%arg0, %arg1, %dma_start3A_35, %dma_start3A_36] : memref<2x16x250x80xi32, #tpu.memory_space<hbm>> -> memref<1x1x250x80xi32, #tpu.memory_space<hbm>>
      %dma_start3A_38 = tpu.memref_squeeze %dma_start3A_37 : memref<1x1x250x80xi32, #tpu.memory_space<hbm>> -> memref<250x80xi32, #tpu.memory_space<hbm>>
      tpu.enqueue_dma source(%dma_start3A_38 : memref<250x80xi32, #tpu.memory_space<hbm>>) target(%arg7 : memref<250x80xi32, #tpu.memory_space<vmem>>) target_semaphore(%run_scoped3A : memref<!tpu.dma_semaphore, #tpu.memory_space<semaphore_mem>>)
      %dma_wait3A = arith.constant 0 : i32
      %dma_wait3A_39 = arith.constant 0 : i32
      %dma_wait3A_40 = tpu.memref_slice %arg3[%arg0, %arg1, %dma_wait3A, %dma_wait3A_39] : memref<2x16x250x80xi32, #tpu.memory_space<hbm>> -> memref<1x1x250x80xi32, #tpu.memory_space<hbm>>
      %dma_wait3A_41 = tpu.memref_squeeze %dma_wait3A_40 : memref<1x1x250x80xi32, #tpu.memory_space<hbm>> -> memref<250x80xi32, #tpu.memory_space<hbm>>
      %dma_wait3A_42 = arith.constant 0 : i32
      %dma_wait3A_43 = arith.constant 0 : i32
      %dma_wait3A_44 = tpu.memref_slice %arg3[%arg0, %arg1, %dma_wait3A_42, %dma_wait3A_43] : memref<2x16x250x80xi32, #tpu.memory_space<hbm>> -> memref<1x1x250x80xi32, #tpu.memory_space<hbm>>
      %dma_wait3A_45 = tpu.memref_squeeze %dma_wait3A_44 : memref<1x1x250x80xi32, #tpu.memory_space<hbm>> -> memref<250x80xi32, #tpu.memory_space<hbm>>
      tpu.wait_dma2 semaphore(%run_scoped3A : memref<!tpu.dma_semaphore, #tpu.memory_space<semaphore_mem>>) src(%dma_wait3A_45 : memref<250x80xi32, #tpu.memory_space<hbm>>) dst(%arg7 : memref<250x80xi32, #tpu.memory_space<vmem>>)
      tpu.yield
    }) : () -> ()
    "tpu.region"() ({
      %run_scoped3A = tpu.sem_alloc : memref<!tpu.dma_semaphore, #tpu.memory_space<semaphore_mem>>
      %dma_start3A_31 = arith.constant 0 : i32
      %dma_start3A_32 = arith.constant 0 : i32
      %dma_start3A_33 = tpu.memref_slice %arg4[%arg1, %dma_start3A_31, %dma_start3A_32] : memref<16x250x80xi32, #tpu.memory_space<hbm>> -> memref<1x250x80xi32, #tpu.memory_space<hbm>>
      %dma_start3A_34 = tpu.memref_squeeze %dma_start3A_33 : memref<1x250x80xi32, #tpu.memory_space<hbm>> -> memref<250x80xi32, #tpu.memory_space<hbm>>
      %dma_start3A_35 = arith.constant 0 : i32
      %dma_start3A_36 = arith.constant 0 : i32
      %dma_start3A_37 = tpu.memref_slice %arg4[%arg1, %dma_start3A_35, %dma_start3A_36] : memref<16x250x80xi32, #tpu.memory_space<hbm>> -> memref<1x250x80xi32, #tpu.memory_space<hbm>>
      %dma_start3A_38 = tpu.memref_squeeze %dma_start3A_37 : memref<1x250x80xi32, #tpu.memory_space<hbm>> -> memref<250x80xi32, #tpu.memory_space<hbm>>
      tpu.enqueue_dma source(%dma_start3A_38 : memref<250x80xi32, #tpu.memory_space<hbm>>) target(%arg8 : memref<250x80xi32, #tpu.memory_space<vmem>>) target_semaphore(%run_scoped3A : memref<!tpu.dma_semaphore, #tpu.memory_space<semaphore_mem>>)
      %dma_wait3A = arith.constant 0 : i32
      %dma_wait3A_39 = arith.constant 0 : i32
      %dma_wait3A_40 = tpu.memref_slice %arg4[%arg1, %dma_wait3A, %dma_wait3A_39] : memref<16x250x80xi32, #tpu.memory_space<hbm>> -> memref<1x250x80xi32, #tpu.memory_space<hbm>>
      %dma_wait3A_41 = tpu.memref_squeeze %dma_wait3A_40 : memref<1x250x80xi32, #tpu.memory_space<hbm>> -> memref<250x80xi32, #tpu.memory_space<hbm>>
      %dma_wait3A_42 = arith.constant 0 : i32
      %dma_wait3A_43 = arith.constant 0 : i32
      %dma_wait3A_44 = tpu.memref_slice %arg4[%arg1, %dma_wait3A_42, %dma_wait3A_43] : memref<16x250x80xi32, #tpu.memory_space<hbm>> -> memref<1x250x80xi32, #tpu.memory_space<hbm>>
      %dma_wait3A_45 = tpu.memref_squeeze %dma_wait3A_44 : memref<1x250x80xi32, #tpu.memory_space<hbm>> -> memref<250x80xi32, #tpu.memory_space<hbm>>
      tpu.wait_dma2 semaphore(%run_scoped3A : memref<!tpu.dma_semaphore, #tpu.memory_space<semaphore_mem>>) src(%dma_wait3A_45 : memref<250x80xi32, #tpu.memory_space<hbm>>) dst(%arg8 : memref<250x80xi32, #tpu.memory_space<vmem>>)
      tpu.yield
    }) : () -> ()
    %barrier3A = arith.constant 0 : index
    tpu.barrier barrier_id(%barrier3A)
    %dma_start3A = arith.constant 0 : i32
    %dma_start3A_10 = arith.constant 0 : i32
    %dma_start3A_11 = tpu.memref_slice %arg7[%dma_start3A, %dma_start3A_10] : memref<250x80xi32, #tpu.memory_space<vmem>> -> memref<1x80xi32, #tpu.memory_space<vmem>>
    %dma_start3A_12 = tpu.memref_squeeze %dma_start3A_11 : memref<1x80xi32, #tpu.memory_space<vmem>> -> memref<80xi32, #tpu.memory_space<vmem>>
    %dma_start3A_13 = arith.constant 0 : i32
    %dma_start3A_14 = arith.constant 0 : i32
    %dma_start3A_15 = tpu.memref_slice %arg2[%dma_start3A_13, %dma_start3A_14] : memref<20480x64xf32, #tpu.memory_space<hbm>> -> memref<20480x64xf32, #tpu.memory_space<hbm>>
    tpu.enqueue_indirect_dma source(%dma_start3A_15 : memref<20480x64xf32, #tpu.memory_space<hbm>>) target(%arg9 : memref<80x64xf32, #tpu.memory_space<vmem>>) offsets(%dma_start3A_12 : memref<80xi32, #tpu.memory_space<vmem>>) semaphore(%arg12 : memref<!tpu.dma_semaphore, #tpu.memory_space<semaphore_mem>>)
    %scan3A = arith.constant 0 : i32
    %scan3A_16 = arith.constant 125 : i32
    %scan3A_17 = arith.addi %scan3A, %scan3A_16 : i32
    %scan3A_18 = arith.constant 1 : i32
    scf.for %scan3A_31 = %scan3A to %scan3A_17 step %scan3A_18  : i32 {
      %mul3A_32 = arith.constant 2 : i32
      %mul3A_33 = arith.muli %mul3A_32, %scan3A_31 : i32
      %add3A_34 = arith.constant 1 : i32
      %add3A_35 = arith.addi %mul3A_33, %add3A_34 : i32
      %dma_start3A_36 = arith.constant 0 : i32
      %dma_start3A_37 = tpu.memref_slice %arg7[%add3A_35, %dma_start3A_36] : memref<250x80xi32, #tpu.memory_space<vmem>> -> memref<1x80xi32, #tpu.memory_space<vmem>>
      %dma_start3A_38 = tpu.memref_squeeze %dma_start3A_37 : memref<1x80xi32, #tpu.memory_space<vmem>> -> memref<80xi32, #tpu.memory_space<vmem>>
      %dma_start3A_39 = arith.constant 0 : i32
      %dma_start3A_40 = arith.constant 0 : i32
      %dma_start3A_41 = tpu.memref_slice %arg2[%dma_start3A_39, %dma_start3A_40] : memref<20480x64xf32, #tpu.memory_space<hbm>> -> memref<20480x64xf32, #tpu.memory_space<hbm>>
      tpu.enqueue_indirect_dma source(%dma_start3A_41 : memref<20480x64xf32, #tpu.memory_space<hbm>>) target(%arg10 : memref<80x64xf32, #tpu.memory_space<vmem>>) offsets(%dma_start3A_38 : memref<80xi32, #tpu.memory_space<vmem>>) semaphore(%arg13 : memref<!tpu.dma_semaphore, #tpu.memory_space<semaphore_mem>>)
      %dma_wait3A = arith.constant 0 : i32
      %dma_wait3A_42 = tpu.memref_slice %arg7[%mul3A_33, %dma_wait3A] : memref<250x80xi32, #tpu.memory_space<vmem>> -> memref<1x80xi32, #tpu.memory_space<vmem>>
      %dma_wait3A_43 = tpu.memref_squeeze %dma_wait3A_42 : memref<1x80xi32, #tpu.memory_space<vmem>> -> memref<80xi32, #tpu.memory_space<vmem>>
      %dma_wait3A_44 = arith.constant 0 : i32
      %dma_wait3A_45 = arith.constant 0 : i32
      %dma_wait3A_46 = tpu.memref_slice %arg2[%dma_wait3A_44, %dma_wait3A_45] : memref<20480x64xf32, #tpu.memory_space<hbm>> -> memref<20480x64xf32, #tpu.memory_space<hbm>>
      tpu.wait_indirect_dma semaphore(%arg12 : memref<!tpu.dma_semaphore, #tpu.memory_space<semaphore_mem>>) src(%dma_wait3A_46 : memref<20480x64xf32, #tpu.memory_space<hbm>>) dst(%arg9 : memref<80x64xf32, #tpu.memory_space<vmem>>)
      "tpu.region"() ({
        %run_scoped3A = tpu.sem_alloc : memref<!tpu.dma_semaphore, #tpu.memory_space<semaphore_mem>>
        %dma_start3A_61 = arith.constant 0 : i32
        %dma_start3A_62 = tpu.memref_slice %arg8[%mul3A_33, %dma_start3A_61] : memref<250x80xi32, #tpu.memory_space<vmem>> -> memref<1x80xi32, #tpu.memory_space<vmem>>
        %dma_start3A_63 = tpu.memref_squeeze %dma_start3A_62 : memref<1x80xi32, #tpu.memory_space<vmem>> -> memref<80xi32, #tpu.memory_space<vmem>>
        %dma_start3A_64 = arith.constant 0 : i32
        %dma_start3A_65 = arith.constant 0 : i32
        %dma_start3A_66 = tpu.memref_slice %arg11[%dma_start3A_64, %dma_start3A_65] : memref<10240x64xf32, #tpu.memory_space<vmem_shared>> -> memref<10240x64xf32, #tpu.memory_space<vmem_shared>>
        tpu.enqueue_indirect_dma source(%arg9 : memref<80x64xf32, #tpu.memory_space<vmem>>) target(%dma_start3A_66 : memref<10240x64xf32, #tpu.memory_space<vmem_shared>>) offsets(%dma_start3A_63 : memref<80xi32, #tpu.memory_space<vmem>>) semaphore(%run_scoped3A : memref<!tpu.dma_semaphore, #tpu.memory_space<semaphore_mem>>) {add = true}
        %dma_wait3A_67 = arith.constant 0 : i32
        %dma_wait3A_68 = tpu.memref_slice %arg8[%mul3A_33, %dma_wait3A_67] : memref<250x80xi32, #tpu.memory_space<vmem>> -> memref<1x80xi32, #tpu.memory_space<vmem>>
        %dma_wait3A_69 = tpu.memref_squeeze %dma_wait3A_68 : memref<1x80xi32, #tpu.memory_space<vmem>> -> memref<80xi32, #tpu.memory_space<vmem>>
        %dma_wait3A_70 = arith.constant 0 : i32
        %dma_wait3A_71 = arith.constant 0 : i32
        %dma_wait3A_72 = tpu.memref_slice %arg11[%dma_wait3A_70, %dma_wait3A_71] : memref<10240x64xf32, #tpu.memory_space<vmem_shared>> -> memref<10240x64xf32, #tpu.memory_space<vmem_shared>>
        tpu.wait_indirect_dma semaphore(%run_scoped3A : memref<!tpu.dma_semaphore, #tpu.memory_space<semaphore_mem>>) src(%arg9 : memref<80x64xf32, #tpu.memory_space<vmem>>) dst(%dma_wait3A_72 : memref<10240x64xf32, #tpu.memory_space<vmem_shared>>)
        tpu.yield
      }) : () -> ()
      %add3A_47 = arith.constant 2 : i32
      %add3A_48 = arith.addi %mul3A_33, %add3A_47 : i32
      %lt3A = arith.constant 250 : i32
      %lt3A_49 = arith.cmpi slt, %add3A_48, %lt3A : i32
      %convert_element_type3A = arith.extui %lt3A_49 : i1 to i32
      %cond3A = arith.constant 0 : i32
      %cond3A_50 = arith.cmpi ne, %convert_element_type3A, %cond3A : i32
      scf.if %cond3A_50 {
        %add3A_61 = arith.constant 2 : i32
        %add3A_62 = arith.addi %mul3A_33, %add3A_61 : i32
        %dma_start3A_63 = arith.constant 0 : i32
        %dma_start3A_64 = tpu.memref_slice %arg7[%add3A_62, %dma_start3A_63] : memref<250x80xi32, #tpu.memory_space<vmem>> -> memref<1x80xi32, #tpu.memory_space<vmem>>
        %dma_start3A_65 = tpu.memref_squeeze %dma_start3A_64 : memref<1x80xi32, #tpu.memory_space<vmem>> -> memref<80xi32, #tpu.memory_space<vmem>>
        %dma_start3A_66 = arith.constant 0 : i32
        %dma_start3A_67 = arith.constant 0 : i32
        %dma_start3A_68 = tpu.memref_slice %arg2[%dma_start3A_66, %dma_start3A_67] : memref<20480x64xf32, #tpu.memory_space<hbm>> -> memref<20480x64xf32, #tpu.memory_space<hbm>>
        tpu.enqueue_indirect_dma source(%dma_start3A_68 : memref<20480x64xf32, #tpu.memory_space<hbm>>) target(%arg9 : memref<80x64xf32, #tpu.memory_space<vmem>>) offsets(%dma_start3A_65 : memref<80xi32, #tpu.memory_space<vmem>>) semaphore(%arg12 : memref<!tpu.dma_semaphore, #tpu.memory_space<semaphore_mem>>)
      } else {
      }
      %add3A_51 = arith.constant 1 : i32
      %add3A_52 = arith.addi %mul3A_33, %add3A_51 : i32
      %dma_wait3A_53 = arith.constant 0 : i32
      %dma_wait3A_54 = tpu.memref_slice %arg7[%add3A_52, %dma_wait3A_53] : memref<250x80xi32, #tpu.memory_space<vmem>> -> memref<1x80xi32, #tpu.memory_space<vmem>>
      %dma_wait3A_55 = tpu.memref_squeeze %dma_wait3A_54 : memref<1x80xi32, #tpu.memory_space<vmem>> -> memref<80xi32, #tpu.memory_space<vmem>>
      %dma_wait3A_56 = arith.constant 0 : i32
      %dma_wait3A_57 = arith.constant 0 : i32
      %dma_wait3A_58 = tpu.memref_slice %arg2[%dma_wait3A_56, %dma_wait3A_57] : memref<20480x64xf32, #tpu.memory_space<hbm>> -> memref<20480x64xf32, #tpu.memory_space<hbm>>
      tpu.wait_indirect_dma semaphore(%arg13 : memref<!tpu.dma_semaphore, #tpu.memory_space<semaphore_mem>>) src(%dma_wait3A_58 : memref<20480x64xf32, #tpu.memory_space<hbm>>) dst(%arg10 : memref<80x64xf32, #tpu.memory_space<vmem>>)
      %add3A_59 = arith.constant 1 : i32
      %add3A_60 = arith.addi %mul3A_33, %add3A_59 : i32
      "tpu.region"() ({
        %run_scoped3A = tpu.sem_alloc : memref<!tpu.dma_semaphore, #tpu.memory_space<semaphore_mem>>
        %dma_start3A_61 = arith.constant 0 : i32
        %dma_start3A_62 = tpu.memref_slice %arg8[%add3A_60, %dma_start3A_61] : memref<250x80xi32, #tpu.memory_space<vmem>> -> memref<1x80xi32, #tpu.memory_space<vmem>>
        %dma_start3A_63 = tpu.memref_squeeze %dma_start3A_62 : memref<1x80xi32, #tpu.memory_space<vmem>> -> memref<80xi32, #tpu.memory_space<vmem>>
        %dma_start3A_64 = arith.constant 0 : i32
        %dma_start3A_65 = arith.constant 0 : i32
        %dma_start3A_66 = tpu.memref_slice %arg11[%dma_start3A_64, %dma_start3A_65] : memref<10240x64xf32, #tpu.memory_space<vmem_shared>> -> memref<10240x64xf32, #tpu.memory_space<vmem_shared>>
        tpu.enqueue_indirect_dma source(%arg10 : memref<80x64xf32, #tpu.memory_space<vmem>>) target(%dma_start3A_66 : memref<10240x64xf32, #tpu.memory_space<vmem_shared>>) offsets(%dma_start3A_63 : memref<80xi32, #tpu.memory_space<vmem>>) semaphore(%run_scoped3A : memref<!tpu.dma_semaphore, #tpu.memory_space<semaphore_mem>>) {add = true}
        %dma_wait3A_67 = arith.constant 0 : i32
        %dma_wait3A_68 = tpu.memref_slice %arg8[%add3A_60, %dma_wait3A_67] : memref<250x80xi32, #tpu.memory_space<vmem>> -> memref<1x80xi32, #tpu.memory_space<vmem>>
        %dma_wait3A_69 = tpu.memref_squeeze %dma_wait3A_68 : memref<1x80xi32, #tpu.memory_space<vmem>> -> memref<80xi32, #tpu.memory_space<vmem>>
        %dma_wait3A_70 = arith.constant 0 : i32
        %dma_wait3A_71 = arith.constant 0 : i32
        %dma_wait3A_72 = tpu.memref_slice %arg11[%dma_wait3A_70, %dma_wait3A_71] : memref<10240x64xf32, #tpu.memory_space<vmem_shared>> -> memref<10240x64xf32, #tpu.memory_space<vmem_shared>>
        tpu.wait_indirect_dma semaphore(%run_scoped3A : memref<!tpu.dma_semaphore, #tpu.memory_space<semaphore_mem>>) src(%arg10 : memref<80x64xf32, #tpu.memory_space<vmem>>) dst(%dma_wait3A_72 : memref<10240x64xf32, #tpu.memory_space<vmem_shared>>)
        tpu.yield
      }) : () -> ()
    }
    %scan3A_19 = arith.constant 125 : i32
    %barrier3A_20 = arith.constant 0 : index
    tpu.barrier barrier_id(%barrier3A_20)
    %add3A_21 = arith.constant 0 : i32
    %add3A_22 = arith.addi %mul3A_0, %add3A_21 : i32
    "tpu.region"() ({
      %run_scoped3A = tpu.sem_alloc : memref<!tpu.dma_semaphore, #tpu.memory_space<semaphore_mem>>
      %dma_start3A_31 = arith.constant 0 : i32
      %dma_start3A_32 = tpu.memref_slice %arg6[%arg0, %add3A_22, %dma_start3A_31] : memref<2x10240x64xf32, #tpu.memory_space<hbm>> -> memref<1x128x64xf32, #tpu.memory_space<hbm>>
      %dma_start3A_33 = tpu.memref_squeeze %dma_start3A_32 : memref<1x128x64xf32, #tpu.memory_space<hbm>> -> memref<128x64xf32, #tpu.memory_space<hbm>>
      %dma_start3A_34 = arith.constant 0 : i32
      %dma_start3A_35 = tpu.memref_slice %arg11[%add3A_22, %dma_start3A_34] : memref<10240x64xf32, #tpu.memory_space<vmem_shared>> -> memref<128x64xf32, #tpu.memory_space<vmem_shared>>
      tpu.enqueue_dma source(%dma_start3A_35 : memref<128x64xf32, #tpu.memory_space<vmem_shared>>) target(%dma_start3A_33 : memref<128x64xf32, #tpu.memory_space<hbm>>) target_semaphore(%run_scoped3A : memref<!tpu.dma_semaphore, #tpu.memory_space<semaphore_mem>>)
      %dma_wait3A = arith.constant 0 : i32
      %dma_wait3A_36 = tpu.memref_slice %arg6[%arg0, %add3A_22, %dma_wait3A] : memref<2x10240x64xf32, #tpu.memory_space<hbm>> -> memref<1x128x64xf32, #tpu.memory_space<hbm>>
      %dma_wait3A_37 = tpu.memref_squeeze %dma_wait3A_36 : memref<1x128x64xf32, #tpu.memory_space<hbm>> -> memref<128x64xf32, #tpu.memory_space<hbm>>
      %dma_wait3A_38 = arith.constant 0 : i32
      %dma_wait3A_39 = tpu.memref_slice %arg11[%add3A_22, %dma_wait3A_38] : memref<10240x64xf32, #tpu.memory_space<vmem_shared>> -> memref<128x64xf32, #tpu.memory_space<vmem_shared>>
      tpu.wait_dma2 semaphore(%run_scoped3A : memref<!tpu.dma_semaphore, #tpu.memory_space<semaphore_mem>>) src(%dma_wait3A_39 : memref<128x64xf32, #tpu.memory_space<vmem_shared>>) dst(%dma_wait3A_37 : memref<128x64xf32, #tpu.memory_space<hbm>>)
      tpu.yield
    }) : () -> ()
    %add3A_23 = arith.constant 128 : i32
    %add3A_24 = arith.addi %mul3A_0, %add3A_23 : i32
    "tpu.region"() ({
      %run_scoped3A = tpu.sem_alloc : memref<!tpu.dma_semaphore, #tpu.memory_space<semaphore_mem>>
      %dma_start3A_31 = arith.constant 0 : i32
      %dma_start3A_32 = tpu.memref_slice %arg6[%arg0, %add3A_24, %dma_start3A_31] : memref<2x10240x64xf32, #tpu.memory_space<hbm>> -> memref<1x128x64xf32, #tpu.memory_space<hbm>>
      %dma_start3A_33 = tpu.memref_squeeze %dma_start3A_32 : memref<1x128x64xf32, #tpu.memory_space<hbm>> -> memref<128x64xf32, #tpu.memory_space<hbm>>
      %dma_start3A_34 = arith.constant 0 : i32
      %dma_start3A_35 = tpu.memref_slice %arg11[%add3A_24, %dma_start3A_34] : memref<10240x64xf32, #tpu.memory_space<vmem_shared>> -> memref<128x64xf32, #tpu.memory_space<vmem_shared>>
      tpu.enqueue_dma source(%dma_start3A_35 : memref<128x64xf32, #tpu.memory_space<vmem_shared>>) target(%dma_start3A_33 : memref<128x64xf32, #tpu.memory_space<hbm>>) target_semaphore(%run_scoped3A : memref<!tpu.dma_semaphore, #tpu.memory_space<semaphore_mem>>)
      %dma_wait3A = arith.constant 0 : i32
      %dma_wait3A_36 = tpu.memref_slice %arg6[%arg0, %add3A_24, %dma_wait3A] : memref<2x10240x64xf32, #tpu.memory_space<hbm>> -> memref<1x128x64xf32, #tpu.memory_space<hbm>>
      %dma_wait3A_37 = tpu.memref_squeeze %dma_wait3A_36 : memref<1x128x64xf32, #tpu.memory_space<hbm>> -> memref<128x64xf32, #tpu.memory_space<hbm>>
      %dma_wait3A_38 = arith.constant 0 : i32
      %dma_wait3A_39 = tpu.memref_slice %arg11[%add3A_24, %dma_wait3A_38] : memref<10240x64xf32, #tpu.memory_space<vmem_shared>> -> memref<128x64xf32, #tpu.memory_space<vmem_shared>>
      tpu.wait_dma2 semaphore(%run_scoped3A : memref<!tpu.dma_semaphore, #tpu.memory_space<semaphore_mem>>) src(%dma_wait3A_39 : memref<128x64xf32, #tpu.memory_space<vmem_shared>>) dst(%dma_wait3A_37 : memref<128x64xf32, #tpu.memory_space<hbm>>)
      tpu.yield
    }) : () -> ()
    %add3A_25 = arith.constant 256 : i32
    %add3A_26 = arith.addi %mul3A_0, %add3A_25 : i32
    "tpu.region"() ({
      %run_scoped3A = tpu.sem_alloc : memref<!tpu.dma_semaphore, #tpu.memory_space<semaphore_mem>>
      %dma_start3A_31 = arith.constant 0 : i32
      %dma_start3A_32 = tpu.memref_slice %arg6[%arg0, %add3A_26, %dma_start3A_31] : memref<2x10240x64xf32, #tpu.memory_space<hbm>> -> memref<1x128x64xf32, #tpu.memory_space<hbm>>
      %dma_start3A_33 = tpu.memref_squeeze %dma_start3A_32 : memref<1x128x64xf32, #tpu.memory_space<hbm>> -> memref<128x64xf32, #tpu.memory_space<hbm>>
      %dma_start3A_34 = arith.constant 0 : i32
      %dma_start3A_35 = tpu.memref_slice %arg11[%add3A_26, %dma_start3A_34] : memref<10240x64xf32, #tpu.memory_space<vmem_shared>> -> memref<128x64xf32, #tpu.memory_space<vmem_shared>>
      tpu.enqueue_dma source(%dma_start3A_35 : memref<128x64xf32, #tpu.memory_space<vmem_shared>>) target(%dma_start3A_33 : memref<128x64xf32, #tpu.memory_space<hbm>>) target_semaphore(%run_scoped3A : memref<!tpu.dma_semaphore, #tpu.memory_space<semaphore_mem>>)
      %dma_wait3A = arith.constant 0 : i32
      %dma_wait3A_36 = tpu.memref_slice %arg6[%arg0, %add3A_26, %dma_wait3A] : memref<2x10240x64xf32, #tpu.memory_space<hbm>> -> memref<1x128x64xf32, #tpu.memory_space<hbm>>
      %dma_wait3A_37 = tpu.memref_squeeze %dma_wait3A_36 : memref<1x128x64xf32, #tpu.memory_space<hbm>> -> memref<128x64xf32, #tpu.memory_space<hbm>>
      %dma_wait3A_38 = arith.constant 0 : i32
      %dma_wait3A_39 = tpu.memref_slice %arg11[%add3A_26, %dma_wait3A_38] : memref<10240x64xf32, #tpu.memory_space<vmem_shared>> -> memref<128x64xf32, #tpu.memory_space<vmem_shared>>
      tpu.wait_dma2 semaphore(%run_scoped3A : memref<!tpu.dma_semaphore, #tpu.memory_space<semaphore_mem>>) src(%dma_wait3A_39 : memref<128x64xf32, #tpu.memory_space<vmem_shared>>) dst(%dma_wait3A_37 : memref<128x64xf32, #tpu.memory_space<hbm>>)
      tpu.yield
    }) : () -> ()
    %add3A_27 = arith.constant 384 : i32
    %add3A_28 = arith.addi %mul3A_0, %add3A_27 : i32
    "tpu.region"() ({
      %run_scoped3A = tpu.sem_alloc : memref<!tpu.dma_semaphore, #tpu.memory_space<semaphore_mem>>
      %dma_start3A_31 = arith.constant 0 : i32
      %dma_start3A_32 = tpu.memref_slice %arg6[%arg0, %add3A_28, %dma_start3A_31] : memref<2x10240x64xf32, #tpu.memory_space<hbm>> -> memref<1x128x64xf32, #tpu.memory_space<hbm>>
      %dma_start3A_33 = tpu.memref_squeeze %dma_start3A_32 : memref<1x128x64xf32, #tpu.memory_space<hbm>> -> memref<128x64xf32, #tpu.memory_space<hbm>>
      %dma_start3A_34 = arith.constant 0 : i32
      %dma_start3A_35 = tpu.memref_slice %arg11[%add3A_28, %dma_start3A_34] : memref<10240x64xf32, #tpu.memory_space<vmem_shared>> -> memref<128x64xf32, #tpu.memory_space<vmem_shared>>
      tpu.enqueue_dma source(%dma_start3A_35 : memref<128x64xf32, #tpu.memory_space<vmem_shared>>) target(%dma_start3A_33 : memref<128x64xf32, #tpu.memory_space<hbm>>) target_semaphore(%run_scoped3A : memref<!tpu.dma_semaphore, #tpu.memory_space<semaphore_mem>>)
      %dma_wait3A = arith.constant 0 : i32
      %dma_wait3A_36 = tpu.memref_slice %arg6[%arg0, %add3A_28, %dma_wait3A] : memref<2x10240x64xf32, #tpu.memory_space<hbm>> -> memref<1x128x64xf32, #tpu.memory_space<hbm>>
      %dma_wait3A_37 = tpu.memref_squeeze %dma_wait3A_36 : memref<1x128x64xf32, #tpu.memory_space<hbm>> -> memref<128x64xf32, #tpu.memory_space<hbm>>
      %dma_wait3A_38 = arith.constant 0 : i32
      %dma_wait3A_39 = tpu.memref_slice %arg11[%add3A_28, %dma_wait3A_38] : memref<10240x64xf32, #tpu.memory_space<vmem_shared>> -> memref<128x64xf32, #tpu.memory_space<vmem_shared>>
      tpu.wait_dma2 semaphore(%run_scoped3A : memref<!tpu.dma_semaphore, #tpu.memory_space<semaphore_mem>>) src(%dma_wait3A_39 : memref<128x64xf32, #tpu.memory_space<vmem_shared>>) dst(%dma_wait3A_37 : memref<128x64xf32, #tpu.memory_space<hbm>>)
      tpu.yield
    }) : () -> ()
    %add3A_29 = arith.constant 512 : i32
    %add3A_30 = arith.addi %mul3A_0, %add3A_29 : i32
    "tpu.region"() ({
      %run_scoped3A = tpu.sem_alloc : memref<!tpu.dma_semaphore, #tpu.memory_space<semaphore_mem>>
      %dma_start3A_31 = arith.constant 0 : i32
      %dma_start3A_32 = tpu.memref_slice %arg6[%arg0, %add3A_30, %dma_start3A_31] : memref<2x10240x64xf32, #tpu.memory_space<hbm>> -> memref<1x128x64xf32, #tpu.memory_space<hbm>>
      %dma_start3A_33 = tpu.memref_squeeze %dma_start3A_32 : memref<1x128x64xf32, #tpu.memory_space<hbm>> -> memref<128x64xf32, #tpu.memory_space<hbm>>
      %dma_start3A_34 = arith.constant 0 : i32
      %dma_start3A_35 = tpu.memref_slice %arg11[%add3A_30, %dma_start3A_34] : memref<10240x64xf32, #tpu.memory_space<vmem_shared>> -> memref<128x64xf32, #tpu.memory_space<vmem_shared>>
      tpu.enqueue_dma source(%dma_start3A_35 : memref<128x64xf32, #tpu.memory_space<vmem_shared>>) target(%dma_start3A_33 : memref<128x64xf32, #tpu.memory_space<hbm>>) target_semaphore(%run_scoped3A : memref<!tpu.dma_semaphore, #tpu.memory_space<semaphore_mem>>)
      %dma_wait3A = arith.constant 0 : i32
      %dma_wait3A_36 = tpu.memref_slice %arg6[%arg0, %add3A_30, %dma_wait3A] : memref<2x10240x64xf32, #tpu.memory_space<hbm>> -> memref<1x128x64xf32, #tpu.memory_space<hbm>>
      %dma_wait3A_37 = tpu.memref_squeeze %dma_wait3A_36 : memref<1x128x64xf32, #tpu.memory_space<hbm>> -> memref<128x64xf32, #tpu.memory_space<hbm>>
      %dma_wait3A_38 = arith.constant 0 : i32
      %dma_wait3A_39 = tpu.memref_slice %arg11[%add3A_30, %dma_wait3A_38] : memref<10240x64xf32, #tpu.memory_space<vmem_shared>> -> memref<128x64xf32, #tpu.memory_space<vmem_shared>>
      tpu.wait_dma2 semaphore(%run_scoped3A : memref<!tpu.dma_semaphore, #tpu.memory_space<semaphore_mem>>) src(%dma_wait3A_39 : memref<128x64xf32, #tpu.memory_space<vmem_shared>>) dst(%dma_wait3A_37 : memref<128x64xf32, #tpu.memory_space<hbm>>)
      tpu.yield
    }) : () -> ()
    return
  }
}

#map = affine_map<(d0, d1) -> (0, 0, 0)>
#map1 = affine_map<(d0, d1) -> (0, 0)>
#map2 = affine_map<(d0, d1) -> (0, 0, 0, 0)>
module attributes {stable_mosaic.version = 14 : i64} {
  func.func @_hist_body(%arg0: i32, %arg1: i32, %arg2: memref<32x125x80xi32, #tpu.memory_space<hbm>>, %arg3: memref<32x125x80xi32, #tpu.memory_space<hbm>>, %arg4: memref<80x16xf32, #tpu.memory_space<hbm>>, %arg5: memref<640x16xf32, #tpu.memory_space<hbm>>, %arg6: memref<2x2x10240x16xf32, #tpu.memory_space<hbm>>, %arg7: memref<125x80xi32, #tpu.memory_space<vmem>>, %arg8: memref<125x80xi32, #tpu.memory_space<vmem>>, %arg9: memref<80x16xf32, #tpu.memory_space<vmem>>, %arg10: memref<640x16xf32, #tpu.memory_space<vmem>>, %arg11: memref<10240x16xf32, #tpu.memory_space<vmem_shared>>, %arg12: memref<10240x16xf32, #tpu.memory_space<vmem_shared>>) attributes {dimension_semantics = [#tpu.dimension_semantics<core_parallel>, #tpu.dimension_semantics<subcore_parallel>], iteration_bounds = array<i64: 2, 16>, scalar_prefetch = 0 : i64, scratch_operands = 6 : i64, tpu.core_type = #tpu.core_type<sc_vector_subcore>, window_params = [{transform_indices = #map}, {transform_indices = #map}, {transform_indices = #map1}, {transform_indices = #map1}, {transform_indices = #map2}]} {
    %mul3A = arith.constant 2 : i32
    %mul3A_0 = arith.muli %arg1, %mul3A : i32
    %add3A = arith.addi %mul3A_0, %arg0 : i32
    %mul3A_1 = arith.constant 640 : i32
    %mul3A_2 = arith.muli %arg1, %mul3A_1 : i32
    "tpu.region"() ({
      %run_scoped3A_9 = tpu.sem_alloc : memref<!tpu.dma_semaphore, #tpu.memory_space<semaphore_mem>>
      tpu.enqueue_dma source(%arg5 : memref<640x16xf32, #tpu.memory_space<hbm>>) target(%arg10 : memref<640x16xf32, #tpu.memory_space<vmem>>) target_semaphore(%run_scoped3A_9 : memref<!tpu.dma_semaphore, #tpu.memory_space<semaphore_mem>>)
      tpu.wait_dma2 semaphore(%run_scoped3A_9 : memref<!tpu.dma_semaphore, #tpu.memory_space<semaphore_mem>>) src(%arg5 : memref<640x16xf32, #tpu.memory_space<hbm>>) dst(%arg10 : memref<640x16xf32, #tpu.memory_space<vmem>>)
      tpu.yield
    }) : () -> ()
    "tpu.region"() ({
      %run_scoped3A_9 = tpu.sem_alloc : memref<!tpu.dma_semaphore, #tpu.memory_space<semaphore_mem>>
      %dma_start3A = arith.constant 0 : i32
      %dma_start3A_10 = tpu.memref_slice %arg11[%mul3A_2, %dma_start3A] : memref<10240x16xf32, #tpu.memory_space<vmem_shared>> -> memref<640x16xf32, #tpu.memory_space<vmem_shared>>
      %dma_start3A_11 = arith.constant 0 : i32
      %dma_start3A_12 = tpu.memref_slice %arg11[%mul3A_2, %dma_start3A_11] : memref<10240x16xf32, #tpu.memory_space<vmem_shared>> -> memref<640x16xf32, #tpu.memory_space<vmem_shared>>
      tpu.enqueue_dma source(%arg10 : memref<640x16xf32, #tpu.memory_space<vmem>>) target(%dma_start3A_12 : memref<640x16xf32, #tpu.memory_space<vmem_shared>>) target_semaphore(%run_scoped3A_9 : memref<!tpu.dma_semaphore, #tpu.memory_space<semaphore_mem>>)
      %dma_wait3A = arith.constant 0 : i32
      %dma_wait3A_13 = tpu.memref_slice %arg11[%mul3A_2, %dma_wait3A] : memref<10240x16xf32, #tpu.memory_space<vmem_shared>> -> memref<640x16xf32, #tpu.memory_space<vmem_shared>>
      %dma_wait3A_14 = arith.constant 0 : i32
      %dma_wait3A_15 = tpu.memref_slice %arg11[%mul3A_2, %dma_wait3A_14] : memref<10240x16xf32, #tpu.memory_space<vmem_shared>> -> memref<640x16xf32, #tpu.memory_space<vmem_shared>>
      tpu.wait_dma2 semaphore(%run_scoped3A_9 : memref<!tpu.dma_semaphore, #tpu.memory_space<semaphore_mem>>) src(%arg10 : memref<640x16xf32, #tpu.memory_space<vmem>>) dst(%dma_wait3A_15 : memref<640x16xf32, #tpu.memory_space<vmem_shared>>)
      tpu.yield
    }) : () -> ()
    "tpu.region"() ({
      %run_scoped3A_9 = tpu.sem_alloc : memref<!tpu.dma_semaphore, #tpu.memory_space<semaphore_mem>>
      %dma_start3A = arith.constant 0 : i32
      %dma_start3A_10 = tpu.memref_slice %arg12[%mul3A_2, %dma_start3A] : memref<10240x16xf32, #tpu.memory_space<vmem_shared>> -> memref<640x16xf32, #tpu.memory_space<vmem_shared>>
      %dma_start3A_11 = arith.constant 0 : i32
      %dma_start3A_12 = tpu.memref_slice %arg12[%mul3A_2, %dma_start3A_11] : memref<10240x16xf32, #tpu.memory_space<vmem_shared>> -> memref<640x16xf32, #tpu.memory_space<vmem_shared>>
      tpu.enqueue_dma source(%arg10 : memref<640x16xf32, #tpu.memory_space<vmem>>) target(%dma_start3A_12 : memref<640x16xf32, #tpu.memory_space<vmem_shared>>) target_semaphore(%run_scoped3A_9 : memref<!tpu.dma_semaphore, #tpu.memory_space<semaphore_mem>>)
      %dma_wait3A = arith.constant 0 : i32
      %dma_wait3A_13 = tpu.memref_slice %arg12[%mul3A_2, %dma_wait3A] : memref<10240x16xf32, #tpu.memory_space<vmem_shared>> -> memref<640x16xf32, #tpu.memory_space<vmem_shared>>
      %dma_wait3A_14 = arith.constant 0 : i32
      %dma_wait3A_15 = tpu.memref_slice %arg12[%mul3A_2, %dma_wait3A_14] : memref<10240x16xf32, #tpu.memory_space<vmem_shared>> -> memref<640x16xf32, #tpu.memory_space<vmem_shared>>
      tpu.wait_dma2 semaphore(%run_scoped3A_9 : memref<!tpu.dma_semaphore, #tpu.memory_space<semaphore_mem>>) src(%arg10 : memref<640x16xf32, #tpu.memory_space<vmem>>) dst(%dma_wait3A_15 : memref<640x16xf32, #tpu.memory_space<vmem_shared>>)
      tpu.yield
    }) : () -> ()
    "tpu.region"() ({
      %run_scoped3A_9 = tpu.sem_alloc : memref<!tpu.dma_semaphore, #tpu.memory_space<semaphore_mem>>
      tpu.enqueue_dma source(%arg4 : memref<80x16xf32, #tpu.memory_space<hbm>>) target(%arg9 : memref<80x16xf32, #tpu.memory_space<vmem>>) target_semaphore(%run_scoped3A_9 : memref<!tpu.dma_semaphore, #tpu.memory_space<semaphore_mem>>)
      tpu.wait_dma2 semaphore(%run_scoped3A_9 : memref<!tpu.dma_semaphore, #tpu.memory_space<semaphore_mem>>) src(%arg4 : memref<80x16xf32, #tpu.memory_space<hbm>>) dst(%arg9 : memref<80x16xf32, #tpu.memory_space<vmem>>)
      tpu.yield
    }) : () -> ()
    "tpu.region"() ({
      %run_scoped3A_9 = tpu.sem_alloc : memref<!tpu.dma_semaphore, #tpu.memory_space<semaphore_mem>>
      %dma_start3A = arith.constant 0 : i32
      %dma_start3A_10 = arith.constant 0 : i32
      %dma_start3A_11 = tpu.memref_slice %arg2[%add3A, %dma_start3A, %dma_start3A_10] : memref<32x125x80xi32, #tpu.memory_space<hbm>> -> memref<1x125x80xi32, #tpu.memory_space<hbm>>
      %dma_start3A_12 = tpu.memref_squeeze %dma_start3A_11 : memref<1x125x80xi32, #tpu.memory_space<hbm>> -> memref<125x80xi32, #tpu.memory_space<hbm>>
      %dma_start3A_13 = arith.constant 0 : i32
      %dma_start3A_14 = arith.constant 0 : i32
      %dma_start3A_15 = tpu.memref_slice %arg2[%add3A, %dma_start3A_13, %dma_start3A_14] : memref<32x125x80xi32, #tpu.memory_space<hbm>> -> memref<1x125x80xi32, #tpu.memory_space<hbm>>
      %dma_start3A_16 = tpu.memref_squeeze %dma_start3A_15 : memref<1x125x80xi32, #tpu.memory_space<hbm>> -> memref<125x80xi32, #tpu.memory_space<hbm>>
      tpu.enqueue_dma source(%dma_start3A_16 : memref<125x80xi32, #tpu.memory_space<hbm>>) target(%arg7 : memref<125x80xi32, #tpu.memory_space<vmem>>) target_semaphore(%run_scoped3A_9 : memref<!tpu.dma_semaphore, #tpu.memory_space<semaphore_mem>>)
      %dma_wait3A = arith.constant 0 : i32
      %dma_wait3A_17 = arith.constant 0 : i32
      %dma_wait3A_18 = tpu.memref_slice %arg2[%add3A, %dma_wait3A, %dma_wait3A_17] : memref<32x125x80xi32, #tpu.memory_space<hbm>> -> memref<1x125x80xi32, #tpu.memory_space<hbm>>
      %dma_wait3A_19 = tpu.memref_squeeze %dma_wait3A_18 : memref<1x125x80xi32, #tpu.memory_space<hbm>> -> memref<125x80xi32, #tpu.memory_space<hbm>>
      %dma_wait3A_20 = arith.constant 0 : i32
      %dma_wait3A_21 = arith.constant 0 : i32
      %dma_wait3A_22 = tpu.memref_slice %arg2[%add3A, %dma_wait3A_20, %dma_wait3A_21] : memref<32x125x80xi32, #tpu.memory_space<hbm>> -> memref<1x125x80xi32, #tpu.memory_space<hbm>>
      %dma_wait3A_23 = tpu.memref_squeeze %dma_wait3A_22 : memref<1x125x80xi32, #tpu.memory_space<hbm>> -> memref<125x80xi32, #tpu.memory_space<hbm>>
      tpu.wait_dma2 semaphore(%run_scoped3A_9 : memref<!tpu.dma_semaphore, #tpu.memory_space<semaphore_mem>>) src(%dma_wait3A_23 : memref<125x80xi32, #tpu.memory_space<hbm>>) dst(%arg7 : memref<125x80xi32, #tpu.memory_space<vmem>>)
      tpu.yield
    }) : () -> ()
    "tpu.region"() ({
      %run_scoped3A_9 = tpu.sem_alloc : memref<!tpu.dma_semaphore, #tpu.memory_space<semaphore_mem>>
      %dma_start3A = arith.constant 0 : i32
      %dma_start3A_10 = arith.constant 0 : i32
      %dma_start3A_11 = tpu.memref_slice %arg3[%add3A, %dma_start3A, %dma_start3A_10] : memref<32x125x80xi32, #tpu.memory_space<hbm>> -> memref<1x125x80xi32, #tpu.memory_space<hbm>>
      %dma_start3A_12 = tpu.memref_squeeze %dma_start3A_11 : memref<1x125x80xi32, #tpu.memory_space<hbm>> -> memref<125x80xi32, #tpu.memory_space<hbm>>
      %dma_start3A_13 = arith.constant 0 : i32
      %dma_start3A_14 = arith.constant 0 : i32
      %dma_start3A_15 = tpu.memref_slice %arg3[%add3A, %dma_start3A_13, %dma_start3A_14] : memref<32x125x80xi32, #tpu.memory_space<hbm>> -> memref<1x125x80xi32, #tpu.memory_space<hbm>>
      %dma_start3A_16 = tpu.memref_squeeze %dma_start3A_15 : memref<1x125x80xi32, #tpu.memory_space<hbm>> -> memref<125x80xi32, #tpu.memory_space<hbm>>
      tpu.enqueue_dma source(%dma_start3A_16 : memref<125x80xi32, #tpu.memory_space<hbm>>) target(%arg8 : memref<125x80xi32, #tpu.memory_space<vmem>>) target_semaphore(%run_scoped3A_9 : memref<!tpu.dma_semaphore, #tpu.memory_space<semaphore_mem>>)
      %dma_wait3A = arith.constant 0 : i32
      %dma_wait3A_17 = arith.constant 0 : i32
      %dma_wait3A_18 = tpu.memref_slice %arg3[%add3A, %dma_wait3A, %dma_wait3A_17] : memref<32x125x80xi32, #tpu.memory_space<hbm>> -> memref<1x125x80xi32, #tpu.memory_space<hbm>>
      %dma_wait3A_19 = tpu.memref_squeeze %dma_wait3A_18 : memref<1x125x80xi32, #tpu.memory_space<hbm>> -> memref<125x80xi32, #tpu.memory_space<hbm>>
      %dma_wait3A_20 = arith.constant 0 : i32
      %dma_wait3A_21 = arith.constant 0 : i32
      %dma_wait3A_22 = tpu.memref_slice %arg3[%add3A, %dma_wait3A_20, %dma_wait3A_21] : memref<32x125x80xi32, #tpu.memory_space<hbm>> -> memref<1x125x80xi32, #tpu.memory_space<hbm>>
      %dma_wait3A_23 = tpu.memref_squeeze %dma_wait3A_22 : memref<1x125x80xi32, #tpu.memory_space<hbm>> -> memref<125x80xi32, #tpu.memory_space<hbm>>
      tpu.wait_dma2 semaphore(%run_scoped3A_9 : memref<!tpu.dma_semaphore, #tpu.memory_space<semaphore_mem>>) src(%dma_wait3A_23 : memref<125x80xi32, #tpu.memory_space<hbm>>) dst(%arg8 : memref<125x80xi32, #tpu.memory_space<vmem>>)
      tpu.yield
    }) : () -> ()
    %barrier3A = arith.constant 0 : index
    tpu.barrier barrier_id(%barrier3A)
    %scan3A = arith.constant 0 : i32
    %scan3A_3 = arith.constant 125 : i32
    %scan3A_4 = arith.addi %scan3A, %scan3A_3 : i32
    %scan3A_5 = arith.constant 1 : i32
    scf.for %scan3A_9 = %scan3A to %scan3A_4 step %scan3A_5  : i32 {
      "tpu.region"() ({
        %run_scoped3A_10 = tpu.sem_alloc : memref<!tpu.dma_semaphore, #tpu.memory_space<semaphore_mem>>
        %dma_start3A = arith.constant 0 : i32
        %dma_start3A_11 = tpu.memref_slice %arg7[%scan3A_9, %dma_start3A] : memref<125x80xi32, #tpu.memory_space<vmem>> -> memref<1x80xi32, #tpu.memory_space<vmem>>
        %dma_start3A_12 = tpu.memref_squeeze %dma_start3A_11 : memref<1x80xi32, #tpu.memory_space<vmem>> -> memref<80xi32, #tpu.memory_space<vmem>>
        %dma_start3A_13 = arith.constant 0 : i32
        %dma_start3A_14 = arith.constant 0 : i32
        %dma_start3A_15 = tpu.memref_slice %arg11[%dma_start3A_13, %dma_start3A_14] : memref<10240x16xf32, #tpu.memory_space<vmem_shared>> -> memref<10240x16xf32, #tpu.memory_space<vmem_shared>>
        tpu.enqueue_indirect_dma source(%arg9 : memref<80x16xf32, #tpu.memory_space<vmem>>) target(%dma_start3A_15 : memref<10240x16xf32, #tpu.memory_space<vmem_shared>>) offsets(%dma_start3A_12 : memref<80xi32, #tpu.memory_space<vmem>>) semaphore(%run_scoped3A_10 : memref<!tpu.dma_semaphore, #tpu.memory_space<semaphore_mem>>) {add = true}
        %dma_wait3A = arith.constant 0 : i32
        %dma_wait3A_16 = tpu.memref_slice %arg7[%scan3A_9, %dma_wait3A] : memref<125x80xi32, #tpu.memory_space<vmem>> -> memref<1x80xi32, #tpu.memory_space<vmem>>
        %dma_wait3A_17 = tpu.memref_squeeze %dma_wait3A_16 : memref<1x80xi32, #tpu.memory_space<vmem>> -> memref<80xi32, #tpu.memory_space<vmem>>
        %dma_wait3A_18 = arith.constant 0 : i32
        %dma_wait3A_19 = arith.constant 0 : i32
        %dma_wait3A_20 = tpu.memref_slice %arg11[%dma_wait3A_18, %dma_wait3A_19] : memref<10240x16xf32, #tpu.memory_space<vmem_shared>> -> memref<10240x16xf32, #tpu.memory_space<vmem_shared>>
        tpu.wait_indirect_dma semaphore(%run_scoped3A_10 : memref<!tpu.dma_semaphore, #tpu.memory_space<semaphore_mem>>) src(%arg9 : memref<80x16xf32, #tpu.memory_space<vmem>>) dst(%dma_wait3A_20 : memref<10240x16xf32, #tpu.memory_space<vmem_shared>>)
        tpu.yield
      }) : () -> ()
      "tpu.region"() ({
        %run_scoped3A_10 = tpu.sem_alloc : memref<!tpu.dma_semaphore, #tpu.memory_space<semaphore_mem>>
        %dma_start3A = arith.constant 0 : i32
        %dma_start3A_11 = tpu.memref_slice %arg8[%scan3A_9, %dma_start3A] : memref<125x80xi32, #tpu.memory_space<vmem>> -> memref<1x80xi32, #tpu.memory_space<vmem>>
        %dma_start3A_12 = tpu.memref_squeeze %dma_start3A_11 : memref<1x80xi32, #tpu.memory_space<vmem>> -> memref<80xi32, #tpu.memory_space<vmem>>
        %dma_start3A_13 = arith.constant 0 : i32
        %dma_start3A_14 = arith.constant 0 : i32
        %dma_start3A_15 = tpu.memref_slice %arg12[%dma_start3A_13, %dma_start3A_14] : memref<10240x16xf32, #tpu.memory_space<vmem_shared>> -> memref<10240x16xf32, #tpu.memory_space<vmem_shared>>
        tpu.enqueue_indirect_dma source(%arg9 : memref<80x16xf32, #tpu.memory_space<vmem>>) target(%dma_start3A_15 : memref<10240x16xf32, #tpu.memory_space<vmem_shared>>) offsets(%dma_start3A_12 : memref<80xi32, #tpu.memory_space<vmem>>) semaphore(%run_scoped3A_10 : memref<!tpu.dma_semaphore, #tpu.memory_space<semaphore_mem>>) {add = true}
        %dma_wait3A = arith.constant 0 : i32
        %dma_wait3A_16 = tpu.memref_slice %arg8[%scan3A_9, %dma_wait3A] : memref<125x80xi32, #tpu.memory_space<vmem>> -> memref<1x80xi32, #tpu.memory_space<vmem>>
        %dma_wait3A_17 = tpu.memref_squeeze %dma_wait3A_16 : memref<1x80xi32, #tpu.memory_space<vmem>> -> memref<80xi32, #tpu.memory_space<vmem>>
        %dma_wait3A_18 = arith.constant 0 : i32
        %dma_wait3A_19 = arith.constant 0 : i32
        %dma_wait3A_20 = tpu.memref_slice %arg12[%dma_wait3A_18, %dma_wait3A_19] : memref<10240x16xf32, #tpu.memory_space<vmem_shared>> -> memref<10240x16xf32, #tpu.memory_space<vmem_shared>>
        tpu.wait_indirect_dma semaphore(%run_scoped3A_10 : memref<!tpu.dma_semaphore, #tpu.memory_space<semaphore_mem>>) src(%arg9 : memref<80x16xf32, #tpu.memory_space<vmem>>) dst(%dma_wait3A_20 : memref<10240x16xf32, #tpu.memory_space<vmem_shared>>)
        tpu.yield
      }) : () -> ()
    }
    %scan3A_6 = arith.constant 125 : i32
    %barrier3A_7 = arith.constant 0 : index
    tpu.barrier barrier_id(%barrier3A_7)
    %run_scoped3A = arith.constant 0 : i32
    "tpu.region"() ({
      %run_scoped3A_9 = tpu.sem_alloc : memref<!tpu.dma_semaphore, #tpu.memory_space<semaphore_mem>>
      %dma_start3A = arith.constant 0 : i32
      %dma_start3A_10 = tpu.memref_slice %arg6[%arg0, %run_scoped3A, %mul3A_2, %dma_start3A] : memref<2x2x10240x16xf32, #tpu.memory_space<hbm>> -> memref<1x1x640x16xf32, #tpu.memory_space<hbm>>
      %dma_start3A_11 = tpu.memref_squeeze %dma_start3A_10 : memref<1x1x640x16xf32, #tpu.memory_space<hbm>> -> memref<640x16xf32, #tpu.memory_space<hbm>>
      %dma_start3A_12 = arith.constant 0 : i32
      %dma_start3A_13 = tpu.memref_slice %arg11[%mul3A_2, %dma_start3A_12] : memref<10240x16xf32, #tpu.memory_space<vmem_shared>> -> memref<640x16xf32, #tpu.memory_space<vmem_shared>>
      tpu.enqueue_dma source(%dma_start3A_13 : memref<640x16xf32, #tpu.memory_space<vmem_shared>>) target(%dma_start3A_11 : memref<640x16xf32, #tpu.memory_space<hbm>>) target_semaphore(%run_scoped3A_9 : memref<!tpu.dma_semaphore, #tpu.memory_space<semaphore_mem>>)
      %dma_wait3A = arith.constant 0 : i32
      %dma_wait3A_14 = tpu.memref_slice %arg6[%arg0, %run_scoped3A, %mul3A_2, %dma_wait3A] : memref<2x2x10240x16xf32, #tpu.memory_space<hbm>> -> memref<1x1x640x16xf32, #tpu.memory_space<hbm>>
      %dma_wait3A_15 = tpu.memref_squeeze %dma_wait3A_14 : memref<1x1x640x16xf32, #tpu.memory_space<hbm>> -> memref<640x16xf32, #tpu.memory_space<hbm>>
      %dma_wait3A_16 = arith.constant 0 : i32
      %dma_wait3A_17 = tpu.memref_slice %arg11[%mul3A_2, %dma_wait3A_16] : memref<10240x16xf32, #tpu.memory_space<vmem_shared>> -> memref<640x16xf32, #tpu.memory_space<vmem_shared>>
      tpu.wait_dma2 semaphore(%run_scoped3A_9 : memref<!tpu.dma_semaphore, #tpu.memory_space<semaphore_mem>>) src(%dma_wait3A_17 : memref<640x16xf32, #tpu.memory_space<vmem_shared>>) dst(%dma_wait3A_15 : memref<640x16xf32, #tpu.memory_space<hbm>>)
      tpu.yield
    }) : () -> ()
    %run_scoped3A_8 = arith.constant 1 : i32
    "tpu.region"() ({
      %run_scoped3A_9 = tpu.sem_alloc : memref<!tpu.dma_semaphore, #tpu.memory_space<semaphore_mem>>
      %dma_start3A = arith.constant 0 : i32
      %dma_start3A_10 = tpu.memref_slice %arg6[%arg0, %run_scoped3A_8, %mul3A_2, %dma_start3A] : memref<2x2x10240x16xf32, #tpu.memory_space<hbm>> -> memref<1x1x640x16xf32, #tpu.memory_space<hbm>>
      %dma_start3A_11 = tpu.memref_squeeze %dma_start3A_10 : memref<1x1x640x16xf32, #tpu.memory_space<hbm>> -> memref<640x16xf32, #tpu.memory_space<hbm>>
      %dma_start3A_12 = arith.constant 0 : i32
      %dma_start3A_13 = tpu.memref_slice %arg12[%mul3A_2, %dma_start3A_12] : memref<10240x16xf32, #tpu.memory_space<vmem_shared>> -> memref<640x16xf32, #tpu.memory_space<vmem_shared>>
      tpu.enqueue_dma source(%dma_start3A_13 : memref<640x16xf32, #tpu.memory_space<vmem_shared>>) target(%dma_start3A_11 : memref<640x16xf32, #tpu.memory_space<hbm>>) target_semaphore(%run_scoped3A_9 : memref<!tpu.dma_semaphore, #tpu.memory_space<semaphore_mem>>)
      %dma_wait3A = arith.constant 0 : i32
      %dma_wait3A_14 = tpu.memref_slice %arg6[%arg0, %run_scoped3A_8, %mul3A_2, %dma_wait3A] : memref<2x2x10240x16xf32, #tpu.memory_space<hbm>> -> memref<1x1x640x16xf32, #tpu.memory_space<hbm>>
      %dma_wait3A_15 = tpu.memref_squeeze %dma_wait3A_14 : memref<1x1x640x16xf32, #tpu.memory_space<hbm>> -> memref<640x16xf32, #tpu.memory_space<hbm>>
      %dma_wait3A_16 = arith.constant 0 : i32
      %dma_wait3A_17 = tpu.memref_slice %arg12[%mul3A_2, %dma_wait3A_16] : memref<10240x16xf32, #tpu.memory_space<vmem_shared>> -> memref<640x16xf32, #tpu.memory_space<vmem_shared>>
      tpu.wait_dma2 semaphore(%run_scoped3A_9 : memref<!tpu.dma_semaphore, #tpu.memory_space<semaphore_mem>>) src(%dma_wait3A_17 : memref<640x16xf32, #tpu.memory_space<vmem_shared>>) dst(%dma_wait3A_15 : memref<640x16xf32, #tpu.memory_space<hbm>>)
      tpu.yield
    }) : () -> ()
    return
  }
}

#map = affine_map<(d0, d1) -> (0, 0)>
#map1 = affine_map<(d0, d1) -> (0, 0, 0, 0)>
#map2 = affine_map<(d0, d1) -> (0, 0, 0)>
module attributes {stable_mosaic.version = 14 : i64} {
  func.func @_prop_scaled_body(%arg0: i32, %arg1: i32, %arg2: memref<20000x64xf32, #tpu.memory_space<hbm>>, %arg3: memref<2x16x250x80xi32, #tpu.memory_space<hbm>>, %arg4: memref<16x250x80xi32, #tpu.memory_space<hbm>>, %arg5: memref<128x64xf32, #tpu.memory_space<hbm>>, %arg6: memref<10240x16xf32, #tpu.memory_space<hbm>>, %arg7: memref<2x10240x64xf32, #tpu.memory_space<hbm>>, %arg8: memref<250x80xi32, #tpu.memory_space<vmem>>, %arg9: memref<250x80xi32, #tpu.memory_space<vmem>>, %arg10: memref<80x64xf32, #tpu.memory_space<vmem>>, %arg11: memref<80x64xf32, #tpu.memory_space<vmem>>, %arg12: memref<640x16xf32, #tpu.memory_space<vmem>>, %arg13: memref<128x64xf32, #tpu.memory_space<vmem>>, %arg14: memref<10240x64xf32, #tpu.memory_space<vmem_shared>>, %arg15: memref<!tpu.dma_semaphore, #tpu.memory_space<semaphore_mem>>, %arg16: memref<!tpu.dma_semaphore, #tpu.memory_space<semaphore_mem>>) attributes {dimension_semantics = [#tpu.dimension_semantics<core_parallel>, #tpu.dimension_semantics<subcore_parallel>], iteration_bounds = array<i64: 2, 16>, scalar_prefetch = 0 : i64, scratch_operands = 9 : i64, tpu.core_type = #tpu.core_type<sc_vector_subcore>, window_params = [{transform_indices = #map}, {transform_indices = #map1}, {transform_indices = #map2}, {transform_indices = #map}, {transform_indices = #map}, {transform_indices = #map2}]} {
    %mul3A = arith.constant 640 : i32
    %mul3A_0 = arith.muli %arg1, %mul3A : i32
    %add3A = arith.constant 0 : i32
    %add3A_1 = arith.addi %mul3A_0, %add3A : i32
    "tpu.region"() ({
      %run_scoped3A = tpu.sem_alloc : memref<!tpu.dma_semaphore, #tpu.memory_space<semaphore_mem>>
      %dma_start3A_56 = arith.constant 0 : i32
      %dma_start3A_57 = tpu.memref_slice %arg14[%add3A_1, %dma_start3A_56] : memref<10240x64xf32, #tpu.memory_space<vmem_shared>> -> memref<128x64xf32, #tpu.memory_space<vmem_shared>>
      tpu.enqueue_dma source(%arg5 : memref<128x64xf32, #tpu.memory_space<hbm>>) target(%dma_start3A_57 : memref<128x64xf32, #tpu.memory_space<vmem_shared>>) target_semaphore(%run_scoped3A : memref<!tpu.dma_semaphore, #tpu.memory_space<semaphore_mem>>)
      %dma_wait3A = arith.constant 0 : i32
      %dma_wait3A_58 = tpu.memref_slice %arg14[%add3A_1, %dma_wait3A] : memref<10240x64xf32, #tpu.memory_space<vmem_shared>> -> memref<128x64xf32, #tpu.memory_space<vmem_shared>>
      tpu.wait_dma2 semaphore(%run_scoped3A : memref<!tpu.dma_semaphore, #tpu.memory_space<semaphore_mem>>) src(%arg5 : memref<128x64xf32, #tpu.memory_space<hbm>>) dst(%dma_wait3A_58 : memref<128x64xf32, #tpu.memory_space<vmem_shared>>)
      tpu.yield
    }) : () -> ()
    %add3A_2 = arith.constant 128 : i32
    %add3A_3 = arith.addi %mul3A_0, %add3A_2 : i32
    "tpu.region"() ({
      %run_scoped3A = tpu.sem_alloc : memref<!tpu.dma_semaphore, #tpu.memory_space<semaphore_mem>>
      %dma_start3A_56 = arith.constant 0 : i32
      %dma_start3A_57 = tpu.memref_slice %arg14[%add3A_3, %dma_start3A_56] : memref<10240x64xf32, #tpu.memory_space<vmem_shared>> -> memref<128x64xf32, #tpu.memory_space<vmem_shared>>
      tpu.enqueue_dma source(%arg5 : memref<128x64xf32, #tpu.memory_space<hbm>>) target(%dma_start3A_57 : memref<128x64xf32, #tpu.memory_space<vmem_shared>>) target_semaphore(%run_scoped3A : memref<!tpu.dma_semaphore, #tpu.memory_space<semaphore_mem>>)
      %dma_wait3A = arith.constant 0 : i32
      %dma_wait3A_58 = tpu.memref_slice %arg14[%add3A_3, %dma_wait3A] : memref<10240x64xf32, #tpu.memory_space<vmem_shared>> -> memref<128x64xf32, #tpu.memory_space<vmem_shared>>
      tpu.wait_dma2 semaphore(%run_scoped3A : memref<!tpu.dma_semaphore, #tpu.memory_space<semaphore_mem>>) src(%arg5 : memref<128x64xf32, #tpu.memory_space<hbm>>) dst(%dma_wait3A_58 : memref<128x64xf32, #tpu.memory_space<vmem_shared>>)
      tpu.yield
    }) : () -> ()
    %add3A_4 = arith.constant 256 : i32
    %add3A_5 = arith.addi %mul3A_0, %add3A_4 : i32
    "tpu.region"() ({
      %run_scoped3A = tpu.sem_alloc : memref<!tpu.dma_semaphore, #tpu.memory_space<semaphore_mem>>
      %dma_start3A_56 = arith.constant 0 : i32
      %dma_start3A_57 = tpu.memref_slice %arg14[%add3A_5, %dma_start3A_56] : memref<10240x64xf32, #tpu.memory_space<vmem_shared>> -> memref<128x64xf32, #tpu.memory_space<vmem_shared>>
      tpu.enqueue_dma source(%arg5 : memref<128x64xf32, #tpu.memory_space<hbm>>) target(%dma_start3A_57 : memref<128x64xf32, #tpu.memory_space<vmem_shared>>) target_semaphore(%run_scoped3A : memref<!tpu.dma_semaphore, #tpu.memory_space<semaphore_mem>>)
      %dma_wait3A = arith.constant 0 : i32
      %dma_wait3A_58 = tpu.memref_slice %arg14[%add3A_5, %dma_wait3A] : memref<10240x64xf32, #tpu.memory_space<vmem_shared>> -> memref<128x64xf32, #tpu.memory_space<vmem_shared>>
      tpu.wait_dma2 semaphore(%run_scoped3A : memref<!tpu.dma_semaphore, #tpu.memory_space<semaphore_mem>>) src(%arg5 : memref<128x64xf32, #tpu.memory_space<hbm>>) dst(%dma_wait3A_58 : memref<128x64xf32, #tpu.memory_space<vmem_shared>>)
      tpu.yield
    }) : () -> ()
    %add3A_6 = arith.constant 384 : i32
    %add3A_7 = arith.addi %mul3A_0, %add3A_6 : i32
    "tpu.region"() ({
      %run_scoped3A = tpu.sem_alloc : memref<!tpu.dma_semaphore, #tpu.memory_space<semaphore_mem>>
      %dma_start3A_56 = arith.constant 0 : i32
      %dma_start3A_57 = tpu.memref_slice %arg14[%add3A_7, %dma_start3A_56] : memref<10240x64xf32, #tpu.memory_space<vmem_shared>> -> memref<128x64xf32, #tpu.memory_space<vmem_shared>>
      tpu.enqueue_dma source(%arg5 : memref<128x64xf32, #tpu.memory_space<hbm>>) target(%dma_start3A_57 : memref<128x64xf32, #tpu.memory_space<vmem_shared>>) target_semaphore(%run_scoped3A : memref<!tpu.dma_semaphore, #tpu.memory_space<semaphore_mem>>)
      %dma_wait3A = arith.constant 0 : i32
      %dma_wait3A_58 = tpu.memref_slice %arg14[%add3A_7, %dma_wait3A] : memref<10240x64xf32, #tpu.memory_space<vmem_shared>> -> memref<128x64xf32, #tpu.memory_space<vmem_shared>>
      tpu.wait_dma2 semaphore(%run_scoped3A : memref<!tpu.dma_semaphore, #tpu.memory_space<semaphore_mem>>) src(%arg5 : memref<128x64xf32, #tpu.memory_space<hbm>>) dst(%dma_wait3A_58 : memref<128x64xf32, #tpu.memory_space<vmem_shared>>)
      tpu.yield
    }) : () -> ()
    %add3A_8 = arith.constant 512 : i32
    %add3A_9 = arith.addi %mul3A_0, %add3A_8 : i32
    "tpu.region"() ({
      %run_scoped3A = tpu.sem_alloc : memref<!tpu.dma_semaphore, #tpu.memory_space<semaphore_mem>>
      %dma_start3A_56 = arith.constant 0 : i32
      %dma_start3A_57 = tpu.memref_slice %arg14[%add3A_9, %dma_start3A_56] : memref<10240x64xf32, #tpu.memory_space<vmem_shared>> -> memref<128x64xf32, #tpu.memory_space<vmem_shared>>
      tpu.enqueue_dma source(%arg5 : memref<128x64xf32, #tpu.memory_space<hbm>>) target(%dma_start3A_57 : memref<128x64xf32, #tpu.memory_space<vmem_shared>>) target_semaphore(%run_scoped3A : memref<!tpu.dma_semaphore, #tpu.memory_space<semaphore_mem>>)
      %dma_wait3A = arith.constant 0 : i32
      %dma_wait3A_58 = tpu.memref_slice %arg14[%add3A_9, %dma_wait3A] : memref<10240x64xf32, #tpu.memory_space<vmem_shared>> -> memref<128x64xf32, #tpu.memory_space<vmem_shared>>
      tpu.wait_dma2 semaphore(%run_scoped3A : memref<!tpu.dma_semaphore, #tpu.memory_space<semaphore_mem>>) src(%arg5 : memref<128x64xf32, #tpu.memory_space<hbm>>) dst(%dma_wait3A_58 : memref<128x64xf32, #tpu.memory_space<vmem_shared>>)
      tpu.yield
    }) : () -> ()
    "tpu.region"() ({
      %run_scoped3A = tpu.sem_alloc : memref<!tpu.dma_semaphore, #tpu.memory_space<semaphore_mem>>
      %dma_start3A_56 = arith.constant 0 : i32
      %dma_start3A_57 = arith.constant 0 : i32
      %dma_start3A_58 = tpu.memref_slice %arg3[%arg0, %arg1, %dma_start3A_56, %dma_start3A_57] : memref<2x16x250x80xi32, #tpu.memory_space<hbm>> -> memref<1x1x250x80xi32, #tpu.memory_space<hbm>>
      %dma_start3A_59 = tpu.memref_squeeze %dma_start3A_58 : memref<1x1x250x80xi32, #tpu.memory_space<hbm>> -> memref<250x80xi32, #tpu.memory_space<hbm>>
      %dma_start3A_60 = arith.constant 0 : i32
      %dma_start3A_61 = arith.constant 0 : i32
      %dma_start3A_62 = tpu.memref_slice %arg3[%arg0, %arg1, %dma_start3A_60, %dma_start3A_61] : memref<2x16x250x80xi32, #tpu.memory_space<hbm>> -> memref<1x1x250x80xi32, #tpu.memory_space<hbm>>
      %dma_start3A_63 = tpu.memref_squeeze %dma_start3A_62 : memref<1x1x250x80xi32, #tpu.memory_space<hbm>> -> memref<250x80xi32, #tpu.memory_space<hbm>>
      tpu.enqueue_dma source(%dma_start3A_63 : memref<250x80xi32, #tpu.memory_space<hbm>>) target(%arg8 : memref<250x80xi32, #tpu.memory_space<vmem>>) target_semaphore(%run_scoped3A : memref<!tpu.dma_semaphore, #tpu.memory_space<semaphore_mem>>)
      %dma_wait3A = arith.constant 0 : i32
      %dma_wait3A_64 = arith.constant 0 : i32
      %dma_wait3A_65 = tpu.memref_slice %arg3[%arg0, %arg1, %dma_wait3A, %dma_wait3A_64] : memref<2x16x250x80xi32, #tpu.memory_space<hbm>> -> memref<1x1x250x80xi32, #tpu.memory_space<hbm>>
      %dma_wait3A_66 = tpu.memref_squeeze %dma_wait3A_65 : memref<1x1x250x80xi32, #tpu.memory_space<hbm>> -> memref<250x80xi32, #tpu.memory_space<hbm>>
      %dma_wait3A_67 = arith.constant 0 : i32
      %dma_wait3A_68 = arith.constant 0 : i32
      %dma_wait3A_69 = tpu.memref_slice %arg3[%arg0, %arg1, %dma_wait3A_67, %dma_wait3A_68] : memref<2x16x250x80xi32, #tpu.memory_space<hbm>> -> memref<1x1x250x80xi32, #tpu.memory_space<hbm>>
      %dma_wait3A_70 = tpu.memref_squeeze %dma_wait3A_69 : memref<1x1x250x80xi32, #tpu.memory_space<hbm>> -> memref<250x80xi32, #tpu.memory_space<hbm>>
      tpu.wait_dma2 semaphore(%run_scoped3A : memref<!tpu.dma_semaphore, #tpu.memory_space<semaphore_mem>>) src(%dma_wait3A_70 : memref<250x80xi32, #tpu.memory_space<hbm>>) dst(%arg8 : memref<250x80xi32, #tpu.memory_space<vmem>>)
      tpu.yield
    }) : () -> ()
    "tpu.region"() ({
      %run_scoped3A = tpu.sem_alloc : memref<!tpu.dma_semaphore, #tpu.memory_space<semaphore_mem>>
      %dma_start3A_56 = arith.constant 0 : i32
      %dma_start3A_57 = arith.constant 0 : i32
      %dma_start3A_58 = tpu.memref_slice %arg4[%arg1, %dma_start3A_56, %dma_start3A_57] : memref<16x250x80xi32, #tpu.memory_space<hbm>> -> memref<1x250x80xi32, #tpu.memory_space<hbm>>
      %dma_start3A_59 = tpu.memref_squeeze %dma_start3A_58 : memref<1x250x80xi32, #tpu.memory_space<hbm>> -> memref<250x80xi32, #tpu.memory_space<hbm>>
      %dma_start3A_60 = arith.constant 0 : i32
      %dma_start3A_61 = arith.constant 0 : i32
      %dma_start3A_62 = tpu.memref_slice %arg4[%arg1, %dma_start3A_60, %dma_start3A_61] : memref<16x250x80xi32, #tpu.memory_space<hbm>> -> memref<1x250x80xi32, #tpu.memory_space<hbm>>
      %dma_start3A_63 = tpu.memref_squeeze %dma_start3A_62 : memref<1x250x80xi32, #tpu.memory_space<hbm>> -> memref<250x80xi32, #tpu.memory_space<hbm>>
      tpu.enqueue_dma source(%dma_start3A_63 : memref<250x80xi32, #tpu.memory_space<hbm>>) target(%arg9 : memref<250x80xi32, #tpu.memory_space<vmem>>) target_semaphore(%run_scoped3A : memref<!tpu.dma_semaphore, #tpu.memory_space<semaphore_mem>>)
      %dma_wait3A = arith.constant 0 : i32
      %dma_wait3A_64 = arith.constant 0 : i32
      %dma_wait3A_65 = tpu.memref_slice %arg4[%arg1, %dma_wait3A, %dma_wait3A_64] : memref<16x250x80xi32, #tpu.memory_space<hbm>> -> memref<1x250x80xi32, #tpu.memory_space<hbm>>
      %dma_wait3A_66 = tpu.memref_squeeze %dma_wait3A_65 : memref<1x250x80xi32, #tpu.memory_space<hbm>> -> memref<250x80xi32, #tpu.memory_space<hbm>>
      %dma_wait3A_67 = arith.constant 0 : i32
      %dma_wait3A_68 = arith.constant 0 : i32
      %dma_wait3A_69 = tpu.memref_slice %arg4[%arg1, %dma_wait3A_67, %dma_wait3A_68] : memref<16x250x80xi32, #tpu.memory_space<hbm>> -> memref<1x250x80xi32, #tpu.memory_space<hbm>>
      %dma_wait3A_70 = tpu.memref_squeeze %dma_wait3A_69 : memref<1x250x80xi32, #tpu.memory_space<hbm>> -> memref<250x80xi32, #tpu.memory_space<hbm>>
      tpu.wait_dma2 semaphore(%run_scoped3A : memref<!tpu.dma_semaphore, #tpu.memory_space<semaphore_mem>>) src(%dma_wait3A_70 : memref<250x80xi32, #tpu.memory_space<hbm>>) dst(%arg9 : memref<250x80xi32, #tpu.memory_space<vmem>>)
      tpu.yield
    }) : () -> ()
    %barrier3A = arith.constant 0 : index
    tpu.barrier barrier_id(%barrier3A)
    %dma_start3A = arith.constant 0 : i32
    %dma_start3A_10 = arith.constant 0 : i32
    %dma_start3A_11 = tpu.memref_slice %arg8[%dma_start3A, %dma_start3A_10] : memref<250x80xi32, #tpu.memory_space<vmem>> -> memref<1x80xi32, #tpu.memory_space<vmem>>
    %dma_start3A_12 = tpu.memref_squeeze %dma_start3A_11 : memref<1x80xi32, #tpu.memory_space<vmem>> -> memref<80xi32, #tpu.memory_space<vmem>>
    %dma_start3A_13 = arith.constant 0 : i32
    %dma_start3A_14 = arith.constant 0 : i32
    %dma_start3A_15 = tpu.memref_slice %arg2[%dma_start3A_13, %dma_start3A_14] : memref<20000x64xf32, #tpu.memory_space<hbm>> -> memref<20000x64xf32, #tpu.memory_space<hbm>>
    tpu.enqueue_indirect_dma source(%dma_start3A_15 : memref<20000x64xf32, #tpu.memory_space<hbm>>) target(%arg10 : memref<80x64xf32, #tpu.memory_space<vmem>>) offsets(%dma_start3A_12 : memref<80xi32, #tpu.memory_space<vmem>>) semaphore(%arg15 : memref<!tpu.dma_semaphore, #tpu.memory_space<semaphore_mem>>)
    %scan3A = arith.constant 0 : i32
    %scan3A_16 = arith.constant 125 : i32
    %scan3A_17 = arith.addi %scan3A, %scan3A_16 : i32
    %scan3A_18 = arith.constant 1 : i32
    scf.for %scan3A_56 = %scan3A to %scan3A_17 step %scan3A_18  : i32 {
      %mul3A_57 = arith.constant 2 : i32
      %mul3A_58 = arith.muli %mul3A_57, %scan3A_56 : i32
      %add3A_59 = arith.constant 1 : i32
      %add3A_60 = arith.addi %mul3A_58, %add3A_59 : i32
      %dma_start3A_61 = arith.constant 0 : i32
      %dma_start3A_62 = tpu.memref_slice %arg8[%add3A_60, %dma_start3A_61] : memref<250x80xi32, #tpu.memory_space<vmem>> -> memref<1x80xi32, #tpu.memory_space<vmem>>
      %dma_start3A_63 = tpu.memref_squeeze %dma_start3A_62 : memref<1x80xi32, #tpu.memory_space<vmem>> -> memref<80xi32, #tpu.memory_space<vmem>>
      %dma_start3A_64 = arith.constant 0 : i32
      %dma_start3A_65 = arith.constant 0 : i32
      %dma_start3A_66 = tpu.memref_slice %arg2[%dma_start3A_64, %dma_start3A_65] : memref<20000x64xf32, #tpu.memory_space<hbm>> -> memref<20000x64xf32, #tpu.memory_space<hbm>>
      tpu.enqueue_indirect_dma source(%dma_start3A_66 : memref<20000x64xf32, #tpu.memory_space<hbm>>) target(%arg11 : memref<80x64xf32, #tpu.memory_space<vmem>>) offsets(%dma_start3A_63 : memref<80xi32, #tpu.memory_space<vmem>>) semaphore(%arg16 : memref<!tpu.dma_semaphore, #tpu.memory_space<semaphore_mem>>)
      %dma_wait3A = arith.constant 0 : i32
      %dma_wait3A_67 = tpu.memref_slice %arg8[%mul3A_58, %dma_wait3A] : memref<250x80xi32, #tpu.memory_space<vmem>> -> memref<1x80xi32, #tpu.memory_space<vmem>>
      %dma_wait3A_68 = tpu.memref_squeeze %dma_wait3A_67 : memref<1x80xi32, #tpu.memory_space<vmem>> -> memref<80xi32, #tpu.memory_space<vmem>>
      %dma_wait3A_69 = arith.constant 0 : i32
      %dma_wait3A_70 = arith.constant 0 : i32
      %dma_wait3A_71 = tpu.memref_slice %arg2[%dma_wait3A_69, %dma_wait3A_70] : memref<20000x64xf32, #tpu.memory_space<hbm>> -> memref<20000x64xf32, #tpu.memory_space<hbm>>
      tpu.wait_indirect_dma semaphore(%arg15 : memref<!tpu.dma_semaphore, #tpu.memory_space<semaphore_mem>>) src(%dma_wait3A_71 : memref<20000x64xf32, #tpu.memory_space<hbm>>) dst(%arg10 : memref<80x64xf32, #tpu.memory_space<vmem>>)
      "tpu.region"() ({
        %run_scoped3A = tpu.sem_alloc : memref<!tpu.dma_semaphore, #tpu.memory_space<semaphore_mem>>
        %dma_start3A_86 = arith.constant 0 : i32
        %dma_start3A_87 = tpu.memref_slice %arg9[%mul3A_58, %dma_start3A_86] : memref<250x80xi32, #tpu.memory_space<vmem>> -> memref<1x80xi32, #tpu.memory_space<vmem>>
        %dma_start3A_88 = tpu.memref_squeeze %dma_start3A_87 : memref<1x80xi32, #tpu.memory_space<vmem>> -> memref<80xi32, #tpu.memory_space<vmem>>
        %dma_start3A_89 = arith.constant 0 : i32
        %dma_start3A_90 = arith.constant 0 : i32
        %dma_start3A_91 = tpu.memref_slice %arg14[%dma_start3A_89, %dma_start3A_90] : memref<10240x64xf32, #tpu.memory_space<vmem_shared>> -> memref<10240x64xf32, #tpu.memory_space<vmem_shared>>
        tpu.enqueue_indirect_dma source(%arg10 : memref<80x64xf32, #tpu.memory_space<vmem>>) target(%dma_start3A_91 : memref<10240x64xf32, #tpu.memory_space<vmem_shared>>) offsets(%dma_start3A_88 : memref<80xi32, #tpu.memory_space<vmem>>) semaphore(%run_scoped3A : memref<!tpu.dma_semaphore, #tpu.memory_space<semaphore_mem>>) {add = true}
        %dma_wait3A_92 = arith.constant 0 : i32
        %dma_wait3A_93 = tpu.memref_slice %arg9[%mul3A_58, %dma_wait3A_92] : memref<250x80xi32, #tpu.memory_space<vmem>> -> memref<1x80xi32, #tpu.memory_space<vmem>>
        %dma_wait3A_94 = tpu.memref_squeeze %dma_wait3A_93 : memref<1x80xi32, #tpu.memory_space<vmem>> -> memref<80xi32, #tpu.memory_space<vmem>>
        %dma_wait3A_95 = arith.constant 0 : i32
        %dma_wait3A_96 = arith.constant 0 : i32
        %dma_wait3A_97 = tpu.memref_slice %arg14[%dma_wait3A_95, %dma_wait3A_96] : memref<10240x64xf32, #tpu.memory_space<vmem_shared>> -> memref<10240x64xf32, #tpu.memory_space<vmem_shared>>
        tpu.wait_indirect_dma semaphore(%run_scoped3A : memref<!tpu.dma_semaphore, #tpu.memory_space<semaphore_mem>>) src(%arg10 : memref<80x64xf32, #tpu.memory_space<vmem>>) dst(%dma_wait3A_97 : memref<10240x64xf32, #tpu.memory_space<vmem_shared>>)
        tpu.yield
      }) : () -> ()
      %add3A_72 = arith.constant 2 : i32
      %add3A_73 = arith.addi %mul3A_58, %add3A_72 : i32
      %lt3A = arith.constant 250 : i32
      %lt3A_74 = arith.cmpi slt, %add3A_73, %lt3A : i32
      %convert_element_type3A = arith.extui %lt3A_74 : i1 to i32
      %cond3A = arith.constant 0 : i32
      %cond3A_75 = arith.cmpi ne, %convert_element_type3A, %cond3A : i32
      scf.if %cond3A_75 {
        %add3A_86 = arith.constant 2 : i32
        %add3A_87 = arith.addi %mul3A_58, %add3A_86 : i32
        %dma_start3A_88 = arith.constant 0 : i32
        %dma_start3A_89 = tpu.memref_slice %arg8[%add3A_87, %dma_start3A_88] : memref<250x80xi32, #tpu.memory_space<vmem>> -> memref<1x80xi32, #tpu.memory_space<vmem>>
        %dma_start3A_90 = tpu.memref_squeeze %dma_start3A_89 : memref<1x80xi32, #tpu.memory_space<vmem>> -> memref<80xi32, #tpu.memory_space<vmem>>
        %dma_start3A_91 = arith.constant 0 : i32
        %dma_start3A_92 = arith.constant 0 : i32
        %dma_start3A_93 = tpu.memref_slice %arg2[%dma_start3A_91, %dma_start3A_92] : memref<20000x64xf32, #tpu.memory_space<hbm>> -> memref<20000x64xf32, #tpu.memory_space<hbm>>
        tpu.enqueue_indirect_dma source(%dma_start3A_93 : memref<20000x64xf32, #tpu.memory_space<hbm>>) target(%arg10 : memref<80x64xf32, #tpu.memory_space<vmem>>) offsets(%dma_start3A_90 : memref<80xi32, #tpu.memory_space<vmem>>) semaphore(%arg15 : memref<!tpu.dma_semaphore, #tpu.memory_space<semaphore_mem>>)
      } else {
      }
      %add3A_76 = arith.constant 1 : i32
      %add3A_77 = arith.addi %mul3A_58, %add3A_76 : i32
      %dma_wait3A_78 = arith.constant 0 : i32
      %dma_wait3A_79 = tpu.memref_slice %arg8[%add3A_77, %dma_wait3A_78] : memref<250x80xi32, #tpu.memory_space<vmem>> -> memref<1x80xi32, #tpu.memory_space<vmem>>
      %dma_wait3A_80 = tpu.memref_squeeze %dma_wait3A_79 : memref<1x80xi32, #tpu.memory_space<vmem>> -> memref<80xi32, #tpu.memory_space<vmem>>
      %dma_wait3A_81 = arith.constant 0 : i32
      %dma_wait3A_82 = arith.constant 0 : i32
      %dma_wait3A_83 = tpu.memref_slice %arg2[%dma_wait3A_81, %dma_wait3A_82] : memref<20000x64xf32, #tpu.memory_space<hbm>> -> memref<20000x64xf32, #tpu.memory_space<hbm>>
      tpu.wait_indirect_dma semaphore(%arg16 : memref<!tpu.dma_semaphore, #tpu.memory_space<semaphore_mem>>) src(%dma_wait3A_83 : memref<20000x64xf32, #tpu.memory_space<hbm>>) dst(%arg11 : memref<80x64xf32, #tpu.memory_space<vmem>>)
      %add3A_84 = arith.constant 1 : i32
      %add3A_85 = arith.addi %mul3A_58, %add3A_84 : i32
      "tpu.region"() ({
        %run_scoped3A = tpu.sem_alloc : memref<!tpu.dma_semaphore, #tpu.memory_space<semaphore_mem>>
        %dma_start3A_86 = arith.constant 0 : i32
        %dma_start3A_87 = tpu.memref_slice %arg9[%add3A_85, %dma_start3A_86] : memref<250x80xi32, #tpu.memory_space<vmem>> -> memref<1x80xi32, #tpu.memory_space<vmem>>
        %dma_start3A_88 = tpu.memref_squeeze %dma_start3A_87 : memref<1x80xi32, #tpu.memory_space<vmem>> -> memref<80xi32, #tpu.memory_space<vmem>>
        %dma_start3A_89 = arith.constant 0 : i32
        %dma_start3A_90 = arith.constant 0 : i32
        %dma_start3A_91 = tpu.memref_slice %arg14[%dma_start3A_89, %dma_start3A_90] : memref<10240x64xf32, #tpu.memory_space<vmem_shared>> -> memref<10240x64xf32, #tpu.memory_space<vmem_shared>>
        tpu.enqueue_indirect_dma source(%arg11 : memref<80x64xf32, #tpu.memory_space<vmem>>) target(%dma_start3A_91 : memref<10240x64xf32, #tpu.memory_space<vmem_shared>>) offsets(%dma_start3A_88 : memref<80xi32, #tpu.memory_space<vmem>>) semaphore(%run_scoped3A : memref<!tpu.dma_semaphore, #tpu.memory_space<semaphore_mem>>) {add = true}
        %dma_wait3A_92 = arith.constant 0 : i32
        %dma_wait3A_93 = tpu.memref_slice %arg9[%add3A_85, %dma_wait3A_92] : memref<250x80xi32, #tpu.memory_space<vmem>> -> memref<1x80xi32, #tpu.memory_space<vmem>>
        %dma_wait3A_94 = tpu.memref_squeeze %dma_wait3A_93 : memref<1x80xi32, #tpu.memory_space<vmem>> -> memref<80xi32, #tpu.memory_space<vmem>>
        %dma_wait3A_95 = arith.constant 0 : i32
        %dma_wait3A_96 = arith.constant 0 : i32
        %dma_wait3A_97 = tpu.memref_slice %arg14[%dma_wait3A_95, %dma_wait3A_96] : memref<10240x64xf32, #tpu.memory_space<vmem_shared>> -> memref<10240x64xf32, #tpu.memory_space<vmem_shared>>
        tpu.wait_indirect_dma semaphore(%run_scoped3A : memref<!tpu.dma_semaphore, #tpu.memory_space<semaphore_mem>>) src(%arg11 : memref<80x64xf32, #tpu.memory_space<vmem>>) dst(%dma_wait3A_97 : memref<10240x64xf32, #tpu.memory_space<vmem_shared>>)
        tpu.yield
      }) : () -> ()
    }
    %scan3A_19 = arith.constant 125 : i32
    %barrier3A_20 = arith.constant 0 : index
    tpu.barrier barrier_id(%barrier3A_20)
    "tpu.region"() ({
      %run_scoped3A = tpu.sem_alloc : memref<!tpu.dma_semaphore, #tpu.memory_space<semaphore_mem>>
      %dma_start3A_56 = arith.constant 0 : i32
      %dma_start3A_57 = tpu.memref_slice %arg6[%mul3A_0, %dma_start3A_56] : memref<10240x16xf32, #tpu.memory_space<hbm>> -> memref<640x16xf32, #tpu.memory_space<hbm>>
      %dma_start3A_58 = arith.constant 0 : i32
      %dma_start3A_59 = tpu.memref_slice %arg6[%mul3A_0, %dma_start3A_58] : memref<10240x16xf32, #tpu.memory_space<hbm>> -> memref<640x16xf32, #tpu.memory_space<hbm>>
      tpu.enqueue_dma source(%dma_start3A_59 : memref<640x16xf32, #tpu.memory_space<hbm>>) target(%arg12 : memref<640x16xf32, #tpu.memory_space<vmem>>) target_semaphore(%run_scoped3A : memref<!tpu.dma_semaphore, #tpu.memory_space<semaphore_mem>>)
      %dma_wait3A = arith.constant 0 : i32
      %dma_wait3A_60 = tpu.memref_slice %arg6[%mul3A_0, %dma_wait3A] : memref<10240x16xf32, #tpu.memory_space<hbm>> -> memref<640x16xf32, #tpu.memory_space<hbm>>
      %dma_wait3A_61 = arith.constant 0 : i32
      %dma_wait3A_62 = tpu.memref_slice %arg6[%mul3A_0, %dma_wait3A_61] : memref<10240x16xf32, #tpu.memory_space<hbm>> -> memref<640x16xf32, #tpu.memory_space<hbm>>
      tpu.wait_dma2 semaphore(%run_scoped3A : memref<!tpu.dma_semaphore, #tpu.memory_space<semaphore_mem>>) src(%dma_wait3A_62 : memref<640x16xf32, #tpu.memory_space<hbm>>) dst(%arg12 : memref<640x16xf32, #tpu.memory_space<vmem>>)
      tpu.yield
    }) : () -> ()
    %add3A_21 = arith.constant 0 : i32
    %add3A_22 = arith.addi %mul3A_0, %add3A_21 : i32
    "tpu.region"() ({
      %run_scoped3A = tpu.sem_alloc : memref<!tpu.dma_semaphore, #tpu.memory_space<semaphore_mem>>
      %dma_start3A_56 = arith.constant 0 : i32
      %dma_start3A_57 = tpu.memref_slice %arg14[%add3A_22, %dma_start3A_56] : memref<10240x64xf32, #tpu.memory_space<vmem_shared>> -> memref<128x64xf32, #tpu.memory_space<vmem_shared>>
      %dma_start3A_58 = arith.constant 0 : i32
      %dma_start3A_59 = tpu.memref_slice %arg14[%add3A_22, %dma_start3A_58] : memref<10240x64xf32, #tpu.memory_space<vmem_shared>> -> memref<128x64xf32, #tpu.memory_space<vmem_shared>>
      tpu.enqueue_dma source(%dma_start3A_59 : memref<128x64xf32, #tpu.memory_space<vmem_shared>>) target(%arg13 : memref<128x64xf32, #tpu.memory_space<vmem>>) target_semaphore(%run_scoped3A : memref<!tpu.dma_semaphore, #tpu.memory_space<semaphore_mem>>)
      %dma_wait3A = arith.constant 0 : i32
      %dma_wait3A_60 = tpu.memref_slice %arg14[%add3A_22, %dma_wait3A] : memref<10240x64xf32, #tpu.memory_space<vmem_shared>> -> memref<128x64xf32, #tpu.memory_space<vmem_shared>>
      %dma_wait3A_61 = arith.constant 0 : i32
      %dma_wait3A_62 = tpu.memref_slice %arg14[%add3A_22, %dma_wait3A_61] : memref<10240x64xf32, #tpu.memory_space<vmem_shared>> -> memref<128x64xf32, #tpu.memory_space<vmem_shared>>
      tpu.wait_dma2 semaphore(%run_scoped3A : memref<!tpu.dma_semaphore, #tpu.memory_space<semaphore_mem>>) src(%dma_wait3A_62 : memref<128x64xf32, #tpu.memory_space<vmem_shared>>) dst(%arg13 : memref<128x64xf32, #tpu.memory_space<vmem>>)
      tpu.yield
    }) : () -> ()
    %scan3A_23 = arith.constant 0 : i32
    %scan3A_24 = arith.constant 128 : i32
    %scan3A_25 = arith.addi %scan3A_23, %scan3A_24 : i32
    %scan3A_26 = arith.constant 1 : i32
    scf.for %scan3A_56 = %scan3A_23 to %scan3A_25 step %scan3A_26  : i32 {
      %add3A_57 = arith.constant 0 : i32
      %add3A_58 = arith.addi %add3A_57, %scan3A_56 : i32
      %get3A = arith.index_cast %add3A_58 : i32 to index
      %get3A_59 = arith.constant 0 : index
      %get3A_60 = tpu.vector_load %arg12[%get3A, %get3A_59] {strides = array<i32>} : memref<640x16xf32, #tpu.memory_space<vmem>>, vector<1x16xf32>,
      %get3A_61 = vector.shape_cast %get3A_60 : vector<1x16xf32> to vector<16xf32>
      %get3A_62 = arith.index_cast %scan3A_56 : i32 to index
      %get3A_63 = arith.constant 0 : index
      %get3A_64 = tpu.vector_load %arg13[%get3A_62, %get3A_63] {strides = array<i32>} : memref<128x64xf32, #tpu.memory_space<vmem>>, vector<1x16xf32>,
      %get3A_65 = vector.shape_cast %get3A_64 : vector<1x16xf32> to vector<16xf32>
      %mul3A_66 = arith.mulf %get3A_65, %get3A_61 : vector<16xf32>
      %swap3A = arith.index_cast %scan3A_56 : i32 to index
      %swap3A_67 = arith.constant 0 : index
      %swap3A_68 = tpu.vector_load %arg13[%swap3A, %swap3A_67] {strides = array<i32>} : memref<128x64xf32, #tpu.memory_space<vmem>>, vector<1x16xf32>,
      %swap3A_69 = vector.shape_cast %swap3A_68 : vector<1x16xf32> to vector<16xf32>
      %swap3A_70 = vector.shape_cast %mul3A_66 : vector<16xf32> to vector<1x16xf32>
      tpu.vector_store %arg13[%swap3A, %swap3A_67], %swap3A_70 {strides = array<i32>} : memref<128x64xf32, #tpu.memory_space<vmem>>, vector<1x16xf32>,
      %get3A_71 = arith.index_cast %scan3A_56 : i32 to index
      %get3A_72 = arith.constant 16 : index
      %get3A_73 = tpu.vector_load %arg13[%get3A_71, %get3A_72] {strides = array<i32>} : memref<128x64xf32, #tpu.memory_space<vmem>>, vector<1x16xf32>,
      %get3A_74 = vector.shape_cast %get3A_73 : vector<1x16xf32> to vector<16xf32>
      %mul3A_75 = arith.mulf %get3A_74, %get3A_61 : vector<16xf32>
      %swap3A_76 = arith.index_cast %scan3A_56 : i32 to index
      %swap3A_77 = arith.constant 16 : index
      %swap3A_78 = tpu.vector_load %arg13[%swap3A_76, %swap3A_77] {strides = array<i32>} : memref<128x64xf32, #tpu.memory_space<vmem>>, vector<1x16xf32>,
      %swap3A_79 = vector.shape_cast %swap3A_78 : vector<1x16xf32> to vector<16xf32>
      %swap3A_80 = vector.shape_cast %mul3A_75 : vector<16xf32> to vector<1x16xf32>
      tpu.vector_store %arg13[%swap3A_76, %swap3A_77], %swap3A_80 {strides = array<i32>} : memref<128x64xf32, #tpu.memory_space<vmem>>, vector<1x16xf32>,
      %get3A_81 = arith.index_cast %scan3A_56 : i32 to index
      %get3A_82 = arith.constant 32 : index
      %get3A_83 = tpu.vector_load %arg13[%get3A_81, %get3A_82] {strides = array<i32>} : memref<128x64xf32, #tpu.memory_space<vmem>>, vector<1x16xf32>,
      %get3A_84 = vector.shape_cast %get3A_83 : vector<1x16xf32> to vector<16xf32>
      %mul3A_85 = arith.mulf %get3A_84, %get3A_61 : vector<16xf32>
      %swap3A_86 = arith.index_cast %scan3A_56 : i32 to index
      %swap3A_87 = arith.constant 32 : index
      %swap3A_88 = tpu.vector_load %arg13[%swap3A_86, %swap3A_87] {strides = array<i32>} : memref<128x64xf32, #tpu.memory_space<vmem>>, vector<1x16xf32>,
      %swap3A_89 = vector.shape_cast %swap3A_88 : vector<1x16xf32> to vector<16xf32>
      %swap3A_90 = vector.shape_cast %mul3A_85 : vector<16xf32> to vector<1x16xf32>
      tpu.vector_store %arg13[%swap3A_86, %swap3A_87], %swap3A_90 {strides = array<i32>} : memref<128x64xf32, #tpu.memory_space<vmem>>, vector<1x16xf32>,
      %get3A_91 = arith.index_cast %scan3A_56 : i32 to index
      %get3A_92 = arith.constant 48 : index
      %get3A_93 = tpu.vector_load %arg13[%get3A_91, %get3A_92] {strides = array<i32>} : memref<128x64xf32, #tpu.memory_space<vmem>>, vector<1x16xf32>,
      %get3A_94 = vector.shape_cast %get3A_93 : vector<1x16xf32> to vector<16xf32>
      %mul3A_95 = arith.mulf %get3A_94, %get3A_61 : vector<16xf32>
      %swap3A_96 = arith.index_cast %scan3A_56 : i32 to index
      %swap3A_97 = arith.constant 48 : index
      %swap3A_98 = tpu.vector_load %arg13[%swap3A_96, %swap3A_97] {strides = array<i32>} : memref<128x64xf32, #tpu.memory_space<vmem>>, vector<1x16xf32>,
      %swap3A_99 = vector.shape_cast %swap3A_98 : vector<1x16xf32> to vector<16xf32>
      %swap3A_100 = vector.shape_cast %mul3A_95 : vector<16xf32> to vector<1x16xf32>
      tpu.vector_store %arg13[%swap3A_96, %swap3A_97], %swap3A_100 {strides = array<i32>} : memref<128x64xf32, #tpu.memory_space<vmem>>, vector<1x16xf32>,
    }
    %scan3A_27 = arith.constant 128 : i32
    "tpu.region"() ({
      %run_scoped3A = tpu.sem_alloc : memref<!tpu.dma_semaphore, #tpu.memory_space<semaphore_mem>>
      %dma_start3A_56 = arith.constant 0 : i32
      %dma_start3A_57 = tpu.memref_slice %arg7[%arg0, %add3A_22, %dma_start3A_56] : memref<2x10240x64xf32, #tpu.memory_space<hbm>> -> memref<1x128x64xf32, #tpu.memory_space<hbm>>
      %dma_start3A_58 = tpu.memref_squeeze %dma_start3A_57 : memref<1x128x64xf32, #tpu.memory_space<hbm>> -> memref<128x64xf32, #tpu.memory_space<hbm>>
      %dma_start3A_59 = arith.constant 0 : i32
      %dma_start3A_60 = tpu.memref_slice %arg7[%arg0, %add3A_22, %dma_start3A_59] : memref<2x10240x64xf32, #tpu.memory_space<hbm>> -> memref<1x128x64xf32, #tpu.memory_space<hbm>>
      %dma_start3A_61 = tpu.memref_squeeze %dma_start3A_60 : memref<1x128x64xf32, #tpu.memory_space<hbm>> -> memref<128x64xf32, #tpu.memory_space<hbm>>
      tpu.enqueue_dma source(%arg13 : memref<128x64xf32, #tpu.memory_space<vmem>>) target(%dma_start3A_61 : memref<128x64xf32, #tpu.memory_space<hbm>>) target_semaphore(%run_scoped3A : memref<!tpu.dma_semaphore, #tpu.memory_space<semaphore_mem>>)
      %dma_wait3A = arith.constant 0 : i32
      %dma_wait3A_62 = tpu.memref_slice %arg7[%arg0, %add3A_22, %dma_wait3A] : memref<2x10240x64xf32, #tpu.memory_space<hbm>> -> memref<1x128x64xf32, #tpu.memory_space<hbm>>
      %dma_wait3A_63 = tpu.memref_squeeze %dma_wait3A_62 : memref<1x128x64xf32, #tpu.memory_space<hbm>> -> memref<128x64xf32, #tpu.memory_space<hbm>>
      %dma_wait3A_64 = arith.constant 0 : i32
      %dma_wait3A_65 = tpu.memref_slice %arg7[%arg0, %add3A_22, %dma_wait3A_64] : memref<2x10240x64xf32, #tpu.memory_space<hbm>> -> memref<1x128x64xf32, #tpu.memory_space<hbm>>
      %dma_wait3A_66 = tpu.memref_squeeze %dma_wait3A_65 : memref<1x128x64xf32, #tpu.memory_space<hbm>> -> memref<128x64xf32, #tpu.memory_space<hbm>>
      tpu.wait_dma2 semaphore(%run_scoped3A : memref<!tpu.dma_semaphore, #tpu.memory_space<semaphore_mem>>) src(%arg13 : memref<128x64xf32, #tpu.memory_space<vmem>>) dst(%dma_wait3A_66 : memref<128x64xf32, #tpu.memory_space<hbm>>)
      tpu.yield
    }) : () -> ()
    %add3A_28 = arith.constant 128 : i32
    %add3A_29 = arith.addi %mul3A_0, %add3A_28 : i32
    "tpu.region"() ({
      %run_scoped3A = tpu.sem_alloc : memref<!tpu.dma_semaphore, #tpu.memory_space<semaphore_mem>>
      %dma_start3A_56 = arith.constant 0 : i32
      %dma_start3A_57 = tpu.memref_slice %arg14[%add3A_29, %dma_start3A_56] : memref<10240x64xf32, #tpu.memory_space<vmem_shared>> -> memref<128x64xf32, #tpu.memory_space<vmem_shared>>
      %dma_start3A_58 = arith.constant 0 : i32
      %dma_start3A_59 = tpu.memref_slice %arg14[%add3A_29, %dma_start3A_58] : memref<10240x64xf32, #tpu.memory_space<vmem_shared>> -> memref<128x64xf32, #tpu.memory_space<vmem_shared>>
      tpu.enqueue_dma source(%dma_start3A_59 : memref<128x64xf32, #tpu.memory_space<vmem_shared>>) target(%arg13 : memref<128x64xf32, #tpu.memory_space<vmem>>) target_semaphore(%run_scoped3A : memref<!tpu.dma_semaphore, #tpu.memory_space<semaphore_mem>>)
      %dma_wait3A = arith.constant 0 : i32
      %dma_wait3A_60 = tpu.memref_slice %arg14[%add3A_29, %dma_wait3A] : memref<10240x64xf32, #tpu.memory_space<vmem_shared>> -> memref<128x64xf32, #tpu.memory_space<vmem_shared>>
      %dma_wait3A_61 = arith.constant 0 : i32
      %dma_wait3A_62 = tpu.memref_slice %arg14[%add3A_29, %dma_wait3A_61] : memref<10240x64xf32, #tpu.memory_space<vmem_shared>> -> memref<128x64xf32, #tpu.memory_space<vmem_shared>>
      tpu.wait_dma2 semaphore(%run_scoped3A : memref<!tpu.dma_semaphore, #tpu.memory_space<semaphore_mem>>) src(%dma_wait3A_62 : memref<128x64xf32, #tpu.memory_space<vmem_shared>>) dst(%arg13 : memref<128x64xf32, #tpu.memory_space<vmem>>)
      tpu.yield
    }) : () -> ()
    %scan3A_30 = arith.constant 0 : i32
    %scan3A_31 = arith.constant 128 : i32
    %scan3A_32 = arith.addi %scan3A_30, %scan3A_31 : i32
    %scan3A_33 = arith.constant 1 : i32
    scf.for %scan3A_56 = %scan3A_30 to %scan3A_32 step %scan3A_33  : i32 {
      %add3A_57 = arith.constant 128 : i32
      %add3A_58 = arith.addi %add3A_57, %scan3A_56 : i32
      %get3A = arith.index_cast %add3A_58 : i32 to index
      %get3A_59 = arith.constant 0 : index
      %get3A_60 = tpu.vector_load %arg12[%get3A, %get3A_59] {strides = array<i32>} : memref<640x16xf32, #tpu.memory_space<vmem>>, vector<1x16xf32>,
      %get3A_61 = vector.shape_cast %get3A_60 : vector<1x16xf32> to vector<16xf32>
      %get3A_62 = arith.index_cast %scan3A_56 : i32 to index
      %get3A_63 = arith.constant 0 : index
      %get3A_64 = tpu.vector_load %arg13[%get3A_62, %get3A_63] {strides = array<i32>} : memref<128x64xf32, #tpu.memory_space<vmem>>, vector<1x16xf32>,
      %get3A_65 = vector.shape_cast %get3A_64 : vector<1x16xf32> to vector<16xf32>
      %mul3A_66 = arith.mulf %get3A_65, %get3A_61 : vector<16xf32>
      %swap3A = arith.index_cast %scan3A_56 : i32 to index
      %swap3A_67 = arith.constant 0 : index
      %swap3A_68 = tpu.vector_load %arg13[%swap3A, %swap3A_67] {strides = array<i32>} : memref<128x64xf32, #tpu.memory_space<vmem>>, vector<1x16xf32>,
      %swap3A_69 = vector.shape_cast %swap3A_68 : vector<1x16xf32> to vector<16xf32>
      %swap3A_70 = vector.shape_cast %mul3A_66 : vector<16xf32> to vector<1x16xf32>
      tpu.vector_store %arg13[%swap3A, %swap3A_67], %swap3A_70 {strides = array<i32>} : memref<128x64xf32, #tpu.memory_space<vmem>>, vector<1x16xf32>,
      %get3A_71 = arith.index_cast %scan3A_56 : i32 to index
      %get3A_72 = arith.constant 16 : index
      %get3A_73 = tpu.vector_load %arg13[%get3A_71, %get3A_72] {strides = array<i32>} : memref<128x64xf32, #tpu.memory_space<vmem>>, vector<1x16xf32>,
      %get3A_74 = vector.shape_cast %get3A_73 : vector<1x16xf32> to vector<16xf32>
      %mul3A_75 = arith.mulf %get3A_74, %get3A_61 : vector<16xf32>
      %swap3A_76 = arith.index_cast %scan3A_56 : i32 to index
      %swap3A_77 = arith.constant 16 : index
      %swap3A_78 = tpu.vector_load %arg13[%swap3A_76, %swap3A_77] {strides = array<i32>} : memref<128x64xf32, #tpu.memory_space<vmem>>, vector<1x16xf32>,
      %swap3A_79 = vector.shape_cast %swap3A_78 : vector<1x16xf32> to vector<16xf32>
      %swap3A_80 = vector.shape_cast %mul3A_75 : vector<16xf32> to vector<1x16xf32>
      tpu.vector_store %arg13[%swap3A_76, %swap3A_77], %swap3A_80 {strides = array<i32>} : memref<128x64xf32, #tpu.memory_space<vmem>>, vector<1x16xf32>,
      %get3A_81 = arith.index_cast %scan3A_56 : i32 to index
      %get3A_82 = arith.constant 32 : index
      %get3A_83 = tpu.vector_load %arg13[%get3A_81, %get3A_82] {strides = array<i32>} : memref<128x64xf32, #tpu.memory_space<vmem>>, vector<1x16xf32>,
      %get3A_84 = vector.shape_cast %get3A_83 : vector<1x16xf32> to vector<16xf32>
      %mul3A_85 = arith.mulf %get3A_84, %get3A_61 : vector<16xf32>
      %swap3A_86 = arith.index_cast %scan3A_56 : i32 to index
      %swap3A_87 = arith.constant 32 : index
      %swap3A_88 = tpu.vector_load %arg13[%swap3A_86, %swap3A_87] {strides = array<i32>} : memref<128x64xf32, #tpu.memory_space<vmem>>, vector<1x16xf32>,
      %swap3A_89 = vector.shape_cast %swap3A_88 : vector<1x16xf32> to vector<16xf32>
      %swap3A_90 = vector.shape_cast %mul3A_85 : vector<16xf32> to vector<1x16xf32>
      tpu.vector_store %arg13[%swap3A_86, %swap3A_87], %swap3A_90 {strides = array<i32>} : memref<128x64xf32, #tpu.memory_space<vmem>>, vector<1x16xf32>,
      %get3A_91 = arith.index_cast %scan3A_56 : i32 to index
      %get3A_92 = arith.constant 48 : index
      %get3A_93 = tpu.vector_load %arg13[%get3A_91, %get3A_92] {strides = array<i32>} : memref<128x64xf32, #tpu.memory_space<vmem>>, vector<1x16xf32>,
      %get3A_94 = vector.shape_cast %get3A_93 : vector<1x16xf32> to vector<16xf32>
      %mul3A_95 = arith.mulf %get3A_94, %get3A_61 : vector<16xf32>
      %swap3A_96 = arith.index_cast %scan3A_56 : i32 to index
      %swap3A_97 = arith.constant 48 : index
      %swap3A_98 = tpu.vector_load %arg13[%swap3A_96, %swap3A_97] {strides = array<i32>} : memref<128x64xf32, #tpu.memory_space<vmem>>, vector<1x16xf32>,
      %swap3A_99 = vector.shape_cast %swap3A_98 : vector<1x16xf32> to vector<16xf32>
      %swap3A_100 = vector.shape_cast %mul3A_95 : vector<16xf32> to vector<1x16xf32>
      tpu.vector_store %arg13[%swap3A_96, %swap3A_97], %swap3A_100 {strides = array<i32>} : memref<128x64xf32, #tpu.memory_space<vmem>>, vector<1x16xf32>,
    }
    %scan3A_34 = arith.constant 128 : i32
    "tpu.region"() ({
      %run_scoped3A = tpu.sem_alloc : memref<!tpu.dma_semaphore, #tpu.memory_space<semaphore_mem>>
      %dma_start3A_56 = arith.constant 0 : i32
      %dma_start3A_57 = tpu.memref_slice %arg7[%arg0, %add3A_29, %dma_start3A_56] : memref<2x10240x64xf32, #tpu.memory_space<hbm>> -> memref<1x128x64xf32, #tpu.memory_space<hbm>>
      %dma_start3A_58 = tpu.memref_squeeze %dma_start3A_57 : memref<1x128x64xf32, #tpu.memory_space<hbm>> -> memref<128x64xf32, #tpu.memory_space<hbm>>
      %dma_start3A_59 = arith.constant 0 : i32
      %dma_start3A_60 = tpu.memref_slice %arg7[%arg0, %add3A_29, %dma_start3A_59] : memref<2x10240x64xf32, #tpu.memory_space<hbm>> -> memref<1x128x64xf32, #tpu.memory_space<hbm>>
      %dma_start3A_61 = tpu.memref_squeeze %dma_start3A_60 : memref<1x128x64xf32, #tpu.memory_space<hbm>> -> memref<128x64xf32, #tpu.memory_space<hbm>>
      tpu.enqueue_dma source(%arg13 : memref<128x64xf32, #tpu.memory_space<vmem>>) target(%dma_start3A_61 : memref<128x64xf32, #tpu.memory_space<hbm>>) target_semaphore(%run_scoped3A : memref<!tpu.dma_semaphore, #tpu.memory_space<semaphore_mem>>)
      %dma_wait3A = arith.constant 0 : i32
      %dma_wait3A_62 = tpu.memref_slice %arg7[%arg0, %add3A_29, %dma_wait3A] : memref<2x10240x64xf32, #tpu.memory_space<hbm>> -> memref<1x128x64xf32, #tpu.memory_space<hbm>>
      %dma_wait3A_63 = tpu.memref_squeeze %dma_wait3A_62 : memref<1x128x64xf32, #tpu.memory_space<hbm>> -> memref<128x64xf32, #tpu.memory_space<hbm>>
      %dma_wait3A_64 = arith.constant 0 : i32
      %dma_wait3A_65 = tpu.memref_slice %arg7[%arg0, %add3A_29, %dma_wait3A_64] : memref<2x10240x64xf32, #tpu.memory_space<hbm>> -> memref<1x128x64xf32, #tpu.memory_space<hbm>>
      %dma_wait3A_66 = tpu.memref_squeeze %dma_wait3A_65 : memref<1x128x64xf32, #tpu.memory_space<hbm>> -> memref<128x64xf32, #tpu.memory_space<hbm>>
      tpu.wait_dma2 semaphore(%run_scoped3A : memref<!tpu.dma_semaphore, #tpu.memory_space<semaphore_mem>>) src(%arg13 : memref<128x64xf32, #tpu.memory_space<vmem>>) dst(%dma_wait3A_66 : memref<128x64xf32, #tpu.memory_space<hbm>>)
      tpu.yield
    }) : () -> ()
    %add3A_35 = arith.constant 256 : i32
    %add3A_36 = arith.addi %mul3A_0, %add3A_35 : i32
    "tpu.region"() ({
      %run_scoped3A = tpu.sem_alloc : memref<!tpu.dma_semaphore, #tpu.memory_space<semaphore_mem>>
      %dma_start3A_56 = arith.constant 0 : i32
      %dma_start3A_57 = tpu.memref_slice %arg14[%add3A_36, %dma_start3A_56] : memref<10240x64xf32, #tpu.memory_space<vmem_shared>> -> memref<128x64xf32, #tpu.memory_space<vmem_shared>>
      %dma_start3A_58 = arith.constant 0 : i32
      %dma_start3A_59 = tpu.memref_slice %arg14[%add3A_36, %dma_start3A_58] : memref<10240x64xf32, #tpu.memory_space<vmem_shared>> -> memref<128x64xf32, #tpu.memory_space<vmem_shared>>
      tpu.enqueue_dma source(%dma_start3A_59 : memref<128x64xf32, #tpu.memory_space<vmem_shared>>) target(%arg13 : memref<128x64xf32, #tpu.memory_space<vmem>>) target_semaphore(%run_scoped3A : memref<!tpu.dma_semaphore, #tpu.memory_space<semaphore_mem>>)
      %dma_wait3A = arith.constant 0 : i32
      %dma_wait3A_60 = tpu.memref_slice %arg14[%add3A_36, %dma_wait3A] : memref<10240x64xf32, #tpu.memory_space<vmem_shared>> -> memref<128x64xf32, #tpu.memory_space<vmem_shared>>
      %dma_wait3A_61 = arith.constant 0 : i32
      %dma_wait3A_62 = tpu.memref_slice %arg14[%add3A_36, %dma_wait3A_61] : memref<10240x64xf32, #tpu.memory_space<vmem_shared>> -> memref<128x64xf32, #tpu.memory_space<vmem_shared>>
      tpu.wait_dma2 semaphore(%run_scoped3A : memref<!tpu.dma_semaphore, #tpu.memory_space<semaphore_mem>>) src(%dma_wait3A_62 : memref<128x64xf32, #tpu.memory_space<vmem_shared>>) dst(%arg13 : memref<128x64xf32, #tpu.memory_space<vmem>>)
      tpu.yield
    }) : () -> ()
    %scan3A_37 = arith.constant 0 : i32
    %scan3A_38 = arith.constant 128 : i32
    %scan3A_39 = arith.addi %scan3A_37, %scan3A_38 : i32
    %scan3A_40 = arith.constant 1 : i32
    scf.for %scan3A_56 = %scan3A_37 to %scan3A_39 step %scan3A_40  : i32 {
      %add3A_57 = arith.constant 256 : i32
      %add3A_58 = arith.addi %add3A_57, %scan3A_56 : i32
      %get3A = arith.index_cast %add3A_58 : i32 to index
      %get3A_59 = arith.constant 0 : index
      %get3A_60 = tpu.vector_load %arg12[%get3A, %get3A_59] {strides = array<i32>} : memref<640x16xf32, #tpu.memory_space<vmem>>, vector<1x16xf32>,
      %get3A_61 = vector.shape_cast %get3A_60 : vector<1x16xf32> to vector<16xf32>
      %get3A_62 = arith.index_cast %scan3A_56 : i32 to index
      %get3A_63 = arith.constant 0 : index
      %get3A_64 = tpu.vector_load %arg13[%get3A_62, %get3A_63] {strides = array<i32>} : memref<128x64xf32, #tpu.memory_space<vmem>>, vector<1x16xf32>,
      %get3A_65 = vector.shape_cast %get3A_64 : vector<1x16xf32> to vector<16xf32>
      %mul3A_66 = arith.mulf %get3A_65, %get3A_61 : vector<16xf32>
      %swap3A = arith.index_cast %scan3A_56 : i32 to index
      %swap3A_67 = arith.constant 0 : index
      %swap3A_68 = tpu.vector_load %arg13[%swap3A, %swap3A_67] {strides = array<i32>} : memref<128x64xf32, #tpu.memory_space<vmem>>, vector<1x16xf32>,
      %swap3A_69 = vector.shape_cast %swap3A_68 : vector<1x16xf32> to vector<16xf32>
      %swap3A_70 = vector.shape_cast %mul3A_66 : vector<16xf32> to vector<1x16xf32>
      tpu.vector_store %arg13[%swap3A, %swap3A_67], %swap3A_70 {strides = array<i32>} : memref<128x64xf32, #tpu.memory_space<vmem>>, vector<1x16xf32>,
      %get3A_71 = arith.index_cast %scan3A_56 : i32 to index
      %get3A_72 = arith.constant 16 : index
      %get3A_73 = tpu.vector_load %arg13[%get3A_71, %get3A_72] {strides = array<i32>} : memref<128x64xf32, #tpu.memory_space<vmem>>, vector<1x16xf32>,
      %get3A_74 = vector.shape_cast %get3A_73 : vector<1x16xf32> to vector<16xf32>
      %mul3A_75 = arith.mulf %get3A_74, %get3A_61 : vector<16xf32>
      %swap3A_76 = arith.index_cast %scan3A_56 : i32 to index
      %swap3A_77 = arith.constant 16 : index
      %swap3A_78 = tpu.vector_load %arg13[%swap3A_76, %swap3A_77] {strides = array<i32>} : memref<128x64xf32, #tpu.memory_space<vmem>>, vector<1x16xf32>,
      %swap3A_79 = vector.shape_cast %swap3A_78 : vector<1x16xf32> to vector<16xf32>
      %swap3A_80 = vector.shape_cast %mul3A_75 : vector<16xf32> to vector<1x16xf32>
      tpu.vector_store %arg13[%swap3A_76, %swap3A_77], %swap3A_80 {strides = array<i32>} : memref<128x64xf32, #tpu.memory_space<vmem>>, vector<1x16xf32>,
      %get3A_81 = arith.index_cast %scan3A_56 : i32 to index
      %get3A_82 = arith.constant 32 : index
      %get3A_83 = tpu.vector_load %arg13[%get3A_81, %get3A_82] {strides = array<i32>} : memref<128x64xf32, #tpu.memory_space<vmem>>, vector<1x16xf32>,
      %get3A_84 = vector.shape_cast %get3A_83 : vector<1x16xf32> to vector<16xf32>
      %mul3A_85 = arith.mulf %get3A_84, %get3A_61 : vector<16xf32>
      %swap3A_86 = arith.index_cast %scan3A_56 : i32 to index
      %swap3A_87 = arith.constant 32 : index
      %swap3A_88 = tpu.vector_load %arg13[%swap3A_86, %swap3A_87] {strides = array<i32>} : memref<128x64xf32, #tpu.memory_space<vmem>>, vector<1x16xf32>,
      %swap3A_89 = vector.shape_cast %swap3A_88 : vector<1x16xf32> to vector<16xf32>
      %swap3A_90 = vector.shape_cast %mul3A_85 : vector<16xf32> to vector<1x16xf32>
      tpu.vector_store %arg13[%swap3A_86, %swap3A_87], %swap3A_90 {strides = array<i32>} : memref<128x64xf32, #tpu.memory_space<vmem>>, vector<1x16xf32>,
      %get3A_91 = arith.index_cast %scan3A_56 : i32 to index
      %get3A_92 = arith.constant 48 : index
      %get3A_93 = tpu.vector_load %arg13[%get3A_91, %get3A_92] {strides = array<i32>} : memref<128x64xf32, #tpu.memory_space<vmem>>, vector<1x16xf32>,
      %get3A_94 = vector.shape_cast %get3A_93 : vector<1x16xf32> to vector<16xf32>
      %mul3A_95 = arith.mulf %get3A_94, %get3A_61 : vector<16xf32>
      %swap3A_96 = arith.index_cast %scan3A_56 : i32 to index
      %swap3A_97 = arith.constant 48 : index
      %swap3A_98 = tpu.vector_load %arg13[%swap3A_96, %swap3A_97] {strides = array<i32>} : memref<128x64xf32, #tpu.memory_space<vmem>>, vector<1x16xf32>,
      %swap3A_99 = vector.shape_cast %swap3A_98 : vector<1x16xf32> to vector<16xf32>
      %swap3A_100 = vector.shape_cast %mul3A_95 : vector<16xf32> to vector<1x16xf32>
      tpu.vector_store %arg13[%swap3A_96, %swap3A_97], %swap3A_100 {strides = array<i32>} : memref<128x64xf32, #tpu.memory_space<vmem>>, vector<1x16xf32>,
    }
    %scan3A_41 = arith.constant 128 : i32
    "tpu.region"() ({
      %run_scoped3A = tpu.sem_alloc : memref<!tpu.dma_semaphore, #tpu.memory_space<semaphore_mem>>
      %dma_start3A_56 = arith.constant 0 : i32
      %dma_start3A_57 = tpu.memref_slice %arg7[%arg0, %add3A_36, %dma_start3A_56] : memref<2x10240x64xf32, #tpu.memory_space<hbm>> -> memref<1x128x64xf32, #tpu.memory_space<hbm>>
      %dma_start3A_58 = tpu.memref_squeeze %dma_start3A_57 : memref<1x128x64xf32, #tpu.memory_space<hbm>> -> memref<128x64xf32, #tpu.memory_space<hbm>>
      %dma_start3A_59 = arith.constant 0 : i32
      %dma_start3A_60 = tpu.memref_slice %arg7[%arg0, %add3A_36, %dma_start3A_59] : memref<2x10240x64xf32, #tpu.memory_space<hbm>> -> memref<1x128x64xf32, #tpu.memory_space<hbm>>
      %dma_start3A_61 = tpu.memref_squeeze %dma_start3A_60 : memref<1x128x64xf32, #tpu.memory_space<hbm>> -> memref<128x64xf32, #tpu.memory_space<hbm>>
      tpu.enqueue_dma source(%arg13 : memref<128x64xf32, #tpu.memory_space<vmem>>) target(%dma_start3A_61 : memref<128x64xf32, #tpu.memory_space<hbm>>) target_semaphore(%run_scoped3A : memref<!tpu.dma_semaphore, #tpu.memory_space<semaphore_mem>>)
      %dma_wait3A = arith.constant 0 : i32
      %dma_wait3A_62 = tpu.memref_slice %arg7[%arg0, %add3A_36, %dma_wait3A] : memref<2x10240x64xf32, #tpu.memory_space<hbm>> -> memref<1x128x64xf32, #tpu.memory_space<hbm>>
      %dma_wait3A_63 = tpu.memref_squeeze %dma_wait3A_62 : memref<1x128x64xf32, #tpu.memory_space<hbm>> -> memref<128x64xf32, #tpu.memory_space<hbm>>
      %dma_wait3A_64 = arith.constant 0 : i32
      %dma_wait3A_65 = tpu.memref_slice %arg7[%arg0, %add3A_36, %dma_wait3A_64] : memref<2x10240x64xf32, #tpu.memory_space<hbm>> -> memref<1x128x64xf32, #tpu.memory_space<hbm>>
      %dma_wait3A_66 = tpu.memref_squeeze %dma_wait3A_65 : memref<1x128x64xf32, #tpu.memory_space<hbm>> -> memref<128x64xf32, #tpu.memory_space<hbm>>
      tpu.wait_dma2 semaphore(%run_scoped3A : memref<!tpu.dma_semaphore, #tpu.memory_space<semaphore_mem>>) src(%arg13 : memref<128x64xf32, #tpu.memory_space<vmem>>) dst(%dma_wait3A_66 : memref<128x64xf32, #tpu.memory_space<hbm>>)
      tpu.yield
    }) : () -> ()
    %add3A_42 = arith.constant 384 : i32
    %add3A_43 = arith.addi %mul3A_0, %add3A_42 : i32
    "tpu.region"() ({
      %run_scoped3A = tpu.sem_alloc : memref<!tpu.dma_semaphore, #tpu.memory_space<semaphore_mem>>
      %dma_start3A_56 = arith.constant 0 : i32
      %dma_start3A_57 = tpu.memref_slice %arg14[%add3A_43, %dma_start3A_56] : memref<10240x64xf32, #tpu.memory_space<vmem_shared>> -> memref<128x64xf32, #tpu.memory_space<vmem_shared>>
      %dma_start3A_58 = arith.constant 0 : i32
      %dma_start3A_59 = tpu.memref_slice %arg14[%add3A_43, %dma_start3A_58] : memref<10240x64xf32, #tpu.memory_space<vmem_shared>> -> memref<128x64xf32, #tpu.memory_space<vmem_shared>>
      tpu.enqueue_dma source(%dma_start3A_59 : memref<128x64xf32, #tpu.memory_space<vmem_shared>>) target(%arg13 : memref<128x64xf32, #tpu.memory_space<vmem>>) target_semaphore(%run_scoped3A : memref<!tpu.dma_semaphore, #tpu.memory_space<semaphore_mem>>)
      %dma_wait3A = arith.constant 0 : i32
      %dma_wait3A_60 = tpu.memref_slice %arg14[%add3A_43, %dma_wait3A] : memref<10240x64xf32, #tpu.memory_space<vmem_shared>> -> memref<128x64xf32, #tpu.memory_space<vmem_shared>>
      %dma_wait3A_61 = arith.constant 0 : i32
      %dma_wait3A_62 = tpu.memref_slice %arg14[%add3A_43, %dma_wait3A_61] : memref<10240x64xf32, #tpu.memory_space<vmem_shared>> -> memref<128x64xf32, #tpu.memory_space<vmem_shared>>
      tpu.wait_dma2 semaphore(%run_scoped3A : memref<!tpu.dma_semaphore, #tpu.memory_space<semaphore_mem>>) src(%dma_wait3A_62 : memref<128x64xf32, #tpu.memory_space<vmem_shared>>) dst(%arg13 : memref<128x64xf32, #tpu.memory_space<vmem>>)
      tpu.yield
    }) : () -> ()
    %scan3A_44 = arith.constant 0 : i32
    %scan3A_45 = arith.constant 128 : i32
    %scan3A_46 = arith.addi %scan3A_44, %scan3A_45 : i32
    %scan3A_47 = arith.constant 1 : i32
    scf.for %scan3A_56 = %scan3A_44 to %scan3A_46 step %scan3A_47  : i32 {
      %add3A_57 = arith.constant 384 : i32
      %add3A_58 = arith.addi %add3A_57, %scan3A_56 : i32
      %get3A = arith.index_cast %add3A_58 : i32 to index
      %get3A_59 = arith.constant 0 : index
      %get3A_60 = tpu.vector_load %arg12[%get3A, %get3A_59] {strides = array<i32>} : memref<640x16xf32, #tpu.memory_space<vmem>>, vector<1x16xf32>,
      %get3A_61 = vector.shape_cast %get3A_60 : vector<1x16xf32> to vector<16xf32>
      %get3A_62 = arith.index_cast %scan3A_56 : i32 to index
      %get3A_63 = arith.constant 0 : index
      %get3A_64 = tpu.vector_load %arg13[%get3A_62, %get3A_63] {strides = array<i32>} : memref<128x64xf32, #tpu.memory_space<vmem>>, vector<1x16xf32>,
      %get3A_65 = vector.shape_cast %get3A_64 : vector<1x16xf32> to vector<16xf32>
      %mul3A_66 = arith.mulf %get3A_65, %get3A_61 : vector<16xf32>
      %swap3A = arith.index_cast %scan3A_56 : i32 to index
      %swap3A_67 = arith.constant 0 : index
      %swap3A_68 = tpu.vector_load %arg13[%swap3A, %swap3A_67] {strides = array<i32>} : memref<128x64xf32, #tpu.memory_space<vmem>>, vector<1x16xf32>,
      %swap3A_69 = vector.shape_cast %swap3A_68 : vector<1x16xf32> to vector<16xf32>
      %swap3A_70 = vector.shape_cast %mul3A_66 : vector<16xf32> to vector<1x16xf32>
      tpu.vector_store %arg13[%swap3A, %swap3A_67], %swap3A_70 {strides = array<i32>} : memref<128x64xf32, #tpu.memory_space<vmem>>, vector<1x16xf32>,
      %get3A_71 = arith.index_cast %scan3A_56 : i32 to index
      %get3A_72 = arith.constant 16 : index
      %get3A_73 = tpu.vector_load %arg13[%get3A_71, %get3A_72] {strides = array<i32>} : memref<128x64xf32, #tpu.memory_space<vmem>>, vector<1x16xf32>,
      %get3A_74 = vector.shape_cast %get3A_73 : vector<1x16xf32> to vector<16xf32>
      %mul3A_75 = arith.mulf %get3A_74, %get3A_61 : vector<16xf32>
      %swap3A_76 = arith.index_cast %scan3A_56 : i32 to index
      %swap3A_77 = arith.constant 16 : index
      %swap3A_78 = tpu.vector_load %arg13[%swap3A_76, %swap3A_77] {strides = array<i32>} : memref<128x64xf32, #tpu.memory_space<vmem>>, vector<1x16xf32>,
      %swap3A_79 = vector.shape_cast %swap3A_78 : vector<1x16xf32> to vector<16xf32>
      %swap3A_80 = vector.shape_cast %mul3A_75 : vector<16xf32> to vector<1x16xf32>
      tpu.vector_store %arg13[%swap3A_76, %swap3A_77], %swap3A_80 {strides = array<i32>} : memref<128x64xf32, #tpu.memory_space<vmem>>, vector<1x16xf32>,
      %get3A_81 = arith.index_cast %scan3A_56 : i32 to index
      %get3A_82 = arith.constant 32 : index
      %get3A_83 = tpu.vector_load %arg13[%get3A_81, %get3A_82] {strides = array<i32>} : memref<128x64xf32, #tpu.memory_space<vmem>>, vector<1x16xf32>,
      %get3A_84 = vector.shape_cast %get3A_83 : vector<1x16xf32> to vector<16xf32>
      %mul3A_85 = arith.mulf %get3A_84, %get3A_61 : vector<16xf32>
      %swap3A_86 = arith.index_cast %scan3A_56 : i32 to index
      %swap3A_87 = arith.constant 32 : index
      %swap3A_88 = tpu.vector_load %arg13[%swap3A_86, %swap3A_87] {strides = array<i32>} : memref<128x64xf32, #tpu.memory_space<vmem>>, vector<1x16xf32>,
      %swap3A_89 = vector.shape_cast %swap3A_88 : vector<1x16xf32> to vector<16xf32>
      %swap3A_90 = vector.shape_cast %mul3A_85 : vector<16xf32> to vector<1x16xf32>
      tpu.vector_store %arg13[%swap3A_86, %swap3A_87], %swap3A_90 {strides = array<i32>} : memref<128x64xf32, #tpu.memory_space<vmem>>, vector<1x16xf32>,
      %get3A_91 = arith.index_cast %scan3A_56 : i32 to index
      %get3A_92 = arith.constant 48 : index
      %get3A_93 = tpu.vector_load %arg13[%get3A_91, %get3A_92] {strides = array<i32>} : memref<128x64xf32, #tpu.memory_space<vmem>>, vector<1x16xf32>,
      %get3A_94 = vector.shape_cast %get3A_93 : vector<1x16xf32> to vector<16xf32>
      %mul3A_95 = arith.mulf %get3A_94, %get3A_61 : vector<16xf32>
      %swap3A_96 = arith.index_cast %scan3A_56 : i32 to index
      %swap3A_97 = arith.constant 48 : index
      %swap3A_98 = tpu.vector_load %arg13[%swap3A_96, %swap3A_97] {strides = array<i32>} : memref<128x64xf32, #tpu.memory_space<vmem>>, vector<1x16xf32>,
      %swap3A_99 = vector.shape_cast %swap3A_98 : vector<1x16xf32> to vector<16xf32>
      %swap3A_100 = vector.shape_cast %mul3A_95 : vector<16xf32> to vector<1x16xf32>
      tpu.vector_store %arg13[%swap3A_96, %swap3A_97], %swap3A_100 {strides = array<i32>} : memref<128x64xf32, #tpu.memory_space<vmem>>, vector<1x16xf32>,
    }
    %scan3A_48 = arith.constant 128 : i32
    "tpu.region"() ({
      %run_scoped3A = tpu.sem_alloc : memref<!tpu.dma_semaphore, #tpu.memory_space<semaphore_mem>>
      %dma_start3A_56 = arith.constant 0 : i32
      %dma_start3A_57 = tpu.memref_slice %arg7[%arg0, %add3A_43, %dma_start3A_56] : memref<2x10240x64xf32, #tpu.memory_space<hbm>> -> memref<1x128x64xf32, #tpu.memory_space<hbm>>
      %dma_start3A_58 = tpu.memref_squeeze %dma_start3A_57 : memref<1x128x64xf32, #tpu.memory_space<hbm>> -> memref<128x64xf32, #tpu.memory_space<hbm>>
      %dma_start3A_59 = arith.constant 0 : i32
      %dma_start3A_60 = tpu.memref_slice %arg7[%arg0, %add3A_43, %dma_start3A_59] : memref<2x10240x64xf32, #tpu.memory_space<hbm>> -> memref<1x128x64xf32, #tpu.memory_space<hbm>>
      %dma_start3A_61 = tpu.memref_squeeze %dma_start3A_60 : memref<1x128x64xf32, #tpu.memory_space<hbm>> -> memref<128x64xf32, #tpu.memory_space<hbm>>
      tpu.enqueue_dma source(%arg13 : memref<128x64xf32, #tpu.memory_space<vmem>>) target(%dma_start3A_61 : memref<128x64xf32, #tpu.memory_space<hbm>>) target_semaphore(%run_scoped3A : memref<!tpu.dma_semaphore, #tpu.memory_space<semaphore_mem>>)
      %dma_wait3A = arith.constant 0 : i32
      %dma_wait3A_62 = tpu.memref_slice %arg7[%arg0, %add3A_43, %dma_wait3A] : memref<2x10240x64xf32, #tpu.memory_space<hbm>> -> memref<1x128x64xf32, #tpu.memory_space<hbm>>
      %dma_wait3A_63 = tpu.memref_squeeze %dma_wait3A_62 : memref<1x128x64xf32, #tpu.memory_space<hbm>> -> memref<128x64xf32, #tpu.memory_space<hbm>>
      %dma_wait3A_64 = arith.constant 0 : i32
      %dma_wait3A_65 = tpu.memref_slice %arg7[%arg0, %add3A_43, %dma_wait3A_64] : memref<2x10240x64xf32, #tpu.memory_space<hbm>> -> memref<1x128x64xf32, #tpu.memory_space<hbm>>
      %dma_wait3A_66 = tpu.memref_squeeze %dma_wait3A_65 : memref<1x128x64xf32, #tpu.memory_space<hbm>> -> memref<128x64xf32, #tpu.memory_space<hbm>>
      tpu.wait_dma2 semaphore(%run_scoped3A : memref<!tpu.dma_semaphore, #tpu.memory_space<semaphore_mem>>) src(%arg13 : memref<128x64xf32, #tpu.memory_space<vmem>>) dst(%dma_wait3A_66 : memref<128x64xf32, #tpu.memory_space<hbm>>)
      tpu.yield
    }) : () -> ()
    %add3A_49 = arith.constant 512 : i32
    %add3A_50 = arith.addi %mul3A_0, %add3A_49 : i32
    "tpu.region"() ({
      %run_scoped3A = tpu.sem_alloc : memref<!tpu.dma_semaphore, #tpu.memory_space<semaphore_mem>>
      %dma_start3A_56 = arith.constant 0 : i32
      %dma_start3A_57 = tpu.memref_slice %arg14[%add3A_50, %dma_start3A_56] : memref<10240x64xf32, #tpu.memory_space<vmem_shared>> -> memref<128x64xf32, #tpu.memory_space<vmem_shared>>
      %dma_start3A_58 = arith.constant 0 : i32
      %dma_start3A_59 = tpu.memref_slice %arg14[%add3A_50, %dma_start3A_58] : memref<10240x64xf32, #tpu.memory_space<vmem_shared>> -> memref<128x64xf32, #tpu.memory_space<vmem_shared>>
      tpu.enqueue_dma source(%dma_start3A_59 : memref<128x64xf32, #tpu.memory_space<vmem_shared>>) target(%arg13 : memref<128x64xf32, #tpu.memory_space<vmem>>) target_semaphore(%run_scoped3A : memref<!tpu.dma_semaphore, #tpu.memory_space<semaphore_mem>>)
      %dma_wait3A = arith.constant 0 : i32
      %dma_wait3A_60 = tpu.memref_slice %arg14[%add3A_50, %dma_wait3A] : memref<10240x64xf32, #tpu.memory_space<vmem_shared>> -> memref<128x64xf32, #tpu.memory_space<vmem_shared>>
      %dma_wait3A_61 = arith.constant 0 : i32
      %dma_wait3A_62 = tpu.memref_slice %arg14[%add3A_50, %dma_wait3A_61] : memref<10240x64xf32, #tpu.memory_space<vmem_shared>> -> memref<128x64xf32, #tpu.memory_space<vmem_shared>>
      tpu.wait_dma2 semaphore(%run_scoped3A : memref<!tpu.dma_semaphore, #tpu.memory_space<semaphore_mem>>) src(%dma_wait3A_62 : memref<128x64xf32, #tpu.memory_space<vmem_shared>>) dst(%arg13 : memref<128x64xf32, #tpu.memory_space<vmem>>)
      tpu.yield
    }) : () -> ()
    %scan3A_51 = arith.constant 0 : i32
    %scan3A_52 = arith.constant 128 : i32
    %scan3A_53 = arith.addi %scan3A_51, %scan3A_52 : i32
    %scan3A_54 = arith.constant 1 : i32
    scf.for %scan3A_56 = %scan3A_51 to %scan3A_53 step %scan3A_54  : i32 {
      %add3A_57 = arith.constant 512 : i32
      %add3A_58 = arith.addi %add3A_57, %scan3A_56 : i32
      %get3A = arith.index_cast %add3A_58 : i32 to index
      %get3A_59 = arith.constant 0 : index
      %get3A_60 = tpu.vector_load %arg12[%get3A, %get3A_59] {strides = array<i32>} : memref<640x16xf32, #tpu.memory_space<vmem>>, vector<1x16xf32>,
      %get3A_61 = vector.shape_cast %get3A_60 : vector<1x16xf32> to vector<16xf32>
      %get3A_62 = arith.index_cast %scan3A_56 : i32 to index
      %get3A_63 = arith.constant 0 : index
      %get3A_64 = tpu.vector_load %arg13[%get3A_62, %get3A_63] {strides = array<i32>} : memref<128x64xf32, #tpu.memory_space<vmem>>, vector<1x16xf32>,
      %get3A_65 = vector.shape_cast %get3A_64 : vector<1x16xf32> to vector<16xf32>
      %mul3A_66 = arith.mulf %get3A_65, %get3A_61 : vector<16xf32>
      %swap3A = arith.index_cast %scan3A_56 : i32 to index
      %swap3A_67 = arith.constant 0 : index
      %swap3A_68 = tpu.vector_load %arg13[%swap3A, %swap3A_67] {strides = array<i32>} : memref<128x64xf32, #tpu.memory_space<vmem>>, vector<1x16xf32>,
      %swap3A_69 = vector.shape_cast %swap3A_68 : vector<1x16xf32> to vector<16xf32>
      %swap3A_70 = vector.shape_cast %mul3A_66 : vector<16xf32> to vector<1x16xf32>
      tpu.vector_store %arg13[%swap3A, %swap3A_67], %swap3A_70 {strides = array<i32>} : memref<128x64xf32, #tpu.memory_space<vmem>>, vector<1x16xf32>,
      %get3A_71 = arith.index_cast %scan3A_56 : i32 to index
      %get3A_72 = arith.constant 16 : index
      %get3A_73 = tpu.vector_load %arg13[%get3A_71, %get3A_72] {strides = array<i32>} : memref<128x64xf32, #tpu.memory_space<vmem>>, vector<1x16xf32>,
      %get3A_74 = vector.shape_cast %get3A_73 : vector<1x16xf32> to vector<16xf32>
      %mul3A_75 = arith.mulf %get3A_74, %get3A_61 : vector<16xf32>
      %swap3A_76 = arith.index_cast %scan3A_56 : i32 to index
      %swap3A_77 = arith.constant 16 : index
      %swap3A_78 = tpu.vector_load %arg13[%swap3A_76, %swap3A_77] {strides = array<i32>} : memref<128x64xf32, #tpu.memory_space<vmem>>, vector<1x16xf32>,
      %swap3A_79 = vector.shape_cast %swap3A_78 : vector<1x16xf32> to vector<16xf32>
      %swap3A_80 = vector.shape_cast %mul3A_75 : vector<16xf32> to vector<1x16xf32>
      tpu.vector_store %arg13[%swap3A_76, %swap3A_77], %swap3A_80 {strides = array<i32>} : memref<128x64xf32, #tpu.memory_space<vmem>>, vector<1x16xf32>,
      %get3A_81 = arith.index_cast %scan3A_56 : i32 to index
      %get3A_82 = arith.constant 32 : index
      %get3A_83 = tpu.vector_load %arg13[%get3A_81, %get3A_82] {strides = array<i32>} : memref<128x64xf32, #tpu.memory_space<vmem>>, vector<1x16xf32>,
      %get3A_84 = vector.shape_cast %get3A_83 : vector<1x16xf32> to vector<16xf32>
      %mul3A_85 = arith.mulf %get3A_84, %get3A_61 : vector<16xf32>
      %swap3A_86 = arith.index_cast %scan3A_56 : i32 to index
      %swap3A_87 = arith.constant 32 : index
      %swap3A_88 = tpu.vector_load %arg13[%swap3A_86, %swap3A_87] {strides = array<i32>} : memref<128x64xf32, #tpu.memory_space<vmem>>, vector<1x16xf32>,
      %swap3A_89 = vector.shape_cast %swap3A_88 : vector<1x16xf32> to vector<16xf32>
      %swap3A_90 = vector.shape_cast %mul3A_85 : vector<16xf32> to vector<1x16xf32>
      tpu.vector_store %arg13[%swap3A_86, %swap3A_87], %swap3A_90 {strides = array<i32>} : memref<128x64xf32, #tpu.memory_space<vmem>>, vector<1x16xf32>,
      %get3A_91 = arith.index_cast %scan3A_56 : i32 to index
      %get3A_92 = arith.constant 48 : index
      %get3A_93 = tpu.vector_load %arg13[%get3A_91, %get3A_92] {strides = array<i32>} : memref<128x64xf32, #tpu.memory_space<vmem>>, vector<1x16xf32>,
      %get3A_94 = vector.shape_cast %get3A_93 : vector<1x16xf32> to vector<16xf32>
      %mul3A_95 = arith.mulf %get3A_94, %get3A_61 : vector<16xf32>
      %swap3A_96 = arith.index_cast %scan3A_56 : i32 to index
      %swap3A_97 = arith.constant 48 : index
      %swap3A_98 = tpu.vector_load %arg13[%swap3A_96, %swap3A_97] {strides = array<i32>} : memref<128x64xf32, #tpu.memory_space<vmem>>, vector<1x16xf32>,
      %swap3A_99 = vector.shape_cast %swap3A_98 : vector<1x16xf32> to vector<16xf32>
      %swap3A_100 = vector.shape_cast %mul3A_95 : vector<16xf32> to vector<1x16xf32>
      tpu.vector_store %arg13[%swap3A_96, %swap3A_97], %swap3A_100 {strides = array<i32>} : memref<128x64xf32, #tpu.memory_space<vmem>>, vector<1x16xf32>,
    }
    %scan3A_55 = arith.constant 128 : i32
    "tpu.region"() ({
      %run_scoped3A = tpu.sem_alloc : memref<!tpu.dma_semaphore, #tpu.memory_space<semaphore_mem>>
      %dma_start3A_56 = arith.constant 0 : i32
      %dma_start3A_57 = tpu.memref_slice %arg7[%arg0, %add3A_50, %dma_start3A_56] : memref<2x10240x64xf32, #tpu.memory_space<hbm>> -> memref<1x128x64xf32, #tpu.memory_space<hbm>>
      %dma_start3A_58 = tpu.memref_squeeze %dma_start3A_57 : memref<1x128x64xf32, #tpu.memory_space<hbm>> -> memref<128x64xf32, #tpu.memory_space<hbm>>
      %dma_start3A_59 = arith.constant 0 : i32
      %dma_start3A_60 = tpu.memref_slice %arg7[%arg0, %add3A_50, %dma_start3A_59] : memref<2x10240x64xf32, #tpu.memory_space<hbm>> -> memref<1x128x64xf32, #tpu.memory_space<hbm>>
      %dma_start3A_61 = tpu.memref_squeeze %dma_start3A_60 : memref<1x128x64xf32, #tpu.memory_space<hbm>> -> memref<128x64xf32, #tpu.memory_space<hbm>>
      tpu.enqueue_dma source(%arg13 : memref<128x64xf32, #tpu.memory_space<vmem>>) target(%dma_start3A_61 : memref<128x64xf32, #tpu.memory_space<hbm>>) target_semaphore(%run_scoped3A : memref<!tpu.dma_semaphore, #tpu.memory_space<semaphore_mem>>)
      %dma_wait3A = arith.constant 0 : i32
      %dma_wait3A_62 = tpu.memref_slice %arg7[%arg0, %add3A_50, %dma_wait3A] : memref<2x10240x64xf32, #tpu.memory_space<hbm>> -> memref<1x128x64xf32, #tpu.memory_space<hbm>>
      %dma_wait3A_63 = tpu.memref_squeeze %dma_wait3A_62 : memref<1x128x64xf32, #tpu.memory_space<hbm>> -> memref<128x64xf32, #tpu.memory_space<hbm>>
      %dma_wait3A_64 = arith.constant 0 : i32
      %dma_wait3A_65 = tpu.memref_slice %arg7[%arg0, %add3A_50, %dma_wait3A_64] : memref<2x10240x64xf32, #tpu.memory_space<hbm>> -> memref<1x128x64xf32, #tpu.memory_space<hbm>>
      %dma_wait3A_66 = tpu.memref_squeeze %dma_wait3A_65 : memref<1x128x64xf32, #tpu.memory_space<hbm>> -> memref<128x64xf32, #tpu.memory_space<hbm>>
      tpu.wait_dma2 semaphore(%run_scoped3A : memref<!tpu.dma_semaphore, #tpu.memory_space<semaphore_mem>>) src(%arg13 : memref<128x64xf32, #tpu.memory_space<vmem>>) dst(%dma_wait3A_66 : memref<128x64xf32, #tpu.memory_space<hbm>>)
      tpu.yield
    }) : () -> ()
    return
  }
}

#map = affine_map<(d0, d1) -> (0, 0)>
#map1 = affine_map<(d0, d1) -> (0, 0, 0, 0)>
#map2 = affine_map<(d0, d1) -> (0, 0, 0)>
module attributes {stable_mosaic.version = 14 : i64} {
  func.func @_prop_scaled_body(%arg0: i32, %arg1: i32, %arg2: memref<20000x64xf32, #tpu.memory_space<hbm>>, %arg3: memref<2x16x250x80xi32, #tpu.memory_space<hbm>>, %arg4: memref<16x250x80xi32, #tpu.memory_space<hbm>>, %arg5: memref<128x64xf32, #tpu.memory_space<hbm>>, %arg6: memref<10240x16xf32, #tpu.memory_space<hbm>>, %arg7: memref<2x10240x64xf32, #tpu.memory_space<hbm>>, %arg8: memref<250x80xi32, #tpu.memory_space<vmem>>, %arg9: memref<250x80xi32, #tpu.memory_space<vmem>>, %arg10: memref<80x64xf32, #tpu.memory_space<vmem>>, %arg11: memref<80x64xf32, #tpu.memory_space<vmem>>, %arg12: memref<640x16xf32, #tpu.memory_space<vmem>>, %arg13: memref<128x64xf32, #tpu.memory_space<vmem>>, %arg14: memref<10240x64xf32, #tpu.memory_space<vmem_shared>>, %arg15: memref<!tpu.dma_semaphore, #tpu.memory_space<semaphore_mem>>, %arg16: memref<!tpu.dma_semaphore, #tpu.memory_space<semaphore_mem>>) attributes {dimension_semantics = [#tpu.dimension_semantics<core_parallel>, #tpu.dimension_semantics<subcore_parallel>], iteration_bounds = array<i64: 2, 16>, scalar_prefetch = 0 : i64, scratch_operands = 9 : i64, tpu.core_type = #tpu.core_type<sc_vector_subcore>, window_params = [{transform_indices = #map}, {transform_indices = #map1}, {transform_indices = #map2}, {transform_indices = #map}, {transform_indices = #map}, {transform_indices = #map2}]} {
    %mul3A = arith.constant 640 : i32
    %mul3A_0 = arith.muli %arg1, %mul3A : i32
    %add3A = arith.constant 0 : i32
    %add3A_1 = arith.addi %mul3A_0, %add3A : i32
    "tpu.region"() ({
      %run_scoped3A = tpu.sem_alloc : memref<!tpu.dma_semaphore, #tpu.memory_space<semaphore_mem>>
      %dma_start3A_56 = arith.constant 0 : i32
      %dma_start3A_57 = tpu.memref_slice %arg14[%add3A_1, %dma_start3A_56] : memref<10240x64xf32, #tpu.memory_space<vmem_shared>> -> memref<128x64xf32, #tpu.memory_space<vmem_shared>>
      tpu.enqueue_dma source(%arg5 : memref<128x64xf32, #tpu.memory_space<hbm>>) target(%dma_start3A_57 : memref<128x64xf32, #tpu.memory_space<vmem_shared>>) target_semaphore(%run_scoped3A : memref<!tpu.dma_semaphore, #tpu.memory_space<semaphore_mem>>)
      %dma_wait3A = arith.constant 0 : i32
      %dma_wait3A_58 = tpu.memref_slice %arg14[%add3A_1, %dma_wait3A] : memref<10240x64xf32, #tpu.memory_space<vmem_shared>> -> memref<128x64xf32, #tpu.memory_space<vmem_shared>>
      tpu.wait_dma2 semaphore(%run_scoped3A : memref<!tpu.dma_semaphore, #tpu.memory_space<semaphore_mem>>) src(%arg5 : memref<128x64xf32, #tpu.memory_space<hbm>>) dst(%dma_wait3A_58 : memref<128x64xf32, #tpu.memory_space<vmem_shared>>)
      tpu.yield
    }) : () -> ()
    %add3A_2 = arith.constant 128 : i32
    %add3A_3 = arith.addi %mul3A_0, %add3A_2 : i32
    "tpu.region"() ({
      %run_scoped3A = tpu.sem_alloc : memref<!tpu.dma_semaphore, #tpu.memory_space<semaphore_mem>>
      %dma_start3A_56 = arith.constant 0 : i32
      %dma_start3A_57 = tpu.memref_slice %arg14[%add3A_3, %dma_start3A_56] : memref<10240x64xf32, #tpu.memory_space<vmem_shared>> -> memref<128x64xf32, #tpu.memory_space<vmem_shared>>
      tpu.enqueue_dma source(%arg5 : memref<128x64xf32, #tpu.memory_space<hbm>>) target(%dma_start3A_57 : memref<128x64xf32, #tpu.memory_space<vmem_shared>>) target_semaphore(%run_scoped3A : memref<!tpu.dma_semaphore, #tpu.memory_space<semaphore_mem>>)
      %dma_wait3A = arith.constant 0 : i32
      %dma_wait3A_58 = tpu.memref_slice %arg14[%add3A_3, %dma_wait3A] : memref<10240x64xf32, #tpu.memory_space<vmem_shared>> -> memref<128x64xf32, #tpu.memory_space<vmem_shared>>
      tpu.wait_dma2 semaphore(%run_scoped3A : memref<!tpu.dma_semaphore, #tpu.memory_space<semaphore_mem>>) src(%arg5 : memref<128x64xf32, #tpu.memory_space<hbm>>) dst(%dma_wait3A_58 : memref<128x64xf32, #tpu.memory_space<vmem_shared>>)
      tpu.yield
    }) : () -> ()
    %add3A_4 = arith.constant 256 : i32
    %add3A_5 = arith.addi %mul3A_0, %add3A_4 : i32
    "tpu.region"() ({
      %run_scoped3A = tpu.sem_alloc : memref<!tpu.dma_semaphore, #tpu.memory_space<semaphore_mem>>
      %dma_start3A_56 = arith.constant 0 : i32
      %dma_start3A_57 = tpu.memref_slice %arg14[%add3A_5, %dma_start3A_56] : memref<10240x64xf32, #tpu.memory_space<vmem_shared>> -> memref<128x64xf32, #tpu.memory_space<vmem_shared>>
      tpu.enqueue_dma source(%arg5 : memref<128x64xf32, #tpu.memory_space<hbm>>) target(%dma_start3A_57 : memref<128x64xf32, #tpu.memory_space<vmem_shared>>) target_semaphore(%run_scoped3A : memref<!tpu.dma_semaphore, #tpu.memory_space<semaphore_mem>>)
      %dma_wait3A = arith.constant 0 : i32
      %dma_wait3A_58 = tpu.memref_slice %arg14[%add3A_5, %dma_wait3A] : memref<10240x64xf32, #tpu.memory_space<vmem_shared>> -> memref<128x64xf32, #tpu.memory_space<vmem_shared>>
      tpu.wait_dma2 semaphore(%run_scoped3A : memref<!tpu.dma_semaphore, #tpu.memory_space<semaphore_mem>>) src(%arg5 : memref<128x64xf32, #tpu.memory_space<hbm>>) dst(%dma_wait3A_58 : memref<128x64xf32, #tpu.memory_space<vmem_shared>>)
      tpu.yield
    }) : () -> ()
    %add3A_6 = arith.constant 384 : i32
    %add3A_7 = arith.addi %mul3A_0, %add3A_6 : i32
    "tpu.region"() ({
      %run_scoped3A = tpu.sem_alloc : memref<!tpu.dma_semaphore, #tpu.memory_space<semaphore_mem>>
      %dma_start3A_56 = arith.constant 0 : i32
      %dma_start3A_57 = tpu.memref_slice %arg14[%add3A_7, %dma_start3A_56] : memref<10240x64xf32, #tpu.memory_space<vmem_shared>> -> memref<128x64xf32, #tpu.memory_space<vmem_shared>>
      tpu.enqueue_dma source(%arg5 : memref<128x64xf32, #tpu.memory_space<hbm>>) target(%dma_start3A_57 : memref<128x64xf32, #tpu.memory_space<vmem_shared>>) target_semaphore(%run_scoped3A : memref<!tpu.dma_semaphore, #tpu.memory_space<semaphore_mem>>)
      %dma_wait3A = arith.constant 0 : i32
      %dma_wait3A_58 = tpu.memref_slice %arg14[%add3A_7, %dma_wait3A] : memref<10240x64xf32, #tpu.memory_space<vmem_shared>> -> memref<128x64xf32, #tpu.memory_space<vmem_shared>>
      tpu.wait_dma2 semaphore(%run_scoped3A : memref<!tpu.dma_semaphore, #tpu.memory_space<semaphore_mem>>) src(%arg5 : memref<128x64xf32, #tpu.memory_space<hbm>>) dst(%dma_wait3A_58 : memref<128x64xf32, #tpu.memory_space<vmem_shared>>)
      tpu.yield
    }) : () -> ()
    %add3A_8 = arith.constant 512 : i32
    %add3A_9 = arith.addi %mul3A_0, %add3A_8 : i32
    "tpu.region"() ({
      %run_scoped3A = tpu.sem_alloc : memref<!tpu.dma_semaphore, #tpu.memory_space<semaphore_mem>>
      %dma_start3A_56 = arith.constant 0 : i32
      %dma_start3A_57 = tpu.memref_slice %arg14[%add3A_9, %dma_start3A_56] : memref<10240x64xf32, #tpu.memory_space<vmem_shared>> -> memref<128x64xf32, #tpu.memory_space<vmem_shared>>
      tpu.enqueue_dma source(%arg5 : memref<128x64xf32, #tpu.memory_space<hbm>>) target(%dma_start3A_57 : memref<128x64xf32, #tpu.memory_space<vmem_shared>>) target_semaphore(%run_scoped3A : memref<!tpu.dma_semaphore, #tpu.memory_space<semaphore_mem>>)
      %dma_wait3A = arith.constant 0 : i32
      %dma_wait3A_58 = tpu.memref_slice %arg14[%add3A_9, %dma_wait3A] : memref<10240x64xf32, #tpu.memory_space<vmem_shared>> -> memref<128x64xf32, #tpu.memory_space<vmem_shared>>
      tpu.wait_dma2 semaphore(%run_scoped3A : memref<!tpu.dma_semaphore, #tpu.memory_space<semaphore_mem>>) src(%arg5 : memref<128x64xf32, #tpu.memory_space<hbm>>) dst(%dma_wait3A_58 : memref<128x64xf32, #tpu.memory_space<vmem_shared>>)
      tpu.yield
    }) : () -> ()
    "tpu.region"() ({
      %run_scoped3A = tpu.sem_alloc : memref<!tpu.dma_semaphore, #tpu.memory_space<semaphore_mem>>
      %dma_start3A_56 = arith.constant 0 : i32
      %dma_start3A_57 = arith.constant 0 : i32
      %dma_start3A_58 = tpu.memref_slice %arg3[%arg0, %arg1, %dma_start3A_56, %dma_start3A_57] : memref<2x16x250x80xi32, #tpu.memory_space<hbm>> -> memref<1x1x250x80xi32, #tpu.memory_space<hbm>>
      %dma_start3A_59 = tpu.memref_squeeze %dma_start3A_58 : memref<1x1x250x80xi32, #tpu.memory_space<hbm>> -> memref<250x80xi32, #tpu.memory_space<hbm>>
      %dma_start3A_60 = arith.constant 0 : i32
      %dma_start3A_61 = arith.constant 0 : i32
      %dma_start3A_62 = tpu.memref_slice %arg3[%arg0, %arg1, %dma_start3A_60, %dma_start3A_61] : memref<2x16x250x80xi32, #tpu.memory_space<hbm>> -> memref<1x1x250x80xi32, #tpu.memory_space<hbm>>
      %dma_start3A_63 = tpu.memref_squeeze %dma_start3A_62 : memref<1x1x250x80xi32, #tpu.memory_space<hbm>> -> memref<250x80xi32, #tpu.memory_space<hbm>>
      tpu.enqueue_dma source(%dma_start3A_63 : memref<250x80xi32, #tpu.memory_space<hbm>>) target(%arg8 : memref<250x80xi32, #tpu.memory_space<vmem>>) target_semaphore(%run_scoped3A : memref<!tpu.dma_semaphore, #tpu.memory_space<semaphore_mem>>)
      %dma_wait3A = arith.constant 0 : i32
      %dma_wait3A_64 = arith.constant 0 : i32
      %dma_wait3A_65 = tpu.memref_slice %arg3[%arg0, %arg1, %dma_wait3A, %dma_wait3A_64] : memref<2x16x250x80xi32, #tpu.memory_space<hbm>> -> memref<1x1x250x80xi32, #tpu.memory_space<hbm>>
      %dma_wait3A_66 = tpu.memref_squeeze %dma_wait3A_65 : memref<1x1x250x80xi32, #tpu.memory_space<hbm>> -> memref<250x80xi32, #tpu.memory_space<hbm>>
      %dma_wait3A_67 = arith.constant 0 : i32
      %dma_wait3A_68 = arith.constant 0 : i32
      %dma_wait3A_69 = tpu.memref_slice %arg3[%arg0, %arg1, %dma_wait3A_67, %dma_wait3A_68] : memref<2x16x250x80xi32, #tpu.memory_space<hbm>> -> memref<1x1x250x80xi32, #tpu.memory_space<hbm>>
      %dma_wait3A_70 = tpu.memref_squeeze %dma_wait3A_69 : memref<1x1x250x80xi32, #tpu.memory_space<hbm>> -> memref<250x80xi32, #tpu.memory_space<hbm>>
      tpu.wait_dma2 semaphore(%run_scoped3A : memref<!tpu.dma_semaphore, #tpu.memory_space<semaphore_mem>>) src(%dma_wait3A_70 : memref<250x80xi32, #tpu.memory_space<hbm>>) dst(%arg8 : memref<250x80xi32, #tpu.memory_space<vmem>>)
      tpu.yield
    }) : () -> ()
    "tpu.region"() ({
      %run_scoped3A = tpu.sem_alloc : memref<!tpu.dma_semaphore, #tpu.memory_space<semaphore_mem>>
      %dma_start3A_56 = arith.constant 0 : i32
      %dma_start3A_57 = arith.constant 0 : i32
      %dma_start3A_58 = tpu.memref_slice %arg4[%arg1, %dma_start3A_56, %dma_start3A_57] : memref<16x250x80xi32, #tpu.memory_space<hbm>> -> memref<1x250x80xi32, #tpu.memory_space<hbm>>
      %dma_start3A_59 = tpu.memref_squeeze %dma_start3A_58 : memref<1x250x80xi32, #tpu.memory_space<hbm>> -> memref<250x80xi32, #tpu.memory_space<hbm>>
      %dma_start3A_60 = arith.constant 0 : i32
      %dma_start3A_61 = arith.constant 0 : i32
      %dma_start3A_62 = tpu.memref_slice %arg4[%arg1, %dma_start3A_60, %dma_start3A_61] : memref<16x250x80xi32, #tpu.memory_space<hbm>> -> memref<1x250x80xi32, #tpu.memory_space<hbm>>
      %dma_start3A_63 = tpu.memref_squeeze %dma_start3A_62 : memref<1x250x80xi32, #tpu.memory_space<hbm>> -> memref<250x80xi32, #tpu.memory_space<hbm>>
      tpu.enqueue_dma source(%dma_start3A_63 : memref<250x80xi32, #tpu.memory_space<hbm>>) target(%arg9 : memref<250x80xi32, #tpu.memory_space<vmem>>) target_semaphore(%run_scoped3A : memref<!tpu.dma_semaphore, #tpu.memory_space<semaphore_mem>>)
      %dma_wait3A = arith.constant 0 : i32
      %dma_wait3A_64 = arith.constant 0 : i32
      %dma_wait3A_65 = tpu.memref_slice %arg4[%arg1, %dma_wait3A, %dma_wait3A_64] : memref<16x250x80xi32, #tpu.memory_space<hbm>> -> memref<1x250x80xi32, #tpu.memory_space<hbm>>
      %dma_wait3A_66 = tpu.memref_squeeze %dma_wait3A_65 : memref<1x250x80xi32, #tpu.memory_space<hbm>> -> memref<250x80xi32, #tpu.memory_space<hbm>>
      %dma_wait3A_67 = arith.constant 0 : i32
      %dma_wait3A_68 = arith.constant 0 : i32
      %dma_wait3A_69 = tpu.memref_slice %arg4[%arg1, %dma_wait3A_67, %dma_wait3A_68] : memref<16x250x80xi32, #tpu.memory_space<hbm>> -> memref<1x250x80xi32, #tpu.memory_space<hbm>>
      %dma_wait3A_70 = tpu.memref_squeeze %dma_wait3A_69 : memref<1x250x80xi32, #tpu.memory_space<hbm>> -> memref<250x80xi32, #tpu.memory_space<hbm>>
      tpu.wait_dma2 semaphore(%run_scoped3A : memref<!tpu.dma_semaphore, #tpu.memory_space<semaphore_mem>>) src(%dma_wait3A_70 : memref<250x80xi32, #tpu.memory_space<hbm>>) dst(%arg9 : memref<250x80xi32, #tpu.memory_space<vmem>>)
      tpu.yield
    }) : () -> ()
    %barrier3A = arith.constant 0 : index
    tpu.barrier barrier_id(%barrier3A)
    %dma_start3A = arith.constant 0 : i32
    %dma_start3A_10 = arith.constant 0 : i32
    %dma_start3A_11 = tpu.memref_slice %arg8[%dma_start3A, %dma_start3A_10] : memref<250x80xi32, #tpu.memory_space<vmem>> -> memref<1x80xi32, #tpu.memory_space<vmem>>
    %dma_start3A_12 = tpu.memref_squeeze %dma_start3A_11 : memref<1x80xi32, #tpu.memory_space<vmem>> -> memref<80xi32, #tpu.memory_space<vmem>>
    %dma_start3A_13 = arith.constant 0 : i32
    %dma_start3A_14 = arith.constant 0 : i32
    %dma_start3A_15 = tpu.memref_slice %arg2[%dma_start3A_13, %dma_start3A_14] : memref<20000x64xf32, #tpu.memory_space<hbm>> -> memref<20000x64xf32, #tpu.memory_space<hbm>>
    tpu.enqueue_indirect_dma source(%dma_start3A_15 : memref<20000x64xf32, #tpu.memory_space<hbm>>) target(%arg10 : memref<80x64xf32, #tpu.memory_space<vmem>>) offsets(%dma_start3A_12 : memref<80xi32, #tpu.memory_space<vmem>>) semaphore(%arg15 : memref<!tpu.dma_semaphore, #tpu.memory_space<semaphore_mem>>)
    %scan3A = arith.constant 0 : i32
    %scan3A_16 = arith.constant 125 : i32
    %scan3A_17 = arith.addi %scan3A, %scan3A_16 : i32
    %scan3A_18 = arith.constant 1 : i32
    scf.for %scan3A_56 = %scan3A to %scan3A_17 step %scan3A_18  : i32 {
      %mul3A_57 = arith.constant 2 : i32
      %mul3A_58 = arith.muli %mul3A_57, %scan3A_56 : i32
      %add3A_59 = arith.constant 1 : i32
      %add3A_60 = arith.addi %mul3A_58, %add3A_59 : i32
      %dma_start3A_61 = arith.constant 0 : i32
      %dma_start3A_62 = tpu.memref_slice %arg8[%add3A_60, %dma_start3A_61] : memref<250x80xi32, #tpu.memory_space<vmem>> -> memref<1x80xi32, #tpu.memory_space<vmem>>
      %dma_start3A_63 = tpu.memref_squeeze %dma_start3A_62 : memref<1x80xi32, #tpu.memory_space<vmem>> -> memref<80xi32, #tpu.memory_space<vmem>>
      %dma_start3A_64 = arith.constant 0 : i32
      %dma_start3A_65 = arith.constant 0 : i32
      %dma_start3A_66 = tpu.memref_slice %arg2[%dma_start3A_64, %dma_start3A_65] : memref<20000x64xf32, #tpu.memory_space<hbm>> -> memref<20000x64xf32, #tpu.memory_space<hbm>>
      tpu.enqueue_indirect_dma source(%dma_start3A_66 : memref<20000x64xf32, #tpu.memory_space<hbm>>) target(%arg11 : memref<80x64xf32, #tpu.memory_space<vmem>>) offsets(%dma_start3A_63 : memref<80xi32, #tpu.memory_space<vmem>>) semaphore(%arg16 : memref<!tpu.dma_semaphore, #tpu.memory_space<semaphore_mem>>)
      %dma_wait3A = arith.constant 0 : i32
      %dma_wait3A_67 = tpu.memref_slice %arg8[%mul3A_58, %dma_wait3A] : memref<250x80xi32, #tpu.memory_space<vmem>> -> memref<1x80xi32, #tpu.memory_space<vmem>>
      %dma_wait3A_68 = tpu.memref_squeeze %dma_wait3A_67 : memref<1x80xi32, #tpu.memory_space<vmem>> -> memref<80xi32, #tpu.memory_space<vmem>>
      %dma_wait3A_69 = arith.constant 0 : i32
      %dma_wait3A_70 = arith.constant 0 : i32
      %dma_wait3A_71 = tpu.memref_slice %arg2[%dma_wait3A_69, %dma_wait3A_70] : memref<20000x64xf32, #tpu.memory_space<hbm>> -> memref<20000x64xf32, #tpu.memory_space<hbm>>
      tpu.wait_indirect_dma semaphore(%arg15 : memref<!tpu.dma_semaphore, #tpu.memory_space<semaphore_mem>>) src(%dma_wait3A_71 : memref<20000x64xf32, #tpu.memory_space<hbm>>) dst(%arg10 : memref<80x64xf32, #tpu.memory_space<vmem>>)
      "tpu.region"() ({
        %run_scoped3A = tpu.sem_alloc : memref<!tpu.dma_semaphore, #tpu.memory_space<semaphore_mem>>
        %dma_start3A_86 = arith.constant 0 : i32
        %dma_start3A_87 = tpu.memref_slice %arg9[%mul3A_58, %dma_start3A_86] : memref<250x80xi32, #tpu.memory_space<vmem>> -> memref<1x80xi32, #tpu.memory_space<vmem>>
        %dma_start3A_88 = tpu.memref_squeeze %dma_start3A_87 : memref<1x80xi32, #tpu.memory_space<vmem>> -> memref<80xi32, #tpu.memory_space<vmem>>
        %dma_start3A_89 = arith.constant 0 : i32
        %dma_start3A_90 = arith.constant 0 : i32
        %dma_start3A_91 = tpu.memref_slice %arg14[%dma_start3A_89, %dma_start3A_90] : memref<10240x64xf32, #tpu.memory_space<vmem_shared>> -> memref<10240x64xf32, #tpu.memory_space<vmem_shared>>
        tpu.enqueue_indirect_dma source(%arg10 : memref<80x64xf32, #tpu.memory_space<vmem>>) target(%dma_start3A_91 : memref<10240x64xf32, #tpu.memory_space<vmem_shared>>) offsets(%dma_start3A_88 : memref<80xi32, #tpu.memory_space<vmem>>) semaphore(%run_scoped3A : memref<!tpu.dma_semaphore, #tpu.memory_space<semaphore_mem>>) {add = true}
        %dma_wait3A_92 = arith.constant 0 : i32
        %dma_wait3A_93 = tpu.memref_slice %arg9[%mul3A_58, %dma_wait3A_92] : memref<250x80xi32, #tpu.memory_space<vmem>> -> memref<1x80xi32, #tpu.memory_space<vmem>>
        %dma_wait3A_94 = tpu.memref_squeeze %dma_wait3A_93 : memref<1x80xi32, #tpu.memory_space<vmem>> -> memref<80xi32, #tpu.memory_space<vmem>>
        %dma_wait3A_95 = arith.constant 0 : i32
        %dma_wait3A_96 = arith.constant 0 : i32
        %dma_wait3A_97 = tpu.memref_slice %arg14[%dma_wait3A_95, %dma_wait3A_96] : memref<10240x64xf32, #tpu.memory_space<vmem_shared>> -> memref<10240x64xf32, #tpu.memory_space<vmem_shared>>
        tpu.wait_indirect_dma semaphore(%run_scoped3A : memref<!tpu.dma_semaphore, #tpu.memory_space<semaphore_mem>>) src(%arg10 : memref<80x64xf32, #tpu.memory_space<vmem>>) dst(%dma_wait3A_97 : memref<10240x64xf32, #tpu.memory_space<vmem_shared>>)
        tpu.yield
      }) : () -> ()
      %add3A_72 = arith.constant 2 : i32
      %add3A_73 = arith.addi %mul3A_58, %add3A_72 : i32
      %lt3A = arith.constant 250 : i32
      %lt3A_74 = arith.cmpi slt, %add3A_73, %lt3A : i32
      %convert_element_type3A = arith.extui %lt3A_74 : i1 to i32
      %cond3A = arith.constant 0 : i32
      %cond3A_75 = arith.cmpi ne, %convert_element_type3A, %cond3A : i32
      scf.if %cond3A_75 {
        %add3A_86 = arith.constant 2 : i32
        %add3A_87 = arith.addi %mul3A_58, %add3A_86 : i32
        %dma_start3A_88 = arith.constant 0 : i32
        %dma_start3A_89 = tpu.memref_slice %arg8[%add3A_87, %dma_start3A_88] : memref<250x80xi32, #tpu.memory_space<vmem>> -> memref<1x80xi32, #tpu.memory_space<vmem>>
        %dma_start3A_90 = tpu.memref_squeeze %dma_start3A_89 : memref<1x80xi32, #tpu.memory_space<vmem>> -> memref<80xi32, #tpu.memory_space<vmem>>
        %dma_start3A_91 = arith.constant 0 : i32
        %dma_start3A_92 = arith.constant 0 : i32
        %dma_start3A_93 = tpu.memref_slice %arg2[%dma_start3A_91, %dma_start3A_92] : memref<20000x64xf32, #tpu.memory_space<hbm>> -> memref<20000x64xf32, #tpu.memory_space<hbm>>
        tpu.enqueue_indirect_dma source(%dma_start3A_93 : memref<20000x64xf32, #tpu.memory_space<hbm>>) target(%arg10 : memref<80x64xf32, #tpu.memory_space<vmem>>) offsets(%dma_start3A_90 : memref<80xi32, #tpu.memory_space<vmem>>) semaphore(%arg15 : memref<!tpu.dma_semaphore, #tpu.memory_space<semaphore_mem>>)
      } else {
      }
      %add3A_76 = arith.constant 1 : i32
      %add3A_77 = arith.addi %mul3A_58, %add3A_76 : i32
      %dma_wait3A_78 = arith.constant 0 : i32
      %dma_wait3A_79 = tpu.memref_slice %arg8[%add3A_77, %dma_wait3A_78] : memref<250x80xi32, #tpu.memory_space<vmem>> -> memref<1x80xi32, #tpu.memory_space<vmem>>
      %dma_wait3A_80 = tpu.memref_squeeze %dma_wait3A_79 : memref<1x80xi32, #tpu.memory_space<vmem>> -> memref<80xi32, #tpu.memory_space<vmem>>
      %dma_wait3A_81 = arith.constant 0 : i32
      %dma_wait3A_82 = arith.constant 0 : i32
      %dma_wait3A_83 = tpu.memref_slice %arg2[%dma_wait3A_81, %dma_wait3A_82] : memref<20000x64xf32, #tpu.memory_space<hbm>> -> memref<20000x64xf32, #tpu.memory_space<hbm>>
      tpu.wait_indirect_dma semaphore(%arg16 : memref<!tpu.dma_semaphore, #tpu.memory_space<semaphore_mem>>) src(%dma_wait3A_83 : memref<20000x64xf32, #tpu.memory_space<hbm>>) dst(%arg11 : memref<80x64xf32, #tpu.memory_space<vmem>>)
      %add3A_84 = arith.constant 1 : i32
      %add3A_85 = arith.addi %mul3A_58, %add3A_84 : i32
      "tpu.region"() ({
        %run_scoped3A = tpu.sem_alloc : memref<!tpu.dma_semaphore, #tpu.memory_space<semaphore_mem>>
        %dma_start3A_86 = arith.constant 0 : i32
        %dma_start3A_87 = tpu.memref_slice %arg9[%add3A_85, %dma_start3A_86] : memref<250x80xi32, #tpu.memory_space<vmem>> -> memref<1x80xi32, #tpu.memory_space<vmem>>
        %dma_start3A_88 = tpu.memref_squeeze %dma_start3A_87 : memref<1x80xi32, #tpu.memory_space<vmem>> -> memref<80xi32, #tpu.memory_space<vmem>>
        %dma_start3A_89 = arith.constant 0 : i32
        %dma_start3A_90 = arith.constant 0 : i32
        %dma_start3A_91 = tpu.memref_slice %arg14[%dma_start3A_89, %dma_start3A_90] : memref<10240x64xf32, #tpu.memory_space<vmem_shared>> -> memref<10240x64xf32, #tpu.memory_space<vmem_shared>>
        tpu.enqueue_indirect_dma source(%arg11 : memref<80x64xf32, #tpu.memory_space<vmem>>) target(%dma_start3A_91 : memref<10240x64xf32, #tpu.memory_space<vmem_shared>>) offsets(%dma_start3A_88 : memref<80xi32, #tpu.memory_space<vmem>>) semaphore(%run_scoped3A : memref<!tpu.dma_semaphore, #tpu.memory_space<semaphore_mem>>) {add = true}
        %dma_wait3A_92 = arith.constant 0 : i32
        %dma_wait3A_93 = tpu.memref_slice %arg9[%add3A_85, %dma_wait3A_92] : memref<250x80xi32, #tpu.memory_space<vmem>> -> memref<1x80xi32, #tpu.memory_space<vmem>>
        %dma_wait3A_94 = tpu.memref_squeeze %dma_wait3A_93 : memref<1x80xi32, #tpu.memory_space<vmem>> -> memref<80xi32, #tpu.memory_space<vmem>>
        %dma_wait3A_95 = arith.constant 0 : i32
        %dma_wait3A_96 = arith.constant 0 : i32
        %dma_wait3A_97 = tpu.memref_slice %arg14[%dma_wait3A_95, %dma_wait3A_96] : memref<10240x64xf32, #tpu.memory_space<vmem_shared>> -> memref<10240x64xf32, #tpu.memory_space<vmem_shared>>
        tpu.wait_indirect_dma semaphore(%run_scoped3A : memref<!tpu.dma_semaphore, #tpu.memory_space<semaphore_mem>>) src(%arg11 : memref<80x64xf32, #tpu.memory_space<vmem>>) dst(%dma_wait3A_97 : memref<10240x64xf32, #tpu.memory_space<vmem_shared>>)
        tpu.yield
      }) : () -> ()
    }
    %scan3A_19 = arith.constant 125 : i32
    %barrier3A_20 = arith.constant 0 : index
    tpu.barrier barrier_id(%barrier3A_20)
    "tpu.region"() ({
      %run_scoped3A = tpu.sem_alloc : memref<!tpu.dma_semaphore, #tpu.memory_space<semaphore_mem>>
      %dma_start3A_56 = arith.constant 0 : i32
      %dma_start3A_57 = tpu.memref_slice %arg6[%mul3A_0, %dma_start3A_56] : memref<10240x16xf32, #tpu.memory_space<hbm>> -> memref<640x16xf32, #tpu.memory_space<hbm>>
      %dma_start3A_58 = arith.constant 0 : i32
      %dma_start3A_59 = tpu.memref_slice %arg6[%mul3A_0, %dma_start3A_58] : memref<10240x16xf32, #tpu.memory_space<hbm>> -> memref<640x16xf32, #tpu.memory_space<hbm>>
      tpu.enqueue_dma source(%dma_start3A_59 : memref<640x16xf32, #tpu.memory_space<hbm>>) target(%arg12 : memref<640x16xf32, #tpu.memory_space<vmem>>) target_semaphore(%run_scoped3A : memref<!tpu.dma_semaphore, #tpu.memory_space<semaphore_mem>>)
      %dma_wait3A = arith.constant 0 : i32
      %dma_wait3A_60 = tpu.memref_slice %arg6[%mul3A_0, %dma_wait3A] : memref<10240x16xf32, #tpu.memory_space<hbm>> -> memref<640x16xf32, #tpu.memory_space<hbm>>
      %dma_wait3A_61 = arith.constant 0 : i32
      %dma_wait3A_62 = tpu.memref_slice %arg6[%mul3A_0, %dma_wait3A_61] : memref<10240x16xf32, #tpu.memory_space<hbm>> -> memref<640x16xf32, #tpu.memory_space<hbm>>
      tpu.wait_dma2 semaphore(%run_scoped3A : memref<!tpu.dma_semaphore, #tpu.memory_space<semaphore_mem>>) src(%dma_wait3A_62 : memref<640x16xf32, #tpu.memory_space<hbm>>) dst(%arg12 : memref<640x16xf32, #tpu.memory_space<vmem>>)
      tpu.yield
    }) : () -> ()
    %add3A_21 = arith.constant 0 : i32
    %add3A_22 = arith.addi %mul3A_0, %add3A_21 : i32
    "tpu.region"() ({
      %run_scoped3A = tpu.sem_alloc : memref<!tpu.dma_semaphore, #tpu.memory_space<semaphore_mem>>
      %dma_start3A_56 = arith.constant 0 : i32
      %dma_start3A_57 = tpu.memref_slice %arg14[%add3A_22, %dma_start3A_56] : memref<10240x64xf32, #tpu.memory_space<vmem_shared>> -> memref<128x64xf32, #tpu.memory_space<vmem_shared>>
      %dma_start3A_58 = arith.constant 0 : i32
      %dma_start3A_59 = tpu.memref_slice %arg14[%add3A_22, %dma_start3A_58] : memref<10240x64xf32, #tpu.memory_space<vmem_shared>> -> memref<128x64xf32, #tpu.memory_space<vmem_shared>>
      tpu.enqueue_dma source(%dma_start3A_59 : memref<128x64xf32, #tpu.memory_space<vmem_shared>>) target(%arg13 : memref<128x64xf32, #tpu.memory_space<vmem>>) target_semaphore(%run_scoped3A : memref<!tpu.dma_semaphore, #tpu.memory_space<semaphore_mem>>)
      %dma_wait3A = arith.constant 0 : i32
      %dma_wait3A_60 = tpu.memref_slice %arg14[%add3A_22, %dma_wait3A] : memref<10240x64xf32, #tpu.memory_space<vmem_shared>> -> memref<128x64xf32, #tpu.memory_space<vmem_shared>>
      %dma_wait3A_61 = arith.constant 0 : i32
      %dma_wait3A_62 = tpu.memref_slice %arg14[%add3A_22, %dma_wait3A_61] : memref<10240x64xf32, #tpu.memory_space<vmem_shared>> -> memref<128x64xf32, #tpu.memory_space<vmem_shared>>
      tpu.wait_dma2 semaphore(%run_scoped3A : memref<!tpu.dma_semaphore, #tpu.memory_space<semaphore_mem>>) src(%dma_wait3A_62 : memref<128x64xf32, #tpu.memory_space<vmem_shared>>) dst(%arg13 : memref<128x64xf32, #tpu.memory_space<vmem>>)
      tpu.yield
    }) : () -> ()
    %scan3A_23 = arith.constant 0 : i32
    %scan3A_24 = arith.constant 128 : i32
    %scan3A_25 = arith.addi %scan3A_23, %scan3A_24 : i32
    %scan3A_26 = arith.constant 1 : i32
    scf.for %scan3A_56 = %scan3A_23 to %scan3A_25 step %scan3A_26  : i32 {
      %add3A_57 = arith.constant 0 : i32
      %add3A_58 = arith.addi %add3A_57, %scan3A_56 : i32
      %get3A = arith.index_cast %add3A_58 : i32 to index
      %get3A_59 = arith.constant 0 : index
      %get3A_60 = tpu.vector_load %arg12[%get3A, %get3A_59] {strides = array<i32>} : memref<640x16xf32, #tpu.memory_space<vmem>>, vector<1x16xf32>,
      %get3A_61 = vector.shape_cast %get3A_60 : vector<1x16xf32> to vector<16xf32>
      %get3A_62 = arith.index_cast %scan3A_56 : i32 to index
      %get3A_63 = arith.constant 0 : index
      %get3A_64 = tpu.vector_load %arg13[%get3A_62, %get3A_63] {strides = array<i32>} : memref<128x64xf32, #tpu.memory_space<vmem>>, vector<1x16xf32>,
      %get3A_65 = vector.shape_cast %get3A_64 : vector<1x16xf32> to vector<16xf32>
      %mul3A_66 = arith.mulf %get3A_65, %get3A_61 : vector<16xf32>
      %swap3A = arith.index_cast %scan3A_56 : i32 to index
      %swap3A_67 = arith.constant 0 : index
      %swap3A_68 = tpu.vector_load %arg13[%swap3A, %swap3A_67] {strides = array<i32>} : memref<128x64xf32, #tpu.memory_space<vmem>>, vector<1x16xf32>,
      %swap3A_69 = vector.shape_cast %swap3A_68 : vector<1x16xf32> to vector<16xf32>
      %swap3A_70 = vector.shape_cast %mul3A_66 : vector<16xf32> to vector<1x16xf32>
      tpu.vector_store %arg13[%swap3A, %swap3A_67], %swap3A_70 {strides = array<i32>} : memref<128x64xf32, #tpu.memory_space<vmem>>, vector<1x16xf32>,
      %get3A_71 = arith.index_cast %scan3A_56 : i32 to index
      %get3A_72 = arith.constant 16 : index
      %get3A_73 = tpu.vector_load %arg13[%get3A_71, %get3A_72] {strides = array<i32>} : memref<128x64xf32, #tpu.memory_space<vmem>>, vector<1x16xf32>,
      %get3A_74 = vector.shape_cast %get3A_73 : vector<1x16xf32> to vector<16xf32>
      %mul3A_75 = arith.mulf %get3A_74, %get3A_61 : vector<16xf32>
      %swap3A_76 = arith.index_cast %scan3A_56 : i32 to index
      %swap3A_77 = arith.constant 16 : index
      %swap3A_78 = tpu.vector_load %arg13[%swap3A_76, %swap3A_77] {strides = array<i32>} : memref<128x64xf32, #tpu.memory_space<vmem>>, vector<1x16xf32>,
      %swap3A_79 = vector.shape_cast %swap3A_78 : vector<1x16xf32> to vector<16xf32>
      %swap3A_80 = vector.shape_cast %mul3A_75 : vector<16xf32> to vector<1x16xf32>
      tpu.vector_store %arg13[%swap3A_76, %swap3A_77], %swap3A_80 {strides = array<i32>} : memref<128x64xf32, #tpu.memory_space<vmem>>, vector<1x16xf32>,
      %get3A_81 = arith.index_cast %scan3A_56 : i32 to index
      %get3A_82 = arith.constant 32 : index
      %get3A_83 = tpu.vector_load %arg13[%get3A_81, %get3A_82] {strides = array<i32>} : memref<128x64xf32, #tpu.memory_space<vmem>>, vector<1x16xf32>,
      %get3A_84 = vector.shape_cast %get3A_83 : vector<1x16xf32> to vector<16xf32>
      %mul3A_85 = arith.mulf %get3A_84, %get3A_61 : vector<16xf32>
      %swap3A_86 = arith.index_cast %scan3A_56 : i32 to index
      %swap3A_87 = arith.constant 32 : index
      %swap3A_88 = tpu.vector_load %arg13[%swap3A_86, %swap3A_87] {strides = array<i32>} : memref<128x64xf32, #tpu.memory_space<vmem>>, vector<1x16xf32>,
      %swap3A_89 = vector.shape_cast %swap3A_88 : vector<1x16xf32> to vector<16xf32>
      %swap3A_90 = vector.shape_cast %mul3A_85 : vector<16xf32> to vector<1x16xf32>
      tpu.vector_store %arg13[%swap3A_86, %swap3A_87], %swap3A_90 {strides = array<i32>} : memref<128x64xf32, #tpu.memory_space<vmem>>, vector<1x16xf32>,
      %get3A_91 = arith.index_cast %scan3A_56 : i32 to index
      %get3A_92 = arith.constant 48 : index
      %get3A_93 = tpu.vector_load %arg13[%get3A_91, %get3A_92] {strides = array<i32>} : memref<128x64xf32, #tpu.memory_space<vmem>>, vector<1x16xf32>,
      %get3A_94 = vector.shape_cast %get3A_93 : vector<1x16xf32> to vector<16xf32>
      %mul3A_95 = arith.mulf %get3A_94, %get3A_61 : vector<16xf32>
      %swap3A_96 = arith.index_cast %scan3A_56 : i32 to index
      %swap3A_97 = arith.constant 48 : index
      %swap3A_98 = tpu.vector_load %arg13[%swap3A_96, %swap3A_97] {strides = array<i32>} : memref<128x64xf32, #tpu.memory_space<vmem>>, vector<1x16xf32>,
      %swap3A_99 = vector.shape_cast %swap3A_98 : vector<1x16xf32> to vector<16xf32>
      %swap3A_100 = vector.shape_cast %mul3A_95 : vector<16xf32> to vector<1x16xf32>
      tpu.vector_store %arg13[%swap3A_96, %swap3A_97], %swap3A_100 {strides = array<i32>} : memref<128x64xf32, #tpu.memory_space<vmem>>, vector<1x16xf32>,
    }
    %scan3A_27 = arith.constant 128 : i32
    "tpu.region"() ({
      %run_scoped3A = tpu.sem_alloc : memref<!tpu.dma_semaphore, #tpu.memory_space<semaphore_mem>>
      %dma_start3A_56 = arith.constant 0 : i32
      %dma_start3A_57 = tpu.memref_slice %arg7[%arg0, %add3A_22, %dma_start3A_56] : memref<2x10240x64xf32, #tpu.memory_space<hbm>> -> memref<1x128x64xf32, #tpu.memory_space<hbm>>
      %dma_start3A_58 = tpu.memref_squeeze %dma_start3A_57 : memref<1x128x64xf32, #tpu.memory_space<hbm>> -> memref<128x64xf32, #tpu.memory_space<hbm>>
      %dma_start3A_59 = arith.constant 0 : i32
      %dma_start3A_60 = tpu.memref_slice %arg7[%arg0, %add3A_22, %dma_start3A_59] : memref<2x10240x64xf32, #tpu.memory_space<hbm>> -> memref<1x128x64xf32, #tpu.memory_space<hbm>>
      %dma_start3A_61 = tpu.memref_squeeze %dma_start3A_60 : memref<1x128x64xf32, #tpu.memory_space<hbm>> -> memref<128x64xf32, #tpu.memory_space<hbm>>
      tpu.enqueue_dma source(%arg13 : memref<128x64xf32, #tpu.memory_space<vmem>>) target(%dma_start3A_61 : memref<128x64xf32, #tpu.memory_space<hbm>>) target_semaphore(%run_scoped3A : memref<!tpu.dma_semaphore, #tpu.memory_space<semaphore_mem>>)
      %dma_wait3A = arith.constant 0 : i32
      %dma_wait3A_62 = tpu.memref_slice %arg7[%arg0, %add3A_22, %dma_wait3A] : memref<2x10240x64xf32, #tpu.memory_space<hbm>> -> memref<1x128x64xf32, #tpu.memory_space<hbm>>
      %dma_wait3A_63 = tpu.memref_squeeze %dma_wait3A_62 : memref<1x128x64xf32, #tpu.memory_space<hbm>> -> memref<128x64xf32, #tpu.memory_space<hbm>>
      %dma_wait3A_64 = arith.constant 0 : i32
      %dma_wait3A_65 = tpu.memref_slice %arg7[%arg0, %add3A_22, %dma_wait3A_64] : memref<2x10240x64xf32, #tpu.memory_space<hbm>> -> memref<1x128x64xf32, #tpu.memory_space<hbm>>
      %dma_wait3A_66 = tpu.memref_squeeze %dma_wait3A_65 : memref<1x128x64xf32, #tpu.memory_space<hbm>> -> memref<128x64xf32, #tpu.memory_space<hbm>>
      tpu.wait_dma2 semaphore(%run_scoped3A : memref<!tpu.dma_semaphore, #tpu.memory_space<semaphore_mem>>) src(%arg13 : memref<128x64xf32, #tpu.memory_space<vmem>>) dst(%dma_wait3A_66 : memref<128x64xf32, #tpu.memory_space<hbm>>)
      tpu.yield
    }) : () -> ()
    %add3A_28 = arith.constant 128 : i32
    %add3A_29 = arith.addi %mul3A_0, %add3A_28 : i32
    "tpu.region"() ({
      %run_scoped3A = tpu.sem_alloc : memref<!tpu.dma_semaphore, #tpu.memory_space<semaphore_mem>>
      %dma_start3A_56 = arith.constant 0 : i32
      %dma_start3A_57 = tpu.memref_slice %arg14[%add3A_29, %dma_start3A_56] : memref<10240x64xf32, #tpu.memory_space<vmem_shared>> -> memref<128x64xf32, #tpu.memory_space<vmem_shared>>
      %dma_start3A_58 = arith.constant 0 : i32
      %dma_start3A_59 = tpu.memref_slice %arg14[%add3A_29, %dma_start3A_58] : memref<10240x64xf32, #tpu.memory_space<vmem_shared>> -> memref<128x64xf32, #tpu.memory_space<vmem_shared>>
      tpu.enqueue_dma source(%dma_start3A_59 : memref<128x64xf32, #tpu.memory_space<vmem_shared>>) target(%arg13 : memref<128x64xf32, #tpu.memory_space<vmem>>) target_semaphore(%run_scoped3A : memref<!tpu.dma_semaphore, #tpu.memory_space<semaphore_mem>>)
      %dma_wait3A = arith.constant 0 : i32
      %dma_wait3A_60 = tpu.memref_slice %arg14[%add3A_29, %dma_wait3A] : memref<10240x64xf32, #tpu.memory_space<vmem_shared>> -> memref<128x64xf32, #tpu.memory_space<vmem_shared>>
      %dma_wait3A_61 = arith.constant 0 : i32
      %dma_wait3A_62 = tpu.memref_slice %arg14[%add3A_29, %dma_wait3A_61] : memref<10240x64xf32, #tpu.memory_space<vmem_shared>> -> memref<128x64xf32, #tpu.memory_space<vmem_shared>>
      tpu.wait_dma2 semaphore(%run_scoped3A : memref<!tpu.dma_semaphore, #tpu.memory_space<semaphore_mem>>) src(%dma_wait3A_62 : memref<128x64xf32, #tpu.memory_space<vmem_shared>>) dst(%arg13 : memref<128x64xf32, #tpu.memory_space<vmem>>)
      tpu.yield
    }) : () -> ()
    %scan3A_30 = arith.constant 0 : i32
    %scan3A_31 = arith.constant 128 : i32
    %scan3A_32 = arith.addi %scan3A_30, %scan3A_31 : i32
    %scan3A_33 = arith.constant 1 : i32
    scf.for %scan3A_56 = %scan3A_30 to %scan3A_32 step %scan3A_33  : i32 {
      %add3A_57 = arith.constant 128 : i32
      %add3A_58 = arith.addi %add3A_57, %scan3A_56 : i32
      %get3A = arith.index_cast %add3A_58 : i32 to index
      %get3A_59 = arith.constant 0 : index
      %get3A_60 = tpu.vector_load %arg12[%get3A, %get3A_59] {strides = array<i32>} : memref<640x16xf32, #tpu.memory_space<vmem>>, vector<1x16xf32>,
      %get3A_61 = vector.shape_cast %get3A_60 : vector<1x16xf32> to vector<16xf32>
      %get3A_62 = arith.index_cast %scan3A_56 : i32 to index
      %get3A_63 = arith.constant 0 : index
      %get3A_64 = tpu.vector_load %arg13[%get3A_62, %get3A_63] {strides = array<i32>} : memref<128x64xf32, #tpu.memory_space<vmem>>, vector<1x16xf32>,
      %get3A_65 = vector.shape_cast %get3A_64 : vector<1x16xf32> to vector<16xf32>
      %mul3A_66 = arith.mulf %get3A_65, %get3A_61 : vector<16xf32>
      %swap3A = arith.index_cast %scan3A_56 : i32 to index
      %swap3A_67 = arith.constant 0 : index
      %swap3A_68 = tpu.vector_load %arg13[%swap3A, %swap3A_67] {strides = array<i32>} : memref<128x64xf32, #tpu.memory_space<vmem>>, vector<1x16xf32>,
      %swap3A_69 = vector.shape_cast %swap3A_68 : vector<1x16xf32> to vector<16xf32>
      %swap3A_70 = vector.shape_cast %mul3A_66 : vector<16xf32> to vector<1x16xf32>
      tpu.vector_store %arg13[%swap3A, %swap3A_67], %swap3A_70 {strides = array<i32>} : memref<128x64xf32, #tpu.memory_space<vmem>>, vector<1x16xf32>,
      %get3A_71 = arith.index_cast %scan3A_56 : i32 to index
      %get3A_72 = arith.constant 16 : index
      %get3A_73 = tpu.vector_load %arg13[%get3A_71, %get3A_72] {strides = array<i32>} : memref<128x64xf32, #tpu.memory_space<vmem>>, vector<1x16xf32>,
      %get3A_74 = vector.shape_cast %get3A_73 : vector<1x16xf32> to vector<16xf32>
      %mul3A_75 = arith.mulf %get3A_74, %get3A_61 : vector<16xf32>
      %swap3A_76 = arith.index_cast %scan3A_56 : i32 to index
      %swap3A_77 = arith.constant 16 : index
      %swap3A_78 = tpu.vector_load %arg13[%swap3A_76, %swap3A_77] {strides = array<i32>} : memref<128x64xf32, #tpu.memory_space<vmem>>, vector<1x16xf32>,
      %swap3A_79 = vector.shape_cast %swap3A_78 : vector<1x16xf32> to vector<16xf32>
      %swap3A_80 = vector.shape_cast %mul3A_75 : vector<16xf32> to vector<1x16xf32>
      tpu.vector_store %arg13[%swap3A_76, %swap3A_77], %swap3A_80 {strides = array<i32>} : memref<128x64xf32, #tpu.memory_space<vmem>>, vector<1x16xf32>,
      %get3A_81 = arith.index_cast %scan3A_56 : i32 to index
      %get3A_82 = arith.constant 32 : index
      %get3A_83 = tpu.vector_load %arg13[%get3A_81, %get3A_82] {strides = array<i32>} : memref<128x64xf32, #tpu.memory_space<vmem>>, vector<1x16xf32>,
      %get3A_84 = vector.shape_cast %get3A_83 : vector<1x16xf32> to vector<16xf32>
      %mul3A_85 = arith.mulf %get3A_84, %get3A_61 : vector<16xf32>
      %swap3A_86 = arith.index_cast %scan3A_56 : i32 to index
      %swap3A_87 = arith.constant 32 : index
      %swap3A_88 = tpu.vector_load %arg13[%swap3A_86, %swap3A_87] {strides = array<i32>} : memref<128x64xf32, #tpu.memory_space<vmem>>, vector<1x16xf32>,
      %swap3A_89 = vector.shape_cast %swap3A_88 : vector<1x16xf32> to vector<16xf32>
      %swap3A_90 = vector.shape_cast %mul3A_85 : vector<16xf32> to vector<1x16xf32>
      tpu.vector_store %arg13[%swap3A_86, %swap3A_87], %swap3A_90 {strides = array<i32>} : memref<128x64xf32, #tpu.memory_space<vmem>>, vector<1x16xf32>,
      %get3A_91 = arith.index_cast %scan3A_56 : i32 to index
      %get3A_92 = arith.constant 48 : index
      %get3A_93 = tpu.vector_load %arg13[%get3A_91, %get3A_92] {strides = array<i32>} : memref<128x64xf32, #tpu.memory_space<vmem>>, vector<1x16xf32>,
      %get3A_94 = vector.shape_cast %get3A_93 : vector<1x16xf32> to vector<16xf32>
      %mul3A_95 = arith.mulf %get3A_94, %get3A_61 : vector<16xf32>
      %swap3A_96 = arith.index_cast %scan3A_56 : i32 to index
      %swap3A_97 = arith.constant 48 : index
      %swap3A_98 = tpu.vector_load %arg13[%swap3A_96, %swap3A_97] {strides = array<i32>} : memref<128x64xf32, #tpu.memory_space<vmem>>, vector<1x16xf32>,
      %swap3A_99 = vector.shape_cast %swap3A_98 : vector<1x16xf32> to vector<16xf32>
      %swap3A_100 = vector.shape_cast %mul3A_95 : vector<16xf32> to vector<1x16xf32>
      tpu.vector_store %arg13[%swap3A_96, %swap3A_97], %swap3A_100 {strides = array<i32>} : memref<128x64xf32, #tpu.memory_space<vmem>>, vector<1x16xf32>,
    }
    %scan3A_34 = arith.constant 128 : i32
    "tpu.region"() ({
      %run_scoped3A = tpu.sem_alloc : memref<!tpu.dma_semaphore, #tpu.memory_space<semaphore_mem>>
      %dma_start3A_56 = arith.constant 0 : i32
      %dma_start3A_57 = tpu.memref_slice %arg7[%arg0, %add3A_29, %dma_start3A_56] : memref<2x10240x64xf32, #tpu.memory_space<hbm>> -> memref<1x128x64xf32, #tpu.memory_space<hbm>>
      %dma_start3A_58 = tpu.memref_squeeze %dma_start3A_57 : memref<1x128x64xf32, #tpu.memory_space<hbm>> -> memref<128x64xf32, #tpu.memory_space<hbm>>
      %dma_start3A_59 = arith.constant 0 : i32
      %dma_start3A_60 = tpu.memref_slice %arg7[%arg0, %add3A_29, %dma_start3A_59] : memref<2x10240x64xf32, #tpu.memory_space<hbm>> -> memref<1x128x64xf32, #tpu.memory_space<hbm>>
      %dma_start3A_61 = tpu.memref_squeeze %dma_start3A_60 : memref<1x128x64xf32, #tpu.memory_space<hbm>> -> memref<128x64xf32, #tpu.memory_space<hbm>>
      tpu.enqueue_dma source(%arg13 : memref<128x64xf32, #tpu.memory_space<vmem>>) target(%dma_start3A_61 : memref<128x64xf32, #tpu.memory_space<hbm>>) target_semaphore(%run_scoped3A : memref<!tpu.dma_semaphore, #tpu.memory_space<semaphore_mem>>)
      %dma_wait3A = arith.constant 0 : i32
      %dma_wait3A_62 = tpu.memref_slice %arg7[%arg0, %add3A_29, %dma_wait3A] : memref<2x10240x64xf32, #tpu.memory_space<hbm>> -> memref<1x128x64xf32, #tpu.memory_space<hbm>>
      %dma_wait3A_63 = tpu.memref_squeeze %dma_wait3A_62 : memref<1x128x64xf32, #tpu.memory_space<hbm>> -> memref<128x64xf32, #tpu.memory_space<hbm>>
      %dma_wait3A_64 = arith.constant 0 : i32
      %dma_wait3A_65 = tpu.memref_slice %arg7[%arg0, %add3A_29, %dma_wait3A_64] : memref<2x10240x64xf32, #tpu.memory_space<hbm>> -> memref<1x128x64xf32, #tpu.memory_space<hbm>>
      %dma_wait3A_66 = tpu.memref_squeeze %dma_wait3A_65 : memref<1x128x64xf32, #tpu.memory_space<hbm>> -> memref<128x64xf32, #tpu.memory_space<hbm>>
      tpu.wait_dma2 semaphore(%run_scoped3A : memref<!tpu.dma_semaphore, #tpu.memory_space<semaphore_mem>>) src(%arg13 : memref<128x64xf32, #tpu.memory_space<vmem>>) dst(%dma_wait3A_66 : memref<128x64xf32, #tpu.memory_space<hbm>>)
      tpu.yield
    }) : () -> ()
    %add3A_35 = arith.constant 256 : i32
    %add3A_36 = arith.addi %mul3A_0, %add3A_35 : i32
    "tpu.region"() ({
      %run_scoped3A = tpu.sem_alloc : memref<!tpu.dma_semaphore, #tpu.memory_space<semaphore_mem>>
      %dma_start3A_56 = arith.constant 0 : i32
      %dma_start3A_57 = tpu.memref_slice %arg14[%add3A_36, %dma_start3A_56] : memref<10240x64xf32, #tpu.memory_space<vmem_shared>> -> memref<128x64xf32, #tpu.memory_space<vmem_shared>>
      %dma_start3A_58 = arith.constant 0 : i32
      %dma_start3A_59 = tpu.memref_slice %arg14[%add3A_36, %dma_start3A_58] : memref<10240x64xf32, #tpu.memory_space<vmem_shared>> -> memref<128x64xf32, #tpu.memory_space<vmem_shared>>
      tpu.enqueue_dma source(%dma_start3A_59 : memref<128x64xf32, #tpu.memory_space<vmem_shared>>) target(%arg13 : memref<128x64xf32, #tpu.memory_space<vmem>>) target_semaphore(%run_scoped3A : memref<!tpu.dma_semaphore, #tpu.memory_space<semaphore_mem>>)
      %dma_wait3A = arith.constant 0 : i32
      %dma_wait3A_60 = tpu.memref_slice %arg14[%add3A_36, %dma_wait3A] : memref<10240x64xf32, #tpu.memory_space<vmem_shared>> -> memref<128x64xf32, #tpu.memory_space<vmem_shared>>
      %dma_wait3A_61 = arith.constant 0 : i32
      %dma_wait3A_62 = tpu.memref_slice %arg14[%add3A_36, %dma_wait3A_61] : memref<10240x64xf32, #tpu.memory_space<vmem_shared>> -> memref<128x64xf32, #tpu.memory_space<vmem_shared>>
      tpu.wait_dma2 semaphore(%run_scoped3A : memref<!tpu.dma_semaphore, #tpu.memory_space<semaphore_mem>>) src(%dma_wait3A_62 : memref<128x64xf32, #tpu.memory_space<vmem_shared>>) dst(%arg13 : memref<128x64xf32, #tpu.memory_space<vmem>>)
      tpu.yield
    }) : () -> ()
    %scan3A_37 = arith.constant 0 : i32
    %scan3A_38 = arith.constant 128 : i32
    %scan3A_39 = arith.addi %scan3A_37, %scan3A_38 : i32
    %scan3A_40 = arith.constant 1 : i32
    scf.for %scan3A_56 = %scan3A_37 to %scan3A_39 step %scan3A_40  : i32 {
      %add3A_57 = arith.constant 256 : i32
      %add3A_58 = arith.addi %add3A_57, %scan3A_56 : i32
      %get3A = arith.index_cast %add3A_58 : i32 to index
      %get3A_59 = arith.constant 0 : index
      %get3A_60 = tpu.vector_load %arg12[%get3A, %get3A_59] {strides = array<i32>} : memref<640x16xf32, #tpu.memory_space<vmem>>, vector<1x16xf32>,
      %get3A_61 = vector.shape_cast %get3A_60 : vector<1x16xf32> to vector<16xf32>
      %get3A_62 = arith.index_cast %scan3A_56 : i32 to index
      %get3A_63 = arith.constant 0 : index
      %get3A_64 = tpu.vector_load %arg13[%get3A_62, %get3A_63] {strides = array<i32>} : memref<128x64xf32, #tpu.memory_space<vmem>>, vector<1x16xf32>,
      %get3A_65 = vector.shape_cast %get3A_64 : vector<1x16xf32> to vector<16xf32>
      %mul3A_66 = arith.mulf %get3A_65, %get3A_61 : vector<16xf32>
      %swap3A = arith.index_cast %scan3A_56 : i32 to index
      %swap3A_67 = arith.constant 0 : index
      %swap3A_68 = tpu.vector_load %arg13[%swap3A, %swap3A_67] {strides = array<i32>} : memref<128x64xf32, #tpu.memory_space<vmem>>, vector<1x16xf32>,
      %swap3A_69 = vector.shape_cast %swap3A_68 : vector<1x16xf32> to vector<16xf32>
      %swap3A_70 = vector.shape_cast %mul3A_66 : vector<16xf32> to vector<1x16xf32>
      tpu.vector_store %arg13[%swap3A, %swap3A_67], %swap3A_70 {strides = array<i32>} : memref<128x64xf32, #tpu.memory_space<vmem>>, vector<1x16xf32>,
      %get3A_71 = arith.index_cast %scan3A_56 : i32 to index
      %get3A_72 = arith.constant 16 : index
      %get3A_73 = tpu.vector_load %arg13[%get3A_71, %get3A_72] {strides = array<i32>} : memref<128x64xf32, #tpu.memory_space<vmem>>, vector<1x16xf32>,
      %get3A_74 = vector.shape_cast %get3A_73 : vector<1x16xf32> to vector<16xf32>
      %mul3A_75 = arith.mulf %get3A_74, %get3A_61 : vector<16xf32>
      %swap3A_76 = arith.index_cast %scan3A_56 : i32 to index
      %swap3A_77 = arith.constant 16 : index
      %swap3A_78 = tpu.vector_load %arg13[%swap3A_76, %swap3A_77] {strides = array<i32>} : memref<128x64xf32, #tpu.memory_space<vmem>>, vector<1x16xf32>,
      %swap3A_79 = vector.shape_cast %swap3A_78 : vector<1x16xf32> to vector<16xf32>
      %swap3A_80 = vector.shape_cast %mul3A_75 : vector<16xf32> to vector<1x16xf32>
      tpu.vector_store %arg13[%swap3A_76, %swap3A_77], %swap3A_80 {strides = array<i32>} : memref<128x64xf32, #tpu.memory_space<vmem>>, vector<1x16xf32>,
      %get3A_81 = arith.index_cast %scan3A_56 : i32 to index
      %get3A_82 = arith.constant 32 : index
      %get3A_83 = tpu.vector_load %arg13[%get3A_81, %get3A_82] {strides = array<i32>} : memref<128x64xf32, #tpu.memory_space<vmem>>, vector<1x16xf32>,
      %get3A_84 = vector.shape_cast %get3A_83 : vector<1x16xf32> to vector<16xf32>
      %mul3A_85 = arith.mulf %get3A_84, %get3A_61 : vector<16xf32>
      %swap3A_86 = arith.index_cast %scan3A_56 : i32 to index
      %swap3A_87 = arith.constant 32 : index
      %swap3A_88 = tpu.vector_load %arg13[%swap3A_86, %swap3A_87] {strides = array<i32>} : memref<128x64xf32, #tpu.memory_space<vmem>>, vector<1x16xf32>,
      %swap3A_89 = vector.shape_cast %swap3A_88 : vector<1x16xf32> to vector<16xf32>
      %swap3A_90 = vector.shape_cast %mul3A_85 : vector<16xf32> to vector<1x16xf32>
      tpu.vector_store %arg13[%swap3A_86, %swap3A_87], %swap3A_90 {strides = array<i32>} : memref<128x64xf32, #tpu.memory_space<vmem>>, vector<1x16xf32>,
      %get3A_91 = arith.index_cast %scan3A_56 : i32 to index
      %get3A_92 = arith.constant 48 : index
      %get3A_93 = tpu.vector_load %arg13[%get3A_91, %get3A_92] {strides = array<i32>} : memref<128x64xf32, #tpu.memory_space<vmem>>, vector<1x16xf32>,
      %get3A_94 = vector.shape_cast %get3A_93 : vector<1x16xf32> to vector<16xf32>
      %mul3A_95 = arith.mulf %get3A_94, %get3A_61 : vector<16xf32>
      %swap3A_96 = arith.index_cast %scan3A_56 : i32 to index
      %swap3A_97 = arith.constant 48 : index
      %swap3A_98 = tpu.vector_load %arg13[%swap3A_96, %swap3A_97] {strides = array<i32>} : memref<128x64xf32, #tpu.memory_space<vmem>>, vector<1x16xf32>,
      %swap3A_99 = vector.shape_cast %swap3A_98 : vector<1x16xf32> to vector<16xf32>
      %swap3A_100 = vector.shape_cast %mul3A_95 : vector<16xf32> to vector<1x16xf32>
      tpu.vector_store %arg13[%swap3A_96, %swap3A_97], %swap3A_100 {strides = array<i32>} : memref<128x64xf32, #tpu.memory_space<vmem>>, vector<1x16xf32>,
    }
    %scan3A_41 = arith.constant 128 : i32
    "tpu.region"() ({
      %run_scoped3A = tpu.sem_alloc : memref<!tpu.dma_semaphore, #tpu.memory_space<semaphore_mem>>
      %dma_start3A_56 = arith.constant 0 : i32
      %dma_start3A_57 = tpu.memref_slice %arg7[%arg0, %add3A_36, %dma_start3A_56] : memref<2x10240x64xf32, #tpu.memory_space<hbm>> -> memref<1x128x64xf32, #tpu.memory_space<hbm>>
      %dma_start3A_58 = tpu.memref_squeeze %dma_start3A_57 : memref<1x128x64xf32, #tpu.memory_space<hbm>> -> memref<128x64xf32, #tpu.memory_space<hbm>>
      %dma_start3A_59 = arith.constant 0 : i32
      %dma_start3A_60 = tpu.memref_slice %arg7[%arg0, %add3A_36, %dma_start3A_59] : memref<2x10240x64xf32, #tpu.memory_space<hbm>> -> memref<1x128x64xf32, #tpu.memory_space<hbm>>
      %dma_start3A_61 = tpu.memref_squeeze %dma_start3A_60 : memref<1x128x64xf32, #tpu.memory_space<hbm>> -> memref<128x64xf32, #tpu.memory_space<hbm>>
      tpu.enqueue_dma source(%arg13 : memref<128x64xf32, #tpu.memory_space<vmem>>) target(%dma_start3A_61 : memref<128x64xf32, #tpu.memory_space<hbm>>) target_semaphore(%run_scoped3A : memref<!tpu.dma_semaphore, #tpu.memory_space<semaphore_mem>>)
      %dma_wait3A = arith.constant 0 : i32
      %dma_wait3A_62 = tpu.memref_slice %arg7[%arg0, %add3A_36, %dma_wait3A] : memref<2x10240x64xf32, #tpu.memory_space<hbm>> -> memref<1x128x64xf32, #tpu.memory_space<hbm>>
      %dma_wait3A_63 = tpu.memref_squeeze %dma_wait3A_62 : memref<1x128x64xf32, #tpu.memory_space<hbm>> -> memref<128x64xf32, #tpu.memory_space<hbm>>
      %dma_wait3A_64 = arith.constant 0 : i32
      %dma_wait3A_65 = tpu.memref_slice %arg7[%arg0, %add3A_36, %dma_wait3A_64] : memref<2x10240x64xf32, #tpu.memory_space<hbm>> -> memref<1x128x64xf32, #tpu.memory_space<hbm>>
      %dma_wait3A_66 = tpu.memref_squeeze %dma_wait3A_65 : memref<1x128x64xf32, #tpu.memory_space<hbm>> -> memref<128x64xf32, #tpu.memory_space<hbm>>
      tpu.wait_dma2 semaphore(%run_scoped3A : memref<!tpu.dma_semaphore, #tpu.memory_space<semaphore_mem>>) src(%arg13 : memref<128x64xf32, #tpu.memory_space<vmem>>) dst(%dma_wait3A_66 : memref<128x64xf32, #tpu.memory_space<hbm>>)
      tpu.yield
    }) : () -> ()
    %add3A_42 = arith.constant 384 : i32
    %add3A_43 = arith.addi %mul3A_0, %add3A_42 : i32
    "tpu.region"() ({
      %run_scoped3A = tpu.sem_alloc : memref<!tpu.dma_semaphore, #tpu.memory_space<semaphore_mem>>
      %dma_start3A_56 = arith.constant 0 : i32
      %dma_start3A_57 = tpu.memref_slice %arg14[%add3A_43, %dma_start3A_56] : memref<10240x64xf32, #tpu.memory_space<vmem_shared>> -> memref<128x64xf32, #tpu.memory_space<vmem_shared>>
      %dma_start3A_58 = arith.constant 0 : i32
      %dma_start3A_59 = tpu.memref_slice %arg14[%add3A_43, %dma_start3A_58] : memref<10240x64xf32, #tpu.memory_space<vmem_shared>> -> memref<128x64xf32, #tpu.memory_space<vmem_shared>>
      tpu.enqueue_dma source(%dma_start3A_59 : memref<128x64xf32, #tpu.memory_space<vmem_shared>>) target(%arg13 : memref<128x64xf32, #tpu.memory_space<vmem>>) target_semaphore(%run_scoped3A : memref<!tpu.dma_semaphore, #tpu.memory_space<semaphore_mem>>)
      %dma_wait3A = arith.constant 0 : i32
      %dma_wait3A_60 = tpu.memref_slice %arg14[%add3A_43, %dma_wait3A] : memref<10240x64xf32, #tpu.memory_space<vmem_shared>> -> memref<128x64xf32, #tpu.memory_space<vmem_shared>>
      %dma_wait3A_61 = arith.constant 0 : i32
      %dma_wait3A_62 = tpu.memref_slice %arg14[%add3A_43, %dma_wait3A_61] : memref<10240x64xf32, #tpu.memory_space<vmem_shared>> -> memref<128x64xf32, #tpu.memory_space<vmem_shared>>
      tpu.wait_dma2 semaphore(%run_scoped3A : memref<!tpu.dma_semaphore, #tpu.memory_space<semaphore_mem>>) src(%dma_wait3A_62 : memref<128x64xf32, #tpu.memory_space<vmem_shared>>) dst(%arg13 : memref<128x64xf32, #tpu.memory_space<vmem>>)
      tpu.yield
    }) : () -> ()
    %scan3A_44 = arith.constant 0 : i32
    %scan3A_45 = arith.constant 128 : i32
    %scan3A_46 = arith.addi %scan3A_44, %scan3A_45 : i32
    %scan3A_47 = arith.constant 1 : i32
    scf.for %scan3A_56 = %scan3A_44 to %scan3A_46 step %scan3A_47  : i32 {
      %add3A_57 = arith.constant 384 : i32
      %add3A_58 = arith.addi %add3A_57, %scan3A_56 : i32
      %get3A = arith.index_cast %add3A_58 : i32 to index
      %get3A_59 = arith.constant 0 : index
      %get3A_60 = tpu.vector_load %arg12[%get3A, %get3A_59] {strides = array<i32>} : memref<640x16xf32, #tpu.memory_space<vmem>>, vector<1x16xf32>,
      %get3A_61 = vector.shape_cast %get3A_60 : vector<1x16xf32> to vector<16xf32>
      %get3A_62 = arith.index_cast %scan3A_56 : i32 to index
      %get3A_63 = arith.constant 0 : index
      %get3A_64 = tpu.vector_load %arg13[%get3A_62, %get3A_63] {strides = array<i32>} : memref<128x64xf32, #tpu.memory_space<vmem>>, vector<1x16xf32>,
      %get3A_65 = vector.shape_cast %get3A_64 : vector<1x16xf32> to vector<16xf32>
      %mul3A_66 = arith.mulf %get3A_65, %get3A_61 : vector<16xf32>
      %swap3A = arith.index_cast %scan3A_56 : i32 to index
      %swap3A_67 = arith.constant 0 : index
      %swap3A_68 = tpu.vector_load %arg13[%swap3A, %swap3A_67] {strides = array<i32>} : memref<128x64xf32, #tpu.memory_space<vmem>>, vector<1x16xf32>,
      %swap3A_69 = vector.shape_cast %swap3A_68 : vector<1x16xf32> to vector<16xf32>
      %swap3A_70 = vector.shape_cast %mul3A_66 : vector<16xf32> to vector<1x16xf32>
      tpu.vector_store %arg13[%swap3A, %swap3A_67], %swap3A_70 {strides = array<i32>} : memref<128x64xf32, #tpu.memory_space<vmem>>, vector<1x16xf32>,
      %get3A_71 = arith.index_cast %scan3A_56 : i32 to index
      %get3A_72 = arith.constant 16 : index
      %get3A_73 = tpu.vector_load %arg13[%get3A_71, %get3A_72] {strides = array<i32>} : memref<128x64xf32, #tpu.memory_space<vmem>>, vector<1x16xf32>,
      %get3A_74 = vector.shape_cast %get3A_73 : vector<1x16xf32> to vector<16xf32>
      %mul3A_75 = arith.mulf %get3A_74, %get3A_61 : vector<16xf32>
      %swap3A_76 = arith.index_cast %scan3A_56 : i32 to index
      %swap3A_77 = arith.constant 16 : index
      %swap3A_78 = tpu.vector_load %arg13[%swap3A_76, %swap3A_77] {strides = array<i32>} : memref<128x64xf32, #tpu.memory_space<vmem>>, vector<1x16xf32>,
      %swap3A_79 = vector.shape_cast %swap3A_78 : vector<1x16xf32> to vector<16xf32>
      %swap3A_80 = vector.shape_cast %mul3A_75 : vector<16xf32> to vector<1x16xf32>
      tpu.vector_store %arg13[%swap3A_76, %swap3A_77], %swap3A_80 {strides = array<i32>} : memref<128x64xf32, #tpu.memory_space<vmem>>, vector<1x16xf32>,
      %get3A_81 = arith.index_cast %scan3A_56 : i32 to index
      %get3A_82 = arith.constant 32 : index
      %get3A_83 = tpu.vector_load %arg13[%get3A_81, %get3A_82] {strides = array<i32>} : memref<128x64xf32, #tpu.memory_space<vmem>>, vector<1x16xf32>,
      %get3A_84 = vector.shape_cast %get3A_83 : vector<1x16xf32> to vector<16xf32>
      %mul3A_85 = arith.mulf %get3A_84, %get3A_61 : vector<16xf32>
      %swap3A_86 = arith.index_cast %scan3A_56 : i32 to index
      %swap3A_87 = arith.constant 32 : index
      %swap3A_88 = tpu.vector_load %arg13[%swap3A_86, %swap3A_87] {strides = array<i32>} : memref<128x64xf32, #tpu.memory_space<vmem>>, vector<1x16xf32>,
      %swap3A_89 = vector.shape_cast %swap3A_88 : vector<1x16xf32> to vector<16xf32>
      %swap3A_90 = vector.shape_cast %mul3A_85 : vector<16xf32> to vector<1x16xf32>
      tpu.vector_store %arg13[%swap3A_86, %swap3A_87], %swap3A_90 {strides = array<i32>} : memref<128x64xf32, #tpu.memory_space<vmem>>, vector<1x16xf32>,
      %get3A_91 = arith.index_cast %scan3A_56 : i32 to index
      %get3A_92 = arith.constant 48 : index
      %get3A_93 = tpu.vector_load %arg13[%get3A_91, %get3A_92] {strides = array<i32>} : memref<128x64xf32, #tpu.memory_space<vmem>>, vector<1x16xf32>,
      %get3A_94 = vector.shape_cast %get3A_93 : vector<1x16xf32> to vector<16xf32>
      %mul3A_95 = arith.mulf %get3A_94, %get3A_61 : vector<16xf32>
      %swap3A_96 = arith.index_cast %scan3A_56 : i32 to index
      %swap3A_97 = arith.constant 48 : index
      %swap3A_98 = tpu.vector_load %arg13[%swap3A_96, %swap3A_97] {strides = array<i32>} : memref<128x64xf32, #tpu.memory_space<vmem>>, vector<1x16xf32>,
      %swap3A_99 = vector.shape_cast %swap3A_98 : vector<1x16xf32> to vector<16xf32>
      %swap3A_100 = vector.shape_cast %mul3A_95 : vector<16xf32> to vector<1x16xf32>
      tpu.vector_store %arg13[%swap3A_96, %swap3A_97], %swap3A_100 {strides = array<i32>} : memref<128x64xf32, #tpu.memory_space<vmem>>, vector<1x16xf32>,
    }
    %scan3A_48 = arith.constant 128 : i32
    "tpu.region"() ({
      %run_scoped3A = tpu.sem_alloc : memref<!tpu.dma_semaphore, #tpu.memory_space<semaphore_mem>>
      %dma_start3A_56 = arith.constant 0 : i32
      %dma_start3A_57 = tpu.memref_slice %arg7[%arg0, %add3A_43, %dma_start3A_56] : memref<2x10240x64xf32, #tpu.memory_space<hbm>> -> memref<1x128x64xf32, #tpu.memory_space<hbm>>
      %dma_start3A_58 = tpu.memref_squeeze %dma_start3A_57 : memref<1x128x64xf32, #tpu.memory_space<hbm>> -> memref<128x64xf32, #tpu.memory_space<hbm>>
      %dma_start3A_59 = arith.constant 0 : i32
      %dma_start3A_60 = tpu.memref_slice %arg7[%arg0, %add3A_43, %dma_start3A_59] : memref<2x10240x64xf32, #tpu.memory_space<hbm>> -> memref<1x128x64xf32, #tpu.memory_space<hbm>>
      %dma_start3A_61 = tpu.memref_squeeze %dma_start3A_60 : memref<1x128x64xf32, #tpu.memory_space<hbm>> -> memref<128x64xf32, #tpu.memory_space<hbm>>
      tpu.enqueue_dma source(%arg13 : memref<128x64xf32, #tpu.memory_space<vmem>>) target(%dma_start3A_61 : memref<128x64xf32, #tpu.memory_space<hbm>>) target_semaphore(%run_scoped3A : memref<!tpu.dma_semaphore, #tpu.memory_space<semaphore_mem>>)
      %dma_wait3A = arith.constant 0 : i32
      %dma_wait3A_62 = tpu.memref_slice %arg7[%arg0, %add3A_43, %dma_wait3A] : memref<2x10240x64xf32, #tpu.memory_space<hbm>> -> memref<1x128x64xf32, #tpu.memory_space<hbm>>
      %dma_wait3A_63 = tpu.memref_squeeze %dma_wait3A_62 : memref<1x128x64xf32, #tpu.memory_space<hbm>> -> memref<128x64xf32, #tpu.memory_space<hbm>>
      %dma_wait3A_64 = arith.constant 0 : i32
      %dma_wait3A_65 = tpu.memref_slice %arg7[%arg0, %add3A_43, %dma_wait3A_64] : memref<2x10240x64xf32, #tpu.memory_space<hbm>> -> memref<1x128x64xf32, #tpu.memory_space<hbm>>
      %dma_wait3A_66 = tpu.memref_squeeze %dma_wait3A_65 : memref<1x128x64xf32, #tpu.memory_space<hbm>> -> memref<128x64xf32, #tpu.memory_space<hbm>>
      tpu.wait_dma2 semaphore(%run_scoped3A : memref<!tpu.dma_semaphore, #tpu.memory_space<semaphore_mem>>) src(%arg13 : memref<128x64xf32, #tpu.memory_space<vmem>>) dst(%dma_wait3A_66 : memref<128x64xf32, #tpu.memory_space<hbm>>)
      tpu.yield
    }) : () -> ()
    %add3A_49 = arith.constant 512 : i32
    %add3A_50 = arith.addi %mul3A_0, %add3A_49 : i32
    "tpu.region"() ({
      %run_scoped3A = tpu.sem_alloc : memref<!tpu.dma_semaphore, #tpu.memory_space<semaphore_mem>>
      %dma_start3A_56 = arith.constant 0 : i32
      %dma_start3A_57 = tpu.memref_slice %arg14[%add3A_50, %dma_start3A_56] : memref<10240x64xf32, #tpu.memory_space<vmem_shared>> -> memref<128x64xf32, #tpu.memory_space<vmem_shared>>
      %dma_start3A_58 = arith.constant 0 : i32
      %dma_start3A_59 = tpu.memref_slice %arg14[%add3A_50, %dma_start3A_58] : memref<10240x64xf32, #tpu.memory_space<vmem_shared>> -> memref<128x64xf32, #tpu.memory_space<vmem_shared>>
      tpu.enqueue_dma source(%dma_start3A_59 : memref<128x64xf32, #tpu.memory_space<vmem_shared>>) target(%arg13 : memref<128x64xf32, #tpu.memory_space<vmem>>) target_semaphore(%run_scoped3A : memref<!tpu.dma_semaphore, #tpu.memory_space<semaphore_mem>>)
      %dma_wait3A = arith.constant 0 : i32
      %dma_wait3A_60 = tpu.memref_slice %arg14[%add3A_50, %dma_wait3A] : memref<10240x64xf32, #tpu.memory_space<vmem_shared>> -> memref<128x64xf32, #tpu.memory_space<vmem_shared>>
      %dma_wait3A_61 = arith.constant 0 : i32
      %dma_wait3A_62 = tpu.memref_slice %arg14[%add3A_50, %dma_wait3A_61] : memref<10240x64xf32, #tpu.memory_space<vmem_shared>> -> memref<128x64xf32, #tpu.memory_space<vmem_shared>>
      tpu.wait_dma2 semaphore(%run_scoped3A : memref<!tpu.dma_semaphore, #tpu.memory_space<semaphore_mem>>) src(%dma_wait3A_62 : memref<128x64xf32, #tpu.memory_space<vmem_shared>>) dst(%arg13 : memref<128x64xf32, #tpu.memory_space<vmem>>)
      tpu.yield
    }) : () -> ()
    %scan3A_51 = arith.constant 0 : i32
    %scan3A_52 = arith.constant 128 : i32
    %scan3A_53 = arith.addi %scan3A_51, %scan3A_52 : i32
    %scan3A_54 = arith.constant 1 : i32
    scf.for %scan3A_56 = %scan3A_51 to %scan3A_53 step %scan3A_54  : i32 {
      %add3A_57 = arith.constant 512 : i32
      %add3A_58 = arith.addi %add3A_57, %scan3A_56 : i32
      %get3A = arith.index_cast %add3A_58 : i32 to index
      %get3A_59 = arith.constant 0 : index
      %get3A_60 = tpu.vector_load %arg12[%get3A, %get3A_59] {strides = array<i32>} : memref<640x16xf32, #tpu.memory_space<vmem>>, vector<1x16xf32>,
      %get3A_61 = vector.shape_cast %get3A_60 : vector<1x16xf32> to vector<16xf32>
      %get3A_62 = arith.index_cast %scan3A_56 : i32 to index
      %get3A_63 = arith.constant 0 : index
      %get3A_64 = tpu.vector_load %arg13[%get3A_62, %get3A_63] {strides = array<i32>} : memref<128x64xf32, #tpu.memory_space<vmem>>, vector<1x16xf32>,
      %get3A_65 = vector.shape_cast %get3A_64 : vector<1x16xf32> to vector<16xf32>
      %mul3A_66 = arith.mulf %get3A_65, %get3A_61 : vector<16xf32>
      %swap3A = arith.index_cast %scan3A_56 : i32 to index
      %swap3A_67 = arith.constant 0 : index
      %swap3A_68 = tpu.vector_load %arg13[%swap3A, %swap3A_67] {strides = array<i32>} : memref<128x64xf32, #tpu.memory_space<vmem>>, vector<1x16xf32>,
      %swap3A_69 = vector.shape_cast %swap3A_68 : vector<1x16xf32> to vector<16xf32>
      %swap3A_70 = vector.shape_cast %mul3A_66 : vector<16xf32> to vector<1x16xf32>
      tpu.vector_store %arg13[%swap3A, %swap3A_67], %swap3A_70 {strides = array<i32>} : memref<128x64xf32, #tpu.memory_space<vmem>>, vector<1x16xf32>,
      %get3A_71 = arith.index_cast %scan3A_56 : i32 to index
      %get3A_72 = arith.constant 16 : index
      %get3A_73 = tpu.vector_load %arg13[%get3A_71, %get3A_72] {strides = array<i32>} : memref<128x64xf32, #tpu.memory_space<vmem>>, vector<1x16xf32>,
      %get3A_74 = vector.shape_cast %get3A_73 : vector<1x16xf32> to vector<16xf32>
      %mul3A_75 = arith.mulf %get3A_74, %get3A_61 : vector<16xf32>
      %swap3A_76 = arith.index_cast %scan3A_56 : i32 to index
      %swap3A_77 = arith.constant 16 : index
      %swap3A_78 = tpu.vector_load %arg13[%swap3A_76, %swap3A_77] {strides = array<i32>} : memref<128x64xf32, #tpu.memory_space<vmem>>, vector<1x16xf32>,
      %swap3A_79 = vector.shape_cast %swap3A_78 : vector<1x16xf32> to vector<16xf32>
      %swap3A_80 = vector.shape_cast %mul3A_75 : vector<16xf32> to vector<1x16xf32>
      tpu.vector_store %arg13[%swap3A_76, %swap3A_77], %swap3A_80 {strides = array<i32>} : memref<128x64xf32, #tpu.memory_space<vmem>>, vector<1x16xf32>,
      %get3A_81 = arith.index_cast %scan3A_56 : i32 to index
      %get3A_82 = arith.constant 32 : index
      %get3A_83 = tpu.vector_load %arg13[%get3A_81, %get3A_82] {strides = array<i32>} : memref<128x64xf32, #tpu.memory_space<vmem>>, vector<1x16xf32>,
      %get3A_84 = vector.shape_cast %get3A_83 : vector<1x16xf32> to vector<16xf32>
      %mul3A_85 = arith.mulf %get3A_84, %get3A_61 : vector<16xf32>
      %swap3A_86 = arith.index_cast %scan3A_56 : i32 to index
      %swap3A_87 = arith.constant 32 : index
      %swap3A_88 = tpu.vector_load %arg13[%swap3A_86, %swap3A_87] {strides = array<i32>} : memref<128x64xf32, #tpu.memory_space<vmem>>, vector<1x16xf32>,
      %swap3A_89 = vector.shape_cast %swap3A_88 : vector<1x16xf32> to vector<16xf32>
      %swap3A_90 = vector.shape_cast %mul3A_85 : vector<16xf32> to vector<1x16xf32>
      tpu.vector_store %arg13[%swap3A_86, %swap3A_87], %swap3A_90 {strides = array<i32>} : memref<128x64xf32, #tpu.memory_space<vmem>>, vector<1x16xf32>,
      %get3A_91 = arith.index_cast %scan3A_56 : i32 to index
      %get3A_92 = arith.constant 48 : index
      %get3A_93 = tpu.vector_load %arg13[%get3A_91, %get3A_92] {strides = array<i32>} : memref<128x64xf32, #tpu.memory_space<vmem>>, vector<1x16xf32>,
      %get3A_94 = vector.shape_cast %get3A_93 : vector<1x16xf32> to vector<16xf32>
      %mul3A_95 = arith.mulf %get3A_94, %get3A_61 : vector<16xf32>
      %swap3A_96 = arith.index_cast %scan3A_56 : i32 to index
      %swap3A_97 = arith.constant 48 : index
      %swap3A_98 = tpu.vector_load %arg13[%swap3A_96, %swap3A_97] {strides = array<i32>} : memref<128x64xf32, #tpu.memory_space<vmem>>, vector<1x16xf32>,
      %swap3A_99 = vector.shape_cast %swap3A_98 : vector<1x16xf32> to vector<16xf32>
      %swap3A_100 = vector.shape_cast %mul3A_95 : vector<16xf32> to vector<1x16xf32>
      tpu.vector_store %arg13[%swap3A_96, %swap3A_97], %swap3A_100 {strides = array<i32>} : memref<128x64xf32, #tpu.memory_space<vmem>>, vector<1x16xf32>,
    }
    %scan3A_55 = arith.constant 128 : i32
    "tpu.region"() ({
      %run_scoped3A = tpu.sem_alloc : memref<!tpu.dma_semaphore, #tpu.memory_space<semaphore_mem>>
      %dma_start3A_56 = arith.constant 0 : i32
      %dma_start3A_57 = tpu.memref_slice %arg7[%arg0, %add3A_50, %dma_start3A_56] : memref<2x10240x64xf32, #tpu.memory_space<hbm>> -> memref<1x128x64xf32, #tpu.memory_space<hbm>>
      %dma_start3A_58 = tpu.memref_squeeze %dma_start3A_57 : memref<1x128x64xf32, #tpu.memory_space<hbm>> -> memref<128x64xf32, #tpu.memory_space<hbm>>
      %dma_start3A_59 = arith.constant 0 : i32
      %dma_start3A_60 = tpu.memref_slice %arg7[%arg0, %add3A_50, %dma_start3A_59] : memref<2x10240x64xf32, #tpu.memory_space<hbm>> -> memref<1x128x64xf32, #tpu.memory_space<hbm>>
      %dma_start3A_61 = tpu.memref_squeeze %dma_start3A_60 : memref<1x128x64xf32, #tpu.memory_space<hbm>> -> memref<128x64xf32, #tpu.memory_space<hbm>>
      tpu.enqueue_dma source(%arg13 : memref<128x64xf32, #tpu.memory_space<vmem>>) target(%dma_start3A_61 : memref<128x64xf32, #tpu.memory_space<hbm>>) target_semaphore(%run_scoped3A : memref<!tpu.dma_semaphore, #tpu.memory_space<semaphore_mem>>)
      %dma_wait3A = arith.constant 0 : i32
      %dma_wait3A_62 = tpu.memref_slice %arg7[%arg0, %add3A_50, %dma_wait3A] : memref<2x10240x64xf32, #tpu.memory_space<hbm>> -> memref<1x128x64xf32, #tpu.memory_space<hbm>>
      %dma_wait3A_63 = tpu.memref_squeeze %dma_wait3A_62 : memref<1x128x64xf32, #tpu.memory_space<hbm>> -> memref<128x64xf32, #tpu.memory_space<hbm>>
      %dma_wait3A_64 = arith.constant 0 : i32
      %dma_wait3A_65 = tpu.memref_slice %arg7[%arg0, %add3A_50, %dma_wait3A_64] : memref<2x10240x64xf32, #tpu.memory_space<hbm>> -> memref<1x128x64xf32, #tpu.memory_space<hbm>>
      %dma_wait3A_66 = tpu.memref_squeeze %dma_wait3A_65 : memref<1x128x64xf32, #tpu.memory_space<hbm>> -> memref<128x64xf32, #tpu.memory_space<hbm>>
      tpu.wait_dma2 semaphore(%run_scoped3A : memref<!tpu.dma_semaphore, #tpu.memory_space<semaphore_mem>>) src(%arg13 : memref<128x64xf32, #tpu.memory_space<vmem>>) dst(%dma_wait3A_66 : memref<128x64xf32, #tpu.memory_space<hbm>>)
      tpu.yield
    }) : () -> ()
    return
  }
}

#map = affine_map<(d0, d1) -> (0, 0)>
#map1 = affine_map<(d0, d1) -> (0, 0, 0, 0)>
#map2 = affine_map<(d0, d1) -> (0, 0, 0)>
module attributes {stable_mosaic.version = 14 : i64} {
  func.func @_prop_body(%arg0: i32, %arg1: i32, %arg2: memref<20480x64xf32, #tpu.memory_space<hbm>>, %arg3: memref<2x16x250x80xi32, #tpu.memory_space<hbm>>, %arg4: memref<16x250x80xi32, #tpu.memory_space<hbm>>, %arg5: memref<128x64xf32, #tpu.memory_space<hbm>>, %arg6: memref<2x10240x64xf32, #tpu.memory_space<hbm>>, %arg7: memref<250x80xi32, #tpu.memory_space<vmem>>, %arg8: memref<250x80xi32, #tpu.memory_space<vmem>>, %arg9: memref<80x64xf32, #tpu.memory_space<vmem>>, %arg10: memref<80x64xf32, #tpu.memory_space<vmem>>, %arg11: memref<10240x64xf32, #tpu.memory_space<vmem_shared>>, %arg12: memref<!tpu.dma_semaphore, #tpu.memory_space<semaphore_mem>>, %arg13: memref<!tpu.dma_semaphore, #tpu.memory_space<semaphore_mem>>) attributes {dimension_semantics = [#tpu.dimension_semantics<core_parallel>, #tpu.dimension_semantics<subcore_parallel>], iteration_bounds = array<i64: 2, 16>, scalar_prefetch = 0 : i64, scratch_operands = 7 : i64, tpu.core_type = #tpu.core_type<sc_vector_subcore>, window_params = [{transform_indices = #map}, {transform_indices = #map1}, {transform_indices = #map2}, {transform_indices = #map}, {transform_indices = #map2}]} {
    %mul3A = arith.constant 640 : i32
    %mul3A_0 = arith.muli %arg1, %mul3A : i32
    %add3A = arith.constant 0 : i32
    %add3A_1 = arith.addi %mul3A_0, %add3A : i32
    "tpu.region"() ({
      %run_scoped3A = tpu.sem_alloc : memref<!tpu.dma_semaphore, #tpu.memory_space<semaphore_mem>>
      %dma_start3A_31 = arith.constant 0 : i32
      %dma_start3A_32 = tpu.memref_slice %arg11[%add3A_1, %dma_start3A_31] : memref<10240x64xf32, #tpu.memory_space<vmem_shared>> -> memref<128x64xf32, #tpu.memory_space<vmem_shared>>
      tpu.enqueue_dma source(%arg5 : memref<128x64xf32, #tpu.memory_space<hbm>>) target(%dma_start3A_32 : memref<128x64xf32, #tpu.memory_space<vmem_shared>>) target_semaphore(%run_scoped3A : memref<!tpu.dma_semaphore, #tpu.memory_space<semaphore_mem>>)
      %dma_wait3A = arith.constant 0 : i32
      %dma_wait3A_33 = tpu.memref_slice %arg11[%add3A_1, %dma_wait3A] : memref<10240x64xf32, #tpu.memory_space<vmem_shared>> -> memref<128x64xf32, #tpu.memory_space<vmem_shared>>
      tpu.wait_dma2 semaphore(%run_scoped3A : memref<!tpu.dma_semaphore, #tpu.memory_space<semaphore_mem>>) src(%arg5 : memref<128x64xf32, #tpu.memory_space<hbm>>) dst(%dma_wait3A_33 : memref<128x64xf32, #tpu.memory_space<vmem_shared>>)
      tpu.yield
    }) : () -> ()
    %add3A_2 = arith.constant 128 : i32
    %add3A_3 = arith.addi %mul3A_0, %add3A_2 : i32
    "tpu.region"() ({
      %run_scoped3A = tpu.sem_alloc : memref<!tpu.dma_semaphore, #tpu.memory_space<semaphore_mem>>
      %dma_start3A_31 = arith.constant 0 : i32
      %dma_start3A_32 = tpu.memref_slice %arg11[%add3A_3, %dma_start3A_31] : memref<10240x64xf32, #tpu.memory_space<vmem_shared>> -> memref<128x64xf32, #tpu.memory_space<vmem_shared>>
      tpu.enqueue_dma source(%arg5 : memref<128x64xf32, #tpu.memory_space<hbm>>) target(%dma_start3A_32 : memref<128x64xf32, #tpu.memory_space<vmem_shared>>) target_semaphore(%run_scoped3A : memref<!tpu.dma_semaphore, #tpu.memory_space<semaphore_mem>>)
      %dma_wait3A = arith.constant 0 : i32
      %dma_wait3A_33 = tpu.memref_slice %arg11[%add3A_3, %dma_wait3A] : memref<10240x64xf32, #tpu.memory_space<vmem_shared>> -> memref<128x64xf32, #tpu.memory_space<vmem_shared>>
      tpu.wait_dma2 semaphore(%run_scoped3A : memref<!tpu.dma_semaphore, #tpu.memory_space<semaphore_mem>>) src(%arg5 : memref<128x64xf32, #tpu.memory_space<hbm>>) dst(%dma_wait3A_33 : memref<128x64xf32, #tpu.memory_space<vmem_shared>>)
      tpu.yield
    }) : () -> ()
    %add3A_4 = arith.constant 256 : i32
    %add3A_5 = arith.addi %mul3A_0, %add3A_4 : i32
    "tpu.region"() ({
      %run_scoped3A = tpu.sem_alloc : memref<!tpu.dma_semaphore, #tpu.memory_space<semaphore_mem>>
      %dma_start3A_31 = arith.constant 0 : i32
      %dma_start3A_32 = tpu.memref_slice %arg11[%add3A_5, %dma_start3A_31] : memref<10240x64xf32, #tpu.memory_space<vmem_shared>> -> memref<128x64xf32, #tpu.memory_space<vmem_shared>>
      tpu.enqueue_dma source(%arg5 : memref<128x64xf32, #tpu.memory_space<hbm>>) target(%dma_start3A_32 : memref<128x64xf32, #tpu.memory_space<vmem_shared>>) target_semaphore(%run_scoped3A : memref<!tpu.dma_semaphore, #tpu.memory_space<semaphore_mem>>)
      %dma_wait3A = arith.constant 0 : i32
      %dma_wait3A_33 = tpu.memref_slice %arg11[%add3A_5, %dma_wait3A] : memref<10240x64xf32, #tpu.memory_space<vmem_shared>> -> memref<128x64xf32, #tpu.memory_space<vmem_shared>>
      tpu.wait_dma2 semaphore(%run_scoped3A : memref<!tpu.dma_semaphore, #tpu.memory_space<semaphore_mem>>) src(%arg5 : memref<128x64xf32, #tpu.memory_space<hbm>>) dst(%dma_wait3A_33 : memref<128x64xf32, #tpu.memory_space<vmem_shared>>)
      tpu.yield
    }) : () -> ()
    %add3A_6 = arith.constant 384 : i32
    %add3A_7 = arith.addi %mul3A_0, %add3A_6 : i32
    "tpu.region"() ({
      %run_scoped3A = tpu.sem_alloc : memref<!tpu.dma_semaphore, #tpu.memory_space<semaphore_mem>>
      %dma_start3A_31 = arith.constant 0 : i32
      %dma_start3A_32 = tpu.memref_slice %arg11[%add3A_7, %dma_start3A_31] : memref<10240x64xf32, #tpu.memory_space<vmem_shared>> -> memref<128x64xf32, #tpu.memory_space<vmem_shared>>
      tpu.enqueue_dma source(%arg5 : memref<128x64xf32, #tpu.memory_space<hbm>>) target(%dma_start3A_32 : memref<128x64xf32, #tpu.memory_space<vmem_shared>>) target_semaphore(%run_scoped3A : memref<!tpu.dma_semaphore, #tpu.memory_space<semaphore_mem>>)
      %dma_wait3A = arith.constant 0 : i32
      %dma_wait3A_33 = tpu.memref_slice %arg11[%add3A_7, %dma_wait3A] : memref<10240x64xf32, #tpu.memory_space<vmem_shared>> -> memref<128x64xf32, #tpu.memory_space<vmem_shared>>
      tpu.wait_dma2 semaphore(%run_scoped3A : memref<!tpu.dma_semaphore, #tpu.memory_space<semaphore_mem>>) src(%arg5 : memref<128x64xf32, #tpu.memory_space<hbm>>) dst(%dma_wait3A_33 : memref<128x64xf32, #tpu.memory_space<vmem_shared>>)
      tpu.yield
    }) : () -> ()
    %add3A_8 = arith.constant 512 : i32
    %add3A_9 = arith.addi %mul3A_0, %add3A_8 : i32
    "tpu.region"() ({
      %run_scoped3A = tpu.sem_alloc : memref<!tpu.dma_semaphore, #tpu.memory_space<semaphore_mem>>
      %dma_start3A_31 = arith.constant 0 : i32
      %dma_start3A_32 = tpu.memref_slice %arg11[%add3A_9, %dma_start3A_31] : memref<10240x64xf32, #tpu.memory_space<vmem_shared>> -> memref<128x64xf32, #tpu.memory_space<vmem_shared>>
      tpu.enqueue_dma source(%arg5 : memref<128x64xf32, #tpu.memory_space<hbm>>) target(%dma_start3A_32 : memref<128x64xf32, #tpu.memory_space<vmem_shared>>) target_semaphore(%run_scoped3A : memref<!tpu.dma_semaphore, #tpu.memory_space<semaphore_mem>>)
      %dma_wait3A = arith.constant 0 : i32
      %dma_wait3A_33 = tpu.memref_slice %arg11[%add3A_9, %dma_wait3A] : memref<10240x64xf32, #tpu.memory_space<vmem_shared>> -> memref<128x64xf32, #tpu.memory_space<vmem_shared>>
      tpu.wait_dma2 semaphore(%run_scoped3A : memref<!tpu.dma_semaphore, #tpu.memory_space<semaphore_mem>>) src(%arg5 : memref<128x64xf32, #tpu.memory_space<hbm>>) dst(%dma_wait3A_33 : memref<128x64xf32, #tpu.memory_space<vmem_shared>>)
      tpu.yield
    }) : () -> ()
    "tpu.region"() ({
      %run_scoped3A = tpu.sem_alloc : memref<!tpu.dma_semaphore, #tpu.memory_space<semaphore_mem>>
      %dma_start3A_31 = arith.constant 0 : i32
      %dma_start3A_32 = arith.constant 0 : i32
      %dma_start3A_33 = tpu.memref_slice %arg3[%arg0, %arg1, %dma_start3A_31, %dma_start3A_32] : memref<2x16x250x80xi32, #tpu.memory_space<hbm>> -> memref<1x1x250x80xi32, #tpu.memory_space<hbm>>
      %dma_start3A_34 = tpu.memref_squeeze %dma_start3A_33 : memref<1x1x250x80xi32, #tpu.memory_space<hbm>> -> memref<250x80xi32, #tpu.memory_space<hbm>>
      %dma_start3A_35 = arith.constant 0 : i32
      %dma_start3A_36 = arith.constant 0 : i32
      %dma_start3A_37 = tpu.memref_slice %arg3[%arg0, %arg1, %dma_start3A_35, %dma_start3A_36] : memref<2x16x250x80xi32, #tpu.memory_space<hbm>> -> memref<1x1x250x80xi32, #tpu.memory_space<hbm>>
      %dma_start3A_38 = tpu.memref_squeeze %dma_start3A_37 : memref<1x1x250x80xi32, #tpu.memory_space<hbm>> -> memref<250x80xi32, #tpu.memory_space<hbm>>
      tpu.enqueue_dma source(%dma_start3A_38 : memref<250x80xi32, #tpu.memory_space<hbm>>) target(%arg7 : memref<250x80xi32, #tpu.memory_space<vmem>>) target_semaphore(%run_scoped3A : memref<!tpu.dma_semaphore, #tpu.memory_space<semaphore_mem>>)
      %dma_wait3A = arith.constant 0 : i32
      %dma_wait3A_39 = arith.constant 0 : i32
      %dma_wait3A_40 = tpu.memref_slice %arg3[%arg0, %arg1, %dma_wait3A, %dma_wait3A_39] : memref<2x16x250x80xi32, #tpu.memory_space<hbm>> -> memref<1x1x250x80xi32, #tpu.memory_space<hbm>>
      %dma_wait3A_41 = tpu.memref_squeeze %dma_wait3A_40 : memref<1x1x250x80xi32, #tpu.memory_space<hbm>> -> memref<250x80xi32, #tpu.memory_space<hbm>>
      %dma_wait3A_42 = arith.constant 0 : i32
      %dma_wait3A_43 = arith.constant 0 : i32
      %dma_wait3A_44 = tpu.memref_slice %arg3[%arg0, %arg1, %dma_wait3A_42, %dma_wait3A_43] : memref<2x16x250x80xi32, #tpu.memory_space<hbm>> -> memref<1x1x250x80xi32, #tpu.memory_space<hbm>>
      %dma_wait3A_45 = tpu.memref_squeeze %dma_wait3A_44 : memref<1x1x250x80xi32, #tpu.memory_space<hbm>> -> memref<250x80xi32, #tpu.memory_space<hbm>>
      tpu.wait_dma2 semaphore(%run_scoped3A : memref<!tpu.dma_semaphore, #tpu.memory_space<semaphore_mem>>) src(%dma_wait3A_45 : memref<250x80xi32, #tpu.memory_space<hbm>>) dst(%arg7 : memref<250x80xi32, #tpu.memory_space<vmem>>)
      tpu.yield
    }) : () -> ()
    "tpu.region"() ({
      %run_scoped3A = tpu.sem_alloc : memref<!tpu.dma_semaphore, #tpu.memory_space<semaphore_mem>>
      %dma_start3A_31 = arith.constant 0 : i32
      %dma_start3A_32 = arith.constant 0 : i32
      %dma_start3A_33 = tpu.memref_slice %arg4[%arg1, %dma_start3A_31, %dma_start3A_32] : memref<16x250x80xi32, #tpu.memory_space<hbm>> -> memref<1x250x80xi32, #tpu.memory_space<hbm>>
      %dma_start3A_34 = tpu.memref_squeeze %dma_start3A_33 : memref<1x250x80xi32, #tpu.memory_space<hbm>> -> memref<250x80xi32, #tpu.memory_space<hbm>>
      %dma_start3A_35 = arith.constant 0 : i32
      %dma_start3A_36 = arith.constant 0 : i32
      %dma_start3A_37 = tpu.memref_slice %arg4[%arg1, %dma_start3A_35, %dma_start3A_36] : memref<16x250x80xi32, #tpu.memory_space<hbm>> -> memref<1x250x80xi32, #tpu.memory_space<hbm>>
      %dma_start3A_38 = tpu.memref_squeeze %dma_start3A_37 : memref<1x250x80xi32, #tpu.memory_space<hbm>> -> memref<250x80xi32, #tpu.memory_space<hbm>>
      tpu.enqueue_dma source(%dma_start3A_38 : memref<250x80xi32, #tpu.memory_space<hbm>>) target(%arg8 : memref<250x80xi32, #tpu.memory_space<vmem>>) target_semaphore(%run_scoped3A : memref<!tpu.dma_semaphore, #tpu.memory_space<semaphore_mem>>)
      %dma_wait3A = arith.constant 0 : i32
      %dma_wait3A_39 = arith.constant 0 : i32
      %dma_wait3A_40 = tpu.memref_slice %arg4[%arg1, %dma_wait3A, %dma_wait3A_39] : memref<16x250x80xi32, #tpu.memory_space<hbm>> -> memref<1x250x80xi32, #tpu.memory_space<hbm>>
      %dma_wait3A_41 = tpu.memref_squeeze %dma_wait3A_40 : memref<1x250x80xi32, #tpu.memory_space<hbm>> -> memref<250x80xi32, #tpu.memory_space<hbm>>
      %dma_wait3A_42 = arith.constant 0 : i32
      %dma_wait3A_43 = arith.constant 0 : i32
      %dma_wait3A_44 = tpu.memref_slice %arg4[%arg1, %dma_wait3A_42, %dma_wait3A_43] : memref<16x250x80xi32, #tpu.memory_space<hbm>> -> memref<1x250x80xi32, #tpu.memory_space<hbm>>
      %dma_wait3A_45 = tpu.memref_squeeze %dma_wait3A_44 : memref<1x250x80xi32, #tpu.memory_space<hbm>> -> memref<250x80xi32, #tpu.memory_space<hbm>>
      tpu.wait_dma2 semaphore(%run_scoped3A : memref<!tpu.dma_semaphore, #tpu.memory_space<semaphore_mem>>) src(%dma_wait3A_45 : memref<250x80xi32, #tpu.memory_space<hbm>>) dst(%arg8 : memref<250x80xi32, #tpu.memory_space<vmem>>)
      tpu.yield
    }) : () -> ()
    %barrier3A = arith.constant 0 : index
    tpu.barrier barrier_id(%barrier3A)
    %dma_start3A = arith.constant 0 : i32
    %dma_start3A_10 = arith.constant 0 : i32
    %dma_start3A_11 = tpu.memref_slice %arg7[%dma_start3A, %dma_start3A_10] : memref<250x80xi32, #tpu.memory_space<vmem>> -> memref<1x80xi32, #tpu.memory_space<vmem>>
    %dma_start3A_12 = tpu.memref_squeeze %dma_start3A_11 : memref<1x80xi32, #tpu.memory_space<vmem>> -> memref<80xi32, #tpu.memory_space<vmem>>
    %dma_start3A_13 = arith.constant 0 : i32
    %dma_start3A_14 = arith.constant 0 : i32
    %dma_start3A_15 = tpu.memref_slice %arg2[%dma_start3A_13, %dma_start3A_14] : memref<20480x64xf32, #tpu.memory_space<hbm>> -> memref<20480x64xf32, #tpu.memory_space<hbm>>
    tpu.enqueue_indirect_dma source(%dma_start3A_15 : memref<20480x64xf32, #tpu.memory_space<hbm>>) target(%arg9 : memref<80x64xf32, #tpu.memory_space<vmem>>) offsets(%dma_start3A_12 : memref<80xi32, #tpu.memory_space<vmem>>) semaphore(%arg12 : memref<!tpu.dma_semaphore, #tpu.memory_space<semaphore_mem>>)
    %scan3A = arith.constant 0 : i32
    %scan3A_16 = arith.constant 125 : i32
    %scan3A_17 = arith.addi %scan3A, %scan3A_16 : i32
    %scan3A_18 = arith.constant 1 : i32
    scf.for %scan3A_31 = %scan3A to %scan3A_17 step %scan3A_18  : i32 {
      %mul3A_32 = arith.constant 2 : i32
      %mul3A_33 = arith.muli %mul3A_32, %scan3A_31 : i32
      %add3A_34 = arith.constant 1 : i32
      %add3A_35 = arith.addi %mul3A_33, %add3A_34 : i32
      %dma_start3A_36 = arith.constant 0 : i32
      %dma_start3A_37 = tpu.memref_slice %arg7[%add3A_35, %dma_start3A_36] : memref<250x80xi32, #tpu.memory_space<vmem>> -> memref<1x80xi32, #tpu.memory_space<vmem>>
      %dma_start3A_38 = tpu.memref_squeeze %dma_start3A_37 : memref<1x80xi32, #tpu.memory_space<vmem>> -> memref<80xi32, #tpu.memory_space<vmem>>
      %dma_start3A_39 = arith.constant 0 : i32
      %dma_start3A_40 = arith.constant 0 : i32
      %dma_start3A_41 = tpu.memref_slice %arg2[%dma_start3A_39, %dma_start3A_40] : memref<20480x64xf32, #tpu.memory_space<hbm>> -> memref<20480x64xf32, #tpu.memory_space<hbm>>
      tpu.enqueue_indirect_dma source(%dma_start3A_41 : memref<20480x64xf32, #tpu.memory_space<hbm>>) target(%arg10 : memref<80x64xf32, #tpu.memory_space<vmem>>) offsets(%dma_start3A_38 : memref<80xi32, #tpu.memory_space<vmem>>) semaphore(%arg13 : memref<!tpu.dma_semaphore, #tpu.memory_space<semaphore_mem>>)
      %dma_wait3A = arith.constant 0 : i32
      %dma_wait3A_42 = tpu.memref_slice %arg7[%mul3A_33, %dma_wait3A] : memref<250x80xi32, #tpu.memory_space<vmem>> -> memref<1x80xi32, #tpu.memory_space<vmem>>
      %dma_wait3A_43 = tpu.memref_squeeze %dma_wait3A_42 : memref<1x80xi32, #tpu.memory_space<vmem>> -> memref<80xi32, #tpu.memory_space<vmem>>
      %dma_wait3A_44 = arith.constant 0 : i32
      %dma_wait3A_45 = arith.constant 0 : i32
      %dma_wait3A_46 = tpu.memref_slice %arg2[%dma_wait3A_44, %dma_wait3A_45] : memref<20480x64xf32, #tpu.memory_space<hbm>> -> memref<20480x64xf32, #tpu.memory_space<hbm>>
      tpu.wait_indirect_dma semaphore(%arg12 : memref<!tpu.dma_semaphore, #tpu.memory_space<semaphore_mem>>) src(%dma_wait3A_46 : memref<20480x64xf32, #tpu.memory_space<hbm>>) dst(%arg9 : memref<80x64xf32, #tpu.memory_space<vmem>>)
      "tpu.region"() ({
        %run_scoped3A = tpu.sem_alloc : memref<!tpu.dma_semaphore, #tpu.memory_space<semaphore_mem>>
        %dma_start3A_61 = arith.constant 0 : i32
        %dma_start3A_62 = tpu.memref_slice %arg8[%mul3A_33, %dma_start3A_61] : memref<250x80xi32, #tpu.memory_space<vmem>> -> memref<1x80xi32, #tpu.memory_space<vmem>>
        %dma_start3A_63 = tpu.memref_squeeze %dma_start3A_62 : memref<1x80xi32, #tpu.memory_space<vmem>> -> memref<80xi32, #tpu.memory_space<vmem>>
        %dma_start3A_64 = arith.constant 0 : i32
        %dma_start3A_65 = arith.constant 0 : i32
        %dma_start3A_66 = tpu.memref_slice %arg11[%dma_start3A_64, %dma_start3A_65] : memref<10240x64xf32, #tpu.memory_space<vmem_shared>> -> memref<10240x64xf32, #tpu.memory_space<vmem_shared>>
        tpu.enqueue_indirect_dma source(%arg9 : memref<80x64xf32, #tpu.memory_space<vmem>>) target(%dma_start3A_66 : memref<10240x64xf32, #tpu.memory_space<vmem_shared>>) offsets(%dma_start3A_63 : memref<80xi32, #tpu.memory_space<vmem>>) semaphore(%run_scoped3A : memref<!tpu.dma_semaphore, #tpu.memory_space<semaphore_mem>>) {add = true}
        %dma_wait3A_67 = arith.constant 0 : i32
        %dma_wait3A_68 = tpu.memref_slice %arg8[%mul3A_33, %dma_wait3A_67] : memref<250x80xi32, #tpu.memory_space<vmem>> -> memref<1x80xi32, #tpu.memory_space<vmem>>
        %dma_wait3A_69 = tpu.memref_squeeze %dma_wait3A_68 : memref<1x80xi32, #tpu.memory_space<vmem>> -> memref<80xi32, #tpu.memory_space<vmem>>
        %dma_wait3A_70 = arith.constant 0 : i32
        %dma_wait3A_71 = arith.constant 0 : i32
        %dma_wait3A_72 = tpu.memref_slice %arg11[%dma_wait3A_70, %dma_wait3A_71] : memref<10240x64xf32, #tpu.memory_space<vmem_shared>> -> memref<10240x64xf32, #tpu.memory_space<vmem_shared>>
        tpu.wait_indirect_dma semaphore(%run_scoped3A : memref<!tpu.dma_semaphore, #tpu.memory_space<semaphore_mem>>) src(%arg9 : memref<80x64xf32, #tpu.memory_space<vmem>>) dst(%dma_wait3A_72 : memref<10240x64xf32, #tpu.memory_space<vmem_shared>>)
        tpu.yield
      }) : () -> ()
      %add3A_47 = arith.constant 2 : i32
      %add3A_48 = arith.addi %mul3A_33, %add3A_47 : i32
      %lt3A = arith.constant 250 : i32
      %lt3A_49 = arith.cmpi slt, %add3A_48, %lt3A : i32
      %convert_element_type3A = arith.extui %lt3A_49 : i1 to i32
      %cond3A = arith.constant 0 : i32
      %cond3A_50 = arith.cmpi ne, %convert_element_type3A, %cond3A : i32
      scf.if %cond3A_50 {
        %add3A_61 = arith.constant 2 : i32
        %add3A_62 = arith.addi %mul3A_33, %add3A_61 : i32
        %dma_start3A_63 = arith.constant 0 : i32
        %dma_start3A_64 = tpu.memref_slice %arg7[%add3A_62, %dma_start3A_63] : memref<250x80xi32, #tpu.memory_space<vmem>> -> memref<1x80xi32, #tpu.memory_space<vmem>>
        %dma_start3A_65 = tpu.memref_squeeze %dma_start3A_64 : memref<1x80xi32, #tpu.memory_space<vmem>> -> memref<80xi32, #tpu.memory_space<vmem>>
        %dma_start3A_66 = arith.constant 0 : i32
        %dma_start3A_67 = arith.constant 0 : i32
        %dma_start3A_68 = tpu.memref_slice %arg2[%dma_start3A_66, %dma_start3A_67] : memref<20480x64xf32, #tpu.memory_space<hbm>> -> memref<20480x64xf32, #tpu.memory_space<hbm>>
        tpu.enqueue_indirect_dma source(%dma_start3A_68 : memref<20480x64xf32, #tpu.memory_space<hbm>>) target(%arg9 : memref<80x64xf32, #tpu.memory_space<vmem>>) offsets(%dma_start3A_65 : memref<80xi32, #tpu.memory_space<vmem>>) semaphore(%arg12 : memref<!tpu.dma_semaphore, #tpu.memory_space<semaphore_mem>>)
      } else {
      }
      %add3A_51 = arith.constant 1 : i32
      %add3A_52 = arith.addi %mul3A_33, %add3A_51 : i32
      %dma_wait3A_53 = arith.constant 0 : i32
      %dma_wait3A_54 = tpu.memref_slice %arg7[%add3A_52, %dma_wait3A_53] : memref<250x80xi32, #tpu.memory_space<vmem>> -> memref<1x80xi32, #tpu.memory_space<vmem>>
      %dma_wait3A_55 = tpu.memref_squeeze %dma_wait3A_54 : memref<1x80xi32, #tpu.memory_space<vmem>> -> memref<80xi32, #tpu.memory_space<vmem>>
      %dma_wait3A_56 = arith.constant 0 : i32
      %dma_wait3A_57 = arith.constant 0 : i32
      %dma_wait3A_58 = tpu.memref_slice %arg2[%dma_wait3A_56, %dma_wait3A_57] : memref<20480x64xf32, #tpu.memory_space<hbm>> -> memref<20480x64xf32, #tpu.memory_space<hbm>>
      tpu.wait_indirect_dma semaphore(%arg13 : memref<!tpu.dma_semaphore, #tpu.memory_space<semaphore_mem>>) src(%dma_wait3A_58 : memref<20480x64xf32, #tpu.memory_space<hbm>>) dst(%arg10 : memref<80x64xf32, #tpu.memory_space<vmem>>)
      %add3A_59 = arith.constant 1 : i32
      %add3A_60 = arith.addi %mul3A_33, %add3A_59 : i32
      "tpu.region"() ({
        %run_scoped3A = tpu.sem_alloc : memref<!tpu.dma_semaphore, #tpu.memory_space<semaphore_mem>>
        %dma_start3A_61 = arith.constant 0 : i32
        %dma_start3A_62 = tpu.memref_slice %arg8[%add3A_60, %dma_start3A_61] : memref<250x80xi32, #tpu.memory_space<vmem>> -> memref<1x80xi32, #tpu.memory_space<vmem>>
        %dma_start3A_63 = tpu.memref_squeeze %dma_start3A_62 : memref<1x80xi32, #tpu.memory_space<vmem>> -> memref<80xi32, #tpu.memory_space<vmem>>
        %dma_start3A_64 = arith.constant 0 : i32
        %dma_start3A_65 = arith.constant 0 : i32
        %dma_start3A_66 = tpu.memref_slice %arg11[%dma_start3A_64, %dma_start3A_65] : memref<10240x64xf32, #tpu.memory_space<vmem_shared>> -> memref<10240x64xf32, #tpu.memory_space<vmem_shared>>
        tpu.enqueue_indirect_dma source(%arg10 : memref<80x64xf32, #tpu.memory_space<vmem>>) target(%dma_start3A_66 : memref<10240x64xf32, #tpu.memory_space<vmem_shared>>) offsets(%dma_start3A_63 : memref<80xi32, #tpu.memory_space<vmem>>) semaphore(%run_scoped3A : memref<!tpu.dma_semaphore, #tpu.memory_space<semaphore_mem>>) {add = true}
        %dma_wait3A_67 = arith.constant 0 : i32
        %dma_wait3A_68 = tpu.memref_slice %arg8[%add3A_60, %dma_wait3A_67] : memref<250x80xi32, #tpu.memory_space<vmem>> -> memref<1x80xi32, #tpu.memory_space<vmem>>
        %dma_wait3A_69 = tpu.memref_squeeze %dma_wait3A_68 : memref<1x80xi32, #tpu.memory_space<vmem>> -> memref<80xi32, #tpu.memory_space<vmem>>
        %dma_wait3A_70 = arith.constant 0 : i32
        %dma_wait3A_71 = arith.constant 0 : i32
        %dma_wait3A_72 = tpu.memref_slice %arg11[%dma_wait3A_70, %dma_wait3A_71] : memref<10240x64xf32, #tpu.memory_space<vmem_shared>> -> memref<10240x64xf32, #tpu.memory_space<vmem_shared>>
        tpu.wait_indirect_dma semaphore(%run_scoped3A : memref<!tpu.dma_semaphore, #tpu.memory_space<semaphore_mem>>) src(%arg10 : memref<80x64xf32, #tpu.memory_space<vmem>>) dst(%dma_wait3A_72 : memref<10240x64xf32, #tpu.memory_space<vmem_shared>>)
        tpu.yield
      }) : () -> ()
    }
    %scan3A_19 = arith.constant 125 : i32
    %barrier3A_20 = arith.constant 0 : index
    tpu.barrier barrier_id(%barrier3A_20)
    %add3A_21 = arith.constant 0 : i32
    %add3A_22 = arith.addi %mul3A_0, %add3A_21 : i32
    "tpu.region"() ({
      %run_scoped3A = tpu.sem_alloc : memref<!tpu.dma_semaphore, #tpu.memory_space<semaphore_mem>>
      %dma_start3A_31 = arith.constant 0 : i32
      %dma_start3A_32 = tpu.memref_slice %arg6[%arg0, %add3A_22, %dma_start3A_31] : memref<2x10240x64xf32, #tpu.memory_space<hbm>> -> memref<1x128x64xf32, #tpu.memory_space<hbm>>
      %dma_start3A_33 = tpu.memref_squeeze %dma_start3A_32 : memref<1x128x64xf32, #tpu.memory_space<hbm>> -> memref<128x64xf32, #tpu.memory_space<hbm>>
      %dma_start3A_34 = arith.constant 0 : i32
      %dma_start3A_35 = tpu.memref_slice %arg11[%add3A_22, %dma_start3A_34] : memref<10240x64xf32, #tpu.memory_space<vmem_shared>> -> memref<128x64xf32, #tpu.memory_space<vmem_shared>>
      tpu.enqueue_dma source(%dma_start3A_35 : memref<128x64xf32, #tpu.memory_space<vmem_shared>>) target(%dma_start3A_33 : memref<128x64xf32, #tpu.memory_space<hbm>>) target_semaphore(%run_scoped3A : memref<!tpu.dma_semaphore, #tpu.memory_space<semaphore_mem>>)
      %dma_wait3A = arith.constant 0 : i32
      %dma_wait3A_36 = tpu.memref_slice %arg6[%arg0, %add3A_22, %dma_wait3A] : memref<2x10240x64xf32, #tpu.memory_space<hbm>> -> memref<1x128x64xf32, #tpu.memory_space<hbm>>
      %dma_wait3A_37 = tpu.memref_squeeze %dma_wait3A_36 : memref<1x128x64xf32, #tpu.memory_space<hbm>> -> memref<128x64xf32, #tpu.memory_space<hbm>>
      %dma_wait3A_38 = arith.constant 0 : i32
      %dma_wait3A_39 = tpu.memref_slice %arg11[%add3A_22, %dma_wait3A_38] : memref<10240x64xf32, #tpu.memory_space<vmem_shared>> -> memref<128x64xf32, #tpu.memory_space<vmem_shared>>
      tpu.wait_dma2 semaphore(%run_scoped3A : memref<!tpu.dma_semaphore, #tpu.memory_space<semaphore_mem>>) src(%dma_wait3A_39 : memref<128x64xf32, #tpu.memory_space<vmem_shared>>) dst(%dma_wait3A_37 : memref<128x64xf32, #tpu.memory_space<hbm>>)
      tpu.yield
    }) : () -> ()
    %add3A_23 = arith.constant 128 : i32
    %add3A_24 = arith.addi %mul3A_0, %add3A_23 : i32
    "tpu.region"() ({
      %run_scoped3A = tpu.sem_alloc : memref<!tpu.dma_semaphore, #tpu.memory_space<semaphore_mem>>
      %dma_start3A_31 = arith.constant 0 : i32
      %dma_start3A_32 = tpu.memref_slice %arg6[%arg0, %add3A_24, %dma_start3A_31] : memref<2x10240x64xf32, #tpu.memory_space<hbm>> -> memref<1x128x64xf32, #tpu.memory_space<hbm>>
      %dma_start3A_33 = tpu.memref_squeeze %dma_start3A_32 : memref<1x128x64xf32, #tpu.memory_space<hbm>> -> memref<128x64xf32, #tpu.memory_space<hbm>>
      %dma_start3A_34 = arith.constant 0 : i32
      %dma_start3A_35 = tpu.memref_slice %arg11[%add3A_24, %dma_start3A_34] : memref<10240x64xf32, #tpu.memory_space<vmem_shared>> -> memref<128x64xf32, #tpu.memory_space<vmem_shared>>
      tpu.enqueue_dma source(%dma_start3A_35 : memref<128x64xf32, #tpu.memory_space<vmem_shared>>) target(%dma_start3A_33 : memref<128x64xf32, #tpu.memory_space<hbm>>) target_semaphore(%run_scoped3A : memref<!tpu.dma_semaphore, #tpu.memory_space<semaphore_mem>>)
      %dma_wait3A = arith.constant 0 : i32
      %dma_wait3A_36 = tpu.memref_slice %arg6[%arg0, %add3A_24, %dma_wait3A] : memref<2x10240x64xf32, #tpu.memory_space<hbm>> -> memref<1x128x64xf32, #tpu.memory_space<hbm>>
      %dma_wait3A_37 = tpu.memref_squeeze %dma_wait3A_36 : memref<1x128x64xf32, #tpu.memory_space<hbm>> -> memref<128x64xf32, #tpu.memory_space<hbm>>
      %dma_wait3A_38 = arith.constant 0 : i32
      %dma_wait3A_39 = tpu.memref_slice %arg11[%add3A_24, %dma_wait3A_38] : memref<10240x64xf32, #tpu.memory_space<vmem_shared>> -> memref<128x64xf32, #tpu.memory_space<vmem_shared>>
      tpu.wait_dma2 semaphore(%run_scoped3A : memref<!tpu.dma_semaphore, #tpu.memory_space<semaphore_mem>>) src(%dma_wait3A_39 : memref<128x64xf32, #tpu.memory_space<vmem_shared>>) dst(%dma_wait3A_37 : memref<128x64xf32, #tpu.memory_space<hbm>>)
      tpu.yield
    }) : () -> ()
    %add3A_25 = arith.constant 256 : i32
    %add3A_26 = arith.addi %mul3A_0, %add3A_25 : i32
    "tpu.region"() ({
      %run_scoped3A = tpu.sem_alloc : memref<!tpu.dma_semaphore, #tpu.memory_space<semaphore_mem>>
      %dma_start3A_31 = arith.constant 0 : i32
      %dma_start3A_32 = tpu.memref_slice %arg6[%arg0, %add3A_26, %dma_start3A_31] : memref<2x10240x64xf32, #tpu.memory_space<hbm>> -> memref<1x128x64xf32, #tpu.memory_space<hbm>>
      %dma_start3A_33 = tpu.memref_squeeze %dma_start3A_32 : memref<1x128x64xf32, #tpu.memory_space<hbm>> -> memref<128x64xf32, #tpu.memory_space<hbm>>
      %dma_start3A_34 = arith.constant 0 : i32
      %dma_start3A_35 = tpu.memref_slice %arg11[%add3A_26, %dma_start3A_34] : memref<10240x64xf32, #tpu.memory_space<vmem_shared>> -> memref<128x64xf32, #tpu.memory_space<vmem_shared>>
      tpu.enqueue_dma source(%dma_start3A_35 : memref<128x64xf32, #tpu.memory_space<vmem_shared>>) target(%dma_start3A_33 : memref<128x64xf32, #tpu.memory_space<hbm>>) target_semaphore(%run_scoped3A : memref<!tpu.dma_semaphore, #tpu.memory_space<semaphore_mem>>)
      %dma_wait3A = arith.constant 0 : i32
      %dma_wait3A_36 = tpu.memref_slice %arg6[%arg0, %add3A_26, %dma_wait3A] : memref<2x10240x64xf32, #tpu.memory_space<hbm>> -> memref<1x128x64xf32, #tpu.memory_space<hbm>>
      %dma_wait3A_37 = tpu.memref_squeeze %dma_wait3A_36 : memref<1x128x64xf32, #tpu.memory_space<hbm>> -> memref<128x64xf32, #tpu.memory_space<hbm>>
      %dma_wait3A_38 = arith.constant 0 : i32
      %dma_wait3A_39 = tpu.memref_slice %arg11[%add3A_26, %dma_wait3A_38] : memref<10240x64xf32, #tpu.memory_space<vmem_shared>> -> memref<128x64xf32, #tpu.memory_space<vmem_shared>>
      tpu.wait_dma2 semaphore(%run_scoped3A : memref<!tpu.dma_semaphore, #tpu.memory_space<semaphore_mem>>) src(%dma_wait3A_39 : memref<128x64xf32, #tpu.memory_space<vmem_shared>>) dst(%dma_wait3A_37 : memref<128x64xf32, #tpu.memory_space<hbm>>)
      tpu.yield
    }) : () -> ()
    %add3A_27 = arith.constant 384 : i32
    %add3A_28 = arith.addi %mul3A_0, %add3A_27 : i32
    "tpu.region"() ({
      %run_scoped3A = tpu.sem_alloc : memref<!tpu.dma_semaphore, #tpu.memory_space<semaphore_mem>>
      %dma_start3A_31 = arith.constant 0 : i32
      %dma_start3A_32 = tpu.memref_slice %arg6[%arg0, %add3A_28, %dma_start3A_31] : memref<2x10240x64xf32, #tpu.memory_space<hbm>> -> memref<1x128x64xf32, #tpu.memory_space<hbm>>
      %dma_start3A_33 = tpu.memref_squeeze %dma_start3A_32 : memref<1x128x64xf32, #tpu.memory_space<hbm>> -> memref<128x64xf32, #tpu.memory_space<hbm>>
      %dma_start3A_34 = arith.constant 0 : i32
      %dma_start3A_35 = tpu.memref_slice %arg11[%add3A_28, %dma_start3A_34] : memref<10240x64xf32, #tpu.memory_space<vmem_shared>> -> memref<128x64xf32, #tpu.memory_space<vmem_shared>>
      tpu.enqueue_dma source(%dma_start3A_35 : memref<128x64xf32, #tpu.memory_space<vmem_shared>>) target(%dma_start3A_33 : memref<128x64xf32, #tpu.memory_space<hbm>>) target_semaphore(%run_scoped3A : memref<!tpu.dma_semaphore, #tpu.memory_space<semaphore_mem>>)
      %dma_wait3A = arith.constant 0 : i32
      %dma_wait3A_36 = tpu.memref_slice %arg6[%arg0, %add3A_28, %dma_wait3A] : memref<2x10240x64xf32, #tpu.memory_space<hbm>> -> memref<1x128x64xf32, #tpu.memory_space<hbm>>
      %dma_wait3A_37 = tpu.memref_squeeze %dma_wait3A_36 : memref<1x128x64xf32, #tpu.memory_space<hbm>> -> memref<128x64xf32, #tpu.memory_space<hbm>>
      %dma_wait3A_38 = arith.constant 0 : i32
      %dma_wait3A_39 = tpu.memref_slice %arg11[%add3A_28, %dma_wait3A_38] : memref<10240x64xf32, #tpu.memory_space<vmem_shared>> -> memref<128x64xf32, #tpu.memory_space<vmem_shared>>
      tpu.wait_dma2 semaphore(%run_scoped3A : memref<!tpu.dma_semaphore, #tpu.memory_space<semaphore_mem>>) src(%dma_wait3A_39 : memref<128x64xf32, #tpu.memory_space<vmem_shared>>) dst(%dma_wait3A_37 : memref<128x64xf32, #tpu.memory_space<hbm>>)
      tpu.yield
    }) : () -> ()
    %add3A_29 = arith.constant 512 : i32
    %add3A_30 = arith.addi %mul3A_0, %add3A_29 : i32
    "tpu.region"() ({
      %run_scoped3A = tpu.sem_alloc : memref<!tpu.dma_semaphore, #tpu.memory_space<semaphore_mem>>
      %dma_start3A_31 = arith.constant 0 : i32
      %dma_start3A_32 = tpu.memref_slice %arg6[%arg0, %add3A_30, %dma_start3A_31] : memref<2x10240x64xf32, #tpu.memory_space<hbm>> -> memref<1x128x64xf32, #tpu.memory_space<hbm>>
      %dma_start3A_33 = tpu.memref_squeeze %dma_start3A_32 : memref<1x128x64xf32, #tpu.memory_space<hbm>> -> memref<128x64xf32, #tpu.memory_space<hbm>>
      %dma_start3A_34 = arith.constant 0 : i32
      %dma_start3A_35 = tpu.memref_slice %arg11[%add3A_30, %dma_start3A_34] : memref<10240x64xf32, #tpu.memory_space<vmem_shared>> -> memref<128x64xf32, #tpu.memory_space<vmem_shared>>
      tpu.enqueue_dma source(%dma_start3A_35 : memref<128x64xf32, #tpu.memory_space<vmem_shared>>) target(%dma_start3A_33 : memref<128x64xf32, #tpu.memory_space<hbm>>) target_semaphore(%run_scoped3A : memref<!tpu.dma_semaphore, #tpu.memory_space<semaphore_mem>>)
      %dma_wait3A = arith.constant 0 : i32
      %dma_wait3A_36 = tpu.memref_slice %arg6[%arg0, %add3A_30, %dma_wait3A] : memref<2x10240x64xf32, #tpu.memory_space<hbm>> -> memref<1x128x64xf32, #tpu.memory_space<hbm>>
      %dma_wait3A_37 = tpu.memref_squeeze %dma_wait3A_36 : memref<1x128x64xf32, #tpu.memory_space<hbm>> -> memref<128x64xf32, #tpu.memory_space<hbm>>
      %dma_wait3A_38 = arith.constant 0 : i32
      %dma_wait3A_39 = tpu.memref_slice %arg11[%add3A_30, %dma_wait3A_38] : memref<10240x64xf32, #tpu.memory_space<vmem_shared>> -> memref<128x64xf32, #tpu.memory_space<vmem_shared>>
      tpu.wait_dma2 semaphore(%run_scoped3A : memref<!tpu.dma_semaphore, #tpu.memory_space<semaphore_mem>>) src(%dma_wait3A_39 : memref<128x64xf32, #tpu.memory_space<vmem_shared>>) dst(%dma_wait3A_37 : memref<128x64xf32, #tpu.memory_space<hbm>>)
      tpu.yield
    }) : () -> ()
    return
  }
}

module attributes {stable_mosaic.version = 14 : i64} {
  func.func @_mm_body(%arg0: i32, %arg1: memref<400x128xf32, #tpu.memory_space<vmem>>, %arg2: memref<128x128xf32, #tpu.memory_space<vmem>>, %arg3: memref<400x128xf32, #tpu.memory_space<vmem>>) attributes {dimension_semantics = [#tpu.dimension_semantics<arbitrary>], iteration_bounds = array<i64: 25>, scalar_prefetch = 0 : i64, scratch_operands = 0 : i64, tpu.core_type = #tpu.core_type<tc>, window_params = [{transform_indices = @transform_0, window_bounds = array<i64: 400, 128>}, {pipeline_mode = #tpu.pipeline_mode<synchronous>, transform_indices = @transform_1, window_bounds = array<i64: 128, 128>}, {transform_indices = @transform_2, window_bounds = array<i64: 400, 128>}]} {
    %get3A = arith.constant 0 : index
    %get3A_0 = arith.constant 0 : index
    %get3A_1 = vector.load %arg1[%get3A, %get3A_0] : memref<400x128xf32, #tpu.memory_space<vmem>>, vector<400x128xf32>
    %get3A_2 = arith.constant 0 : index
    %get3A_3 = arith.constant 0 : index
    %get3A_4 = vector.load %arg2[%get3A_2, %get3A_3] : memref<128x128xf32, #tpu.memory_space<vmem>>, vector<128x128xf32>
    %dot_general3A = arith.constant dense<0.000000e+00> : vector<400x128xf32>
    %dot_general3A_5 = tpu.matmul %get3A_1, %get3A_4, %dot_general3A {dimension_numbers = #tpu.dot_dimension_numbers<[1], [0], [0], [1], [0, 0, 1, 1], [], []>, transpose_lhs_hint = false} : vector<400x128xf32>, vector<128x128xf32>, vector<400x128xf32> -> vector<400x128xf32>
    %swap3A = arith.constant 0 : index
    %swap3A_6 = arith.constant 0 : index
    %swap3A_7 = vector.load %arg3[%swap3A, %swap3A_6] : memref<400x128xf32, #tpu.memory_space<vmem>>, vector<400x128xf32>
    tpu.vector_store %arg3[%swap3A, %swap3A_6], %dot_general3A_5 {strides = array<i32>} : memref<400x128xf32, #tpu.memory_space<vmem>>, vector<400x128xf32>,
    return
  }
  func.func @transform_0(%arg0: i32) -> (i32, i32) {
    %c0_i32 = arith.constant 0 : i32
    %c0_i32_0 = arith.constant 0 : i32
    return %arg0, %c0_i32 : i32, i32
  }
  func.func @transform_1(%arg0: i32) -> (i32, i32) {
    %c0_i32 = arith.constant 0 : i32
    %c0_i32_0 = arith.constant 0 : i32
    %c0_i32_1 = arith.constant 0 : i32
    return %c0_i32, %c0_i32_0 : i32, i32
  }
  func.func @transform_2(%arg0: i32) -> (i32, i32) {
    %c0_i32 = arith.constant 0 : i32
    %c0_i32_0 = arith.constant 0 : i32
    return %arg0, %c0_i32 : i32, i32
  }
}

module attributes {stable_mosaic.version = 14 : i64} {
  func.func @_inv16_body(%arg0: i32, %arg1: memref<2x1x1024x16xf32, #tpu.memory_space<vmem>>, %arg2: memref<1024x16xf32, #tpu.memory_space<vmem>>) attributes {dimension_semantics = [#tpu.dimension_semantics<arbitrary>], iteration_bounds = array<i64: 10>, scalar_prefetch = 0 : i64, scratch_operands = 0 : i64, tpu.core_type = #tpu.core_type<tc>, window_params = [{transform_indices = @transform_0, window_bounds = array<i64: 2, 1, 1024, 16>}, {transform_indices = @transform_1, window_bounds = array<i64: 1024, 16>}]} {
    %get3A = arith.constant 0 : index
    %get3A_0 = arith.constant 0 : index
    %get3A_1 = arith.constant 0 : index
    %get3A_2 = arith.constant 0 : index
    %get3A_3 = vector.load %arg1[%get3A, %get3A_0, %get3A_1, %get3A_2] : memref<2x1x1024x16xf32, #tpu.memory_space<vmem>>, vector<1x1x1024x16xf32>
    %get3A_4 = vector.shape_cast %get3A_3 : vector<1x1x1024x16xf32> to vector<1024x16xf32>
    %get3A_5 = arith.constant 1 : index
    %get3A_6 = arith.constant 0 : index
    %get3A_7 = arith.constant 0 : index
    %get3A_8 = arith.constant 0 : index
    %get3A_9 = vector.load %arg1[%get3A_5, %get3A_6, %get3A_7, %get3A_8] : memref<2x1x1024x16xf32, #tpu.memory_space<vmem>>, vector<1x1x1024x16xf32>
    %get3A_10 = vector.shape_cast %get3A_9 : vector<1x1x1024x16xf32> to vector<1024x16xf32>
    %add3A = arith.addf %get3A_4, %get3A_10 : vector<1024x16xf32>
    %eq3A = arith.constant 0.000000e+00 : f32
    %eq3A_11 = vector.broadcast %eq3A : f32 to vector<1024x16xf32>
    %eq3A_12 = arith.cmpf oeq, %add3A, %eq3A_11 : vector<1024x16xf32>
    %div3A = arith.constant 1.000000e+00 : f32
    %div3A_13 = vector.broadcast %div3A : f32 to vector<1024x16xf32>
    %div3A_14 = arith.divf %div3A_13, %add3A : vector<1024x16xf32>
    %jit3A = arith.constant 0.000000e+00 : f32
    %broadcast_in_dim3A = vector.broadcast %jit3A : f32 to vector<1024x16xf32>
    %select_n3A = arith.select %eq3A_12, %broadcast_in_dim3A, %div3A_14 : vector<1024x16xi1>, vector<1024x16xf32>
    %swap3A = arith.constant 0 : index
    %swap3A_15 = arith.constant 0 : index
    %swap3A_16 = vector.load %arg2[%swap3A, %swap3A_15] : memref<1024x16xf32, #tpu.memory_space<vmem>>, vector<1024x16xf32>
    tpu.vector_store %arg2[%swap3A, %swap3A_15], %select_n3A {strides = array<i32>} : memref<1024x16xf32, #tpu.memory_space<vmem>>, vector<1024x16xf32>,
    return
  }
  func.func @transform_0(%arg0: i32) -> (i32, i32, i32, i32) {
    %c0_i32 = arith.constant 0 : i32
    %c1_i32 = arith.constant 1 : i32
    %c0_i32_0 = arith.constant 0 : i32
    %c0_i32_1 = arith.constant 0 : i32
    return %c0_i32, %c1_i32, %arg0, %c0_i32_0 : i32, i32, i32, i32
  }
  func.func @transform_1(%arg0: i32) -> (i32, i32) {
    %c0_i32 = arith.constant 0 : i32
    %c0_i32_0 = arith.constant 0 : i32
    return %arg0, %c0_i32 : i32, i32
  }
}

module attributes {stable_mosaic.version = 14 : i64} {
  func.func @_convmm_body(%arg0: i32, %arg1: memref<2x400x64xf32, #tpu.memory_space<vmem>>, %arg2: memref<2x1x400x16xf32, #tpu.memory_space<vmem>>, %arg3: memref<1x128xf32, #tpu.memory_space<vmem>>, %arg4: memref<128x128xf32, #tpu.memory_space<vmem>>, %arg5: memref<1x128xf32, #tpu.memory_space<vmem>>, %arg6: memref<400x128xf32, #tpu.memory_space<vmem>>) attributes {dimension_semantics = [#tpu.dimension_semantics<arbitrary>], iteration_bounds = array<i64: 25>, scalar_prefetch = 0 : i64, scratch_operands = 0 : i64, tpu.core_type = #tpu.core_type<tc>, window_params = [{transform_indices = @transform_0, window_bounds = array<i64: 2, 400, 64>}, {transform_indices = @transform_1, window_bounds = array<i64: 2, 1, 400, 16>}, {pipeline_mode = #tpu.pipeline_mode<synchronous>, transform_indices = @transform_2, window_bounds = array<i64: 1, 128>}, {pipeline_mode = #tpu.pipeline_mode<synchronous>, transform_indices = @transform_3, window_bounds = array<i64: 128, 128>}, {pipeline_mode = #tpu.pipeline_mode<synchronous>, transform_indices = @transform_4, window_bounds = array<i64: 1, 128>}, {transform_indices = @transform_5, window_bounds = array<i64: 400, 128>}]} {
    %get3A = arith.constant 0 : index
    %get3A_0 = arith.constant 0 : index
    %get3A_1 = arith.constant 0 : index
    %get3A_2 = arith.constant 0 : index
    %get3A_3 = vector.load %arg2[%get3A, %get3A_0, %get3A_1, %get3A_2] : memref<2x1x400x16xf32, #tpu.memory_space<vmem>>, vector<1x1x400x1xf32>
    %get3A_4 = vector.shape_cast %get3A_3 : vector<1x1x400x1xf32> to vector<400x1xf32>
    %get3A_5 = arith.constant 1 : index
    %get3A_6 = arith.constant 0 : index
    %get3A_7 = arith.constant 0 : index
    %get3A_8 = arith.constant 0 : index
    %get3A_9 = vector.load %arg2[%get3A_5, %get3A_6, %get3A_7, %get3A_8] : memref<2x1x400x16xf32, #tpu.memory_space<vmem>>, vector<1x1x400x1xf32>
    %get3A_10 = vector.shape_cast %get3A_9 : vector<1x1x400x1xf32> to vector<400x1xf32>
    %add3A = arith.addf %get3A_4, %get3A_10 : vector<400x1xf32>
    %eq3A = arith.constant 0.000000e+00 : f32
    %eq3A_11 = vector.broadcast %eq3A : f32 to vector<400x1xf32>
    %eq3A_12 = arith.cmpf oeq, %add3A, %eq3A_11 : vector<400x1xf32>
    %div3A = arith.constant 1.000000e+00 : f32
    %div3A_13 = vector.broadcast %div3A : f32 to vector<400x1xf32>
    %div3A_14 = arith.divf %div3A_13, %add3A : vector<400x1xf32>
    %jit3A = arith.constant 0.000000e+00 : f32
    %broadcast_in_dim3A = vector.broadcast %jit3A : f32 to vector<400x1xf32>
    %select_n3A = arith.select %eq3A_12, %broadcast_in_dim3A, %div3A_14 : vector<400x1xi1>, vector<400x1xf32>
    %get3A_15 = arith.constant 0 : index
    %get3A_16 = arith.constant 0 : index
    %get3A_17 = arith.constant 0 : index
    %get3A_18 = vector.load %arg1[%get3A_15, %get3A_16, %get3A_17] : memref<2x400x64xf32, #tpu.memory_space<vmem>>, vector<1x400x64xf32>
    %get3A_19 = vector.shape_cast %get3A_18 : vector<1x400x64xf32> to vector<400x64xf32>
    %mul3A = vector.broadcast %select_n3A : vector<400x1xf32> to vector<400x64xf32>
    %mul3A_20 = arith.mulf %mul3A, %get3A_19 : vector<400x64xf32>
    %get3A_21 = arith.constant 1 : index
    %get3A_22 = arith.constant 0 : index
    %get3A_23 = arith.constant 0 : index
    %get3A_24 = vector.load %arg1[%get3A_21, %get3A_22, %get3A_23] : memref<2x400x64xf32, #tpu.memory_space<vmem>>, vector<1x400x64xf32>
    %get3A_25 = vector.shape_cast %get3A_24 : vector<1x400x64xf32> to vector<400x64xf32>
    %mul3A_26 = vector.broadcast %select_n3A : vector<400x1xf32> to vector<400x64xf32>
    %mul3A_27 = arith.mulf %mul3A_26, %get3A_25 : vector<400x64xf32>
    %concatenate3A = tpu.concatenate %mul3A_20, %mul3A_27 in 1 : vector<400x64xf32>, vector<400x64xf32> -> vector<400x128xf32>
    %get3A_28 = arith.constant 0 : index
    %get3A_29 = arith.constant 0 : index
    %get3A_30 = vector.load %arg3[%get3A_28, %get3A_29] : memref<1x128xf32, #tpu.memory_space<vmem>>, vector<1x128xf32>
    %add3A_31 = vector.broadcast %get3A_30 : vector<1x128xf32> to vector<400x128xf32>
    %add3A_32 = arith.addf %concatenate3A, %add3A_31 : vector<400x128xf32>
    %max3A = arith.constant 0.000000e+00 : f32
    %max3A_33 = vector.broadcast %max3A : f32 to vector<400x128xf32>
    %max3A_34 = arith.maximumf %add3A_32, %max3A_33 : vector<400x128xf32>
    %get3A_35 = arith.constant 0 : index
    %get3A_36 = arith.constant 0 : index
    %get3A_37 = vector.load %arg4[%get3A_35, %get3A_36] : memref<128x128xf32, #tpu.memory_space<vmem>>, vector<128x128xf32>
    %dot_general3A = arith.constant dense<0.000000e+00> : vector<400x128xf32>
    %dot_general3A_38 = tpu.matmul %max3A_34, %get3A_37, %dot_general3A {dimension_numbers = #tpu.dot_dimension_numbers<[1], [0], [0], [1], [0, 0, 1, 1], [], []>, transpose_lhs_hint = false} : vector<400x128xf32>, vector<128x128xf32>, vector<400x128xf32> -> vector<400x128xf32>
    %get3A_39 = arith.constant 0 : index
    %get3A_40 = arith.constant 0 : index
    %get3A_41 = vector.load %arg5[%get3A_39, %get3A_40] : memref<1x128xf32, #tpu.memory_space<vmem>>, vector<1x128xf32>
    %add3A_42 = vector.broadcast %get3A_41 : vector<1x128xf32> to vector<400x128xf32>
    %add3A_43 = arith.addf %dot_general3A_38, %add3A_42 : vector<400x128xf32>
    %swap3A = arith.constant 0 : index
    %swap3A_44 = arith.constant 0 : index
    %swap3A_45 = vector.load %arg6[%swap3A, %swap3A_44] : memref<400x128xf32, #tpu.memory_space<vmem>>, vector<400x128xf32>
    tpu.vector_store %arg6[%swap3A, %swap3A_44], %add3A_43 {strides = array<i32>} : memref<400x128xf32, #tpu.memory_space<vmem>>, vector<400x128xf32>,
    return
  }
  func.func @transform_0(%arg0: i32) -> (i32, i32, i32) {
    %c0_i32 = arith.constant 0 : i32
    %c0_i32_0 = arith.constant 0 : i32
    %c0_i32_1 = arith.constant 0 : i32
    return %c0_i32, %arg0, %c0_i32_0 : i32, i32, i32
  }
  func.func @transform_1(%arg0: i32) -> (i32, i32, i32, i32) {
    %c0_i32 = arith.constant 0 : i32
    %c0_i32_0 = arith.constant 0 : i32
    %c0_i32_1 = arith.constant 0 : i32
    %c0_i32_2 = arith.constant 0 : i32
    return %c0_i32, %c0_i32_0, %arg0, %c0_i32_1 : i32, i32, i32, i32
  }
  func.func @transform_2(%arg0: i32) -> (i32, i32) {
    %c0_i32 = arith.constant 0 : i32
    %c0_i32_0 = arith.constant 0 : i32
    %c0_i32_1 = arith.constant 0 : i32
    return %c0_i32, %c0_i32_0 : i32, i32
  }
  func.func @transform_3(%arg0: i32) -> (i32, i32) {
    %c0_i32 = arith.constant 0 : i32
    %c0_i32_0 = arith.constant 0 : i32
    %c0_i32_1 = arith.constant 0 : i32
    return %c0_i32, %c0_i32_0 : i32, i32
  }
  func.func @transform_4(%arg0: i32) -> (i32, i32) {
    %c0_i32 = arith.constant 0 : i32
    %c0_i32_0 = arith.constant 0 : i32
    %c0_i32_1 = arith.constant 0 : i32
    return %c0_i32, %c0_i32_0 : i32, i32
  }
  func.func @transform_5(%arg0: i32) -> (i32, i32) {
    %c0_i32 = arith.constant 0 : i32
    %c0_i32_0 = arith.constant 0 : i32
    return %arg0, %c0_i32 : i32, i32
  }
}

module attributes {stable_mosaic.version = 14 : i64} {
  func.func @_convmm_body(%arg0: i32, %arg1: memref<2x400x64xf32, #tpu.memory_space<vmem>>, %arg2: memref<2x1x400x16xf32, #tpu.memory_space<vmem>>, %arg3: memref<1x128xf32, #tpu.memory_space<vmem>>, %arg4: memref<128x128xf32, #tpu.memory_space<vmem>>, %arg5: memref<1x128xf32, #tpu.memory_space<vmem>>, %arg6: memref<400x128xf32, #tpu.memory_space<vmem>>) attributes {dimension_semantics = [#tpu.dimension_semantics<arbitrary>], iteration_bounds = array<i64: 25>, scalar_prefetch = 0 : i64, scratch_operands = 0 : i64, tpu.core_type = #tpu.core_type<tc>, window_params = [{transform_indices = @transform_0, window_bounds = array<i64: 2, 400, 64>}, {transform_indices = @transform_1, window_bounds = array<i64: 2, 1, 400, 16>}, {pipeline_mode = #tpu.pipeline_mode<synchronous>, transform_indices = @transform_2, window_bounds = array<i64: 1, 128>}, {pipeline_mode = #tpu.pipeline_mode<synchronous>, transform_indices = @transform_3, window_bounds = array<i64: 128, 128>}, {pipeline_mode = #tpu.pipeline_mode<synchronous>, transform_indices = @transform_4, window_bounds = array<i64: 1, 128>}, {transform_indices = @transform_5, window_bounds = array<i64: 400, 128>}]} {
    %get3A = arith.constant 0 : index
    %get3A_0 = arith.constant 0 : index
    %get3A_1 = arith.constant 0 : index
    %get3A_2 = arith.constant 0 : index
    %get3A_3 = vector.load %arg2[%get3A, %get3A_0, %get3A_1, %get3A_2] : memref<2x1x400x16xf32, #tpu.memory_space<vmem>>, vector<1x1x400x1xf32>
    %get3A_4 = vector.shape_cast %get3A_3 : vector<1x1x400x1xf32> to vector<400x1xf32>
    %get3A_5 = arith.constant 1 : index
    %get3A_6 = arith.constant 0 : index
    %get3A_7 = arith.constant 0 : index
    %get3A_8 = arith.constant 0 : index
    %get3A_9 = vector.load %arg2[%get3A_5, %get3A_6, %get3A_7, %get3A_8] : memref<2x1x400x16xf32, #tpu.memory_space<vmem>>, vector<1x1x400x1xf32>
    %get3A_10 = vector.shape_cast %get3A_9 : vector<1x1x400x1xf32> to vector<400x1xf32>
    %add3A = arith.addf %get3A_4, %get3A_10 : vector<400x1xf32>
    %eq3A = arith.constant 0.000000e+00 : f32
    %eq3A_11 = vector.broadcast %eq3A : f32 to vector<400x1xf32>
    %eq3A_12 = arith.cmpf oeq, %add3A, %eq3A_11 : vector<400x1xf32>
    %div3A = arith.constant 1.000000e+00 : f32
    %div3A_13 = vector.broadcast %div3A : f32 to vector<400x1xf32>
    %div3A_14 = arith.divf %div3A_13, %add3A : vector<400x1xf32>
    %jit3A = arith.constant 0.000000e+00 : f32
    %broadcast_in_dim3A = vector.broadcast %jit3A : f32 to vector<400x1xf32>
    %select_n3A = arith.select %eq3A_12, %broadcast_in_dim3A, %div3A_14 : vector<400x1xi1>, vector<400x1xf32>
    %get3A_15 = arith.constant 0 : index
    %get3A_16 = arith.constant 0 : index
    %get3A_17 = arith.constant 0 : index
    %get3A_18 = vector.load %arg1[%get3A_15, %get3A_16, %get3A_17] : memref<2x400x64xf32, #tpu.memory_space<vmem>>, vector<1x400x64xf32>
    %get3A_19 = vector.shape_cast %get3A_18 : vector<1x400x64xf32> to vector<400x64xf32>
    %mul3A = vector.broadcast %select_n3A : vector<400x1xf32> to vector<400x64xf32>
    %mul3A_20 = arith.mulf %mul3A, %get3A_19 : vector<400x64xf32>
    %get3A_21 = arith.constant 1 : index
    %get3A_22 = arith.constant 0 : index
    %get3A_23 = arith.constant 0 : index
    %get3A_24 = vector.load %arg1[%get3A_21, %get3A_22, %get3A_23] : memref<2x400x64xf32, #tpu.memory_space<vmem>>, vector<1x400x64xf32>
    %get3A_25 = vector.shape_cast %get3A_24 : vector<1x400x64xf32> to vector<400x64xf32>
    %mul3A_26 = vector.broadcast %select_n3A : vector<400x1xf32> to vector<400x64xf32>
    %mul3A_27 = arith.mulf %mul3A_26, %get3A_25 : vector<400x64xf32>
    %concatenate3A = tpu.concatenate %mul3A_20, %mul3A_27 in 1 : vector<400x64xf32>, vector<400x64xf32> -> vector<400x128xf32>
    %get3A_28 = arith.constant 0 : index
    %get3A_29 = arith.constant 0 : index
    %get3A_30 = vector.load %arg3[%get3A_28, %get3A_29] : memref<1x128xf32, #tpu.memory_space<vmem>>, vector<1x128xf32>
    %add3A_31 = vector.broadcast %get3A_30 : vector<1x128xf32> to vector<400x128xf32>
    %add3A_32 = arith.addf %concatenate3A, %add3A_31 : vector<400x128xf32>
    %max3A = arith.constant 0.000000e+00 : f32
    %max3A_33 = vector.broadcast %max3A : f32 to vector<400x128xf32>
    %max3A_34 = arith.maximumf %add3A_32, %max3A_33 : vector<400x128xf32>
    %get3A_35 = arith.constant 0 : index
    %get3A_36 = arith.constant 0 : index
    %get3A_37 = vector.load %arg4[%get3A_35, %get3A_36] : memref<128x128xf32, #tpu.memory_space<vmem>>, vector<128x128xf32>
    %dot_general3A = arith.constant dense<0.000000e+00> : vector<400x128xf32>
    %dot_general3A_38 = tpu.matmul %max3A_34, %get3A_37, %dot_general3A {dimension_numbers = #tpu.dot_dimension_numbers<[1], [0], [0], [1], [0, 0, 1, 1], [], []>, transpose_lhs_hint = false} : vector<400x128xf32>, vector<128x128xf32>, vector<400x128xf32> -> vector<400x128xf32>
    %get3A_39 = arith.constant 0 : index
    %get3A_40 = arith.constant 0 : index
    %get3A_41 = vector.load %arg5[%get3A_39, %get3A_40] : memref<1x128xf32, #tpu.memory_space<vmem>>, vector<1x128xf32>
    %add3A_42 = vector.broadcast %get3A_41 : vector<1x128xf32> to vector<400x128xf32>
    %add3A_43 = arith.addf %dot_general3A_38, %add3A_42 : vector<400x128xf32>
    %swap3A = arith.constant 0 : index
    %swap3A_44 = arith.constant 0 : index
    %swap3A_45 = vector.load %arg6[%swap3A, %swap3A_44] : memref<400x128xf32, #tpu.memory_space<vmem>>, vector<400x128xf32>
    tpu.vector_store %arg6[%swap3A, %swap3A_44], %add3A_43 {strides = array<i32>} : memref<400x128xf32, #tpu.memory_space<vmem>>, vector<400x128xf32>,
    return
  }
  func.func @transform_0(%arg0: i32) -> (i32, i32, i32) {
    %c0_i32 = arith.constant 0 : i32
    %c0_i32_0 = arith.constant 0 : i32
    %c0_i32_1 = arith.constant 0 : i32
    return %c0_i32, %arg0, %c0_i32_0 : i32, i32, i32
  }
  func.func @transform_1(%arg0: i32) -> (i32, i32, i32, i32) {
    %c0_i32 = arith.constant 0 : i32
    %c0_i32_0 = arith.constant 0 : i32
    %c0_i32_1 = arith.constant 0 : i32
    %c0_i32_2 = arith.constant 0 : i32
    return %c0_i32, %c0_i32_0, %arg0, %c0_i32_1 : i32, i32, i32, i32
  }
  func.func @transform_2(%arg0: i32) -> (i32, i32) {
    %c0_i32 = arith.constant 0 : i32
    %c0_i32_0 = arith.constant 0 : i32
    %c0_i32_1 = arith.constant 0 : i32
    return %c0_i32, %c0_i32_0 : i32, i32
  }
  func.func @transform_3(%arg0: i32) -> (i32, i32) {
    %c0_i32 = arith.constant 0 : i32
    %c0_i32_0 = arith.constant 0 : i32
    %c0_i32_1 = arith.constant 0 : i32
    return %c0_i32, %c0_i32_0 : i32, i32
  }
  func.func @transform_4(%arg0: i32) -> (i32, i32) {
    %c0_i32 = arith.constant 0 : i32
    %c0_i32_0 = arith.constant 0 : i32
    %c0_i32_1 = arith.constant 0 : i32
    return %c0_i32, %c0_i32_0 : i32, i32
  }
  func.func @transform_5(%arg0: i32) -> (i32, i32) {
    %c0_i32 = arith.constant 0 : i32
    %c0_i32_0 = arith.constant 0 : i32
    return %arg0, %c0_i32 : i32, i32
  }
}

</mosaic_0001>

<sc_bundles>
// kernel: kernel.11.cloned.1.call-start
scs
__scs_entry_jumppad:
0x0: {  	(pc) =	sbr.rel $0x88, $3  }
0x1: {  	(tag) =	ssettag $0x0;
	lr =	simm.s32 $0x1  }
0x2: {  	[smem:$0x3F99] =	sst lr;
	_ =	strace $0xD0000000  }
0x3: {  	_ = 	snop  }
0x4: {  	_ = 	snop  }
0x5: {  	_ = 	snop  }
0x6: {  	_ = 	snop  }
0x7: {  	_ = 	snop  }
__scs_overlays_trampoline_lowered:
0x8: {  	[smem:$0x3FA8] =	sst s0  }
0x9: {  	[smem:$0x3FA9] =	sst s1  }
0xa: {  	[smem:$0x3FAA] =	sst s2  }
0xb: {  	[smem:$0x3FAB] =	sst s3  }
0xc: {  	[smem:$0x3FAC] =	sst s4  }
0xd: {  	[smem:$0x3FAD] =	sst s5  }
0xe: {  	[smem:$0x3FAE] =	sst s6  }
0xf: {  	[smem:$0x3FAF] =	sst s7  }
0x10: {  	[smem:$0x3FB0] =	sst s8  }
0x11: {  	[smem:$0x3FB1] =	sst s9;
	s0 =	simm.s32 @!p0 $0x0  }
0x12: {  	s1 =	sld [smem:$0x3F97];
	s0 =	simm.s32 @p0 $0x1  }
0x13: {  	[smem:$0x3FB2] =	sst s0;
	s0 =	simm.s32 @!p1 $0x0  }
0x14: {  	s2 =	sld [smem:$0x3F96];
	s0 =	simm.s32 @p1 $0x1  }
0x15: {  	[smem:$0x3FB3] =	sst s0;
	s0 =	simm.s32 @!p2 $0x0  }
0x16: {  	s3 =	sld [smem:$0x3FDB];
	s0 =	simm.s32 @p2 $0x1  }
0x17: {  	s4 =	simm.s32 $0x1BF5;
	[smem:$0x3FB5] =	sst s0  }
0x18: {  	s0 =	sld [smem:$0x3F98];
	_ =	swait.ge [sflag:s4], $0x0  }
0x19: {  	s7 =	sld [smem:$0x3F99]  }
0x1a: {  	s8 =	sadd.s32 $0xFFFFE003, lr  }
0x1b: {  	s9 =	sadd.s32 $0xFFFFFEF7, lr;
	s5 =	simm.s32 $0xFFFFFFFF;
	p2 =	slt.u32 s8, $0xFFFFF086  }
0x1c: {  	p1 =	slt.u32 s9, $0xF7A;
	s5 =	simm.s32 @!p2 $0x0  }
0x1d: {  	s5 =	simm.s32 @p1 $0x1;
	p0 =	seq.s32 s7, s2  }
0x1e: {  	s7 =	smul.u32 @!p0 $0xF7A, s2;
	p2 =	seq.s32 @!p0 s5, $0x0  }
0x1f: {  	s9 =	smul.u32 $0xF7A, s1;
	s8 =	simm.s32 @!p0 $0x1BF5;
	p2 =	por !p2, p0  }
0x20: {  	[sflag:s8] =	ssyncset.s32 @!p0 $0xFFFFF086;
	s6 =	sadd.s32 @!p0 s3, s7;
	s7 =	simm.s32 @!p0 $0x108  }
0x21: {  	s3 =	sadd.s32 s3, s9;
	s6 =	sadd.s32 @!p0 $0x88, s6;
	s7 =	simm.s32 @p2 $0x1082  }
0x22: {  	[simem:s7], [sflag:s8] =	dma.local @!p0 [hbm:s6], $0xF7A  }
0x23: {  	s9 =	sor.u32 $0xD0000000, s2;
	s6 =	simm.s32 $0x108;
	_ =	swait.ge @!p0 [sflag:s8], $0x0  }
0x24: {  	s3 =	sadd.s32 $0x88, s3;
	s6 =	simm.s32 @!p1 $0x1082;
	[sflag:s4] =	ssyncset.s32 $0xFFFFF086  }
0x25: {  	[simem:s6], [sflag:s4] =	dma.local [hbm:s3], $0xF7A  }
0x26: {  	[smem:$0x3F99] =	sst s1;
	(tag) =	ssettag s2;
	_ =	strace s9  }
0x27: {  	s1 =	sld [smem:$0x3FA9]  }
0x28: {  	s2 =	sld [smem:$0x3FAA]  }
0x29: {  	s4 =	sld [smem:$0x3FAC]  }
0x2a: {  	p0 =	seq.s32 s5, $0x0;
	s5 =	sld [smem:$0x3FAD]  }
0x2b: {  	s6 =	sld [smem:$0x3FAE]  }
0x2c: {  	s7 =	sld [smem:$0x3FAF]  }
0x2d: {  	s3 =	simm.s32 $0x108;
	s8 =	sld [smem:$0x3FB0]  }
0x2e: {  	s3 =	simm.s32 @!p0 $0x1082;
	s9 =	sld [smem:$0x3FB1]  }
0x2f: {  	lr =	sadd.s32 s0, s3;
	s0 =	sld [smem:$0x3FA8]  }
0x30: {  	s3 =	sld [smem:$0x3FAB]  }
0x31: {  	[smem:$0x3FB4] =	sst s10  }
0x32: {  	s10 =	sld [smem:$0x3FB2];
	_ =	sdelay $0x3  }
0x33: {  	p0 =	seq.s32 s10, $0x1;
	s10 =	sld [smem:$0x3FB4];
	_ =	sdelay $0x3  }
0x34: {  	[smem:$0x3FB4] =	sst s10  }
0x35: {  	s10 =	sld [smem:$0x3FB3];
	_ =	sdelay $0x3  }
0x36: {  	p1 =	seq.s32 s10, $0x1;
	s10 =	sld [smem:$0x3FB4];
	_ =	sdelay $0x3  }
0x37: {  	[smem:$0x3FB4] =	sst s10  }
0x38: {  	s10 =	sld [smem:$0x3FB5]  }
0x39: {  	_ = 	snop;
	(pc) =	sbr.ind lr, $3  }
0x3a: {  	_ = 	snop  }
0x3b: {  	_ = 	snop  }
0x3c: {  	p2 =	seq.s32 s10, $0x1;
	s10 =	sld [smem:$0x3FB4]  }
0x3d: {  	_ =	shalt  }
0x3e: {  	_ =	shalt  }
0x3f: {  	_ =	shalt  }
0x40: {  	_ =	shalt  }
0x41: {  	_ =	shalt  }
0x42: {  	_ =	shalt  }
0x43: {  	_ =	shalt  }
0x44: {  	_ =	shalt  }
0x45: {  	_ =	shalt  }
0x46: {  	_ =	shalt  }
0x47: {  	_ =	shalt  }
0x48: {  	_ =	shalt  }
0x49: {  	_ =	shalt  }
0x4a: {  	_ =	shalt  }
0x4b: {  	_ =	shalt  }
0x4c: {  	_ =	shalt  }
0x4d: {  	_ =	shalt  }
0x4e: {  	_ =	shalt  }
0x4f: {  	_ =	shalt  }
0x50: {  	_ =	shalt  }
0x51: {  	_ =	shalt  }
0x52: {  	_ =	shalt  }
0x53: {  	_ =	shalt  }
0x54: {  	_ =	shalt  }
0x55: {  	_ =	shalt  }
0x56: {  	_ =	shalt  }
0x57: {  	_ =	shalt  }
0x58: {  	_ =	shalt  }
0x59: {  	_ =	shalt  }
0x5a: {  	_ =	shalt  }
0x5b: {  	_ =	shalt  }
0x5c: {  	_ =	shalt  }
0x5d: {  	_ =	shalt  }
0x5e: {  	_ =	shalt  }
0x5f: {  	_ =	shalt  }
0x60: {  	_ =	shalt  }
0x61: {  	_ =	shalt  }
0x62: {  	_ =	shalt  }
0x63: {  	_ =	shalt  }
0x64: {  	_ =	shalt  }
0x65: {  	_ =	shalt  }
0x66: {  	_ =	shalt  }
0x67: {  	_ =	shalt  }
0x68: {  	_ =	shalt  }
0x69: {  	_ =	shalt  }
0x6a: {  	_ =	shalt  }
0x6b: {  	_ =	shalt  }
0x6c: {  	_ =	shalt  }
0x6d: {  	_ =	shalt  }
0x6e: {  	_ =	shalt  }
0x6f: {  	_ =	shalt  }
0x70: {  	_ =	shalt  }
0x71: {  	_ =	shalt  }
0x72: {  	_ =	shalt  }
0x73: {  	_ =	shalt  }
0x74: {  	_ =	shalt  }
0x75: {  	_ =	shalt  }
0x76: {  	_ =	shalt  }
0x77: {  	_ =	shalt  }
0x78: {  	_ =	shalt  }
0x79: {  	_ =	shalt  }
0x7a: {  	_ =	shalt  }
0x7b: {  	_ =	shalt  }
0x7c: {  	_ =	shalt  }
0x7d: {  	_ =	shalt  }
0x7e: {  	_ =	shalt  }
0x7f: {  	_ =	shalt  }
0x80: {  	_ =	shalt  }
0x81: {  	_ =	shalt  }
0x82: {  	_ =	shalt  }
0x83: {  	_ =	shalt  }
0x84: {  	_ =	shalt  }
0x85: {  	_ =	shalt  }
0x86: {  	_ =	shalt  }
0x87: {  	_ =	shalt  }
.Lfunc_end0:
.L_simem_size_0:
called_computation_lowered:
.L_overlay_start_0:
0x88: {  	s2 =	sld [smem:$0x3FD9]  }
0x89: {  	s3 =	sld [smem:$0x3FFE];
	_ =	sdelay $0x1  }
0x8a: {  	s1 =	srdreg.scid  }
0x8b: {  	s0 =	sand.u32 $0x1, s1  }
0x8c: {  	s16 =	sshll.u32 s0, $0xA;
	s2 =	sadd.s32 s3, s2  }
0x8d: {  	s2 =	sadd.s32 s2, s16  }
0x8e: {  	[smem:$0x3FC0] =	sst s2  }
0x8f: {  	_ = 	snop  }
0x90: {  	(tm) =	ssettm $0x1  }
0x91: {  	s17 =	sld [smem:$0x3FFB];
	_ =	sdelay $0x3  }
0x92: {  	_ =	strace s17  }
0x93: {  	s2 =	sld [smem:$0x3FFC];
	_ =	sdelay $0x3  }
0x94: {  	_ =	strace s2  }
0x95: {  	s2 =	sld [smem:$0x3FFD];
	_ =	sdelay $0x3  }
0x96: {  	_ =	strace s2  }
0x97: {  	_ =	strace $0x8FFFFFFF  }
0x98: {  	s18 =	sld [smem:$0x3FDB];
	_ =	sdelay $0x1  }
0x99: {  	s19 =	simm.s32 $_scs_section_size  }
0x9a: {  	s4 =	simm.s32 $_size__tile_overlayer_lowered;
	s5 =	simm.s32 $_tile_overlayer_lowered  }
0x9b: {  	s22 =	simm.s32 $0x1BFF;
	s21 =	sshll.u32 s5, $0x1;
	s2 =	sadd.s32 s19, s18  }
0x9c: {  	s6 =	simm.s32 $0x0;
	s20 =	sshll.u32 s4, $0x1;
	s4 =	sadd.s32 s21, s2  }
0x9d: {  	[timem:s6], [sflag:s22] =	dma.local [hbm:s4], s20  }
0x9e: {  	_ =	swait.ge [sflag:s22], s20  }
0x9f: {  	s3 =	ssub.s32 $0x0, s20;
	[sflag:s22] =	ssyncset.done $0x0  }
0xa0: {  	[sflag:s22] =	ssyncadd.s32 s3;
	_ =	sdelay $0x1  }
0xa1: {  	s23 =	simm.s32 $0x1B8B  }
0xa2: {  	_ =	swait.ge [sflag:s23], $0x1  }
0xa3: {  	[sflag:s23] =	ssyncset.done $0x0  }
0xa4: {  	s25 =	simm.s32 $0x1B8E;
	s24 =	sld [smem:$0x3FFE];
	[sflag:s23] =	ssyncadd.s32 $0xFFFFFFFF  }
0xa5: {  	s26 =	simm.s32 $execute0_lowered;
	[smem:$0x3FD2] =	sst s25  }
0xa6: {  	s4 =	sshll.u32 s26, $0x1;
	_ =	strace $0x80000046;
	[dreg:$0x1] =	wrdreg $0xFFFFFFFF  }
0xa7: {  	s28 =	simm.s32 $_size_execute0_lowered;
	s2 =	sadd.s32 s2, s4;
	[dreg:$0x0] =	wrdreg $0x0  }
0xa8: {  	s4 =	sshll.u32 s28, $0x1;
	[dreg:$0x2] =	wrdreg s2  }
0xa9: {  	[dreg:$0x3] =	wrdreg s4  }
0xaa: {  	[dreg:$0x4] =	wrdreg $0xC0  }
0xab: {  	_ =	task [dreg:s6], $0x5FFFF  }
0xac: {  	[dreg:$0x1] =	wrdreg $0xFFFFFFFF  }
0xad: {  	[dreg:$0x0] =	wrdreg $0x60  }
0xae: {  	[dreg:$0x2] =	wrdreg s24  }
0xaf: {  	[dreg:$0x3] =	wrdreg $0x7B200  }
0xb0: {  	[dreg:$0x4] =	wrdreg $0xA3200  }
0xb1: {  	[dreg:$0x5] =	wrdreg $0x9  }
0xb2: {  	_ =	task.clear_ibuf [dreg:s6], $0x6FFFF;
	_ =	strace $0x90000046  }
0xb3: {  	s29 =	simm.s32 $0x9;
	_ =	strace $0x80000048  }
0xb4: {  	_ =	swait.ge [sflag:s29], $0x1  }
0xb5: {  	[sflag:s29] =	ssyncadd.s32 $0xFFFFFFFF  }
0xb6: {  	_ =	strace $0x90000048  }
0xb7: {  	_ =	sfence  }
0xb8: {  	s30 =	sld [smem:$0x0];
	_ =	sdelay $0x2  }
0xb9: {  	s31 =	sshll.u32 s1, $0xD;
	s1 =	sshrl.u32 s1, $0x2  }
0xba: {  	s3 =	sand.u32 $0x4000, s31;
	s1 =	sadd.s32 s1, s30  }
0xbb: {  	s0 =	sor.u32 s3, s0;
	s1 =	sshll.u32 s1, $0x11  }
0xbc: {  	s0 =	sor.u32 s1, s0  }
0xbd: {  	s0 =	sadd.s32 $0x8F2B, s0  }
0xbe: {  	[sflag:s0] =	ssyncadd.remote.s32 $0x1  }
0xbf: {  	_ =	sfence.sel $0xFFFF  }
0xc0: {  	[dreg:$0x0] =	wrdreg $0xFFFFFFFF;
	(pc) =	sbr.abs _section_cstart, $3  }
0xc1: {  	[dreg:$0x1] =	wrdreg $0xFFFFFFFF  }
0xc2: {  	_ =	task.clear_ibuf [dreg:s6], $0x2FFFF;
	_ =	strace $0x9FFFFFFF  }
0xc3: {  	(tm) =	ssettm $0x7FFFFFFF  }
tec
execute0_lowered:
.L_overlay_start_1:
0x0: {  	(tag) =	ssettag $0x1  }
0x1: {  	s7 =	rddreg [dreg:$0x0]  }
0x2: {  	s1 =	srdreg.scid;
	s2 =	rddreg [dreg:$0x1]  }
0x3: {  	s0 =	stileid.u32;
	s3 =	rddreg [dreg:$0x2]  }
0x4: {  	s4 =	simm.s32 $0x0;
	s14 =	simm.s32 $0x5320;
	s15 =	simm.s32 $0x1  }
0x5: {  	s16 =	simm.s32 $0x4E20;
	s17 =	simm.s32 $0x2710;
	s18 =	simm.s32 $0x50  }
0x6: {  	s22 =	simm.s32 $0x0;
	s6 =	sand.u32 $0x1, s1;
	s30 =	sshll.u32 s0, $0x1  }
0x7: {  	s8 =	smul.u32 $0x2800, s0;
	[smem:$0x7FF] =	sst s4;
	s19 =	sshll.u32 s0, $0x6  }
0x8: {  	s1 =	sor.u32 s6, s30;
	s9 =	smul.u32 $0x50000, s6;
	s11 =	ssub.s32 $0x2, s6  }
0x9: {  	s6 =	sadd.s32 $0x16400, s7;
	s19 =	sor.u32 $0x1C01, s19;
	s5 =	smul.u32 $0x4E2, s1  }
0xa: {  	s1 =	rddreg [dreg:$0x3];
	_ =	strace $0x80000047;
	s31 =	sshrl.u32 s11, $0x1  }
0xb: {  	s9 =	sadd.s32 s8, s9;
	s13 =	ssub.s32 s11, s31;
	s10 =	sadd.s32 s5, s7  }
0xc: {  	s5 =	sadd.s32 $0x16A00, s7;
	s9 =	sshrl.u32 s9, $0x3;
	s13 =	smax.u32 s13, $0x1  }
0xd: {  	s12 =	sadd.s32 s9, s7;
	s7 =	sadd.s32 s8, s2;
	s8 =	sadd.s32 s8, s3  }
0xe: {  	s9 =	sadd.s32 $0xC600, s10;
	s10 =	sadd.s32 $0x2800, s10;
	s11 =	sadd.s32 $0x16C00, s12  }
0xf: {  	s12 =	sadd.s32 $0x1BC00, s12;
	s20 =	sshrl.u32 s7, $0x3;
	s21 =	sshrl.u32 s8, $0x3  }
.LBB2_1:
0x10: {  	[tilespmem:s14], [sflag:$0x1] =	stream.linear.gather [hbm4b:s6+s4], $0x2800, $0x38;
	[tilespmem:$0xCB20] =	vst v63  }
0x11: {  	_ =	swait.ge [sflag:s15], $0x2800  }
0x12: {  	[sflag:s15] =	ssyncset.done $0x0  }
0x13: {  	[sflag:s15] =	ssyncadd.s32 $0xFFFFD800  }
0x14: {  	[spmem:s7] =	stream.linear.scatter [tilespmem:s14], [sflag:$0x1], $0x2800, $0x38;
	[tilespmem:$0xCB20] =	vst v63  }
0x15: {  	_ =	swait.ge [sflag:s15], $0x2800  }
0x16: {  	[sflag:s15] =	ssyncset.done $0x0  }
0x17: {  	[sflag:s15] =	ssyncadd.s32 $0xFFFFD800  }
0x18: {  	[spmem:s8] =	stream.linear.scatter [tilespmem:s14], [sflag:$0x1], $0x2800, $0x38;
	[tilespmem:$0xCB20] =	vst v63  }
0x19: {  	_ =	swait.ge [sflag:s15], $0x2800  }
0x1a: {  	[sflag:s15] =	ssyncset.done $0x0  }
0x1b: {  	[sflag:s15] =	ssyncadd.s32 $0xFFFFD800  }
0x1c: {  	[tilespmem:s16], [sflag:$0x1] =	stream.linear.gather [hbm4b:s5+s4], $0x500, $0x38;
	[tilespmem:$0xCB20] =	vst v63  }
0x1d: {  	_ =	swait.ge [sflag:s15], $0x500  }
0x1e: {  	[sflag:s15] =	ssyncset.done $0x0  }
0x1f: {  	[sflag:s15] =	ssyncadd.s32 $0xFFFFFB00  }
0x20: {  	[tilespmem:s4], [sflag:$0x1] =	stream.linear.gather [hbm4b:s9+s4], $0x2710, $0x38;
	[tilespmem:$0xCB20] =	vst v63  }
0x21: {  	_ =	swait.ge [sflag:s15], $0x2710  }
0x22: {  	[sflag:s15] =	ssyncset.done $0x0  }
0x23: {  	[sflag:s15] =	ssyncadd.s32 $0xFFFFD8F0  }
0x24: {  	[tilespmem:s17], [sflag:$0x1] =	stream.linear.gather [hbm4b:s10+s4], $0x2710, $0x38;
	[tilespmem:$0xCB20] =	vst v63  }
0x25: {  	_ =	swait.ge [sflag:s15], $0x2710  }
0x26: {  	[sflag:s15] =	ssyncset.done $0x0  }
0x27: {  	[sflag:s15] =	ssyncadd.s32 $0xFFFFD8F0  }
0x28: {  	s23 =	simm.s32 $0x0;
	[bflag:$0x0] =	sbarrier.arrive $0xFFFF  }
0x29: {  	[spmem:s2] =	stream.indirect.scatter.add.f32 [tilespmem:s16], [sflag:$0x1], $0x10, s23, s18, $0xb8;
	[tilespmem:$0xCB20] =	vst v63  }
0x2a: {  	_ =	swait.ge [sflag:s15], $0x500  }
0x2b: {  	[sflag:s15] =	ssyncset.done $0x0  }
0x2c: {  	s31 =	simm.s32 $0x2710;
	[sflag:s15] =	ssyncadd.s32 $0xFFFFFB00  }
0x2d: {  	[spmem:s3] =	stream.indirect.scatter.add.f32 [tilespmem:s16], [sflag:$0x1], $0x10, s31, s18, $0xb8;
	[tilespmem:$0xCB20] =	vst v63  }
0x2e: {  	_ =	swait.ge [sflag:s15], $0x500  }
0x2f: {  	s24 =	simm.s32 $0x280;
	s23 =	simm.s32 $0x140;
	[sflag:s15] =	ssyncset.done $0x0  }
.LBB2_2:
0x30: {  	s25 =	sshra.s32 s23, $0x2  }
0x31: {  	[sflag:s15] =	ssyncadd.s32 $0xFFFFFB00;
	s23 =	smov.u32 s24;
	s26 =	sadd.s32 $0x140, s24  }
0x32: {  	[spmem:s2] =	stream.indirect.scatter.add.f32 [tilespmem:s16], [sflag:$0x1], $0x10, s25, s18, $0xb8;
	[tilespmem:$0xCB20] =	vst v63  }
0x33: {  	p0 =	sne.s32 s24, $0x9B00;
	_ =	swait.ge [sflag:s15], $0x500  }
.Ltmp0:
0x34: {  	[sflag:s15] =	ssyncset.done $0x0;
	(pc) =	sbr.rel @p0 .LBB2_2-.Ltmp0, $4  }
0x35: {  	s24 =	sadd.s32 $0x2710, s25;
	[sflag:s15] =	ssyncadd.s32 $0xFFFFFB00  }
0x36: {  	[spmem:s3] =	stream.indirect.scatter.add.f32 [tilespmem:s16], [sflag:$0x1], $0x10, s24, s18, $0xb8;
	[tilespmem:$0xCB20] =	vst v63  }
0x37: {  	_ =	swait.ge [sflag:s15], $0x500  }
0x38: {  	s24 =	smov.u32 s26;
	[sflag:s15] =	ssyncset.done $0x0  }
0x39: {  	s23 =	sshra.s32 s23, $0x2;
	[sflag:s15] =	ssyncadd.s32 $0xFFFFFB00  }
0x3a: {  	[spmem:s2] =	stream.indirect.scatter.add.f32 [tilespmem:s16], [sflag:$0x1], $0x10, s23, s18, $0xb8;
	[tilespmem:$0xCB20] =	vst v63  }
0x3b: {  	_ =	swait.ge [sflag:s15], $0x500  }
0x3c: {  	[sflag:s15] =	ssyncset.done $0x0  }
0x3d: {  	s23 =	sadd.s32 $0x2710, s23;
	[sflag:s15] =	ssyncadd.s32 $0xFFFFFB00  }
0x3e: {  	[spmem:s3] =	stream.indirect.scatter.add.f32 [tilespmem:s16], [sflag:$0x1], $0x10, s23, s18, $0xb8;
	[tilespmem:$0xCB20] =	vst v63  }
0x3f: {  	_ =	swait.ge [sflag:s15], $0x500  }
0x40: {  	[sflag:s15] =	ssyncset.done $0x0  }
0x41: {  	[sflag:s15] =	ssyncadd.s32 $0xFFFFFB00  }
0x42: {  	[bflag:$0x0] =	sbarrier.arrive $0xFFFF  }
0x43: {  	[hbm:s11], [sflag:s19] =	dma.local [spmem:s20], $0x500  }
0x44: {  	s22 =	sadd.s32 $0x1, s22;
	_ =	swait.ge [sflag:s15], $0x500  }
0x45: {  	p0 =	sne.s32 s22, s13;
	[sflag:s15] =	ssyncset.done $0x0  }
.Ltmp1:
0x46: {  	[sflag:s15] =	ssyncadd.s32 $0xFFFFFB00;
	(pc) =	sbr.rel @p0 .LBB2_1-.Ltmp1, $4  }
0x47: {  	[hbm:s12], [sflag:s19] =	dma.local [spmem:s21], $0x500  }
0x48: {  	_ =	swait.ge [sflag:s15], $0x500  }
0x49: {  	[sflag:s15] =	ssyncset.done $0x0  }
0x4a: {  	[sflag:s15] =	ssyncadd.s32 $0xFFFFFB00  }
0x4b: {  	_ =	sfence.sel $0x180000  }
0x4c: {  	[bflag:$0x0] =	sbarrier.arrive $0xFFFF  }
0x4d: {  	p0 =	sne.s32 s0, $0x0;
	_ =	strace $0x90000047  }
0x4e: {  	s0 =	sadd.s32 @!p0 $0x100000, s1;
	[bflag:$0x2] =	sbarrier.arrive $0xFFFF  }
0x4f: {  	[sflag:s0] =	ssyncadd.tile.s32 @!p0 $0x1;
	_ =	shalt  }
.Lfunc_end2:
_tile_overlayer_lowered:
.L_overlay_start_2:
0x50: {  	(tag) =	ssettag $0x2  }
0x51: {  	s0 =	rddreg [dreg:$0x0];
	s2 =	stileid.u32  }
0x52: {  	s1 =	rddreg [dreg:$0x1];
	p0 =	sne.s32 s2, $0x0  }
0x53: {  	s3 =	rddreg [dreg:$0x2];
	[bflag:$0x3] =	sbarrier.arrive $0xFFFF;
	s2 =	simm.s32 @!p0 $0x1C01  }
0x54: {  	[timem:s3], [sflag:s2] =	dma.local @!p0 [hbm:s0], s1  }
0x55: {  	s0 =	simm.s32 @!p0 $0x1  }
0x56: {  	_ =	swait.ge @!p0 [sflag:s0], s1  }
0x57: {  	s1 =	ssub.s32 @!p0 $0x0, s1;
	[sflag:s0] =	ssyncset.done @!p0 $0x0  }
0x58: {  	[sflag:s0] =	ssyncadd.s32 @!p0 s1  }
0x59: {  	[bflag:$0x3] =	sbarrier.arrive $0xFFFF  }
0x5a: {  	_ =	shalt  }

// kernel: kernel.14.cloned.1.call-start
scs
__scs_entry_jumppad:
0x0: {  	(pc) =	sbr.rel $0x88, $3  }
0x1: {  	(tag) =	ssettag $0x0;
	lr =	simm.s32 $0x1  }
0x2: {  	[smem:$0x3F99] =	sst lr;
	_ =	strace $0xD0000000  }
0x3: {  	_ = 	snop  }
0x4: {  	_ = 	snop  }
0x5: {  	_ = 	snop  }
0x6: {  	_ = 	snop  }
0x7: {  	_ = 	snop  }
__scs_overlays_trampoline_lowered:
0x8: {  	[smem:$0x3FA8] =	sst s0  }
0x9: {  	[smem:$0x3FA9] =	sst s1  }
0xa: {  	[smem:$0x3FAA] =	sst s2  }
0xb: {  	[smem:$0x3FAB] =	sst s3  }
0xc: {  	[smem:$0x3FAC] =	sst s4  }
0xd: {  	[smem:$0x3FAD] =	sst s5  }
0xe: {  	[smem:$0x3FAE] =	sst s6  }
0xf: {  	[smem:$0x3FAF] =	sst s7  }
0x10: {  	[smem:$0x3FB0] =	sst s8  }
0x11: {  	[smem:$0x3FB1] =	sst s9;
	s0 =	simm.s32 @!p0 $0x0  }
0x12: {  	s1 =	sld [smem:$0x3F97];
	s0 =	simm.s32 @p0 $0x1  }
0x13: {  	[smem:$0x3FB2] =	sst s0;
	s0 =	simm.s32 @!p1 $0x0  }
0x14: {  	s2 =	sld [smem:$0x3F96];
	s0 =	simm.s32 @p1 $0x1  }
0x15: {  	[smem:$0x3FB3] =	sst s0;
	s0 =	simm.s32 @!p2 $0x0  }
0x16: {  	s3 =	sld [smem:$0x3FDB];
	s0 =	simm.s32 @p2 $0x1  }
0x17: {  	s4 =	simm.s32 $0x1BF5;
	[smem:$0x3FB5] =	sst s0  }
0x18: {  	s0 =	sld [smem:$0x3F98];
	_ =	swait.ge [sflag:s4], $0x0  }
0x19: {  	s7 =	sld [smem:$0x3F99]  }
0x1a: {  	s8 =	sadd.s32 $0xFFFFE003, lr  }
0x1b: {  	s9 =	sadd.s32 $0xFFFFFEF7, lr;
	s5 =	simm.s32 $0xFFFFFFFF;
	p2 =	slt.u32 s8, $0xFFFFF086  }
0x1c: {  	p1 =	slt.u32 s9, $0xF7A;
	s5 =	simm.s32 @!p2 $0x0  }
0x1d: {  	s5 =	simm.s32 @p1 $0x1;
	p0 =	seq.s32 s7, s2  }
0x1e: {  	s7 =	smul.u32 @!p0 $0xF7A, s2;
	p2 =	seq.s32 @!p0 s5, $0x0  }
0x1f: {  	s9 =	smul.u32 $0xF7A, s1;
	s8 =	simm.s32 @!p0 $0x1BF5;
	p2 =	por !p2, p0  }
0x20: {  	[sflag:s8] =	ssyncset.s32 @!p0 $0xFFFFF086;
	s6 =	sadd.s32 @!p0 s3, s7;
	s7 =	simm.s32 @!p0 $0x108  }
0x21: {  	s3 =	sadd.s32 s3, s9;
	s6 =	sadd.s32 @!p0 $0x88, s6;
	s7 =	simm.s32 @p2 $0x1082  }
0x22: {  	[simem:s7], [sflag:s8] =	dma.local @!p0 [hbm:s6], $0xF7A  }
0x23: {  	s9 =	sor.u32 $0xD0000000, s2;
	s6 =	simm.s32 $0x108;
	_ =	swait.ge @!p0 [sflag:s8], $0x0  }
0x24: {  	s3 =	sadd.s32 $0x88, s3;
	s6 =	simm.s32 @!p1 $0x1082;
	[sflag:s4] =	ssyncset.s32 $0xFFFFF086  }
0x25: {  	[simem:s6], [sflag:s4] =	dma.local [hbm:s3], $0xF7A  }
0x26: {  	[smem:$0x3F99] =	sst s1;
	(tag) =	ssettag s2;
	_ =	strace s9  }
0x27: {  	s1 =	sld [smem:$0x3FA9]  }
0x28: {  	s2 =	sld [smem:$0x3FAA]  }
0x29: {  	s4 =	sld [smem:$0x3FAC]  }
0x2a: {  	p0 =	seq.s32 s5, $0x0;
	s5 =	sld [smem:$0x3FAD]  }
0x2b: {  	s6 =	sld [smem:$0x3FAE]  }
0x2c: {  	s7 =	sld [smem:$0x3FAF]  }
0x2d: {  	s3 =	simm.s32 $0x108;
	s8 =	sld [smem:$0x3FB0]  }
0x2e: {  	s3 =	simm.s32 @!p0 $0x1082;
	s9 =	sld [smem:$0x3FB1]  }
0x2f: {  	lr =	sadd.s32 s0, s3;
	s0 =	sld [smem:$0x3FA8]  }
0x30: {  	s3 =	sld [smem:$0x3FAB]  }
0x31: {  	[smem:$0x3FB4] =	sst s10  }
0x32: {  	s10 =	sld [smem:$0x3FB2];
	_ =	sdelay $0x3  }
0x33: {  	p0 =	seq.s32 s10, $0x1;
	s10 =	sld [smem:$0x3FB4];
	_ =	sdelay $0x3  }
0x34: {  	[smem:$0x3FB4] =	sst s10  }
0x35: {  	s10 =	sld [smem:$0x3FB3];
	_ =	sdelay $0x3  }
0x36: {  	p1 =	seq.s32 s10, $0x1;
	s10 =	sld [smem:$0x3FB4];
	_ =	sdelay $0x3  }
0x37: {  	[smem:$0x3FB4] =	sst s10  }
0x38: {  	s10 =	sld [smem:$0x3FB5]  }
0x39: {  	_ = 	snop;
	(pc) =	sbr.ind lr, $3  }
0x3a: {  	_ = 	snop  }
0x3b: {  	_ = 	snop  }
0x3c: {  	p2 =	seq.s32 s10, $0x1;
	s10 =	sld [smem:$0x3FB4]  }
0x3d: {  	_ =	shalt  }
0x3e: {  	_ =	shalt  }
0x3f: {  	_ =	shalt  }
0x40: {  	_ =	shalt  }
0x41: {  	_ =	shalt  }
0x42: {  	_ =	shalt  }
0x43: {  	_ =	shalt  }
0x44: {  	_ =	shalt  }
0x45: {  	_ =	shalt  }
0x46: {  	_ =	shalt  }
0x47: {  	_ =	shalt  }
0x48: {  	_ =	shalt  }
0x49: {  	_ =	shalt  }
0x4a: {  	_ =	shalt  }
0x4b: {  	_ =	shalt  }
0x4c: {  	_ =	shalt  }
0x4d: {  	_ =	shalt  }
0x4e: {  	_ =	shalt  }
0x4f: {  	_ =	shalt  }
0x50: {  	_ =	shalt  }
0x51: {  	_ =	shalt  }
0x52: {  	_ =	shalt  }
0x53: {  	_ =	shalt  }
0x54: {  	_ =	shalt  }
0x55: {  	_ =	shalt  }
0x56: {  	_ =	shalt  }
0x57: {  	_ =	shalt  }
0x58: {  	_ =	shalt  }
0x59: {  	_ =	shalt  }
0x5a: {  	_ =	shalt  }
0x5b: {  	_ =	shalt  }
0x5c: {  	_ =	shalt  }
0x5d: {  	_ =	shalt  }
0x5e: {  	_ =	shalt  }
0x5f: {  	_ =	shalt  }
0x60: {  	_ =	shalt  }
0x61: {  	_ =	shalt  }
0x62: {  	_ =	shalt  }
0x63: {  	_ =	shalt  }
0x64: {  	_ =	shalt  }
0x65: {  	_ =	shalt  }
0x66: {  	_ =	shalt  }
0x67: {  	_ =	shalt  }
0x68: {  	_ =	shalt  }
0x69: {  	_ =	shalt  }
0x6a: {  	_ =	shalt  }
0x6b: {  	_ =	shalt  }
0x6c: {  	_ =	shalt  }
0x6d: {  	_ =	shalt  }
0x6e: {  	_ =	shalt  }
0x6f: {  	_ =	shalt  }
0x70: {  	_ =	shalt  }
0x71: {  	_ =	shalt  }
0x72: {  	_ =	shalt  }
0x73: {  	_ =	shalt  }
0x74: {  	_ =	shalt  }
0x75: {  	_ =	shalt  }
0x76: {  	_ =	shalt  }
0x77: {  	_ =	shalt  }
0x78: {  	_ =	shalt  }
0x79: {  	_ =	shalt  }
0x7a: {  	_ =	shalt  }
0x7b: {  	_ =	shalt  }
0x7c: {  	_ =	shalt  }
0x7d: {  	_ =	shalt  }
0x7e: {  	_ =	shalt  }
0x7f: {  	_ =	shalt  }
0x80: {  	_ =	shalt  }
0x81: {  	_ =	shalt  }
0x82: {  	_ =	shalt  }
0x83: {  	_ =	shalt  }
0x84: {  	_ =	shalt  }
0x85: {  	_ =	shalt  }
0x86: {  	_ =	shalt  }
0x87: {  	_ =	shalt  }
.Lfunc_end0:
.L_simem_size_0:
called_computation.1_lowered:
.L_overlay_start_0:
0x88: {  	s2 =	sld [smem:$0x3FD9]  }
0x89: {  	s3 =	sld [smem:$0x3FFE];
	_ =	sdelay $0x1  }
0x8a: {  	s1 =	srdreg.scid  }
0x8b: {  	s0 =	sand.u32 $0x1, s1  }
0x8c: {  	s17 =	sshll.u32 s0, $0xA;
	s2 =	sadd.s32 s3, s2  }
0x8d: {  	s2 =	sadd.s32 s2, s17  }
0x8e: {  	[smem:$0x3FC0] =	sst s2  }
0x8f: {  	_ = 	snop  }
0x90: {  	s2 =	sld [smem:$0x3FD0];
	(tm) =	ssettm $0x1  }
0x91: {  	s18 =	sld [smem:$0x3FFB];
	_ =	sdelay $0x3  }
0x92: {  	_ =	strace s18  }
0x93: {  	s3 =	sld [smem:$0x3FFC];
	_ =	sdelay $0x3  }
0x94: {  	_ =	strace s3  }
0x95: {  	s3 =	sld [smem:$0x3FFD];
	_ =	sdelay $0x3  }
0x96: {  	_ =	strace s3  }
0x97: {  	_ =	strace $0x8FFFFFFF  }
0x98: {  	s19 =	sld [smem:$0x3FDB];
	_ =	sdelay $0x1  }
0x99: {  	s4 =	simm.s32 $_scs_section_size  }
0x9a: {  	s5 =	simm.s32 $_size__tile_overlayer_lowered;
	s6 =	simm.s32 $_tile_overlayer_lowered  }
0x9b: {  	s22 =	simm.s32 $0x1BFF;
	s21 =	sshll.u32 s6, $0x1;
	s3 =	sadd.s32 s4, s19  }
0x9c: {  	s7 =	simm.s32 $0x0;
	s20 =	sshll.u32 s5, $0x1;
	s5 =	sadd.s32 s21, s3  }
0x9d: {  	[timem:s7], [sflag:s22] =	dma.local [hbm:s5], s20  }
0x9e: {  	_ =	swait.ge [sflag:s22], s20  }
0x9f: {  	s4 =	ssub.s32 $0x0, s20;
	[sflag:s22] =	ssyncset.done $0x0  }
0xa0: {  	[sflag:s22] =	ssyncadd.s32 s4;
	_ =	sdelay $0x1  }
0xa1: {  	s23 =	simm.s32 $0x1B8B  }
0xa2: {  	_ =	swait.ge [sflag:s23], $0x1  }
0xa3: {  	[sflag:s23] =	ssyncset.done $0x0  }
0xa4: {  	s25 =	simm.s32 $0x1B8E;
	s24 =	sld [smem:$0x3FFE];
	[sflag:s23] =	ssyncadd.s32 $0xFFFFFFFF  }
0xa5: {  	s26 =	simm.s32 $execute0_lowered;
	[smem:$0x3FD2] =	sst s25  }
0xa6: {  	s5 =	sshll.u32 s26, $0x1;
	_ =	strace $0x80000049;
	[dreg:$0x1] =	wrdreg $0xFFFFFFFF  }
0xa7: {  	s28 =	simm.s32 $_size_execute0_lowered;
	s3 =	sadd.s32 s3, s5;
	[dreg:$0x0] =	wrdreg $0x0  }
0xa8: {  	s5 =	sshll.u32 s28, $0x1;
	[dreg:$0x2] =	wrdreg s3  }
0xa9: {  	[dreg:$0x3] =	wrdreg s5  }
0xaa: {  	[dreg:$0x4] =	wrdreg $0xC0  }
0xab: {  	_ =	task [dreg:s7], $0x5FFFF  }
0xac: {  	[dreg:$0x1] =	wrdreg $0xFFFFFFFF  }
0xad: {  	[dreg:$0x0] =	wrdreg $0x60  }
0xae: {  	[dreg:$0x2] =	wrdreg s2  }
0xaf: {  	[dreg:$0x3] =	wrdreg s24  }
0xb0: {  	[dreg:$0x4] =	wrdreg $0x10C400  }
0xb1: {  	[dreg:$0x5] =	wrdreg $0x9  }
0xb2: {  	_ =	task.clear_ibuf [dreg:s7], $0x6FFFF;
	_ =	strace $0x90000049  }
0xb3: {  	s29 =	simm.s32 $0x9;
	_ =	strace $0x8000004B  }
0xb4: {  	_ =	swait.ge [sflag:s29], $0x1  }
0xb5: {  	[sflag:s29] =	ssyncadd.s32 $0xFFFFFFFF  }
0xb6: {  	_ =	strace $0x9000004B  }
0xb7: {  	_ =	sfence  }
0xb8: {  	s30 =	sld [smem:$0x0];
	_ =	sdelay $0x2  }
0xb9: {  	s31 =	sshll.u32 s1, $0xD;
	s1 =	sshrl.u32 s1, $0x2  }
0xba: {  	s3 =	sand.u32 $0x4000, s31;
	s1 =	sadd.s32 s1, s30  }
0xbb: {  	s0 =	sor.u32 s3, s0;
	s1 =	sshll.u32 s1, $0x11  }
0xbc: {  	s0 =	sor.u32 s1, s0  }
0xbd: {  	s0 =	sadd.s32 $0x8F2B, s0  }
0xbe: {  	[sflag:s0] =	ssyncadd.remote.s32 $0x1  }
0xbf: {  	_ =	sfence.sel $0xFFFF  }
0xc0: {  	[dreg:$0x0] =	wrdreg $0xFFFFFFFF;
	(pc) =	sbr.abs _section_cstart, $3  }
0xc1: {  	[dreg:$0x1] =	wrdreg $0xFFFFFFFF  }
0xc2: {  	_ =	task.clear_ibuf [dreg:s7], $0x2FFFF;
	_ =	strace $0x9FFFFFFF  }
0xc3: {  	(tm) =	ssettm $0x7FFFFFFF  }
tec
execute0_lowered:
.L_overlay_start_1:
0x0: {  	(tag) =	ssettag $0x1  }
0x1: {  	s1 =	rddreg [dreg:$0x0];
	s0 =	srdreg.scid  }
0x2: {  	s8 =	stileid.u32;
	s2 =	rddreg [dreg:$0x1]  }
0x3: {  	s3 =	rddreg [dreg:$0x2];
	s4 =	simm.s32 $0x0;
	s23 =	simm.s32 $0x50  }
0x4: {  	s24 =	simm.s32 $0x9C40;
	s25 =	simm.s32 $0xB040;
	s5 =	smul.u32 $0x4E20, s8  }
0x5: {  	s26 =	simm.s32 $0x1;
	s28 =	simm.s32 $0x2;
	s29 =	smul.u32 $0x500, s8  }
0x6: {  	s22 =	simm.s32 $0x0;
	s0 =	sand.u32 $0x1, s0;
	s14 =	smul.u32 $0xA000, s8  }
0x7: {  	[smem:$0x7FF] =	sst s4;
	s31 =	sshll.u32 s8, $0x6;
	s6 =	smul.u32 $0x4E200, s0  }
0x8: {  	_ =	strace $0x8000004A;
	s7 =	ssub.s32 $0x2, s0;
	s0 =	smul.u32 $0xA0000, s0  }
0x9: {  	s15 =	sadd.s32 s29, s2;
	s30 =	sshrl.u32 s7, $0x1;
	s16 =	sadd.s32 $0x2000, s14  }
0xa: {  	s17 =	sadd.s32 $0x4000, s14;
	s18 =	sadd.s32 $0x6000, s14;
	s19 =	sadd.s32 $0x8000, s14  }
0xb: {  	s6 =	sadd.s32 s5, s6;
	s5 =	sshrl.u32 s5, $0x3;
	s20 =	ssub.s32 s7, s30  }
0xc: {  	s7 =	sor.u32 $0x1C03, s31;
	s8 =	sadd.s32 s16, s3;
	s9 =	sadd.s32 s17, s3  }
0xd: {  	s10 =	sadd.s32 s18, s3;
	s11 =	sadd.s32 s19, s3;
	s16 =	sadd.s32 s0, s16  }
0xe: {  	s17 =	sadd.s32 s0, s17;
	s18 =	sadd.s32 s0, s18;
	s6 =	sshrl.u32 s6, $0x3  }
0xf: {  	s13 =	sadd.s32 s5, s2;
	s5 =	sadd.s32 $0x1B400, s2;
	s16 =	sshrl.u32 s16, $0x3  }
0x10: {  	s17 =	sshrl.u32 s17, $0x3;
	s18 =	sshrl.u32 s18, $0x3;
	s20 =	smax.u32 s20, $0x1  }
0x11: {  	s12 =	sadd.s32 s6, s2;
	s2 =	sadd.s32 $0xDE600, s2;
	s6 =	sadd.s32 s14, s3  }
0x12: {  	s14 =	sadd.s32 s14, s0;
	s13 =	sadd.s32 $0x2800, s13;
	s0 =	sadd.s32 s0, s19  }
0x13: {  	s12 =	sadd.s32 $0x2AC00, s12;
	s21 =	sshrl.u32 s14, $0x3;
	s14 =	sadd.s32 $0x16400, s15  }
0x14: {  	s16 =	sadd.s32 s2, s16;
	s17 =	sadd.s32 s2, s17;
	s18 =	sadd.s32 s2, s18  }
0x15: {  	s0 =	sshrl.u32 s0, $0x3;
	[dreg:$0x4] =	wrdreg s12;
	s15 =	sadd.s32 s2, s21  }
0x16: {  	s19 =	sadd.s32 s2, s0;
	s21 =	simm.s32 $0x3;
	s0 =	simm.s32 $0xEC40  }
.LBB2_1:
0x17: {  	s29 =	sshrl.u32 s6, $0x3  }
0x18: {  	[spmem:s29], [sflag:s7] =	dma.local [hbm:s5], $0x400  }
0x19: {  	_ =	swait.ge [sflag:s21], $0x400  }
0x1a: {  	[sflag:s21] =	ssyncset.done $0x0  }
0x1b: {  	s29 =	sshrl.u32 s8, $0x3;
	[sflag:s21] =	ssyncadd.s32 $0xFFFFFC00  }
0x1c: {  	[spmem:s29], [sflag:s7] =	dma.local [hbm:s5], $0x400  }
0x1d: {  	_ =	swait.ge [sflag:s21], $0x400  }
0x1e: {  	[sflag:s21] =	ssyncset.done $0x0  }
0x1f: {  	s29 =	sshrl.u32 s9, $0x3;
	[sflag:s21] =	ssyncadd.s32 $0xFFFFFC00  }
0x20: {  	[spmem:s29], [sflag:s7] =	dma.local [hbm:s5], $0x400  }
0x21: {  	_ =	swait.ge [sflag:s21], $0x400  }
0x22: {  	[sflag:s21] =	ssyncset.done $0x0  }
0x23: {  	s29 =	sshrl.u32 s10, $0x3;
	[sflag:s21] =	ssyncadd.s32 $0xFFFFFC00  }
0x24: {  	[spmem:s29], [sflag:s7] =	dma.local [hbm:s5], $0x400  }
0x25: {  	_ =	swait.ge [sflag:s21], $0x400  }
0x26: {  	[sflag:s21] =	ssyncset.done $0x0  }
0x27: {  	s29 =	sshrl.u32 s11, $0x3;
	[sflag:s21] =	ssyncadd.s32 $0xFFFFFC00  }
0x28: {  	[spmem:s29], [sflag:s7] =	dma.local [hbm:s5], $0x400  }
0x29: {  	_ =	swait.ge [sflag:s21], $0x400  }
0x2a: {  	[sflag:s21] =	ssyncset.done $0x0  }
0x2b: {  	s2 =	rddreg [dreg:$0x4];
	[sflag:s21] =	ssyncadd.s32 $0xFFFFFC00  }
0x2c: {  	[tilespmem:s4], [sflag:$0x3] =	stream.linear.gather [hbm4b:s2+s4], $0x4E20, $0x38;
	[tilespmem:$0x1AC40] =	vst v63  }
0x2d: {  	_ =	swait.ge [sflag:s21], $0x4E20  }
0x2e: {  	[sflag:s21] =	ssyncset.done $0x0  }
0x2f: {  	s31 =	simm.s32 $0x4E20;
	[sflag:s21] =	ssyncadd.s32 $0xFFFFB1E0  }
0x30: {  	[tilespmem:s31], [sflag:$0x3] =	stream.linear.gather [hbm4b:s13+s4], $0x4E20, $0x38;
	[tilespmem:$0x1AC40] =	vst v63  }
0x31: {  	_ =	swait.ge [sflag:s21], $0x4E20  }
0x32: {  	[sflag:s21] =	ssyncset.done $0x0  }
0x33: {  	[sflag:s21] =	ssyncadd.s32 $0xFFFFB1E0  }
0x34: {  	[bflag:$0x0] =	sbarrier.arrive $0xFFFF  }
0x35: {  	[tilespmem:s24], [sflag:$0x1] =	stream.indirect.gather [hbm4b:s1+s23], $0x40, s4, s23, $0xb8;
	[tilespmem:$0x1AC40] =	vst v63  }
0x36: {  	s29 =	simm.s32 $0x50  }
0x37: {  	[tilespmem:s25], [sflag:$0x2] =	stream.indirect.gather [hbm4b:s1+s23], $0x40, s29, s23, $0xb8;
	[tilespmem:$0x1AC40] =	vst v63  }
0x38: {  	_ =	swait.ge [sflag:s26], $0x1400  }
0x39: {  	[sflag:s26] =	ssyncset.done $0x0  }
0x3a: {  	s29 =	simm.s32 $0x4E20;
	[sflag:s26] =	ssyncadd.s32 $0xFFFFEC00  }
0x3b: {  	[spmem:s3] =	stream.indirect.scatter.add.f32 [tilespmem:s24], [sflag:$0x3], $0x40, s29, s23, $0xb8;
	[tilespmem:$0x1AC40] =	vst v63  }
0x3c: {  	_ =	swait.ge [sflag:s21], $0x1400  }
0x3d: {  	[sflag:s21] =	ssyncset.done $0x0  }
0x3e: {  	s29 =	simm.s32 $0xA0;
	[sflag:s21] =	ssyncadd.s32 $0xFFFFEC00  }
0x3f: {  	[tilespmem:s24], [sflag:$0x1] =	stream.indirect.gather [hbm4b:s1+s23], $0x40, s29, s23, $0xb8;
	[tilespmem:$0x1AC40] =	vst v63  }
0x40: {  	_ =	swait.ge [sflag:s28], $0x1400  }
0x41: {  	[sflag:s28] =	ssyncset.done $0x0  }
0x42: {  	s29 =	simm.s32 $0x4E70;
	[sflag:s28] =	ssyncadd.s32 $0xFFFFEC00  }
0x43: {  	[spmem:s3] =	stream.indirect.scatter.add.f32 [tilespmem:s25], [sflag:$0x3], $0x40, s29, s23, $0xb8;
	[tilespmem:$0x1AC40] =	vst v63  }
0x44: {  	_ =	swait.ge [sflag:s21], $0x1400  }
0x45: {  	s30 =	simm.s32 $0x500;
	s29 =	simm.s32 $0xA0;
	[sflag:s21] =	ssyncset.done $0x0  }
.LBB2_2:
0x46: {  	s31 =	sadd.s32 $0x50, s29  }
0x47: {  	[sflag:s21] =	ssyncadd.s32 $0xFFFFEC00;
	s2 =	smov.u32 s30;
	s12 =	sadd.s32 $0x280, s30  }
0x48: {  	[tilespmem:s25], [sflag:$0x2] =	stream.indirect.gather [hbm4b:s1+s23], $0x40, s31, s23, $0xb8;
	[tilespmem:$0x1AC40] =	vst v63  }
0x49: {  	p0 =	sne.s32 s30, $0x13380;
	_ =	swait.ge [sflag:s26], $0x1400  }
0x4a: {  	[sflag:s26] =	ssyncset.done $0x0  }
0x4b: {  	s30 =	sadd.s32 $0x4E20, s29;
	[sflag:s26] =	ssyncadd.s32 $0xFFFFEC00  }
0x4c: {  	[spmem:s3] =	stream.indirect.scatter.add.f32 [tilespmem:s24], [sflag:$0x3], $0x40, s30, s23, $0xb8;
	[tilespmem:$0x1AC40] =	vst v63  }
0x4d: {  	_ =	swait.ge [sflag:s21], $0x1400  }
0x4e: {  	[sflag:s21] =	ssyncset.done $0x0  }
0x4f: {  	s30 =	sadd.s32 $0xA0, s29;
	[sflag:s21] =	ssyncadd.s32 $0xFFFFEC00  }
0x50: {  	[tilespmem:s24], [sflag:$0x1] =	stream.indirect.gather [hbm4b:s1+s23], $0x40, s30, s23, $0xb8;
	[tilespmem:$0x1AC40] =	vst v63  }
0x51: {  	_ =	swait.ge [sflag:s28], $0x1400  }
.Ltmp0:
0x52: {  	[sflag:s28] =	ssyncset.done $0x0;
	(pc) =	sbr.rel @p0 .LBB2_2-.Ltmp0, $4  }
0x53: {  	s29 =	sadd.s32 $0x4E70, s29;
	[sflag:s28] =	ssyncadd.s32 $0xFFFFEC00  }
0x54: {  	[spmem:s3] =	stream.indirect.scatter.add.f32 [tilespmem:s25], [sflag:$0x3], $0x40, s29, s23, $0xb8;
	[tilespmem:$0x1AC40] =	vst v63  }
0x55: {  	_ =	swait.ge [sflag:s21], $0x1400  }
0x56: {  	s30 =	smov.u32 s12;
	s29 =	sshra.s32 s2, $0x2;
	[sflag:s21] =	ssyncset.done $0x0  }
0x57: {  	s2 =	sadd.s32 $0x50, s29;
	[sflag:s21] =	ssyncadd.s32 $0xFFFFEC00  }
0x58: {  	[tilespmem:s25], [sflag:$0x2] =	stream.indirect.gather [hbm4b:s1+s23], $0x40, s2, s23, $0xb8;
	[tilespmem:$0x1AC40] =	vst v63  }
0x59: {  	_ =	swait.ge [sflag:s26], $0x1400  }
0x5a: {  	[sflag:s26] =	ssyncset.done $0x0  }
0x5b: {  	s12 =	sadd.s32 $0x4E20, s29;
	[sflag:s26] =	ssyncadd.s32 $0xFFFFEC00  }
0x5c: {  	[spmem:s3] =	stream.indirect.scatter.add.f32 [tilespmem:s24], [sflag:$0x3], $0x40, s12, s23, $0xb8;
	[tilespmem:$0x1AC40] =	vst v63  }
0x5d: {  	_ =	swait.ge [sflag:s21], $0x1400  }
0x5e: {  	[sflag:s21] =	ssyncset.done $0x0  }
0x5f: {  	s12 =	sadd.s32 $0xA0, s29;
	[sflag:s21] =	ssyncadd.s32 $0xFFFFEC00  }
0x60: {  	[tilespmem:s24], [sflag:$0x1] =	stream.indirect.gather [hbm4b:s1+s23], $0x40, s12, s23, $0xb8;
	[tilespmem:$0x1AC40] =	vst v63  }
0x61: {  	_ =	swait.ge [sflag:s28], $0x1400  }
0x62: {  	[sflag:s28] =	ssyncset.done $0x0  }
0x63: {  	s12 =	sadd.s32 $0x4E70, s29;
	[sflag:s28] =	ssyncadd.s32 $0xFFFFEC00  }
0x64: {  	[spmem:s3] =	stream.indirect.scatter.add.f32 [tilespmem:s25], [sflag:$0x3], $0x40, s12, s23, $0xb8;
	[tilespmem:$0x1AC40] =	vst v63  }
0x65: {  	_ =	swait.ge [sflag:s21], $0x1400  }
0x66: {  	[sflag:s21] =	ssyncset.done $0x0  }
0x67: {  	s12 =	simm.s32 $0x4DD0;
	[sflag:s21] =	ssyncadd.s32 $0xFFFFEC00  }
0x68: {  	[tilespmem:s25], [sflag:$0x2] =	stream.indirect.gather [hbm4b:s1+s23], $0x40, s12, s23, $0xb8;
	[tilespmem:$0x1AC40] =	vst v63  }
0x69: {  	_ =	swait.ge [sflag:s26], $0x1400  }
0x6a: {  	[sflag:s26] =	ssyncset.done $0x0  }
0x6b: {  	s12 =	simm.s32 $0x9BA0;
	[sflag:s26] =	ssyncadd.s32 $0xFFFFEC00  }
0x6c: {  	[spmem:s3] =	stream.indirect.scatter.add.f32 [tilespmem:s24], [sflag:$0x3], $0x40, s12, s23, $0xb8;
	[tilespmem:$0x1AC40] =	vst v63  }
0x6d: {  	_ =	swait.ge [sflag:s21], $0x1400  }
0x6e: {  	[sflag:s21] =	ssyncset.done $0x0  }
0x6f: {  	[sflag:s21] =	ssyncadd.s32 $0xFFFFEC00  }
0x70: {  	_ =	swait.ge [sflag:s28], $0x1400  }
0x71: {  	[sflag:s28] =	ssyncset.done $0x0  }
0x72: {  	s12 =	simm.s32 $0x9BF0;
	[sflag:s28] =	ssyncadd.s32 $0xFFFFEC00  }
0x73: {  	[spmem:s3] =	stream.indirect.scatter.add.f32 [tilespmem:s25], [sflag:$0x3], $0x40, s12, s23, $0xb8;
	[tilespmem:$0x1AC40] =	vst v63  }
0x74: {  	_ =	swait.ge [sflag:s21], $0x1400  }
0x75: {  	[sflag:s21] =	ssyncset.done $0x0  }
0x76: {  	[sflag:s21] =	ssyncadd.s32 $0xFFFFEC00  }
0x77: {  	s2 =	simm.s32 $0x0;
	s12 =	simm.s32 $0xC440;
	[bflag:$0x0] =	sbarrier.arrive $0xFFFF  }
0x78: {  	[tilespmem:s12], [sflag:$0x3] =	stream.linear.gather [hbm4b:s14+s2], $0x2800, $0x38;
	[tilespmem:$0x1AC40] =	vst v63  }
0x79: {  	_ =	swait.ge [sflag:s21], $0x2800  }
0x7a: {  	[sflag:s21] =	ssyncset.done $0x0  }
0x7b: {  	[sflag:s21] =	ssyncadd.s32 $0xFFFFD800  }
0x7c: {  	[tilespmem:s0], [sflag:$0x3] =	stream.linear.gather [spmem:s6], $0x2000, $0x38;
	[tilespmem:$0x1AC40] =	vst v63  }
0x7d: {  	_ =	swait.ge [sflag:s21], $0x2000  }
0x7e: {  	[sflag:s21] =	ssyncset.done $0x0  }
0x7f: {  	s29 =	simm.s32 $0xEC60;
	[sflag:s21] =	ssyncadd.s32 $0xFFFFE000  }
0x80: {  	v0 =	vld [tilespmem:s29+$0xFFFFFFF0]  }
0x81: {  	v2 =	vld [tilespmem:s29+$0x10]  }
0x82: {  	s12 =	simm.s32 $0x0;
	v1 =	vld [tilespmem:s29+$0xFFFFFFE0]  }
0x83: {  	v4 =	vld [tilespmem:s12+$0xC440]  }
0x84: {  	v5 =	vld [tilespmem:s29+$0x0];
	_ =	sdelay $0x3  }
0x85: {  	v1 =	vmul.f32 v1, v4;
	v3 =	vmul.f32 v2, v4  }
0x86: {  	s30 =	simm.s32 $0x40;
	s31 =	simm.s32 $0xEC60;
	v2 =	vmul.f32 v0, v4;
	v0 =	vmul.f32 v5, v4  }
.LBB2_4:
0x87: {  	p0 =	sne.s32 s30, $0x1FC0  }
0x88: {  	[tilespmem:s29+$0x10] =	vst v3;
	s31 =	sadd.s32 $0x40, s31;
	s2 =	smov.u32 s30;
	s30 =	sadd.s32 $0x40, s30  }
0x89: {  	v4 =	vld [tilespmem:s31+$0xFFFFFFF0];
	[tilespmem:s29+$0xFFFFFFE0] =	vst v1  }
0x8a: {  	v3 =	vld [tilespmem:s31+$0x10];
	[tilespmem:s29+$0xFFFFFFF0] =	vst v2  }
0x8b: {  	s2 =	sshra.s32 s2, $0x2;
	v1 =	vld [tilespmem:s31+$0xFFFFFFE0];
	[tilespmem:s29+$0x0] =	vst v0;
	s29 =	smov.u32 s31  }
0x8c: {  	v0 =	vld [tilespmem:s2+$0xC440]  }
0x8d: {  	v5 =	vld [tilespmem:s31+$0x0]  }
.Ltmp1:
0x8e: {  	(pc) =	sbr.rel @p0 .LBB2_4-.Ltmp1, $3  }
0x8f: {  	_ =	sdelay $0x1  }
0x90: {  	v1 =	vmul.f32 v1, v0;
	v3 =	vmul.f32 v3, v0  }
0x91: {  	v2 =	vmul.f32 v4, v0;
	v0 =	vmul.f32 v5, v0  }
0x92: {  	[tilespmem:s29+$0x10] =	vst v3  }
0x93: {  	[tilespmem:s29+$0xFFFFFFE0] =	vst v1  }
0x94: {  	[tilespmem:s29+$0xFFFFFFF0] =	vst v2  }
0x95: {  	s2 =	simm.s32 $0x0;
	[tilespmem:s29+$0x0] =	vst v0  }
0x96: {  	[hbm4b:s15+s2] =	stream.linear.scatter [tilespmem:s0], [sflag:$0x3], $0x2000, $0x38;
	[tilespmem:$0x1AC40] =	vst v63  }
0x97: {  	_ =	swait.ge [sflag:s21], $0x2000  }
0x98: {  	[sflag:s21] =	ssyncset.done $0x0  }
0x99: {  	[sflag:s21] =	ssyncadd.s32 $0xFFFFE000  }
0x9a: {  	[tilespmem:s0], [sflag:$0x3] =	stream.linear.gather [spmem:s8], $0x2000, $0x38;
	[tilespmem:$0x1AC40] =	vst v63  }
0x9b: {  	_ =	swait.ge [sflag:s21], $0x2000  }
0x9c: {  	[sflag:s21] =	ssyncset.done $0x0  }
0x9d: {  	s29 =	simm.s32 $0xEC60;
	[sflag:s21] =	ssyncadd.s32 $0xFFFFE000  }
0x9e: {  	v0 =	vld [tilespmem:s29+$0xFFFFFFF0]  }
0x9f: {  	v2 =	vld [tilespmem:s29+$0x10]  }
0xa0: {  	s12 =	simm.s32 $0x0;
	v1 =	vld [tilespmem:s29+$0xFFFFFFE0]  }
0xa1: {  	v4 =	vld [tilespmem:s12+$0xCC40]  }
0xa2: {  	v5 =	vld [tilespmem:s29+$0x0];
	_ =	sdelay $0x3  }
0xa3: {  	v1 =	vmul.f32 v1, v4;
	v3 =	vmul.f32 v2, v4  }
0xa4: {  	s30 =	simm.s32 $0x40;
	s31 =	simm.s32 $0xEC60;
	v2 =	vmul.f32 v0, v4;
	v0 =	vmul.f32 v5, v4  }
.LBB2_6:
0xa5: {  	p0 =	sne.s32 s30, $0x1FC0  }
0xa6: {  	[tilespmem:s29+$0x10] =	vst v3;
	s31 =	sadd.s32 $0x40, s31;
	s2 =	smov.u32 s30;
	s30 =	sadd.s32 $0x40, s30  }
0xa7: {  	v4 =	vld [tilespmem:s31+$0xFFFFFFF0];
	[tilespmem:s29+$0xFFFFFFE0] =	vst v1  }
0xa8: {  	v3 =	vld [tilespmem:s31+$0x10];
	[tilespmem:s29+$0xFFFFFFF0] =	vst v2  }
0xa9: {  	s2 =	sshra.s32 s2, $0x2;
	v1 =	vld [tilespmem:s31+$0xFFFFFFE0];
	[tilespmem:s29+$0x0] =	vst v0;
	s29 =	smov.u32 s31  }
0xaa: {  	v0 =	vld [tilespmem:s2+$0xCC40]  }
0xab: {  	v5 =	vld [tilespmem:s31+$0x0]  }
.Ltmp2:
0xac: {  	(pc) =	sbr.rel @p0 .LBB2_6-.Ltmp2, $3  }
0xad: {  	_ =	sdelay $0x1  }
0xae: {  	v1 =	vmul.f32 v1, v0;
	v3 =	vmul.f32 v3, v0  }
0xaf: {  	v2 =	vmul.f32 v4, v0;
	v0 =	vmul.f32 v5, v0  }
0xb0: {  	[tilespmem:s29+$0x10] =	vst v3  }
0xb1: {  	[tilespmem:s29+$0xFFFFFFE0] =	vst v1  }
0xb2: {  	[tilespmem:s29+$0xFFFFFFF0] =	vst v2  }
0xb3: {  	s2 =	simm.s32 $0x0;
	[tilespmem:s29+$0x0] =	vst v0  }
0xb4: {  	[hbm4b:s16+s2] =	stream.linear.scatter [tilespmem:s0], [sflag:$0x3], $0x2000, $0x38;
	[tilespmem:$0x1AC40] =	vst v63  }
0xb5: {  	_ =	swait.ge [sflag:s21], $0x2000  }
0xb6: {  	[sflag:s21] =	ssyncset.done $0x0  }
0xb7: {  	[sflag:s21] =	ssyncadd.s32 $0xFFFFE000  }
0xb8: {  	[tilespmem:s0], [sflag:$0x3] =	stream.linear.gather [spmem:s9], $0x2000, $0x38;
	[tilespmem:$0x1AC40] =	vst v63  }
0xb9: {  	_ =	swait.ge [sflag:s21], $0x2000  }
0xba: {  	[sflag:s21] =	ssyncset.done $0x0  }
0xbb: {  	s29 =	simm.s32 $0xEC60;
	[sflag:s21] =	ssyncadd.s32 $0xFFFFE000  }
0xbc: {  	v0 =	vld [tilespmem:s29+$0xFFFFFFF0]  }
0xbd: {  	v2 =	vld [tilespmem:s29+$0x10]  }
0xbe: {  	s12 =	simm.s32 $0x0;
	v1 =	vld [tilespmem:s29+$0xFFFFFFE0]  }
0xbf: {  	v4 =	vld [tilespmem:s12+$0xD440]  }
0xc0: {  	v5 =	vld [tilespmem:s29+$0x0];
	_ =	sdelay $0x3  }
0xc1: {  	v1 =	vmul.f32 v1, v4;
	v3 =	vmul.f32 v2, v4  }
0xc2: {  	s30 =	simm.s32 $0x40;
	s31 =	simm.s32 $0xEC60;
	v2 =	vmul.f32 v0, v4;
	v0 =	vmul.f32 v5, v4  }
.LBB2_8:
0xc3: {  	p0 =	sne.s32 s30, $0x1FC0  }
0xc4: {  	[tilespmem:s29+$0x10] =	vst v3;
	s31 =	sadd.s32 $0x40, s31;
	s2 =	smov.u32 s30;
	s30 =	sadd.s32 $0x40, s30  }
0xc5: {  	v4 =	vld [tilespmem:s31+$0xFFFFFFF0];
	[tilespmem:s29+$0xFFFFFFE0] =	vst v1  }
0xc6: {  	v3 =	vld [tilespmem:s31+$0x10];
	[tilespmem:s29+$0xFFFFFFF0] =	vst v2  }
0xc7: {  	s2 =	sshra.s32 s2, $0x2;
	v1 =	vld [tilespmem:s31+$0xFFFFFFE0];
	[tilespmem:s29+$0x0] =	vst v0;
	s29 =	smov.u32 s31  }
0xc8: {  	v0 =	vld [tilespmem:s2+$0xD440]  }
0xc9: {  	v5 =	vld [tilespmem:s31+$0x0]  }
.Ltmp3:
0xca: {  	(pc) =	sbr.rel @p0 .LBB2_8-.Ltmp3, $3  }
0xcb: {  	_ =	sdelay $0x1  }
0xcc: {  	v1 =	vmul.f32 v1, v0;
	v3 =	vmul.f32 v3, v0  }
0xcd: {  	v2 =	vmul.f32 v4, v0;
	v0 =	vmul.f32 v5, v0  }
0xce: {  	[tilespmem:s29+$0x10] =	vst v3  }
0xcf: {  	[tilespmem:s29+$0xFFFFFFE0] =	vst v1  }
0xd0: {  	[tilespmem:s29+$0xFFFFFFF0] =	vst v2  }
0xd1: {  	s2 =	simm.s32 $0x0;
	[tilespmem:s29+$0x0] =	vst v0  }
0xd2: {  	[hbm4b:s17+s2] =	stream.linear.scatter [tilespmem:s0], [sflag:$0x3], $0x2000, $0x38;
	[tilespmem:$0x1AC40] =	vst v63  }
0xd3: {  	_ =	swait.ge [sflag:s21], $0x2000  }
0xd4: {  	[sflag:s21] =	ssyncset.done $0x0  }
0xd5: {  	[sflag:s21] =	ssyncadd.s32 $0xFFFFE000  }
0xd6: {  	[tilespmem:s0], [sflag:$0x3] =	stream.linear.gather [spmem:s10], $0x2000, $0x38;
	[tilespmem:$0x1AC40] =	vst v63  }
0xd7: {  	_ =	swait.ge [sflag:s21], $0x2000  }
0xd8: {  	[sflag:s21] =	ssyncset.done $0x0  }
0xd9: {  	s29 =	simm.s32 $0xEC60;
	[sflag:s21] =	ssyncadd.s32 $0xFFFFE000  }
0xda: {  	v0 =	vld [tilespmem:s29+$0xFFFFFFF0]  }
0xdb: {  	v2 =	vld [tilespmem:s29+$0x10]  }
0xdc: {  	s12 =	simm.s32 $0x0;
	v1 =	vld [tilespmem:s29+$0xFFFFFFE0]  }
0xdd: {  	v4 =	vld [tilespmem:s12+$0xDC40]  }
0xde: {  	v5 =	vld [tilespmem:s29+$0x0];
	_ =	sdelay $0x3  }
0xdf: {  	v1 =	vmul.f32 v1, v4;
	v3 =	vmul.f32 v2, v4  }
0xe0: {  	s30 =	simm.s32 $0x40;
	s31 =	simm.s32 $0xEC60;
	v2 =	vmul.f32 v0, v4;
	v0 =	vmul.f32 v5, v4  }
.LBB2_10:
0xe1: {  	p0 =	sne.s32 s30, $0x1FC0  }
0xe2: {  	[tilespmem:s29+$0x10] =	vst v3;
	s31 =	sadd.s32 $0x40, s31;
	s2 =	smov.u32 s30;
	s30 =	sadd.s32 $0x40, s30  }
0xe3: {  	v4 =	vld [tilespmem:s31+$0xFFFFFFF0];
	[tilespmem:s29+$0xFFFFFFE0] =	vst v1  }
0xe4: {  	v3 =	vld [tilespmem:s31+$0x10];
	[tilespmem:s29+$0xFFFFFFF0] =	vst v2  }
0xe5: {  	s2 =	sshra.s32 s2, $0x2;
	v1 =	vld [tilespmem:s31+$0xFFFFFFE0];
	[tilespmem:s29+$0x0] =	vst v0;
	s29 =	smov.u32 s31  }
0xe6: {  	v0 =	vld [tilespmem:s2+$0xDC40]  }
0xe7: {  	v5 =	vld [tilespmem:s31+$0x0]  }
.Ltmp4:
0xe8: {  	(pc) =	sbr.rel @p0 .LBB2_10-.Ltmp4, $3  }
0xe9: {  	_ =	sdelay $0x1  }
0xea: {  	v1 =	vmul.f32 v1, v0;
	v3 =	vmul.f32 v3, v0  }
0xeb: {  	v2 =	vmul.f32 v4, v0;
	v0 =	vmul.f32 v5, v0  }
0xec: {  	[tilespmem:s29+$0x10] =	vst v3  }
0xed: {  	[tilespmem:s29+$0xFFFFFFE0] =	vst v1  }
0xee: {  	[tilespmem:s29+$0xFFFFFFF0] =	vst v2  }
0xef: {  	s2 =	simm.s32 $0x0;
	[tilespmem:s29+$0x0] =	vst v0  }
0xf0: {  	[hbm4b:s18+s2] =	stream.linear.scatter [tilespmem:s0], [sflag:$0x3], $0x2000, $0x38;
	[tilespmem:$0x1AC40] =	vst v63  }
0xf1: {  	_ =	swait.ge [sflag:s21], $0x2000  }
0xf2: {  	[sflag:s21] =	ssyncset.done $0x0  }
0xf3: {  	[sflag:s21] =	ssyncadd.s32 $0xFFFFE000  }
0xf4: {  	[tilespmem:s0], [sflag:$0x3] =	stream.linear.gather [spmem:s11], $0x2000, $0x38;
	[tilespmem:$0x1AC40] =	vst v63  }
0xf5: {  	_ =	swait.ge [sflag:s21], $0x2000  }
0xf6: {  	[sflag:s21] =	ssyncset.done $0x0  }
0xf7: {  	s29 =	simm.s32 $0xEC60;
	[sflag:s21] =	ssyncadd.s32 $0xFFFFE000  }
0xf8: {  	v0 =	vld [tilespmem:s29+$0xFFFFFFF0]  }
0xf9: {  	v2 =	vld [tilespmem:s29+$0x10]  }
0xfa: {  	s12 =	simm.s32 $0x0;
	v1 =	vld [tilespmem:s29+$0xFFFFFFE0]  }
0xfb: {  	v4 =	vld [tilespmem:s12+$0xE440]  }
0xfc: {  	v5 =	vld [tilespmem:s29+$0x0];
	_ =	sdelay $0x3  }
0xfd: {  	v1 =	vmul.f32 v1, v4;
	v3 =	vmul.f32 v2, v4  }
0xfe: {  	s30 =	simm.s32 $0x40;
	s31 =	simm.s32 $0xEC60;
	v2 =	vmul.f32 v0, v4;
	v0 =	vmul.f32 v5, v4  }
.LBB2_12:
0xff: {  	p0 =	sne.s32 s30, $0x1FC0  }
0x100: {  	[tilespmem:s29+$0x10] =	vst v3;
	s31 =	sadd.s32 $0x40, s31;
	s2 =	smov.u32 s30;
	s30 =	sadd.s32 $0x40, s30  }
0x101: {  	v4 =	vld [tilespmem:s31+$0xFFFFFFF0];
	[tilespmem:s29+$0xFFFFFFE0] =	vst v1  }
0x102: {  	v3 =	vld [tilespmem:s31+$0x10];
	[tilespmem:s29+$0xFFFFFFF0] =	vst v2  }
0x103: {  	s2 =	sshra.s32 s2, $0x2;
	v1 =	vld [tilespmem:s31+$0xFFFFFFE0];
	[tilespmem:s29+$0x0] =	vst v0;
	s29 =	smov.u32 s31  }
0x104: {  	v0 =	vld [tilespmem:s2+$0xE440]  }
0x105: {  	v5 =	vld [tilespmem:s31+$0x0]  }
.Ltmp5:
0x106: {  	(pc) =	sbr.rel @p0 .LBB2_12-.Ltmp5, $3  }
0x107: {  	_ =	sdelay $0x1  }
0x108: {  	v1 =	vmul.f32 v1, v0;
	v3 =	vmul.f32 v3, v0  }
0x109: {  	v2 =	vmul.f32 v4, v0;
	v0 =	vmul.f32 v5, v0  }
0x10a: {  	[tilespmem:s29+$0x10] =	vst v3  }
0x10b: {  	[tilespmem:s29+$0xFFFFFFE0] =	vst v1;
	s22 =	sadd.s32 $0x1, s22  }
0x10c: {  	[tilespmem:s29+$0xFFFFFFF0] =	vst v2;
	p0 =	sne.s32 s22, s20  }
.Ltmp6:
0x10d: {  	[tilespmem:s29+$0x0] =	vst v0;
	(pc) =	sbr.rel @p0 .LBB2_1-.Ltmp6, $4  }
0x10e: {  	[hbm4b:s19+s4] =	stream.linear.scatter [tilespmem:s0], [sflag:$0x3], $0x2000, $0x38;
	[tilespmem:$0x1AC40] =	vst v63  }
0x10f: {  	_ =	swait.ge [sflag:s21], $0x2000  }
0x110: {  	[sflag:s21] =	ssyncset.done $0x0  }
0x111: {  	[sflag:s21] =	ssyncadd.s32 $0xFFFFE000  }
0x112: {  	_ =	sfence.sel $0x180000  }
0x113: {  	[bflag:$0x0] =	sbarrier.arrive $0xFFFF  }
0x114: {  	_ =	strace $0x9000004A  }
0x115: {  	s0 =	stileid.u32;
	[bflag:$0x2] =	sbarrier.arrive $0xFFFF  }
0x116: {  	p0 =	sne.s32 s0, $0x0;
	s0 =	rddreg [dreg:$0x3]  }
0x117: {  	s0 =	sadd.s32 @!p0 $0x100000, s0  }
0x118: {  	[sflag:s0] =	ssyncadd.tile.s32 @!p0 $0x1;
	_ =	shalt  }
.Lfunc_end2:
_tile_overlayer_lowered:
.L_overlay_start_2:
0x119: {  	(tag) =	ssettag $0x2  }
0x11a: {  	s0 =	rddreg [dreg:$0x0];
	s2 =	stileid.u32  }
0x11b: {  	s1 =	rddreg [dreg:$0x1];
	p0 =	sne.s32 s2, $0x0  }
0x11c: {  	s3 =	rddreg [dreg:$0x2];
	[bflag:$0x3] =	sbarrier.arrive $0xFFFF;
	s2 =	simm.s32 @!p0 $0x1C03  }
0x11d: {  	[timem:s3], [sflag:s2] =	dma.local @!p0 [hbm:s0], s1  }
0x11e: {  	s0 =	simm.s32 @!p0 $0x3  }
0x11f: {  	_ =	swait.ge @!p0 [sflag:s0], s1  }
0x120: {  	s1 =	ssub.s32 @!p0 $0x0, s1;
	[sflag:s0] =	ssyncset.done @!p0 $0x0  }
0x121: {  	[sflag:s0] =	ssyncadd.s32 @!p0 s1  }
0x122: {  	[bflag:$0x3] =	sbarrier.arrive $0xFFFF  }
0x123: {  	_ =	shalt  }

// kernel: kernel.17.cloned.1.call-start
scs
__scs_entry_jumppad:
0x0: {  	(pc) =	sbr.rel $0x88, $3  }
0x1: {  	(tag) =	ssettag $0x0;
	lr =	simm.s32 $0x1  }
0x2: {  	[smem:$0x3F99] =	sst lr;
	_ =	strace $0xD0000000  }
0x3: {  	_ = 	snop  }
0x4: {  	_ = 	snop  }
0x5: {  	_ = 	snop  }
0x6: {  	_ = 	snop  }
0x7: {  	_ = 	snop  }
__scs_overlays_trampoline_lowered:
0x8: {  	[smem:$0x3FA8] =	sst s0  }
0x9: {  	[smem:$0x3FA9] =	sst s1  }
0xa: {  	[smem:$0x3FAA] =	sst s2  }
0xb: {  	[smem:$0x3FAB] =	sst s3  }
0xc: {  	[smem:$0x3FAC] =	sst s4  }
0xd: {  	[smem:$0x3FAD] =	sst s5  }
0xe: {  	[smem:$0x3FAE] =	sst s6  }
0xf: {  	[smem:$0x3FAF] =	sst s7  }
0x10: {  	[smem:$0x3FB0] =	sst s8  }
0x11: {  	[smem:$0x3FB1] =	sst s9;
	s0 =	simm.s32 @!p0 $0x0  }
0x12: {  	s1 =	sld [smem:$0x3F97];
	s0 =	simm.s32 @p0 $0x1  }
0x13: {  	[smem:$0x3FB2] =	sst s0;
	s0 =	simm.s32 @!p1 $0x0  }
0x14: {  	s2 =	sld [smem:$0x3F96];
	s0 =	simm.s32 @p1 $0x1  }
0x15: {  	[smem:$0x3FB3] =	sst s0;
	s0 =	simm.s32 @!p2 $0x0  }
0x16: {  	s3 =	sld [smem:$0x3FDB];
	s0 =	simm.s32 @p2 $0x1  }
0x17: {  	s4 =	simm.s32 $0x1BF5;
	[smem:$0x3FB5] =	sst s0  }
0x18: {  	s0 =	sld [smem:$0x3F98];
	_ =	swait.ge [sflag:s4], $0x0  }
0x19: {  	s7 =	sld [smem:$0x3F99]  }
0x1a: {  	s8 =	sadd.s32 $0xFFFFE003, lr  }
0x1b: {  	s9 =	sadd.s32 $0xFFFFFEF7, lr;
	s5 =	simm.s32 $0xFFFFFFFF;
	p2 =	slt.u32 s8, $0xFFFFF086  }
0x1c: {  	p1 =	slt.u32 s9, $0xF7A;
	s5 =	simm.s32 @!p2 $0x0  }
0x1d: {  	s5 =	simm.s32 @p1 $0x1;
	p0 =	seq.s32 s7, s2  }
0x1e: {  	s7 =	smul.u32 @!p0 $0xF7A, s2;
	p2 =	seq.s32 @!p0 s5, $0x0  }
0x1f: {  	s9 =	smul.u32 $0xF7A, s1;
	s8 =	simm.s32 @!p0 $0x1BF5;
	p2 =	por !p2, p0  }
0x20: {  	[sflag:s8] =	ssyncset.s32 @!p0 $0xFFFFF086;
	s6 =	sadd.s32 @!p0 s3, s7;
	s7 =	simm.s32 @!p0 $0x108  }
0x21: {  	s3 =	sadd.s32 s3, s9;
	s6 =	sadd.s32 @!p0 $0x88, s6;
	s7 =	simm.s32 @p2 $0x1082  }
0x22: {  	[simem:s7], [sflag:s8] =	dma.local @!p0 [hbm:s6], $0xF7A  }
0x23: {  	s9 =	sor.u32 $0xD0000000, s2;
	s6 =	simm.s32 $0x108;
	_ =	swait.ge @!p0 [sflag:s8], $0x0  }
0x24: {  	s3 =	sadd.s32 $0x88, s3;
	s6 =	simm.s32 @!p1 $0x1082;
	[sflag:s4] =	ssyncset.s32 $0xFFFFF086  }
0x25: {  	[simem:s6], [sflag:s4] =	dma.local [hbm:s3], $0xF7A  }
0x26: {  	[smem:$0x3F99] =	sst s1;
	(tag) =	ssettag s2;
	_ =	strace s9  }
0x27: {  	s1 =	sld [smem:$0x3FA9]  }
0x28: {  	s2 =	sld [smem:$0x3FAA]  }
0x29: {  	s4 =	sld [smem:$0x3FAC]  }
0x2a: {  	p0 =	seq.s32 s5, $0x0;
	s5 =	sld [smem:$0x3FAD]  }
0x2b: {  	s6 =	sld [smem:$0x3FAE]  }
0x2c: {  	s7 =	sld [smem:$0x3FAF]  }
0x2d: {  	s3 =	simm.s32 $0x108;
	s8 =	sld [smem:$0x3FB0]  }
0x2e: {  	s3 =	simm.s32 @!p0 $0x1082;
	s9 =	sld [smem:$0x3FB1]  }
0x2f: {  	lr =	sadd.s32 s0, s3;
	s0 =	sld [smem:$0x3FA8]  }
0x30: {  	s3 =	sld [smem:$0x3FAB]  }
0x31: {  	[smem:$0x3FB4] =	sst s10  }
0x32: {  	s10 =	sld [smem:$0x3FB2];
	_ =	sdelay $0x3  }
0x33: {  	p0 =	seq.s32 s10, $0x1;
	s10 =	sld [smem:$0x3FB4];
	_ =	sdelay $0x3  }
0x34: {  	[smem:$0x3FB4] =	sst s10  }
0x35: {  	s10 =	sld [smem:$0x3FB3];
	_ =	sdelay $0x3  }
0x36: {  	p1 =	seq.s32 s10, $0x1;
	s10 =	sld [smem:$0x3FB4];
	_ =	sdelay $0x3  }
0x37: {  	[smem:$0x3FB4] =	sst s10  }
0x38: {  	s10 =	sld [smem:$0x3FB5]  }
0x39: {  	_ = 	snop;
	(pc) =	sbr.ind lr, $3  }
0x3a: {  	_ = 	snop  }
0x3b: {  	_ = 	snop  }
0x3c: {  	p2 =	seq.s32 s10, $0x1;
	s10 =	sld [smem:$0x3FB4]  }
0x3d: {  	_ =	shalt  }
0x3e: {  	_ =	shalt  }
0x3f: {  	_ =	shalt  }
0x40: {  	_ =	shalt  }
0x41: {  	_ =	shalt  }
0x42: {  	_ =	shalt  }
0x43: {  	_ =	shalt  }
0x44: {  	_ =	shalt  }
0x45: {  	_ =	shalt  }
0x46: {  	_ =	shalt  }
0x47: {  	_ =	shalt  }
0x48: {  	_ =	shalt  }
0x49: {  	_ =	shalt  }
0x4a: {  	_ =	shalt  }
0x4b: {  	_ =	shalt  }
0x4c: {  	_ =	shalt  }
0x4d: {  	_ =	shalt  }
0x4e: {  	_ =	shalt  }
0x4f: {  	_ =	shalt  }
0x50: {  	_ =	shalt  }
0x51: {  	_ =	shalt  }
0x52: {  	_ =	shalt  }
0x53: {  	_ =	shalt  }
0x54: {  	_ =	shalt  }
0x55: {  	_ =	shalt  }
0x56: {  	_ =	shalt  }
0x57: {  	_ =	shalt  }
0x58: {  	_ =	shalt  }
0x59: {  	_ =	shalt  }
0x5a: {  	_ =	shalt  }
0x5b: {  	_ =	shalt  }
0x5c: {  	_ =	shalt  }
0x5d: {  	_ =	shalt  }
0x5e: {  	_ =	shalt  }
0x5f: {  	_ =	shalt  }
0x60: {  	_ =	shalt  }
0x61: {  	_ =	shalt  }
0x62: {  	_ =	shalt  }
0x63: {  	_ =	shalt  }
0x64: {  	_ =	shalt  }
0x65: {  	_ =	shalt  }
0x66: {  	_ =	shalt  }
0x67: {  	_ =	shalt  }
0x68: {  	_ =	shalt  }
0x69: {  	_ =	shalt  }
0x6a: {  	_ =	shalt  }
0x6b: {  	_ =	shalt  }
0x6c: {  	_ =	shalt  }
0x6d: {  	_ =	shalt  }
0x6e: {  	_ =	shalt  }
0x6f: {  	_ =	shalt  }
0x70: {  	_ =	shalt  }
0x71: {  	_ =	shalt  }
0x72: {  	_ =	shalt  }
0x73: {  	_ =	shalt  }
0x74: {  	_ =	shalt  }
0x75: {  	_ =	shalt  }
0x76: {  	_ =	shalt  }
0x77: {  	_ =	shalt  }
0x78: {  	_ =	shalt  }
0x79: {  	_ =	shalt  }
0x7a: {  	_ =	shalt  }
0x7b: {  	_ =	shalt  }
0x7c: {  	_ =	shalt  }
0x7d: {  	_ =	shalt  }
0x7e: {  	_ =	shalt  }
0x7f: {  	_ =	shalt  }
0x80: {  	_ =	shalt  }
0x81: {  	_ =	shalt  }
0x82: {  	_ =	shalt  }
0x83: {  	_ =	shalt  }
0x84: {  	_ =	shalt  }
0x85: {  	_ =	shalt  }
0x86: {  	_ =	shalt  }
0x87: {  	_ =	shalt  }
.Lfunc_end0:
.L_simem_size_0:
called_computation.2_lowered:
.L_overlay_start_0:
0x88: {  	s2 =	sld [smem:$0x3FD9]  }
0x89: {  	s3 =	sld [smem:$0x3FFE];
	_ =	sdelay $0x1  }
0x8a: {  	s1 =	srdreg.scid  }
0x8b: {  	s0 =	sand.u32 $0x1, s1  }
0x8c: {  	s16 =	sshll.u32 s0, $0xA;
	s2 =	sadd.s32 s3, s2  }
0x8d: {  	s2 =	sadd.s32 s2, s16  }
0x8e: {  	[smem:$0x3FC0] =	sst s2  }
0x8f: {  	_ = 	snop  }
0x90: {  	(tm) =	ssettm $0x1  }
0x91: {  	s17 =	sld [smem:$0x3FFB];
	_ =	sdelay $0x3  }
0x92: {  	_ =	strace s17  }
0x93: {  	s2 =	sld [smem:$0x3FFC];
	_ =	sdelay $0x3  }
0x94: {  	_ =	strace s2  }
0x95: {  	s2 =	sld [smem:$0x3FFD];
	_ =	sdelay $0x3  }
0x96: {  	_ =	strace s2  }
0x97: {  	_ =	strace $0x8FFFFFFF  }
0x98: {  	s18 =	sld [smem:$0x3FDB];
	_ =	sdelay $0x1  }
0x99: {  	s19 =	simm.s32 $_scs_section_size  }
0x9a: {  	s4 =	simm.s32 $_size__tile_overlayer_lowered;
	s5 =	simm.s32 $_tile_overlayer_lowered  }
0x9b: {  	s22 =	simm.s32 $0x1BFF;
	s21 =	sshll.u32 s5, $0x1;
	s2 =	sadd.s32 s19, s18  }
0x9c: {  	s6 =	simm.s32 $0x0;
	s20 =	sshll.u32 s4, $0x1;
	s4 =	sadd.s32 s21, s2  }
0x9d: {  	[timem:s6], [sflag:s22] =	dma.local [hbm:s4], s20  }
0x9e: {  	_ =	swait.ge [sflag:s22], s20  }
0x9f: {  	s3 =	ssub.s32 $0x0, s20;
	[sflag:s22] =	ssyncset.done $0x0  }
0xa0: {  	[sflag:s22] =	ssyncadd.s32 s3;
	_ =	sdelay $0x1  }
0xa1: {  	s23 =	simm.s32 $0x1B8B  }
0xa2: {  	_ =	swait.ge [sflag:s23], $0x1  }
0xa3: {  	[sflag:s23] =	ssyncset.done $0x0  }
0xa4: {  	s25 =	simm.s32 $0x1B8E;
	s24 =	sld [smem:$0x3FFE];
	[sflag:s23] =	ssyncadd.s32 $0xFFFFFFFF  }
0xa5: {  	s26 =	simm.s32 $execute0_lowered;
	[smem:$0x3FD2] =	sst s25  }
0xa6: {  	s4 =	sshll.u32 s26, $0x1;
	_ =	strace $0x8000004C;
	[dreg:$0x1] =	wrdreg $0xFFFFFFFF  }
0xa7: {  	s28 =	simm.s32 $_size_execute0_lowered;
	s2 =	sadd.s32 s2, s4;
	[dreg:$0x0] =	wrdreg $0x0  }
0xa8: {  	s4 =	sshll.u32 s28, $0x1;
	[dreg:$0x2] =	wrdreg s2  }
0xa9: {  	[dreg:$0x3] =	wrdreg s4  }
0xaa: {  	[dreg:$0x4] =	wrdreg $0xC0  }
0xab: {  	_ =	task [dreg:s6], $0x5FFFF  }
0xac: {  	[dreg:$0x1] =	wrdreg $0xFFFFFFFF  }
0xad: {  	[dreg:$0x0] =	wrdreg $0x60  }
0xae: {  	[dreg:$0x2] =	wrdreg s24  }
0xaf: {  	[dreg:$0x3] =	wrdreg $0xC4400  }
0xb0: {  	[dreg:$0x4] =	wrdreg $0x9  }
0xb1: {  	_ =	task.clear_ibuf [dreg:s6], $0x5FFFF;
	_ =	strace $0x9000004C  }
0xb2: {  	s29 =	simm.s32 $0x9;
	_ =	strace $0x8000004E  }
0xb3: {  	_ =	swait.ge [sflag:s29], $0x1  }
0xb4: {  	[sflag:s29] =	ssyncadd.s32 $0xFFFFFFFF  }
0xb5: {  	_ =	strace $0x9000004E  }
0xb6: {  	_ =	sfence  }
0xb7: {  	s30 =	sld [smem:$0x0];
	_ =	sdelay $0x2  }
0xb8: {  	s31 =	sshll.u32 s1, $0xD;
	s1 =	sshrl.u32 s1, $0x2  }
0xb9: {  	s3 =	sand.u32 $0x4000, s31;
	s1 =	sadd.s32 s1, s30  }
0xba: {  	s0 =	sor.u32 s3, s0;
	s1 =	sshll.u32 s1, $0x11  }
0xbb: {  	s0 =	sor.u32 s1, s0  }
0xbc: {  	s0 =	sadd.s32 $0x8F2B, s0  }
0xbd: {  	[sflag:s0] =	ssyncadd.remote.s32 $0x1  }
0xbe: {  	_ =	sfence.sel $0xFFFF  }
0xbf: {  	[dreg:$0x0] =	wrdreg $0xFFFFFFFF;
	(pc) =	sbr.abs _section_cstart, $3  }
0xc0: {  	[dreg:$0x1] =	wrdreg $0xFFFFFFFF  }
0xc1: {  	_ =	task.clear_ibuf [dreg:s6], $0x2FFFF;
	_ =	strace $0x9FFFFFFF  }
0xc2: {  	(tm) =	ssettm $0x7FFFFFFF  }
0xc3: {  	_ =	shalt  }
tec
execute0_lowered:
.L_overlay_start_1:
0x0: {  	(tag) =	ssettag $0x1  }
0x1: {  	s0 =	srdreg.scid  }
0x2: {  	s9 =	stileid.u32;
	s1 =	rddreg [dreg:$0x0]  }
0x3: {  	s2 =	rddreg [dreg:$0x1];
	s3 =	simm.s32 $0x0;
	s20 =	simm.s32 $0x3  }
0x4: {  	s31 =	simm.s32 $0x0;
	s0 =	sand.u32 $0x1, s0;
	s5 =	smul.u32 $0x4E20, s9  }
0x5: {  	[smem:$0x7FF] =	sst s3;
	s12 =	smul.u32 $0xA000, s9;
	s21 =	sshll.u32 s9, $0x6  }
0x6: {  	s4 =	smul.u32 $0x4E200, s0;
	_ =	strace $0x8000004D;
	s7 =	ssub.s32 $0x2, s0  }
0x7: {  	s0 =	smul.u32 $0xA0000, s0;
	s8 =	sshrl.u32 s7, $0x1;
	s14 =	sadd.s32 $0x2000, s12  }
0x8: {  	s22 =	sadd.s32 s12, s2;
	s16 =	sadd.s32 $0x4000, s12;
	s17 =	sadd.s32 $0x6000, s12  }
0x9: {  	s18 =	sadd.s32 $0x8000, s12;
	s4 =	sadd.s32 s5, s4;
	s5 =	sshrl.u32 s5, $0x3  }
0xa: {  	s19 =	ssub.s32 s7, s8;
	[dreg:$0x3] =	wrdreg s22;
	s7 =	sor.u32 $0x1C03, s21  }
0xb: {  	s23 =	sadd.s32 s14, s2;
	s24 =	sadd.s32 s16, s2;
	s25 =	sadd.s32 s17, s2  }
0xc: {  	s11 =	sadd.s32 s18, s2;
	s15 =	sadd.s32 s12, s0;
	s14 =	sadd.s32 s0, s14  }
0xd: {  	s29 =	sadd.s32 s0, s16;
	s30 =	sadd.s32 s0, s17;
	s0 =	sadd.s32 s0, s18  }
0xe: {  	s22 =	simm.s32 $0x50;
	s6 =	sshrl.u32 s4, $0x3;
	[dreg:$0x4] =	wrdreg s23  }
0xf: {  	s4 =	sadd.s32 $0xDE600, s1;
	s13 =	sadd.s32 s5, s1;
	[dreg:$0x5] =	wrdreg s24  }
0x10: {  	s5 =	sadd.s32 $0x1B400, s1;
	[dreg:$0x6] =	wrdreg s25;
	s26 =	sshrl.u32 s15, $0x3  }
0x11: {  	s28 =	sshrl.u32 s14, $0x3;
	s17 =	sshrl.u32 s30, $0x3;
	s0 =	sshrl.u32 s0, $0x3  }
0x12: {  	s19 =	smax.u32 s19, $0x1;
	s23 =	simm.s32 $0x9C40;
	s24 =	simm.s32 $0xB040  }
0x13: {  	s25 =	simm.s32 $0x1;
	s6 =	sadd.s32 s6, s1;
	s1 =	sadd.s32 $0x11A000, s1  }
0x14: {  	s13 =	sadd.s32 $0xC600, s13;
	s12 =	sadd.s32 $0x106600, s6;
	s14 =	sadd.s32 s1, s26  }
0x15: {  	s15 =	sadd.s32 s1, s28;
	s6 =	sshrl.u32 s29, $0x3;
	s17 =	sadd.s32 s1, s17  }
0x16: {  	s18 =	sadd.s32 s1, s0;
	s26 =	simm.s32 $0x2;
	s16 =	sadd.s32 s1, s6  }
.LBB2_1:
0x17: {  	s0 =	rddreg [dreg:$0x3]  }
0x18: {  	s1 =	sshrl.u32 s0, $0x3  }
0x19: {  	[spmem:s1], [sflag:s7] =	dma.local [hbm:s5], $0x400  }
0x1a: {  	_ =	swait.ge [sflag:s20], $0x400  }
0x1b: {  	[sflag:s20] =	ssyncset.done $0x0;
	s6 =	rddreg [dreg:$0x4]  }
0x1c: {  	[sflag:s20] =	ssyncadd.s32 $0xFFFFFC00;
	s0 =	sshrl.u32 s6, $0x3  }
0x1d: {  	[spmem:s0], [sflag:s7] =	dma.local [hbm:s5], $0x400  }
0x1e: {  	_ =	swait.ge [sflag:s20], $0x400  }
0x1f: {  	[sflag:s20] =	ssyncset.done $0x0;
	s6 =	rddreg [dreg:$0x5]  }
0x20: {  	[sflag:s20] =	ssyncadd.s32 $0xFFFFFC00;
	s21 =	sshrl.u32 s6, $0x3  }
0x21: {  	[spmem:s21], [sflag:s7] =	dma.local [hbm:s5], $0x400  }
0x22: {  	_ =	swait.ge [sflag:s20], $0x400  }
0x23: {  	[sflag:s20] =	ssyncset.done $0x0;
	s8 =	rddreg [dreg:$0x6]  }
0x24: {  	[sflag:s20] =	ssyncadd.s32 $0xFFFFFC00;
	s28 =	sshrl.u32 s8, $0x3  }
0x25: {  	[spmem:s28], [sflag:s7] =	dma.local [hbm:s5], $0x400  }
0x26: {  	_ =	swait.ge [sflag:s20], $0x400  }
0x27: {  	[sflag:s20] =	ssyncset.done $0x0  }
0x28: {  	s29 =	sshrl.u32 s11, $0x3;
	[sflag:s20] =	ssyncadd.s32 $0xFFFFFC00  }
0x29: {  	[spmem:s29], [sflag:s7] =	dma.local [hbm:s5], $0x400  }
0x2a: {  	_ =	swait.ge [sflag:s20], $0x400  }
0x2b: {  	[sflag:s20] =	ssyncset.done $0x0  }
0x2c: {  	[sflag:s20] =	ssyncadd.s32 $0xFFFFFC00  }
0x2d: {  	[tilespmem:s3], [sflag:$0x3] =	stream.linear.gather [hbm4b:s12+s3], $0x4E20, $0x38;
	[tilespmem:$0x16440] =	vst v63  }
0x2e: {  	_ =	swait.ge [sflag:s20], $0x4E20  }
0x2f: {  	[sflag:s20] =	ssyncset.done $0x0  }
0x30: {  	s9 =	simm.s32 $0x4E20;
	[sflag:s20] =	ssyncadd.s32 $0xFFFFB1E0  }
0x31: {  	[tilespmem:s9], [sflag:$0x3] =	stream.linear.gather [hbm4b:s13+s3], $0x4E20, $0x38;
	[tilespmem:$0x16440] =	vst v63  }
0x32: {  	_ =	swait.ge [sflag:s20], $0x4E20  }
0x33: {  	[sflag:s20] =	ssyncset.done $0x0  }
0x34: {  	[sflag:s20] =	ssyncadd.s32 $0xFFFFB1E0  }
0x35: {  	[bflag:$0x0] =	sbarrier.arrive $0xFFFF  }
0x36: {  	[tilespmem:s23], [sflag:$0x1] =	stream.indirect.gather [hbm4b:s4+s22], $0x40, s3, s22, $0xb8;
	[tilespmem:$0x16440] =	vst v63  }
0x37: {  	s10 =	simm.s32 $0x50  }
0x38: {  	[tilespmem:s24], [sflag:$0x2] =	stream.indirect.gather [hbm4b:s4+s22], $0x40, s10, s22, $0xb8;
	[tilespmem:$0x16440] =	vst v63  }
0x39: {  	_ =	swait.ge [sflag:s25], $0x1400  }
0x3a: {  	[sflag:s25] =	ssyncset.done $0x0  }
0x3b: {  	s8 =	simm.s32 $0x4E20;
	[sflag:s25] =	ssyncadd.s32 $0xFFFFEC00  }
0x3c: {  	[spmem:s2] =	stream.indirect.scatter.add.f32 [tilespmem:s23], [sflag:$0x3], $0x40, s8, s22, $0xb8;
	[tilespmem:$0x16440] =	vst v63  }
0x3d: {  	_ =	swait.ge [sflag:s20], $0x1400  }
0x3e: {  	[sflag:s20] =	ssyncset.done $0x0  }
0x3f: {  	s9 =	simm.s32 $0xA0;
	[sflag:s20] =	ssyncadd.s32 $0xFFFFEC00  }
0x40: {  	[tilespmem:s23], [sflag:$0x1] =	stream.indirect.gather [hbm4b:s4+s22], $0x40, s9, s22, $0xb8;
	[tilespmem:$0x16440] =	vst v63  }
0x41: {  	_ =	swait.ge [sflag:s26], $0x1400  }
0x42: {  	[sflag:s26] =	ssyncset.done $0x0  }
0x43: {  	s10 =	simm.s32 $0x4E70;
	[sflag:s26] =	ssyncadd.s32 $0xFFFFEC00  }
0x44: {  	[spmem:s2] =	stream.indirect.scatter.add.f32 [tilespmem:s24], [sflag:$0x3], $0x40, s10, s22, $0xb8;
	[tilespmem:$0x16440] =	vst v63  }
0x45: {  	_ =	swait.ge [sflag:s20], $0x1400  }
0x46: {  	s30 =	simm.s32 $0xA0;
	s6 =	simm.s32 $0x500;
	[sflag:s20] =	ssyncset.done $0x0  }
.LBB2_2:
0x47: {  	s8 =	sadd.s32 $0x50, s30  }
0x48: {  	[sflag:s20] =	ssyncadd.s32 $0xFFFFEC00;
	s9 =	smov.u32 s6;
	s10 =	sadd.s32 $0x280, s6  }
0x49: {  	[tilespmem:s24], [sflag:$0x2] =	stream.indirect.gather [hbm4b:s4+s22], $0x40, s8, s22, $0xb8;
	[tilespmem:$0x16440] =	vst v63  }
0x4a: {  	p0 =	sne.s32 s6, $0x13380;
	_ =	swait.ge [sflag:s25], $0x1400  }
0x4b: {  	[sflag:s25] =	ssyncset.done $0x0  }
0x4c: {  	s6 =	sadd.s32 $0x4E20, s30;
	[sflag:s25] =	ssyncadd.s32 $0xFFFFEC00  }
0x4d: {  	[spmem:s2] =	stream.indirect.scatter.add.f32 [tilespmem:s23], [sflag:$0x3], $0x40, s6, s22, $0xb8;
	[tilespmem:$0x16440] =	vst v63  }
0x4e: {  	_ =	swait.ge [sflag:s20], $0x1400  }
0x4f: {  	[sflag:s20] =	ssyncset.done $0x0  }
0x50: {  	s6 =	sadd.s32 $0xA0, s30;
	[sflag:s20] =	ssyncadd.s32 $0xFFFFEC00  }
0x51: {  	[tilespmem:s23], [sflag:$0x1] =	stream.indirect.gather [hbm4b:s4+s22], $0x40, s6, s22, $0xb8;
	[tilespmem:$0x16440] =	vst v63  }
0x52: {  	_ =	swait.ge [sflag:s26], $0x1400  }
.Ltmp0:
0x53: {  	[sflag:s26] =	ssyncset.done $0x0;
	(pc) =	sbr.rel @p0 .LBB2_2-.Ltmp0, $4  }
0x54: {  	s6 =	sadd.s32 $0x4E70, s30;
	[sflag:s26] =	ssyncadd.s32 $0xFFFFEC00  }
0x55: {  	[spmem:s2] =	stream.indirect.scatter.add.f32 [tilespmem:s24], [sflag:$0x3], $0x40, s6, s22, $0xb8;
	[tilespmem:$0x16440] =	vst v63  }
0x56: {  	_ =	swait.ge [sflag:s20], $0x1400  }
0x57: {  	s30 =	sshra.s32 s9, $0x2;
	s6 =	smov.u32 s10;
	[sflag:s20] =	ssyncset.done $0x0  }
0x58: {  	s6 =	sadd.s32 $0x50, s30;
	[sflag:s20] =	ssyncadd.s32 $0xFFFFEC00  }
0x59: {  	[tilespmem:s24], [sflag:$0x2] =	stream.indirect.gather [hbm4b:s4+s22], $0x40, s6, s22, $0xb8;
	[tilespmem:$0x16440] =	vst v63  }
0x5a: {  	_ =	swait.ge [sflag:s25], $0x1400  }
0x5b: {  	[sflag:s25] =	ssyncset.done $0x0  }
0x5c: {  	s9 =	sadd.s32 $0x4E20, s30;
	[sflag:s25] =	ssyncadd.s32 $0xFFFFEC00  }
0x5d: {  	[spmem:s2] =	stream.indirect.scatter.add.f32 [tilespmem:s23], [sflag:$0x3], $0x40, s9, s22, $0xb8;
	[tilespmem:$0x16440] =	vst v63  }
0x5e: {  	_ =	swait.ge [sflag:s20], $0x1400  }
0x5f: {  	[sflag:s20] =	ssyncset.done $0x0  }
0x60: {  	s10 =	sadd.s32 $0xA0, s30;
	[sflag:s20] =	ssyncadd.s32 $0xFFFFEC00  }
0x61: {  	[tilespmem:s23], [sflag:$0x1] =	stream.indirect.gather [hbm4b:s4+s22], $0x40, s10, s22, $0xb8;
	[tilespmem:$0x16440] =	vst v63  }
0x62: {  	_ =	swait.ge [sflag:s26], $0x1400  }
0x63: {  	[sflag:s26] =	ssyncset.done $0x0  }
0x64: {  	s8 =	sadd.s32 $0x4E70, s30;
	[sflag:s26] =	ssyncadd.s32 $0xFFFFEC00  }
0x65: {  	[spmem:s2] =	stream.indirect.scatter.add.f32 [tilespmem:s24], [sflag:$0x3], $0x40, s8, s22, $0xb8;
	[tilespmem:$0x16440] =	vst v63  }
0x66: {  	_ =	swait.ge [sflag:s20], $0x1400  }
0x67: {  	[sflag:s20] =	ssyncset.done $0x0  }
0x68: {  	s9 =	simm.s32 $0x4DD0;
	[sflag:s20] =	ssyncadd.s32 $0xFFFFEC00  }
0x69: {  	[tilespmem:s24], [sflag:$0x2] =	stream.indirect.gather [hbm4b:s4+s22], $0x40, s9, s22, $0xb8;
	[tilespmem:$0x16440] =	vst v63  }
0x6a: {  	_ =	swait.ge [sflag:s25], $0x1400  }
0x6b: {  	[sflag:s25] =	ssyncset.done $0x0  }
0x6c: {  	s10 =	simm.s32 $0x9BA0;
	[sflag:s25] =	ssyncadd.s32 $0xFFFFEC00  }
0x6d: {  	[spmem:s2] =	stream.indirect.scatter.add.f32 [tilespmem:s23], [sflag:$0x3], $0x40, s10, s22, $0xb8;
	[tilespmem:$0x16440] =	vst v63  }
0x6e: {  	_ =	swait.ge [sflag:s20], $0x1400  }
0x6f: {  	[sflag:s20] =	ssyncset.done $0x0  }
0x70: {  	[sflag:s20] =	ssyncadd.s32 $0xFFFFEC00  }
0x71: {  	_ =	swait.ge [sflag:s26], $0x1400  }
0x72: {  	[sflag:s26] =	ssyncset.done $0x0  }
0x73: {  	s30 =	simm.s32 $0x9BF0;
	[sflag:s26] =	ssyncadd.s32 $0xFFFFEC00  }
0x74: {  	[spmem:s2] =	stream.indirect.scatter.add.f32 [tilespmem:s24], [sflag:$0x3], $0x40, s30, s22, $0xb8;
	[tilespmem:$0x16440] =	vst v63  }
0x75: {  	_ =	swait.ge [sflag:s20], $0x1400  }
0x76: {  	[sflag:s20] =	ssyncset.done $0x0  }
0x77: {  	[sflag:s20] =	ssyncadd.s32 $0xFFFFEC00  }
0x78: {  	[bflag:$0x0] =	sbarrier.arrive $0xFFFF  }
0x79: {  	[hbm:s14], [sflag:s7] =	dma.local [spmem:s1], $0x400  }
0x7a: {  	_ =	swait.ge [sflag:s20], $0x400  }
0x7b: {  	[sflag:s20] =	ssyncset.done $0x0  }
0x7c: {  	[sflag:s20] =	ssyncadd.s32 $0xFFFFFC00  }
0x7d: {  	[hbm:s15], [sflag:s7] =	dma.local [spmem:s0], $0x400  }
0x7e: {  	_ =	swait.ge [sflag:s20], $0x400  }
0x7f: {  	[sflag:s20] =	ssyncset.done $0x0  }
0x80: {  	[sflag:s20] =	ssyncadd.s32 $0xFFFFFC00  }
0x81: {  	[hbm:s16], [sflag:s7] =	dma.local [spmem:s21], $0x400  }
0x82: {  	_ =	swait.ge [sflag:s20], $0x400  }
0x83: {  	[sflag:s20] =	ssyncset.done $0x0  }
0x84: {  	[sflag:s20] =	ssyncadd.s32 $0xFFFFFC00  }
0x85: {  	[hbm:s17], [sflag:s7] =	dma.local [spmem:s28], $0x400  }
0x86: {  	s31 =	sadd.s32 $0x1, s31;
	_ =	swait.ge [sflag:s20], $0x400  }
0x87: {  	p0 =	sne.s32 s31, s19;
	[sflag:s20] =	ssyncset.done $0x0  }
.Ltmp1:
0x88: {  	[sflag:s20] =	ssyncadd.s32 $0xFFFFFC00;
	(pc) =	sbr.rel @p0 .LBB2_1-.Ltmp1, $4  }
0x89: {  	[hbm:s18], [sflag:s7] =	dma.local [spmem:s29], $0x400  }
0x8a: {  	_ =	swait.ge [sflag:s20], $0x400  }
0x8b: {  	[sflag:s20] =	ssyncset.done $0x0  }
0x8c: {  	[sflag:s20] =	ssyncadd.s32 $0xFFFFFC00  }
0x8d: {  	_ =	sfence.sel $0x180000  }
0x8e: {  	[bflag:$0x0] =	sbarrier.arrive $0xFFFF  }
0x8f: {  	_ =	strace $0x9000004D  }
0x90: {  	s0 =	stileid.u32;
	[bflag:$0x2] =	sbarrier.arrive $0xFFFF  }
0x91: {  	p0 =	sne.s32 s0, $0x0;
	s0 =	rddreg [dreg:$0x2]  }
0x92: {  	s0 =	sadd.s32 @!p0 $0x100000, s0  }
0x93: {  	[sflag:s0] =	ssyncadd.tile.s32 @!p0 $0x1;
	_ =	shalt  }
.Lfunc_end2:
_tile_overlayer_lowered:
.L_overlay_start_2:
0x94: {  	(tag) =	ssettag $0x2  }
0x95: {  	s0 =	rddreg [dreg:$0x0];
	s2 =	stileid.u32  }
0x96: {  	s1 =	rddreg [dreg:$0x1];
	p0 =	sne.s32 s2, $0x0  }
0x97: {  	s3 =	rddreg [dreg:$0x2];
	[bflag:$0x3] =	sbarrier.arrive $0xFFFF;
	s2 =	simm.s32 @!p0 $0x1C03  }
0x98: {  	[timem:s3], [sflag:s2] =	dma.local @!p0 [hbm:s0], s1  }
0x99: {  	s0 =	simm.s32 @!p0 $0x3  }
0x9a: {  	_ =	swait.ge @!p0 [sflag:s0], s1  }
0x9b: {  	s1 =	ssub.s32 @!p0 $0x0, s1;
	[sflag:s0] =	ssyncset.done @!p0 $0x0  }
0x9c: {  	[sflag:s0] =	ssyncadd.s32 @!p0 s1  }
0x9d: {  	[bflag:$0x3] =	sbarrier.arrive $0xFFFF  }
0x9e: {  	_ =	shalt  }

// kernel: kernel.20.cloned.1.call-start
scs
__scs_entry_jumppad:
0x0: {  	(pc) =	sbr.rel $0x88, $3  }
0x1: {  	(tag) =	ssettag $0x0;
	lr =	simm.s32 $0x1  }
0x2: {  	[smem:$0x3F99] =	sst lr;
	_ =	strace $0xD0000000  }
0x3: {  	_ = 	snop  }
0x4: {  	_ = 	snop  }
0x5: {  	_ = 	snop  }
0x6: {  	_ = 	snop  }
0x7: {  	_ = 	snop  }
__scs_overlays_trampoline_lowered:
0x8: {  	[smem:$0x3FA8] =	sst s0  }
0x9: {  	[smem:$0x3FA9] =	sst s1  }
0xa: {  	[smem:$0x3FAA] =	sst s2  }
0xb: {  	[smem:$0x3FAB] =	sst s3  }
0xc: {  	[smem:$0x3FAC] =	sst s4  }
0xd: {  	[smem:$0x3FAD] =	sst s5  }
0xe: {  	[smem:$0x3FAE] =	sst s6  }
0xf: {  	[smem:$0x3FAF] =	sst s7  }
0x10: {  	[smem:$0x3FB0] =	sst s8  }
0x11: {  	[smem:$0x3FB1] =	sst s9;
	s0 =	simm.s32 @!p0 $0x0  }
0x12: {  	s1 =	sld [smem:$0x3F97];
	s0 =	simm.s32 @p0 $0x1  }
0x13: {  	[smem:$0x3FB2] =	sst s0;
	s0 =	simm.s32 @!p1 $0x0  }
0x14: {  	s2 =	sld [smem:$0x3F96];
	s0 =	simm.s32 @p1 $0x1  }
0x15: {  	[smem:$0x3FB3] =	sst s0;
	s0 =	simm.s32 @!p2 $0x0  }
0x16: {  	s3 =	sld [smem:$0x3FDB];
	s0 =	simm.s32 @p2 $0x1  }
0x17: {  	s4 =	simm.s32 $0x1BF5;
	[smem:$0x3FB5] =	sst s0  }
0x18: {  	s0 =	sld [smem:$0x3F98];
	_ =	swait.ge [sflag:s4], $0x0  }
0x19: {  	s7 =	sld [smem:$0x3F99]  }
0x1a: {  	s8 =	sadd.s32 $0xFFFFE003, lr  }
0x1b: {  	s9 =	sadd.s32 $0xFFFFFEF7, lr;
	s5 =	simm.s32 $0xFFFFFFFF;
	p2 =	slt.u32 s8, $0xFFFFF086  }
0x1c: {  	p1 =	slt.u32 s9, $0xF7A;
	s5 =	simm.s32 @!p2 $0x0  }
0x1d: {  	s5 =	simm.s32 @p1 $0x1;
	p0 =	seq.s32 s7, s2  }
0x1e: {  	s7 =	smul.u32 @!p0 $0xF7A, s2;
	p2 =	seq.s32 @!p0 s5, $0x0  }
0x1f: {  	s9 =	smul.u32 $0xF7A, s1;
	s8 =	simm.s32 @!p0 $0x1BF5;
	p2 =	por !p2, p0  }
0x20: {  	[sflag:s8] =	ssyncset.s32 @!p0 $0xFFFFF086;
	s6 =	sadd.s32 @!p0 s3, s7;
	s7 =	simm.s32 @!p0 $0x108  }
0x21: {  	s3 =	sadd.s32 s3, s9;
	s6 =	sadd.s32 @!p0 $0x88, s6;
	s7 =	simm.s32 @p2 $0x1082  }
0x22: {  	[simem:s7], [sflag:s8] =	dma.local @!p0 [hbm:s6], $0xF7A  }
0x23: {  	s9 =	sor.u32 $0xD0000000, s2;
	s6 =	simm.s32 $0x108;
	_ =	swait.ge @!p0 [sflag:s8], $0x0  }
0x24: {  	s3 =	sadd.s32 $0x88, s3;
	s6 =	simm.s32 @!p1 $0x1082;
	[sflag:s4] =	ssyncset.s32 $0xFFFFF086  }
0x25: {  	[simem:s6], [sflag:s4] =	dma.local [hbm:s3], $0xF7A  }
0x26: {  	[smem:$0x3F99] =	sst s1;
	(tag) =	ssettag s2;
	_ =	strace s9  }
0x27: {  	s1 =	sld [smem:$0x3FA9]  }
0x28: {  	s2 =	sld [smem:$0x3FAA]  }
0x29: {  	s4 =	sld [smem:$0x3FAC]  }
0x2a: {  	p0 =	seq.s32 s5, $0x0;
	s5 =	sld [smem:$0x3FAD]  }
0x2b: {  	s6 =	sld [smem:$0x3FAE]  }
0x2c: {  	s7 =	sld [smem:$0x3FAF]  }
0x2d: {  	s3 =	simm.s32 $0x108;
	s8 =	sld [smem:$0x3FB0]  }
0x2e: {  	s3 =	simm.s32 @!p0 $0x1082;
	s9 =	sld [smem:$0x3FB1]  }
0x2f: {  	lr =	sadd.s32 s0, s3;
	s0 =	sld [smem:$0x3FA8]  }
0x30: {  	s3 =	sld [smem:$0x3FAB]  }
0x31: {  	[smem:$0x3FB4] =	sst s10  }
0x32: {  	s10 =	sld [smem:$0x3FB2];
	_ =	sdelay $0x3  }
0x33: {  	p0 =	seq.s32 s10, $0x1;
	s10 =	sld [smem:$0x3FB4];
	_ =	sdelay $0x3  }
0x34: {  	[smem:$0x3FB4] =	sst s10  }
0x35: {  	s10 =	sld [smem:$0x3FB3];
	_ =	sdelay $0x3  }
0x36: {  	p1 =	seq.s32 s10, $0x1;
	s10 =	sld [smem:$0x3FB4];
	_ =	sdelay $0x3  }
0x37: {  	[smem:$0x3FB4] =	sst s10  }
0x38: {  	s10 =	sld [smem:$0x3FB5]  }
0x39: {  	_ = 	snop;
	(pc) =	sbr.ind lr, $3  }
0x3a: {  	_ = 	snop  }
0x3b: {  	_ = 	snop  }
0x3c: {  	p2 =	seq.s32 s10, $0x1;
	s10 =	sld [smem:$0x3FB4]  }
0x3d: {  	_ =	shalt  }
0x3e: {  	_ =	shalt  }
0x3f: {  	_ =	shalt  }
0x40: {  	_ =	shalt  }
0x41: {  	_ =	shalt  }
0x42: {  	_ =	shalt  }
0x43: {  	_ =	shalt  }
0x44: {  	_ =	shalt  }
0x45: {  	_ =	shalt  }
0x46: {  	_ =	shalt  }
0x47: {  	_ =	shalt  }
0x48: {  	_ =	shalt  }
0x49: {  	_ =	shalt  }
0x4a: {  	_ =	shalt  }
0x4b: {  	_ =	shalt  }
0x4c: {  	_ =	shalt  }
0x4d: {  	_ =	shalt  }
0x4e: {  	_ =	shalt  }
0x4f: {  	_ =	shalt  }
0x50: {  	_ =	shalt  }
0x51: {  	_ =	shalt  }
0x52: {  	_ =	shalt  }
0x53: {  	_ =	shalt  }
0x54: {  	_ =	shalt  }
0x55: {  	_ =	shalt  }
0x56: {  	_ =	shalt  }
0x57: {  	_ =	shalt  }
0x58: {  	_ =	shalt  }
0x59: {  	_ =	shalt  }
0x5a: {  	_ =	shalt  }
0x5b: {  	_ =	shalt  }
0x5c: {  	_ =	shalt  }
0x5d: {  	_ =	shalt  }
0x5e: {  	_ =	shalt  }
0x5f: {  	_ =	shalt  }
0x60: {  	_ =	shalt  }
0x61: {  	_ =	shalt  }
0x62: {  	_ =	shalt  }
0x63: {  	_ =	shalt  }
0x64: {  	_ =	shalt  }
0x65: {  	_ =	shalt  }
0x66: {  	_ =	shalt  }
0x67: {  	_ =	shalt  }
0x68: {  	_ =	shalt  }
0x69: {  	_ =	shalt  }
0x6a: {  	_ =	shalt  }
0x6b: {  	_ =	shalt  }
0x6c: {  	_ =	shalt  }
0x6d: {  	_ =	shalt  }
0x6e: {  	_ =	shalt  }
0x6f: {  	_ =	shalt  }
0x70: {  	_ =	shalt  }
0x71: {  	_ =	shalt  }
0x72: {  	_ =	shalt  }
0x73: {  	_ =	shalt  }
0x74: {  	_ =	shalt  }
0x75: {  	_ =	shalt  }
0x76: {  	_ =	shalt  }
0x77: {  	_ =	shalt  }
0x78: {  	_ =	shalt  }
0x79: {  	_ =	shalt  }
0x7a: {  	_ =	shalt  }
0x7b: {  	_ =	shalt  }
0x7c: {  	_ =	shalt  }
0x7d: {  	_ =	shalt  }
0x7e: {  	_ =	shalt  }
0x7f: {  	_ =	shalt  }
0x80: {  	_ =	shalt  }
0x81: {  	_ =	shalt  }
0x82: {  	_ =	shalt  }
0x83: {  	_ =	shalt  }
0x84: {  	_ =	shalt  }
0x85: {  	_ =	shalt  }
0x86: {  	_ =	shalt  }
0x87: {  	_ =	shalt  }
.Lfunc_end0:
.L_simem_size_0:
called_computation.3_lowered:
.L_overlay_start_0:
0x88: {  	s2 =	sld [smem:$0x3FD9]  }
0x89: {  	s3 =	sld [smem:$0x3FFE];
	_ =	sdelay $0x1  }
0x8a: {  	s1 =	srdreg.scid  }
0x8b: {  	s0 =	sand.u32 $0x1, s1  }
0x8c: {  	s17 =	sshll.u32 s0, $0xA;
	s2 =	sadd.s32 s3, s2  }
0x8d: {  	s2 =	sadd.s32 s2, s17  }
0x8e: {  	[smem:$0x3FC0] =	sst s2  }
0x8f: {  	_ = 	snop  }
0x90: {  	s2 =	sld [smem:$0x3FD0];
	(tm) =	ssettm $0x1  }
0x91: {  	s18 =	sld [smem:$0x3FFB];
	_ =	sdelay $0x3  }
0x92: {  	_ =	strace s18  }
0x93: {  	s3 =	sld [smem:$0x3FFC];
	_ =	sdelay $0x3  }
0x94: {  	_ =	strace s3  }
0x95: {  	s3 =	sld [smem:$0x3FFD];
	_ =	sdelay $0x3  }
0x96: {  	_ =	strace s3  }
0x97: {  	_ =	strace $0x8FFFFFFF  }
0x98: {  	s19 =	sld [smem:$0x3FDB];
	_ =	sdelay $0x1  }
0x99: {  	s4 =	simm.s32 $_scs_section_size  }
0x9a: {  	s5 =	simm.s32 $_size__tile_overlayer_lowered;
	s6 =	simm.s32 $_tile_overlayer_lowered  }
0x9b: {  	s22 =	simm.s32 $0x1BFF;
	s21 =	sshll.u32 s6, $0x1;
	s3 =	sadd.s32 s4, s19  }
0x9c: {  	s7 =	simm.s32 $0x0;
	s20 =	sshll.u32 s5, $0x1;
	s5 =	sadd.s32 s21, s3  }
0x9d: {  	[timem:s7], [sflag:s22] =	dma.local [hbm:s5], s20  }
0x9e: {  	_ =	swait.ge [sflag:s22], s20  }
0x9f: {  	s4 =	ssub.s32 $0x0, s20;
	[sflag:s22] =	ssyncset.done $0x0  }
0xa0: {  	[sflag:s22] =	ssyncadd.s32 s4;
	_ =	sdelay $0x1  }
0xa1: {  	s23 =	simm.s32 $0x1B8B  }
0xa2: {  	_ =	swait.ge [sflag:s23], $0x1  }
0xa3: {  	[sflag:s23] =	ssyncset.done $0x0  }
0xa4: {  	s25 =	simm.s32 $0x1B8E;
	s24 =	sld [smem:$0x3FFE];
	[sflag:s23] =	ssyncadd.s32 $0xFFFFFFFF  }
0xa5: {  	s26 =	simm.s32 $execute0_lowered;
	[smem:$0x3FD2] =	sst s25  }
0xa6: {  	s5 =	sshll.u32 s26, $0x1;
	_ =	strace $0x8000004F;
	[dreg:$0x1] =	wrdreg $0xFFFFFFFF  }
0xa7: {  	s28 =	simm.s32 $_size_execute0_lowered;
	s3 =	sadd.s32 s3, s5;
	[dreg:$0x0] =	wrdreg $0x0  }
0xa8: {  	s5 =	sshll.u32 s28, $0x1;
	[dreg:$0x2] =	wrdreg s3  }
0xa9: {  	[dreg:$0x3] =	wrdreg s5  }
0xaa: {  	[dreg:$0x4] =	wrdreg $0xC0  }
0xab: {  	_ =	task [dreg:s7], $0x5FFFF  }
0xac: {  	[dreg:$0x1] =	wrdreg $0xFFFFFFFF  }
0xad: {  	[dreg:$0x0] =	wrdreg $0x60  }
0xae: {  	[dreg:$0x2] =	wrdreg s2  }
0xaf: {  	[dreg:$0x3] =	wrdreg s24  }
0xb0: {  	[dreg:$0x4] =	wrdreg $0x10C400  }
0xb1: {  	[dreg:$0x5] =	wrdreg $0x9  }
0xb2: {  	_ =	task.clear_ibuf [dreg:s7], $0x6FFFF;
	_ =	strace $0x9000004F  }
0xb3: {  	s29 =	simm.s32 $0x9;
	_ =	strace $0x80000051  }
0xb4: {  	_ =	swait.ge [sflag:s29], $0x1  }
0xb5: {  	[sflag:s29] =	ssyncadd.s32 $0xFFFFFFFF  }
0xb6: {  	_ =	strace $0x90000051  }
0xb7: {  	_ =	sfence  }
0xb8: {  	s30 =	sld [smem:$0x0];
	_ =	sdelay $0x2  }
0xb9: {  	s31 =	sshll.u32 s1, $0xD;
	s1 =	sshrl.u32 s1, $0x2  }
0xba: {  	s3 =	sand.u32 $0x4000, s31;
	s1 =	sadd.s32 s1, s30  }
0xbb: {  	s0 =	sor.u32 s3, s0;
	s1 =	sshll.u32 s1, $0x11  }
0xbc: {  	s0 =	sor.u32 s1, s0  }
0xbd: {  	s0 =	sadd.s32 $0x8F2B, s0  }
0xbe: {  	[sflag:s0] =	ssyncadd.remote.s32 $0x1  }
0xbf: {  	_ =	sfence.sel $0xFFFF  }
0xc0: {  	[dreg:$0x0] =	wrdreg $0xFFFFFFFF;
	(pc) =	sbr.abs _section_cstart, $3  }
0xc1: {  	[dreg:$0x1] =	wrdreg $0xFFFFFFFF  }
0xc2: {  	_ =	task.clear_ibuf [dreg:s7], $0x2FFFF;
	_ =	strace $0x9FFFFFFF  }
0xc3: {  	(tm) =	ssettm $0x7FFFFFFF  }
tec
execute0_lowered:
.L_overlay_start_1:
0x0: {  	(tag) =	ssettag $0x1  }
0x1: {  	s1 =	rddreg [dreg:$0x0];
	s0 =	srdreg.scid  }
0x2: {  	s8 =	stileid.u32;
	s2 =	rddreg [dreg:$0x1]  }
0x3: {  	s3 =	rddreg [dreg:$0x2];
	s4 =	simm.s32 $0x0;
	s23 =	simm.s32 $0x50  }
0x4: {  	s24 =	simm.s32 $0x9C40;
	s25 =	simm.s32 $0xB040;
	s5 =	smul.u32 $0x4E20, s8  }
0x5: {  	s26 =	simm.s32 $0x1;
	s28 =	simm.s32 $0x2;
	s29 =	smul.u32 $0x500, s8  }
0x6: {  	s22 =	simm.s32 $0x0;
	s0 =	sand.u32 $0x1, s0;
	s14 =	smul.u32 $0xA000, s8  }
0x7: {  	[smem:$0x7FF] =	sst s4;
	s31 =	sshll.u32 s8, $0x6;
	s6 =	smul.u32 $0x4E200, s0  }
0x8: {  	_ =	strace $0x80000050;
	s7 =	ssub.s32 $0x2, s0;
	s0 =	smul.u32 $0xA0000, s0  }
0x9: {  	s15 =	sadd.s32 s29, s2;
	s30 =	sshrl.u32 s7, $0x1;
	s16 =	sadd.s32 $0x2000, s14  }
0xa: {  	s17 =	sadd.s32 $0x4000, s14;
	s18 =	sadd.s32 $0x6000, s14;
	s19 =	sadd.s32 $0x8000, s14  }
0xb: {  	s6 =	sadd.s32 s5, s6;
	s5 =	sshrl.u32 s5, $0x3;
	s20 =	ssub.s32 s7, s30  }
0xc: {  	s7 =	sor.u32 $0x1C03, s31;
	s8 =	sadd.s32 s16, s3;
	s9 =	sadd.s32 s17, s3  }
0xd: {  	s10 =	sadd.s32 s18, s3;
	s11 =	sadd.s32 s19, s3;
	s16 =	sadd.s32 s0, s16  }
0xe: {  	s17 =	sadd.s32 s0, s17;
	s18 =	sadd.s32 s0, s18;
	s6 =	sshrl.u32 s6, $0x3  }
0xf: {  	s13 =	sadd.s32 s5, s2;
	s5 =	sadd.s32 $0x1B400, s2;
	s16 =	sshrl.u32 s16, $0x3  }
0x10: {  	s17 =	sshrl.u32 s17, $0x3;
	s18 =	sshrl.u32 s18, $0x3;
	s20 =	smax.u32 s20, $0x1  }
0x11: {  	s12 =	sadd.s32 s6, s2;
	s2 =	sadd.s32 $0xDE600, s2;
	s6 =	sadd.s32 s14, s3  }
0x12: {  	s14 =	sadd.s32 s14, s0;
	s13 =	sadd.s32 $0x2800, s13;
	s0 =	sadd.s32 s0, s19  }
0x13: {  	s12 =	sadd.s32 $0x2AC00, s12;
	s21 =	sshrl.u32 s14, $0x3;
	s14 =	sadd.s32 $0x16400, s15  }
0x14: {  	s16 =	sadd.s32 s2, s16;
	s17 =	sadd.s32 s2, s17;
	s18 =	sadd.s32 s2, s18  }
0x15: {  	s0 =	sshrl.u32 s0, $0x3;
	[dreg:$0x4] =	wrdreg s12;
	s15 =	sadd.s32 s2, s21  }
0x16: {  	s19 =	sadd.s32 s2, s0;
	s21 =	simm.s32 $0x3;
	s0 =	simm.s32 $0xEC40  }
.LBB2_1:
0x17: {  	s29 =	sshrl.u32 s6, $0x3  }
0x18: {  	[spmem:s29], [sflag:s7] =	dma.local [hbm:s5], $0x400  }
0x19: {  	_ =	swait.ge [sflag:s21], $0x400  }
0x1a: {  	[sflag:s21] =	ssyncset.done $0x0  }
0x1b: {  	s29 =	sshrl.u32 s8, $0x3;
	[sflag:s21] =	ssyncadd.s32 $0xFFFFFC00  }
0x1c: {  	[spmem:s29], [sflag:s7] =	dma.local [hbm:s5], $0x400  }
0x1d: {  	_ =	swait.ge [sflag:s21], $0x400  }
0x1e: {  	[sflag:s21] =	ssyncset.done $0x0  }
0x1f: {  	s29 =	sshrl.u32 s9, $0x3;
	[sflag:s21] =	ssyncadd.s32 $0xFFFFFC00  }
0x20: {  	[spmem:s29], [sflag:s7] =	dma.local [hbm:s5], $0x400  }
0x21: {  	_ =	swait.ge [sflag:s21], $0x400  }
0x22: {  	[sflag:s21] =	ssyncset.done $0x0  }
0x23: {  	s29 =	sshrl.u32 s10, $0x3;
	[sflag:s21] =	ssyncadd.s32 $0xFFFFFC00  }
0x24: {  	[spmem:s29], [sflag:s7] =	dma.local [hbm:s5], $0x400  }
0x25: {  	_ =	swait.ge [sflag:s21], $0x400  }
0x26: {  	[sflag:s21] =	ssyncset.done $0x0  }
0x27: {  	s29 =	sshrl.u32 s11, $0x3;
	[sflag:s21] =	ssyncadd.s32 $0xFFFFFC00  }
0x28: {  	[spmem:s29], [sflag:s7] =	dma.local [hbm:s5], $0x400  }
0x29: {  	_ =	swait.ge [sflag:s21], $0x400  }
0x2a: {  	[sflag:s21] =	ssyncset.done $0x0  }
0x2b: {  	s2 =	rddreg [dreg:$0x4];
	[sflag:s21] =	ssyncadd.s32 $0xFFFFFC00  }
0x2c: {  	[tilespmem:s4], [sflag:$0x3] =	stream.linear.gather [hbm4b:s2+s4], $0x4E20, $0x38;
	[tilespmem:$0x1AC40] =	vst v63  }
0x2d: {  	_ =	swait.ge [sflag:s21], $0x4E20  }
0x2e: {  	[sflag:s21] =	ssyncset.done $0x0  }
0x2f: {  	s31 =	simm.s32 $0x4E20;
	[sflag:s21] =	ssyncadd.s32 $0xFFFFB1E0  }
0x30: {  	[tilespmem:s31], [sflag:$0x3] =	stream.linear.gather [hbm4b:s13+s4], $0x4E20, $0x38;
	[tilespmem:$0x1AC40] =	vst v63  }
0x31: {  	_ =	swait.ge [sflag:s21], $0x4E20  }
0x32: {  	[sflag:s21] =	ssyncset.done $0x0  }
0x33: {  	[sflag:s21] =	ssyncadd.s32 $0xFFFFB1E0  }
0x34: {  	[bflag:$0x0] =	sbarrier.arrive $0xFFFF  }
0x35: {  	[tilespmem:s24], [sflag:$0x1] =	stream.indirect.gather [hbm4b:s1+s23], $0x40, s4, s23, $0xb8;
	[tilespmem:$0x1AC40] =	vst v63  }
0x36: {  	s29 =	simm.s32 $0x50  }
0x37: {  	[tilespmem:s25], [sflag:$0x2] =	stream.indirect.gather [hbm4b:s1+s23], $0x40, s29, s23, $0xb8;
	[tilespmem:$0x1AC40] =	vst v63  }
0x38: {  	_ =	swait.ge [sflag:s26], $0x1400  }
0x39: {  	[sflag:s26] =	ssyncset.done $0x0  }
0x3a: {  	s29 =	simm.s32 $0x4E20;
	[sflag:s26] =	ssyncadd.s32 $0xFFFFEC00  }
0x3b: {  	[spmem:s3] =	stream.indirect.scatter.add.f32 [tilespmem:s24], [sflag:$0x3], $0x40, s29, s23, $0xb8;
	[tilespmem:$0x1AC40] =	vst v63  }
0x3c: {  	_ =	swait.ge [sflag:s21], $0x1400  }
0x3d: {  	[sflag:s21] =	ssyncset.done $0x0  }
0x3e: {  	s29 =	simm.s32 $0xA0;
	[sflag:s21] =	ssyncadd.s32 $0xFFFFEC00  }
0x3f: {  	[tilespmem:s24], [sflag:$0x1] =	stream.indirect.gather [hbm4b:s1+s23], $0x40, s29, s23, $0xb8;
	[tilespmem:$0x1AC40] =	vst v63  }
0x40: {  	_ =	swait.ge [sflag:s28], $0x1400  }
0x41: {  	[sflag:s28] =	ssyncset.done $0x0  }
0x42: {  	s29 =	simm.s32 $0x4E70;
	[sflag:s28] =	ssyncadd.s32 $0xFFFFEC00  }
0x43: {  	[spmem:s3] =	stream.indirect.scatter.add.f32 [tilespmem:s25], [sflag:$0x3], $0x40, s29, s23, $0xb8;
	[tilespmem:$0x1AC40] =	vst v63  }
0x44: {  	_ =	swait.ge [sflag:s21], $0x1400  }
0x45: {  	s30 =	simm.s32 $0x500;
	s29 =	simm.s32 $0xA0;
	[sflag:s21] =	ssyncset.done $0x0  }
.LBB2_2:
0x46: {  	s31 =	sadd.s32 $0x50, s29  }
0x47: {  	[sflag:s21] =	ssyncadd.s32 $0xFFFFEC00;
	s2 =	smov.u32 s30;
	s12 =	sadd.s32 $0x280, s30  }
0x48: {  	[tilespmem:s25], [sflag:$0x2] =	stream.indirect.gather [hbm4b:s1+s23], $0x40, s31, s23, $0xb8;
	[tilespmem:$0x1AC40] =	vst v63  }
0x49: {  	p0 =	sne.s32 s30, $0x13380;
	_ =	swait.ge [sflag:s26], $0x1400  }
0x4a: {  	[sflag:s26] =	ssyncset.done $0x0  }
0x4b: {  	s30 =	sadd.s32 $0x4E20, s29;
	[sflag:s26] =	ssyncadd.s32 $0xFFFFEC00  }
0x4c: {  	[spmem:s3] =	stream.indirect.scatter.add.f32 [tilespmem:s24], [sflag:$0x3], $0x40, s30, s23, $0xb8;
	[tilespmem:$0x1AC40] =	vst v63  }
0x4d: {  	_ =	swait.ge [sflag:s21], $0x1400  }
0x4e: {  	[sflag:s21] =	ssyncset.done $0x0  }
0x4f: {  	s30 =	sadd.s32 $0xA0, s29;
	[sflag:s21] =	ssyncadd.s32 $0xFFFFEC00  }
0x50: {  	[tilespmem:s24], [sflag:$0x1] =	stream.indirect.gather [hbm4b:s1+s23], $0x40, s30, s23, $0xb8;
	[tilespmem:$0x1AC40] =	vst v63  }
0x51: {  	_ =	swait.ge [sflag:s28], $0x1400  }
.Ltmp0:
0x52: {  	[sflag:s28] =	ssyncset.done $0x0;
	(pc) =	sbr.rel @p0 .LBB2_2-.Ltmp0, $4  }
0x53: {  	s29 =	sadd.s32 $0x4E70, s29;
	[sflag:s28] =	ssyncadd.s32 $0xFFFFEC00  }
0x54: {  	[spmem:s3] =	stream.indirect.scatter.add.f32 [tilespmem:s25], [sflag:$0x3], $0x40, s29, s23, $0xb8;
	[tilespmem:$0x1AC40] =	vst v63  }
0x55: {  	_ =	swait.ge [sflag:s21], $0x1400  }
0x56: {  	s30 =	smov.u32 s12;
	s29 =	sshra.s32 s2, $0x2;
	[sflag:s21] =	ssyncset.done $0x0  }
0x57: {  	s2 =	sadd.s32 $0x50, s29;
	[sflag:s21] =	ssyncadd.s32 $0xFFFFEC00  }
0x58: {  	[tilespmem:s25], [sflag:$0x2] =	stream.indirect.gather [hbm4b:s1+s23], $0x40, s2, s23, $0xb8;
	[tilespmem:$0x1AC40] =	vst v63  }
0x59: {  	_ =	swait.ge [sflag:s26], $0x1400  }
0x5a: {  	[sflag:s26] =	ssyncset.done $0x0  }
0x5b: {  	s12 =	sadd.s32 $0x4E20, s29;
	[sflag:s26] =	ssyncadd.s32 $0xFFFFEC00  }
0x5c: {  	[spmem:s3] =	stream.indirect.scatter.add.f32 [tilespmem:s24], [sflag:$0x3], $0x40, s12, s23, $0xb8;
	[tilespmem:$0x1AC40] =	vst v63  }
0x5d: {  	_ =	swait.ge [sflag:s21], $0x1400  }
0x5e: {  	[sflag:s21] =	ssyncset.done $0x0  }
0x5f: {  	s12 =	sadd.s32 $0xA0, s29;
	[sflag:s21] =	ssyncadd.s32 $0xFFFFEC00  }
0x60: {  	[tilespmem:s24], [sflag:$0x1] =	stream.indirect.gather [hbm4b:s1+s23], $0x40, s12, s23, $0xb8;
	[tilespmem:$0x1AC40] =	vst v63  }
0x61: {  	_ =	swait.ge [sflag:s28], $0x1400  }
0x62: {  	[sflag:s28] =	ssyncset.done $0x0  }
0x63: {  	s12 =	sadd.s32 $0x4E70, s29;
	[sflag:s28] =	ssyncadd.s32 $0xFFFFEC00  }
0x64: {  	[spmem:s3] =	stream.indirect.scatter.add.f32 [tilespmem:s25], [sflag:$0x3], $0x40, s12, s23, $0xb8;
	[tilespmem:$0x1AC40] =	vst v63  }
0x65: {  	_ =	swait.ge [sflag:s21], $0x1400  }
0x66: {  	[sflag:s21] =	ssyncset.done $0x0  }
0x67: {  	s12 =	simm.s32 $0x4DD0;
	[sflag:s21] =	ssyncadd.s32 $0xFFFFEC00  }
0x68: {  	[tilespmem:s25], [sflag:$0x2] =	stream.indirect.gather [hbm4b:s1+s23], $0x40, s12, s23, $0xb8;
	[tilespmem:$0x1AC40] =	vst v63  }
0x69: {  	_ =	swait.ge [sflag:s26], $0x1400  }
0x6a: {  	[sflag:s26] =	ssyncset.done $0x0  }
0x6b: {  	s12 =	simm.s32 $0x9BA0;
	[sflag:s26] =	ssyncadd.s32 $0xFFFFEC00  }
0x6c: {  	[spmem:s3] =	stream.indirect.scatter.add.f32 [tilespmem:s24], [sflag:$0x3], $0x40, s12, s23, $0xb8;
	[tilespmem:$0x1AC40] =	vst v63  }
0x6d: {  	_ =	swait.ge [sflag:s21], $0x1400  }
0x6e: {  	[sflag:s21] =	ssyncset.done $0x0  }
0x6f: {  	[sflag:s21] =	ssyncadd.s32 $0xFFFFEC00  }
0x70: {  	_ =	swait.ge [sflag:s28], $0x1400  }
0x71: {  	[sflag:s28] =	ssyncset.done $0x0  }
0x72: {  	s12 =	simm.s32 $0x9BF0;
	[sflag:s28] =	ssyncadd.s32 $0xFFFFEC00  }
0x73: {  	[spmem:s3] =	stream.indirect.scatter.add.f32 [tilespmem:s25], [sflag:$0x3], $0x40, s12, s23, $0xb8;
	[tilespmem:$0x1AC40] =	vst v63  }
0x74: {  	_ =	swait.ge [sflag:s21], $0x1400  }
0x75: {  	[sflag:s21] =	ssyncset.done $0x0  }
0x76: {  	[sflag:s21] =	ssyncadd.s32 $0xFFFFEC00  }
0x77: {  	s2 =	simm.s32 $0x0;
	s12 =	simm.s32 $0xC440;
	[bflag:$0x0] =	sbarrier.arrive $0xFFFF  }
0x78: {  	[tilespmem:s12], [sflag:$0x3] =	stream.linear.gather [hbm4b:s14+s2], $0x2800, $0x38;
	[tilespmem:$0x1AC40] =	vst v63  }
0x79: {  	_ =	swait.ge [sflag:s21], $0x2800  }
0x7a: {  	[sflag:s21] =	ssyncset.done $0x0  }
0x7b: {  	[sflag:s21] =	ssyncadd.s32 $0xFFFFD800  }
0x7c: {  	[tilespmem:s0], [sflag:$0x3] =	stream.linear.gather [spmem:s6], $0x2000, $0x38;
	[tilespmem:$0x1AC40] =	vst v63  }
0x7d: {  	_ =	swait.ge [sflag:s21], $0x2000  }
0x7e: {  	[sflag:s21] =	ssyncset.done $0x0  }
0x7f: {  	s29 =	simm.s32 $0xEC60;
	[sflag:s21] =	ssyncadd.s32 $0xFFFFE000  }
0x80: {  	v0 =	vld [tilespmem:s29+$0xFFFFFFF0]  }
0x81: {  	v2 =	vld [tilespmem:s29+$0x10]  }
0x82: {  	s12 =	simm.s32 $0x0;
	v1 =	vld [tilespmem:s29+$0xFFFFFFE0]  }
0x83: {  	v4 =	vld [tilespmem:s12+$0xC440]  }
0x84: {  	v5 =	vld [tilespmem:s29+$0x0];
	_ =	sdelay $0x3  }
0x85: {  	v1 =	vmul.f32 v1, v4;
	v3 =	vmul.f32 v2, v4  }
0x86: {  	s30 =	simm.s32 $0x40;
	s31 =	simm.s32 $0xEC60;
	v2 =	vmul.f32 v0, v4;
	v0 =	vmul.f32 v5, v4  }
.LBB2_4:
0x87: {  	p0 =	sne.s32 s30, $0x1FC0  }
0x88: {  	[tilespmem:s29+$0x10] =	vst v3;
	s31 =	sadd.s32 $0x40, s31;
	s2 =	smov.u32 s30;
	s30 =	sadd.s32 $0x40, s30  }
0x89: {  	v4 =	vld [tilespmem:s31+$0xFFFFFFF0];
	[tilespmem:s29+$0xFFFFFFE0] =	vst v1  }
0x8a: {  	v3 =	vld [tilespmem:s31+$0x10];
	[tilespmem:s29+$0xFFFFFFF0] =	vst v2  }
0x8b: {  	s2 =	sshra.s32 s2, $0x2;
	v1 =	vld [tilespmem:s31+$0xFFFFFFE0];
	[tilespmem:s29+$0x0] =	vst v0;
	s29 =	smov.u32 s31  }
0x8c: {  	v0 =	vld [tilespmem:s2+$0xC440]  }
0x8d: {  	v5 =	vld [tilespmem:s31+$0x0]  }
.Ltmp1:
0x8e: {  	(pc) =	sbr.rel @p0 .LBB2_4-.Ltmp1, $3  }
0x8f: {  	_ =	sdelay $0x1  }
0x90: {  	v1 =	vmul.f32 v1, v0;
	v3 =	vmul.f32 v3, v0  }
0x91: {  	v2 =	vmul.f32 v4, v0;
	v0 =	vmul.f32 v5, v0  }
0x92: {  	[tilespmem:s29+$0x10] =	vst v3  }
0x93: {  	[tilespmem:s29+$0xFFFFFFE0] =	vst v1  }
0x94: {  	[tilespmem:s29+$0xFFFFFFF0] =	vst v2  }
0x95: {  	s2 =	simm.s32 $0x0;
	[tilespmem:s29+$0x0] =	vst v0  }
0x96: {  	[hbm4b:s15+s2] =	stream.linear.scatter [tilespmem:s0], [sflag:$0x3], $0x2000, $0x38;
	[tilespmem:$0x1AC40] =	vst v63  }
0x97: {  	_ =	swait.ge [sflag:s21], $0x2000  }
0x98: {  	[sflag:s21] =	ssyncset.done $0x0  }
0x99: {  	[sflag:s21] =	ssyncadd.s32 $0xFFFFE000  }
0x9a: {  	[tilespmem:s0], [sflag:$0x3] =	stream.linear.gather [spmem:s8], $0x2000, $0x38;
	[tilespmem:$0x1AC40] =	vst v63  }
0x9b: {  	_ =	swait.ge [sflag:s21], $0x2000  }
0x9c: {  	[sflag:s21] =	ssyncset.done $0x0  }
0x9d: {  	s29 =	simm.s32 $0xEC60;
	[sflag:s21] =	ssyncadd.s32 $0xFFFFE000  }
0x9e: {  	v0 =	vld [tilespmem:s29+$0xFFFFFFF0]  }
0x9f: {  	v2 =	vld [tilespmem:s29+$0x10]  }
0xa0: {  	s12 =	simm.s32 $0x0;
	v1 =	vld [tilespmem:s29+$0xFFFFFFE0]  }
0xa1: {  	v4 =	vld [tilespmem:s12+$0xCC40]  }
0xa2: {  	v5 =	vld [tilespmem:s29+$0x0];
	_ =	sdelay $0x3  }
0xa3: {  	v1 =	vmul.f32 v1, v4;
	v3 =	vmul.f32 v2, v4  }
0xa4: {  	s30 =	simm.s32 $0x40;
	s31 =	simm.s32 $0xEC60;
	v2 =	vmul.f32 v0, v4;
	v0 =	vmul.f32 v5, v4  }
.LBB2_6:
0xa5: {  	p0 =	sne.s32 s30, $0x1FC0  }
0xa6: {  	[tilespmem:s29+$0x10] =	vst v3;
	s31 =	sadd.s32 $0x40, s31;
	s2 =	smov.u32 s30;
	s30 =	sadd.s32 $0x40, s30  }
0xa7: {  	v4 =	vld [tilespmem:s31+$0xFFFFFFF0];
	[tilespmem:s29+$0xFFFFFFE0] =	vst v1  }
0xa8: {  	v3 =	vld [tilespmem:s31+$0x10];
	[tilespmem:s29+$0xFFFFFFF0] =	vst v2  }
0xa9: {  	s2 =	sshra.s32 s2, $0x2;
	v1 =	vld [tilespmem:s31+$0xFFFFFFE0];
	[tilespmem:s29+$0x0] =	vst v0;
	s29 =	smov.u32 s31  }
0xaa: {  	v0 =	vld [tilespmem:s2+$0xCC40]  }
0xab: {  	v5 =	vld [tilespmem:s31+$0x0]  }
.Ltmp2:
0xac: {  	(pc) =	sbr.rel @p0 .LBB2_6-.Ltmp2, $3  }
0xad: {  	_ =	sdelay $0x1  }
0xae: {  	v1 =	vmul.f32 v1, v0;
	v3 =	vmul.f32 v3, v0  }
0xaf: {  	v2 =	vmul.f32 v4, v0;
	v0 =	vmul.f32 v5, v0  }
0xb0: {  	[tilespmem:s29+$0x10] =	vst v3  }
0xb1: {  	[tilespmem:s29+$0xFFFFFFE0] =	vst v1  }
0xb2: {  	[tilespmem:s29+$0xFFFFFFF0] =	vst v2  }
0xb3: {  	s2 =	simm.s32 $0x0;
	[tilespmem:s29+$0x0] =	vst v0  }
0xb4: {  	[hbm4b:s16+s2] =	stream.linear.scatter [tilespmem:s0], [sflag:$0x3], $0x2000, $0x38;
	[tilespmem:$0x1AC40] =	vst v63  }
0xb5: {  	_ =	swait.ge [sflag:s21], $0x2000  }
0xb6: {  	[sflag:s21] =	ssyncset.done $0x0  }
0xb7: {  	[sflag:s21] =	ssyncadd.s32 $0xFFFFE000  }
0xb8: {  	[tilespmem:s0], [sflag:$0x3] =	stream.linear.gather [spmem:s9], $0x2000, $0x38;
	[tilespmem:$0x1AC40] =	vst v63  }
0xb9: {  	_ =	swait.ge [sflag:s21], $0x2000  }
0xba: {  	[sflag:s21] =	ssyncset.done $0x0  }
0xbb: {  	s29 =	simm.s32 $0xEC60;
	[sflag:s21] =	ssyncadd.s32 $0xFFFFE000  }
0xbc: {  	v0 =	vld [tilespmem:s29+$0xFFFFFFF0]  }
0xbd: {  	v2 =	vld [tilespmem:s29+$0x10]  }
0xbe: {  	s12 =	simm.s32 $0x0;
	v1 =	vld [tilespmem:s29+$0xFFFFFFE0]  }
0xbf: {  	v4 =	vld [tilespmem:s12+$0xD440]  }
0xc0: {  	v5 =	vld [tilespmem:s29+$0x0];
	_ =	sdelay $0x3  }
0xc1: {  	v1 =	vmul.f32 v1, v4;
	v3 =	vmul.f32 v2, v4  }
0xc2: {  	s30 =	simm.s32 $0x40;
	s31 =	simm.s32 $0xEC60;
	v2 =	vmul.f32 v0, v4;
	v0 =	vmul.f32 v5, v4  }
.LBB2_8:
0xc3: {  	p0 =	sne.s32 s30, $0x1FC0  }
0xc4: {  	[tilespmem:s29+$0x10] =	vst v3;
	s31 =	sadd.s32 $0x40, s31;
	s2 =	smov.u32 s30;
	s30 =	sadd.s32 $0x40, s30  }
0xc5: {  	v4 =	vld [tilespmem:s31+$0xFFFFFFF0];
	[tilespmem:s29+$0xFFFFFFE0] =	vst v1  }
0xc6: {  	v3 =	vld [tilespmem:s31+$0x10];
	[tilespmem:s29+$0xFFFFFFF0] =	vst v2  }
0xc7: {  	s2 =	sshra.s32 s2, $0x2;
	v1 =	vld [tilespmem:s31+$0xFFFFFFE0];
	[tilespmem:s29+$0x0] =	vst v0;
	s29 =	smov.u32 s31  }
0xc8: {  	v0 =	vld [tilespmem:s2+$0xD440]  }
0xc9: {  	v5 =	vld [tilespmem:s31+$0x0]  }
.Ltmp3:
0xca: {  	(pc) =	sbr.rel @p0 .LBB2_8-.Ltmp3, $3  }
0xcb: {  	_ =	sdelay $0x1  }
0xcc: {  	v1 =	vmul.f32 v1, v0;
	v3 =	vmul.f32 v3, v0  }
0xcd: {  	v2 =	vmul.f32 v4, v0;
	v0 =	vmul.f32 v5, v0  }
0xce: {  	[tilespmem:s29+$0x10] =	vst v3  }
0xcf: {  	[tilespmem:s29+$0xFFFFFFE0] =	vst v1  }
0xd0: {  	[tilespmem:s29+$0xFFFFFFF0] =	vst v2  }
0xd1: {  	s2 =	simm.s32 $0x0;
	[tilespmem:s29+$0x0] =	vst v0  }
0xd2: {  	[hbm4b:s17+s2] =	stream.linear.scatter [tilespmem:s0], [sflag:$0x3], $0x2000, $0x38;
	[tilespmem:$0x1AC40] =	vst v63  }
0xd3: {  	_ =	swait.ge [sflag:s21], $0x2000  }
0xd4: {  	[sflag:s21] =	ssyncset.done $0x0  }
0xd5: {  	[sflag:s21] =	ssyncadd.s32 $0xFFFFE000  }
0xd6: {  	[tilespmem:s0], [sflag:$0x3] =	stream.linear.gather [spmem:s10], $0x2000, $0x38;
	[tilespmem:$0x1AC40] =	vst v63  }
0xd7: {  	_ =	swait.ge [sflag:s21], $0x2000  }
0xd8: {  	[sflag:s21] =	ssyncset.done $0x0  }
0xd9: {  	s29 =	simm.s32 $0xEC60;
	[sflag:s21] =	ssyncadd.s32 $0xFFFFE000  }
0xda: {  	v0 =	vld [tilespmem:s29+$0xFFFFFFF0]  }
0xdb: {  	v2 =	vld [tilespmem:s29+$0x10]  }
0xdc: {  	s12 =	simm.s32 $0x0;
	v1 =	vld [tilespmem:s29+$0xFFFFFFE0]  }
0xdd: {  	v4 =	vld [tilespmem:s12+$0xDC40]  }
0xde: {  	v5 =	vld [tilespmem:s29+$0x0];
	_ =	sdelay $0x3  }
0xdf: {  	v1 =	vmul.f32 v1, v4;
	v3 =	vmul.f32 v2, v4  }
0xe0: {  	s30 =	simm.s32 $0x40;
	s31 =	simm.s32 $0xEC60;
	v2 =	vmul.f32 v0, v4;
	v0 =	vmul.f32 v5, v4  }
.LBB2_10:
0xe1: {  	p0 =	sne.s32 s30, $0x1FC0  }
0xe2: {  	[tilespmem:s29+$0x10] =	vst v3;
	s31 =	sadd.s32 $0x40, s31;
	s2 =	smov.u32 s30;
	s30 =	sadd.s32 $0x40, s30  }
0xe3: {  	v4 =	vld [tilespmem:s31+$0xFFFFFFF0];
	[tilespmem:s29+$0xFFFFFFE0] =	vst v1  }
0xe4: {  	v3 =	vld [tilespmem:s31+$0x10];
	[tilespmem:s29+$0xFFFFFFF0] =	vst v2  }
0xe5: {  	s2 =	sshra.s32 s2, $0x2;
	v1 =	vld [tilespmem:s31+$0xFFFFFFE0];
	[tilespmem:s29+$0x0] =	vst v0;
	s29 =	smov.u32 s31  }
0xe6: {  	v0 =	vld [tilespmem:s2+$0xDC40]  }
0xe7: {  	v5 =	vld [tilespmem:s31+$0x0]  }
.Ltmp4:
0xe8: {  	(pc) =	sbr.rel @p0 .LBB2_10-.Ltmp4, $3  }
0xe9: {  	_ =	sdelay $0x1  }
0xea: {  	v1 =	vmul.f32 v1, v0;
	v3 =	vmul.f32 v3, v0  }
0xeb: {  	v2 =	vmul.f32 v4, v0;
	v0 =	vmul.f32 v5, v0  }
0xec: {  	[tilespmem:s29+$0x10] =	vst v3  }
0xed: {  	[tilespmem:s29+$0xFFFFFFE0] =	vst v1  }
0xee: {  	[tilespmem:s29+$0xFFFFFFF0] =	vst v2  }
0xef: {  	s2 =	simm.s32 $0x0;
	[tilespmem:s29+$0x0] =	vst v0  }
0xf0: {  	[hbm4b:s18+s2] =	stream.linear.scatter [tilespmem:s0], [sflag:$0x3], $0x2000, $0x38;
	[tilespmem:$0x1AC40] =	vst v63  }
0xf1: {  	_ =	swait.ge [sflag:s21], $0x2000  }
0xf2: {  	[sflag:s21] =	ssyncset.done $0x0  }
0xf3: {  	[sflag:s21] =	ssyncadd.s32 $0xFFFFE000  }
0xf4: {  	[tilespmem:s0], [sflag:$0x3] =	stream.linear.gather [spmem:s11], $0x2000, $0x38;
	[tilespmem:$0x1AC40] =	vst v63  }
0xf5: {  	_ =	swait.ge [sflag:s21], $0x2000  }
0xf6: {  	[sflag:s21] =	ssyncset.done $0x0  }
0xf7: {  	s29 =	simm.s32 $0xEC60;
	[sflag:s21] =	ssyncadd.s32 $0xFFFFE000  }
0xf8: {  	v0 =	vld [tilespmem:s29+$0xFFFFFFF0]  }
0xf9: {  	v2 =	vld [tilespmem:s29+$0x10]  }
0xfa: {  	s12 =	simm.s32 $0x0;
	v1 =	vld [tilespmem:s29+$0xFFFFFFE0]  }
0xfb: {  	v4 =	vld [tilespmem:s12+$0xE440]  }
0xfc: {  	v5 =	vld [tilespmem:s29+$0x0];
	_ =	sdelay $0x3  }
0xfd: {  	v1 =	vmul.f32 v1, v4;
	v3 =	vmul.f32 v2, v4  }
0xfe: {  	s30 =	simm.s32 $0x40;
	s31 =	simm.s32 $0xEC60;
	v2 =	vmul.f32 v0, v4;
	v0 =	vmul.f32 v5, v4  }
.LBB2_12:
0xff: {  	p0 =	sne.s32 s30, $0x1FC0  }
0x100: {  	[tilespmem:s29+$0x10] =	vst v3;
	s31 =	sadd.s32 $0x40, s31;
	s2 =	smov.u32 s30;
	s30 =	sadd.s32 $0x40, s30  }
0x101: {  	v4 =	vld [tilespmem:s31+$0xFFFFFFF0];
	[tilespmem:s29+$0xFFFFFFE0] =	vst v1  }
0x102: {  	v3 =	vld [tilespmem:s31+$0x10];
	[tilespmem:s29+$0xFFFFFFF0] =	vst v2  }
0x103: {  	s2 =	sshra.s32 s2, $0x2;
	v1 =	vld [tilespmem:s31+$0xFFFFFFE0];
	[tilespmem:s29+$0x0] =	vst v0;
	s29 =	smov.u32 s31  }
0x104: {  	v0 =	vld [tilespmem:s2+$0xE440]  }
0x105: {  	v5 =	vld [tilespmem:s31+$0x0]  }
.Ltmp5:
0x106: {  	(pc) =	sbr.rel @p0 .LBB2_12-.Ltmp5, $3  }
0x107: {  	_ =	sdelay $0x1  }
0x108: {  	v1 =	vmul.f32 v1, v0;
	v3 =	vmul.f32 v3, v0  }
0x109: {  	v2 =	vmul.f32 v4, v0;
	v0 =	vmul.f32 v5, v0  }
0x10a: {  	[tilespmem:s29+$0x10] =	vst v3  }
0x10b: {  	[tilespmem:s29+$0xFFFFFFE0] =	vst v1;
	s22 =	sadd.s32 $0x1, s22  }
0x10c: {  	[tilespmem:s29+$0xFFFFFFF0] =	vst v2;
	p0 =	sne.s32 s22, s20  }
.Ltmp6:
0x10d: {  	[tilespmem:s29+$0x0] =	vst v0;
	(pc) =	sbr.rel @p0 .LBB2_1-.Ltmp6, $4  }
0x10e: {  	[hbm4b:s19+s4] =	stream.linear.scatter [tilespmem:s0], [sflag:$0x3], $0x2000, $0x38;
	[tilespmem:$0x1AC40] =	vst v63  }
0x10f: {  	_ =	swait.ge [sflag:s21], $0x2000  }
0x110: {  	[sflag:s21] =	ssyncset.done $0x0  }
0x111: {  	[sflag:s21] =	ssyncadd.s32 $0xFFFFE000  }
0x112: {  	_ =	sfence.sel $0x180000  }
0x113: {  	[bflag:$0x0] =	sbarrier.arrive $0xFFFF  }
0x114: {  	_ =	strace $0x90000050  }
0x115: {  	s0 =	stileid.u32;
	[bflag:$0x2] =	sbarrier.arrive $0xFFFF  }
0x116: {  	p0 =	sne.s32 s0, $0x0;
	s0 =	rddreg [dreg:$0x3]  }
0x117: {  	s0 =	sadd.s32 @!p0 $0x100000, s0  }
0x118: {  	[sflag:s0] =	ssyncadd.tile.s32 @!p0 $0x1;
	_ =	shalt  }
.Lfunc_end2:
_tile_overlayer_lowered:
.L_overlay_start_2:
0x119: {  	(tag) =	ssettag $0x2  }
0x11a: {  	s0 =	rddreg [dreg:$0x0];
	s2 =	stileid.u32  }
0x11b: {  	s1 =	rddreg [dreg:$0x1];
	p0 =	sne.s32 s2, $0x0  }
0x11c: {  	s3 =	rddreg [dreg:$0x2];
	[bflag:$0x3] =	sbarrier.arrive $0xFFFF;
	s2 =	simm.s32 @!p0 $0x1C03  }
0x11d: {  	[timem:s3], [sflag:s2] =	dma.local @!p0 [hbm:s0], s1  }
0x11e: {  	s0 =	simm.s32 @!p0 $0x3  }
0x11f: {  	_ =	swait.ge @!p0 [sflag:s0], s1  }
0x120: {  	s1 =	ssub.s32 @!p0 $0x0, s1;
	[sflag:s0] =	ssyncset.done @!p0 $0x0  }
0x121: {  	[sflag:s0] =	ssyncadd.s32 @!p0 s1  }
0x122: {  	[bflag:$0x3] =	sbarrier.arrive $0xFFFF  }
0x123: {  	_ =	shalt  }

// kernel: kernel.23.cloned.1.call-start
scs
__scs_entry_jumppad:
0x0: {  	(pc) =	sbr.rel $0x88, $3  }
0x1: {  	(tag) =	ssettag $0x0;
	lr =	simm.s32 $0x1  }
0x2: {  	[smem:$0x3F99] =	sst lr;
	_ =	strace $0xD0000000  }
0x3: {  	_ = 	snop  }
0x4: {  	_ = 	snop  }
0x5: {  	_ = 	snop  }
0x6: {  	_ = 	snop  }
0x7: {  	_ = 	snop  }
__scs_overlays_trampoline_lowered:
0x8: {  	[smem:$0x3FA8] =	sst s0  }
0x9: {  	[smem:$0x3FA9] =	sst s1  }
0xa: {  	[smem:$0x3FAA] =	sst s2  }
0xb: {  	[smem:$0x3FAB] =	sst s3  }
0xc: {  	[smem:$0x3FAC] =	sst s4  }
0xd: {  	[smem:$0x3FAD] =	sst s5  }
0xe: {  	[smem:$0x3FAE] =	sst s6  }
0xf: {  	[smem:$0x3FAF] =	sst s7  }
0x10: {  	[smem:$0x3FB0] =	sst s8  }
0x11: {  	[smem:$0x3FB1] =	sst s9;
	s0 =	simm.s32 @!p0 $0x0  }
0x12: {  	s1 =	sld [smem:$0x3F97];
	s0 =	simm.s32 @p0 $0x1  }
0x13: {  	[smem:$0x3FB2] =	sst s0;
	s0 =	simm.s32 @!p1 $0x0  }
0x14: {  	s2 =	sld [smem:$0x3F96];
	s0 =	simm.s32 @p1 $0x1  }
0x15: {  	[smem:$0x3FB3] =	sst s0;
	s0 =	simm.s32 @!p2 $0x0  }
0x16: {  	s3 =	sld [smem:$0x3FDB];
	s0 =	simm.s32 @p2 $0x1  }
0x17: {  	s4 =	simm.s32 $0x1BF5;
	[smem:$0x3FB5] =	sst s0  }
0x18: {  	s0 =	sld [smem:$0x3F98];
	_ =	swait.ge [sflag:s4], $0x0  }
0x19: {  	s7 =	sld [smem:$0x3F99]  }
0x1a: {  	s8 =	sadd.s32 $0xFFFFE003, lr  }
0x1b: {  	s9 =	sadd.s32 $0xFFFFFEF7, lr;
	s5 =	simm.s32 $0xFFFFFFFF;
	p2 =	slt.u32 s8, $0xFFFFF086  }
0x1c: {  	p1 =	slt.u32 s9, $0xF7A;
	s5 =	simm.s32 @!p2 $0x0  }
0x1d: {  	s5 =	simm.s32 @p1 $0x1;
	p0 =	seq.s32 s7, s2  }
0x1e: {  	s7 =	smul.u32 @!p0 $0xF7A, s2;
	p2 =	seq.s32 @!p0 s5, $0x0  }
0x1f: {  	s9 =	smul.u32 $0xF7A, s1;
	s8 =	simm.s32 @!p0 $0x1BF5;
	p2 =	por !p2, p0  }
0x20: {  	[sflag:s8] =	ssyncset.s32 @!p0 $0xFFFFF086;
	s6 =	sadd.s32 @!p0 s3, s7;
	s7 =	simm.s32 @!p0 $0x108  }
0x21: {  	s3 =	sadd.s32 s3, s9;
	s6 =	sadd.s32 @!p0 $0x88, s6;
	s7 =	simm.s32 @p2 $0x1082  }
0x22: {  	[simem:s7], [sflag:s8] =	dma.local @!p0 [hbm:s6], $0xF7A  }
0x23: {  	s9 =	sor.u32 $0xD0000000, s2;
	s6 =	simm.s32 $0x108;
	_ =	swait.ge @!p0 [sflag:s8], $0x0  }
0x24: {  	s3 =	sadd.s32 $0x88, s3;
	s6 =	simm.s32 @!p1 $0x1082;
	[sflag:s4] =	ssyncset.s32 $0xFFFFF086  }
0x25: {  	[simem:s6], [sflag:s4] =	dma.local [hbm:s3], $0xF7A  }
0x26: {  	[smem:$0x3F99] =	sst s1;
	(tag) =	ssettag s2;
	_ =	strace s9  }
0x27: {  	s1 =	sld [smem:$0x3FA9]  }
0x28: {  	s2 =	sld [smem:$0x3FAA]  }
0x29: {  	s4 =	sld [smem:$0x3FAC]  }
0x2a: {  	p0 =	seq.s32 s5, $0x0;
	s5 =	sld [smem:$0x3FAD]  }
0x2b: {  	s6 =	sld [smem:$0x3FAE]  }
0x2c: {  	s7 =	sld [smem:$0x3FAF]  }
0x2d: {  	s3 =	simm.s32 $0x108;
	s8 =	sld [smem:$0x3FB0]  }
0x2e: {  	s3 =	simm.s32 @!p0 $0x1082;
	s9 =	sld [smem:$0x3FB1]  }
0x2f: {  	lr =	sadd.s32 s0, s3;
	s0 =	sld [smem:$0x3FA8]  }
0x30: {  	s3 =	sld [smem:$0x3FAB]  }
0x31: {  	[smem:$0x3FB4] =	sst s10  }
0x32: {  	s10 =	sld [smem:$0x3FB2];
	_ =	sdelay $0x3  }
0x33: {  	p0 =	seq.s32 s10, $0x1;
	s10 =	sld [smem:$0x3FB4];
	_ =	sdelay $0x3  }
0x34: {  	[smem:$0x3FB4] =	sst s10  }
0x35: {  	s10 =	sld [smem:$0x3FB3];
	_ =	sdelay $0x3  }
0x36: {  	p1 =	seq.s32 s10, $0x1;
	s10 =	sld [smem:$0x3FB4];
	_ =	sdelay $0x3  }
0x37: {  	[smem:$0x3FB4] =	sst s10  }
0x38: {  	s10 =	sld [smem:$0x3FB5]  }
0x39: {  	_ = 	snop;
	(pc) =	sbr.ind lr, $3  }
0x3a: {  	_ = 	snop  }
0x3b: {  	_ = 	snop  }
0x3c: {  	p2 =	seq.s32 s10, $0x1;
	s10 =	sld [smem:$0x3FB4]  }
0x3d: {  	_ =	shalt  }
0x3e: {  	_ =	shalt  }
0x3f: {  	_ =	shalt  }
0x40: {  	_ =	shalt  }
0x41: {  	_ =	shalt  }
0x42: {  	_ =	shalt  }
0x43: {  	_ =	shalt  }
0x44: {  	_ =	shalt  }
0x45: {  	_ =	shalt  }
0x46: {  	_ =	shalt  }
0x47: {  	_ =	shalt  }
0x48: {  	_ =	shalt  }
0x49: {  	_ =	shalt  }
0x4a: {  	_ =	shalt  }
0x4b: {  	_ =	shalt  }
0x4c: {  	_ =	shalt  }
0x4d: {  	_ =	shalt  }
0x4e: {  	_ =	shalt  }
0x4f: {  	_ =	shalt  }
0x50: {  	_ =	shalt  }
0x51: {  	_ =	shalt  }
0x52: {  	_ =	shalt  }
0x53: {  	_ =	shalt  }
0x54: {  	_ =	shalt  }
0x55: {  	_ =	shalt  }
0x56: {  	_ =	shalt  }
0x57: {  	_ =	shalt  }
0x58: {  	_ =	shalt  }
0x59: {  	_ =	shalt  }
0x5a: {  	_ =	shalt  }
0x5b: {  	_ =	shalt  }
0x5c: {  	_ =	shalt  }
0x5d: {  	_ =	shalt  }
0x5e: {  	_ =	shalt  }
0x5f: {  	_ =	shalt  }
0x60: {  	_ =	shalt  }
0x61: {  	_ =	shalt  }
0x62: {  	_ =	shalt  }
0x63: {  	_ =	shalt  }
0x64: {  	_ =	shalt  }
0x65: {  	_ =	shalt  }
0x66: {  	_ =	shalt  }
0x67: {  	_ =	shalt  }
0x68: {  	_ =	shalt  }
0x69: {  	_ =	shalt  }
0x6a: {  	_ =	shalt  }
0x6b: {  	_ =	shalt  }
0x6c: {  	_ =	shalt  }
0x6d: {  	_ =	shalt  }
0x6e: {  	_ =	shalt  }
0x6f: {  	_ =	shalt  }
0x70: {  	_ =	shalt  }
0x71: {  	_ =	shalt  }
0x72: {  	_ =	shalt  }
0x73: {  	_ =	shalt  }
0x74: {  	_ =	shalt  }
0x75: {  	_ =	shalt  }
0x76: {  	_ =	shalt  }
0x77: {  	_ =	shalt  }
0x78: {  	_ =	shalt  }
0x79: {  	_ =	shalt  }
0x7a: {  	_ =	shalt  }
0x7b: {  	_ =	shalt  }
0x7c: {  	_ =	shalt  }
0x7d: {  	_ =	shalt  }
0x7e: {  	_ =	shalt  }
0x7f: {  	_ =	shalt  }
0x80: {  	_ =	shalt  }
0x81: {  	_ =	shalt  }
0x82: {  	_ =	shalt  }
0x83: {  	_ =	shalt  }
0x84: {  	_ =	shalt  }
0x85: {  	_ =	shalt  }
0x86: {  	_ =	shalt  }
0x87: {  	_ =	shalt  }
.Lfunc_end0:
.L_simem_size_0:
called_computation.4_lowered:
.L_overlay_start_0:
0x88: {  	s2 =	sld [smem:$0x3FD9]  }
0x89: {  	s3 =	sld [smem:$0x3FFE];
	_ =	sdelay $0x1  }
0x8a: {  	s1 =	srdreg.scid  }
0x8b: {  	s0 =	sand.u32 $0x1, s1  }
0x8c: {  	s16 =	sshll.u32 s0, $0xA;
	s2 =	sadd.s32 s3, s2  }
0x8d: {  	s2 =	sadd.s32 s2, s16  }
0x8e: {  	[smem:$0x3FC0] =	sst s2  }
0x8f: {  	_ = 	snop  }
0x90: {  	(tm) =	ssettm $0x1  }
0x91: {  	s17 =	sld [smem:$0x3FFB];
	_ =	sdelay $0x3  }
0x92: {  	_ =	strace s17  }
0x93: {  	s2 =	sld [smem:$0x3FFC];
	_ =	sdelay $0x3  }
0x94: {  	_ =	strace s2  }
0x95: {  	s2 =	sld [smem:$0x3FFD];
	_ =	sdelay $0x3  }
0x96: {  	_ =	strace s2  }
0x97: {  	_ =	strace $0x8FFFFFFF  }
0x98: {  	s18 =	sld [smem:$0x3FDB];
	_ =	sdelay $0x1  }
0x99: {  	s19 =	simm.s32 $_scs_section_size  }
0x9a: {  	s4 =	simm.s32 $_size__tile_overlayer_lowered;
	s5 =	simm.s32 $_tile_overlayer_lowered  }
0x9b: {  	s22 =	simm.s32 $0x1BFF;
	s21 =	sshll.u32 s5, $0x1;
	s2 =	sadd.s32 s19, s18  }
0x9c: {  	s6 =	simm.s32 $0x0;
	s20 =	sshll.u32 s4, $0x1;
	s4 =	sadd.s32 s21, s2  }
0x9d: {  	[timem:s6], [sflag:s22] =	dma.local [hbm:s4], s20  }
0x9e: {  	_ =	swait.ge [sflag:s22], s20  }
0x9f: {  	s3 =	ssub.s32 $0x0, s20;
	[sflag:s22] =	ssyncset.done $0x0  }
0xa0: {  	[sflag:s22] =	ssyncadd.s32 s3;
	_ =	sdelay $0x1  }
0xa1: {  	s23 =	simm.s32 $0x1B8B  }
0xa2: {  	_ =	swait.ge [sflag:s23], $0x1  }
0xa3: {  	[sflag:s23] =	ssyncset.done $0x0  }
0xa4: {  	s25 =	simm.s32 $0x1B8E;
	s24 =	sld [smem:$0x3FFE];
	[sflag:s23] =	ssyncadd.s32 $0xFFFFFFFF  }
0xa5: {  	s26 =	simm.s32 $execute0_lowered;
	[smem:$0x3FD2] =	sst s25  }
0xa6: {  	s4 =	sshll.u32 s26, $0x1;
	_ =	strace $0x80000052;
	[dreg:$0x1] =	wrdreg $0xFFFFFFFF  }
0xa7: {  	s28 =	simm.s32 $_size_execute0_lowered;
	s2 =	sadd.s32 s2, s4;
	[dreg:$0x0] =	wrdreg $0x0  }
0xa8: {  	s4 =	sshll.u32 s28, $0x1;
	[dreg:$0x2] =	wrdreg s2  }
0xa9: {  	[dreg:$0x3] =	wrdreg s4  }
0xaa: {  	[dreg:$0x4] =	wrdreg $0xC0  }
0xab: {  	_ =	task [dreg:s6], $0x5FFFF  }
0xac: {  	[dreg:$0x1] =	wrdreg $0xFFFFFFFF  }
0xad: {  	[dreg:$0x0] =	wrdreg $0x60  }
0xae: {  	[dreg:$0x2] =	wrdreg s24  }
0xaf: {  	[dreg:$0x3] =	wrdreg $0xC4400  }
0xb0: {  	[dreg:$0x4] =	wrdreg $0x9  }
0xb1: {  	_ =	task.clear_ibuf [dreg:s6], $0x5FFFF;
	_ =	strace $0x90000052  }
0xb2: {  	s29 =	simm.s32 $0x9;
	_ =	strace $0x80000054  }
0xb3: {  	_ =	swait.ge [sflag:s29], $0x1  }
0xb4: {  	[sflag:s29] =	ssyncadd.s32 $0xFFFFFFFF  }
0xb5: {  	_ =	strace $0x90000054  }
0xb6: {  	_ =	sfence  }
0xb7: {  	s30 =	sld [smem:$0x0];
	_ =	sdelay $0x2  }
0xb8: {  	s31 =	sshll.u32 s1, $0xD;
	s1 =	sshrl.u32 s1, $0x2  }
0xb9: {  	s3 =	sand.u32 $0x4000, s31;
	s1 =	sadd.s32 s1, s30  }
0xba: {  	s0 =	sor.u32 s3, s0;
	s1 =	sshll.u32 s1, $0x11  }
0xbb: {  	s0 =	sor.u32 s1, s0  }
0xbc: {  	s0 =	sadd.s32 $0x8F2B, s0  }
0xbd: {  	[sflag:s0] =	ssyncadd.remote.s32 $0x1  }
0xbe: {  	_ =	sfence.sel $0xFFFF  }
0xbf: {  	[dreg:$0x0] =	wrdreg $0xFFFFFFFF;
	(pc) =	sbr.abs _section_cstart, $3  }
0xc0: {  	[dreg:$0x1] =	wrdreg $0xFFFFFFFF  }
0xc1: {  	_ =	task.clear_ibuf [dreg:s6], $0x2FFFF;
	_ =	strace $0x9FFFFFFF  }
0xc2: {  	(tm) =	ssettm $0x7FFFFFFF  }
0xc3: {  	_ =	shalt  }
tec
execute0_lowered:
.L_overlay_start_1:
0x0: {  	(tag) =	ssettag $0x1  }
0x1: {  	s0 =	srdreg.scid  }
0x2: {  	s9 =	stileid.u32;
	s1 =	rddreg [dreg:$0x0]  }
0x3: {  	s2 =	rddreg [dreg:$0x1];
	s3 =	simm.s32 $0x0;
	s20 =	simm.s32 $0x3  }
0x4: {  	s31 =	simm.s32 $0x0;
	s0 =	sand.u32 $0x1, s0;
	s5 =	smul.u32 $0x4E20, s9  }
0x5: {  	[smem:$0x7FF] =	sst s3;
	s12 =	smul.u32 $0xA000, s9;
	s21 =	sshll.u32 s9, $0x6  }
0x6: {  	s4 =	smul.u32 $0x4E200, s0;
	_ =	strace $0x80000053;
	s7 =	ssub.s32 $0x2, s0  }
0x7: {  	s0 =	smul.u32 $0xA0000, s0;
	s8 =	sshrl.u32 s7, $0x1;
	s14 =	sadd.s32 $0x2000, s12  }
0x8: {  	s22 =	sadd.s32 s12, s2;
	s16 =	sadd.s32 $0x4000, s12;
	s17 =	sadd.s32 $0x6000, s12  }
0x9: {  	s18 =	sadd.s32 $0x8000, s12;
	s4 =	sadd.s32 s5, s4;
	s5 =	sshrl.u32 s5, $0x3  }
0xa: {  	s19 =	ssub.s32 s7, s8;
	[dreg:$0x3] =	wrdreg s22;
	s7 =	sor.u32 $0x1C03, s21  }
0xb: {  	s23 =	sadd.s32 s14, s2;
	s24 =	sadd.s32 s16, s2;
	s25 =	sadd.s32 s17, s2  }
0xc: {  	s11 =	sadd.s32 s18, s2;
	s15 =	sadd.s32 s12, s0;
	s14 =	sadd.s32 s0, s14  }
0xd: {  	s29 =	sadd.s32 s0, s16;
	s30 =	sadd.s32 s0, s17;
	s0 =	sadd.s32 s0, s18  }
0xe: {  	s22 =	simm.s32 $0x50;
	s6 =	sshrl.u32 s4, $0x3;
	[dreg:$0x4] =	wrdreg s23  }
0xf: {  	s4 =	sadd.s32 $0xDE600, s1;
	s13 =	sadd.s32 s5, s1;
	[dreg:$0x5] =	wrdreg s24  }
0x10: {  	s5 =	sadd.s32 $0x1B400, s1;
	[dreg:$0x6] =	wrdreg s25;
	s26 =	sshrl.u32 s15, $0x3  }
0x11: {  	s28 =	sshrl.u32 s14, $0x3;
	s17 =	sshrl.u32 s30, $0x3;
	s0 =	sshrl.u32 s0, $0x3  }
0x12: {  	s19 =	smax.u32 s19, $0x1;
	s23 =	simm.s32 $0x9C40;
	s24 =	simm.s32 $0xB040  }
0x13: {  	s25 =	simm.s32 $0x1;
	s6 =	sadd.s32 s6, s1;
	s1 =	sadd.s32 $0x11A000, s1  }
0x14: {  	s13 =	sadd.s32 $0xC600, s13;
	s12 =	sadd.s32 $0x106600, s6;
	s14 =	sadd.s32 s1, s26  }
0x15: {  	s15 =	sadd.s32 s1, s28;
	s6 =	sshrl.u32 s29, $0x3;
	s17 =	sadd.s32 s1, s17  }
0x16: {  	s18 =	sadd.s32 s1, s0;
	s26 =	simm.s32 $0x2;
	s16 =	sadd.s32 s1, s6  }
.LBB2_1:
0x17: {  	s0 =	rddreg [dreg:$0x3]  }
0x18: {  	s1 =	sshrl.u32 s0, $0x3  }
0x19: {  	[spmem:s1], [sflag:s7] =	dma.local [hbm:s5], $0x400  }
0x1a: {  	_ =	swait.ge [sflag:s20], $0x400  }
0x1b: {  	[sflag:s20] =	ssyncset.done $0x0;
	s6 =	rddreg [dreg:$0x4]  }
0x1c: {  	[sflag:s20] =	ssyncadd.s32 $0xFFFFFC00;
	s0 =	sshrl.u32 s6, $0x3  }
0x1d: {  	[spmem:s0], [sflag:s7] =	dma.local [hbm:s5], $0x400  }
0x1e: {  	_ =	swait.ge [sflag:s20], $0x400  }
0x1f: {  	[sflag:s20] =	ssyncset.done $0x0;
	s6 =	rddreg [dreg:$0x5]  }
0x20: {  	[sflag:s20] =	ssyncadd.s32 $0xFFFFFC00;
	s21 =	sshrl.u32 s6, $0x3  }
0x21: {  	[spmem:s21], [sflag:s7] =	dma.local [hbm:s5], $0x400  }
0x22: {  	_ =	swait.ge [sflag:s20], $0x400  }
0x23: {  	[sflag:s20] =	ssyncset.done $0x0;
	s8 =	rddreg [dreg:$0x6]  }
0x24: {  	[sflag:s20] =	ssyncadd.s32 $0xFFFFFC00;
	s28 =	sshrl.u32 s8, $0x3  }
0x25: {  	[spmem:s28], [sflag:s7] =	dma.local [hbm:s5], $0x400  }
0x26: {  	_ =	swait.ge [sflag:s20], $0x400  }
0x27: {  	[sflag:s20] =	ssyncset.done $0x0  }
0x28: {  	s29 =	sshrl.u32 s11, $0x3;
	[sflag:s20] =	ssyncadd.s32 $0xFFFFFC00  }
0x29: {  	[spmem:s29], [sflag:s7] =	dma.local [hbm:s5], $0x400  }
0x2a: {  	_ =	swait.ge [sflag:s20], $0x400  }
0x2b: {  	[sflag:s20] =	ssyncset.done $0x0  }
0x2c: {  	[sflag:s20] =	ssyncadd.s32 $0xFFFFFC00  }
0x2d: {  	[tilespmem:s3], [sflag:$0x3] =	stream.linear.gather [hbm4b:s12+s3], $0x4E20, $0x38;
	[tilespmem:$0x16440] =	vst v63  }
0x2e: {  	_ =	swait.ge [sflag:s20], $0x4E20  }
0x2f: {  	[sflag:s20] =	ssyncset.done $0x0  }
0x30: {  	s9 =	simm.s32 $0x4E20;
	[sflag:s20] =	ssyncadd.s32 $0xFFFFB1E0  }
0x31: {  	[tilespmem:s9], [sflag:$0x3] =	stream.linear.gather [hbm4b:s13+s3], $0x4E20, $0x38;
	[tilespmem:$0x16440] =	vst v63  }
0x32: {  	_ =	swait.ge [sflag:s20], $0x4E20  }
0x33: {  	[sflag:s20] =	ssyncset.done $0x0  }
0x34: {  	[sflag:s20] =	ssyncadd.s32 $0xFFFFB1E0  }
0x35: {  	[bflag:$0x0] =	sbarrier.arrive $0xFFFF  }
0x36: {  	[tilespmem:s23], [sflag:$0x1] =	stream.indirect.gather [hbm4b:s4+s22], $0x40, s3, s22, $0xb8;
	[tilespmem:$0x16440] =	vst v63  }
0x37: {  	s10 =	simm.s32 $0x50  }
0x38: {  	[tilespmem:s24], [sflag:$0x2] =	stream.indirect.gather [hbm4b:s4+s22], $0x40, s10, s22, $0xb8;
	[tilespmem:$0x16440] =	vst v63  }
0x39: {  	_ =	swait.ge [sflag:s25], $0x1400  }
0x3a: {  	[sflag:s25] =	ssyncset.done $0x0  }
0x3b: {  	s8 =	simm.s32 $0x4E20;
	[sflag:s25] =	ssyncadd.s32 $0xFFFFEC00  }
0x3c: {  	[spmem:s2] =	stream.indirect.scatter.add.f32 [tilespmem:s23], [sflag:$0x3], $0x40, s8, s22, $0xb8;
	[tilespmem:$0x16440] =	vst v63  }
0x3d: {  	_ =	swait.ge [sflag:s20], $0x1400  }
0x3e: {  	[sflag:s20] =	ssyncset.done $0x0  }
0x3f: {  	s9 =	simm.s32 $0xA0;
	[sflag:s20] =	ssyncadd.s32 $0xFFFFEC00  }
0x40: {  	[tilespmem:s23], [sflag:$0x1] =	stream.indirect.gather [hbm4b:s4+s22], $0x40, s9, s22, $0xb8;
	[tilespmem:$0x16440] =	vst v63  }
0x41: {  	_ =	swait.ge [sflag:s26], $0x1400  }
0x42: {  	[sflag:s26] =	ssyncset.done $0x0  }
0x43: {  	s10 =	simm.s32 $0x4E70;
	[sflag:s26] =	ssyncadd.s32 $0xFFFFEC00  }
0x44: {  	[spmem:s2] =	stream.indirect.scatter.add.f32 [tilespmem:s24], [sflag:$0x3], $0x40, s10, s22, $0xb8;
	[tilespmem:$0x16440] =	vst v63  }
0x45: {  	_ =	swait.ge [sflag:s20], $0x1400  }
0x46: {  	s30 =	simm.s32 $0xA0;
	s6 =	simm.s32 $0x500;
	[sflag:s20] =	ssyncset.done $0x0  }
.LBB2_2:
0x47: {  	s8 =	sadd.s32 $0x50, s30  }
0x48: {  	[sflag:s20] =	ssyncadd.s32 $0xFFFFEC00;
	s9 =	smov.u32 s6;
	s10 =	sadd.s32 $0x280, s6  }
0x49: {  	[tilespmem:s24], [sflag:$0x2] =	stream.indirect.gather [hbm4b:s4+s22], $0x40, s8, s22, $0xb8;
	[tilespmem:$0x16440] =	vst v63  }
0x4a: {  	p0 =	sne.s32 s6, $0x13380;
	_ =	swait.ge [sflag:s25], $0x1400  }
0x4b: {  	[sflag:s25] =	ssyncset.done $0x0  }
0x4c: {  	s6 =	sadd.s32 $0x4E20, s30;
	[sflag:s25] =	ssyncadd.s32 $0xFFFFEC00  }
0x4d: {  	[spmem:s2] =	stream.indirect.scatter.add.f32 [tilespmem:s23], [sflag:$0x3], $0x40, s6, s22, $0xb8;
	[tilespmem:$0x16440] =	vst v63  }
0x4e: {  	_ =	swait.ge [sflag:s20], $0x1400  }
0x4f: {  	[sflag:s20] =	ssyncset.done $0x0  }
0x50: {  	s6 =	sadd.s32 $0xA0, s30;
	[sflag:s20] =	ssyncadd.s32 $0xFFFFEC00  }
0x51: {  	[tilespmem:s23], [sflag:$0x1] =	stream.indirect.gather [hbm4b:s4+s22], $0x40, s6, s22, $0xb8;
	[tilespmem:$0x16440] =	vst v63  }
0x52: {  	_ =	swait.ge [sflag:s26], $0x1400  }
.Ltmp0:
0x53: {  	[sflag:s26] =	ssyncset.done $0x0;
	(pc) =	sbr.rel @p0 .LBB2_2-.Ltmp0, $4  }
0x54: {  	s6 =	sadd.s32 $0x4E70, s30;
	[sflag:s26] =	ssyncadd.s32 $0xFFFFEC00  }
0x55: {  	[spmem:s2] =	stream.indirect.scatter.add.f32 [tilespmem:s24], [sflag:$0x3], $0x40, s6, s22, $0xb8;
	[tilespmem:$0x16440] =	vst v63  }
0x56: {  	_ =	swait.ge [sflag:s20], $0x1400  }
0x57: {  	s30 =	sshra.s32 s9, $0x2;
	s6 =	smov.u32 s10;
	[sflag:s20] =	ssyncset.done $0x0  }
0x58: {  	s6 =	sadd.s32 $0x50, s30;
	[sflag:s20] =	ssyncadd.s32 $0xFFFFEC00  }
0x59: {  	[tilespmem:s24], [sflag:$0x2] =	stream.indirect.gather [hbm4b:s4+s22], $0x40, s6, s22, $0xb8;
	[tilespmem:$0x16440] =	vst v63  }
0x5a: {  	_ =	swait.ge [sflag:s25], $0x1400  }
0x5b: {  	[sflag:s25] =	ssyncset.done $0x0  }
0x5c: {  	s9 =	sadd.s32 $0x4E20, s30;
	[sflag:s25] =	ssyncadd.s32 $0xFFFFEC00  }
0x5d: {  	[spmem:s2] =	stream.indirect.scatter.add.f32 [tilespmem:s23], [sflag:$0x3], $0x40, s9, s22, $0xb8;
	[tilespmem:$0x16440] =	vst v63  }
0x5e: {  	_ =	swait.ge [sflag:s20], $0x1400  }
0x5f: {  	[sflag:s20] =	ssyncset.done $0x0  }
0x60: {  	s10 =	sadd.s32 $0xA0, s30;
	[sflag:s20] =	ssyncadd.s32 $0xFFFFEC00  }
0x61: {  	[tilespmem:s23], [sflag:$0x1] =	stream.indirect.gather [hbm4b:s4+s22], $0x40, s10, s22, $0xb8;
	[tilespmem:$0x16440] =	vst v63  }
0x62: {  	_ =	swait.ge [sflag:s26], $0x1400  }
0x63: {  	[sflag:s26] =	ssyncset.done $0x0  }
0x64: {  	s8 =	sadd.s32 $0x4E70, s30;
	[sflag:s26] =	ssyncadd.s32 $0xFFFFEC00  }
0x65: {  	[spmem:s2] =	stream.indirect.scatter.add.f32 [tilespmem:s24], [sflag:$0x3], $0x40, s8, s22, $0xb8;
	[tilespmem:$0x16440] =	vst v63  }
0x66: {  	_ =	swait.ge [sflag:s20], $0x1400  }
0x67: {  	[sflag:s20] =	ssyncset.done $0x0  }
0x68: {  	s9 =	simm.s32 $0x4DD0;
	[sflag:s20] =	ssyncadd.s32 $0xFFFFEC00  }
0x69: {  	[tilespmem:s24], [sflag:$0x2] =	stream.indirect.gather [hbm4b:s4+s22], $0x40, s9, s22, $0xb8;
	[tilespmem:$0x16440] =	vst v63  }
0x6a: {  	_ =	swait.ge [sflag:s25], $0x1400  }
0x6b: {  	[sflag:s25] =	ssyncset.done $0x0  }
0x6c: {  	s10 =	simm.s32 $0x9BA0;
	[sflag:s25] =	ssyncadd.s32 $0xFFFFEC00  }
0x6d: {  	[spmem:s2] =	stream.indirect.scatter.add.f32 [tilespmem:s23], [sflag:$0x3], $0x40, s10, s22, $0xb8;
	[tilespmem:$0x16440] =	vst v63  }
0x6e: {  	_ =	swait.ge [sflag:s20], $0x1400  }
0x6f: {  	[sflag:s20] =	ssyncset.done $0x0  }
0x70: {  	[sflag:s20] =	ssyncadd.s32 $0xFFFFEC00  }
0x71: {  	_ =	swait.ge [sflag:s26], $0x1400  }
0x72: {  	[sflag:s26] =	ssyncset.done $0x0  }
0x73: {  	s30 =	simm.s32 $0x9BF0;
	[sflag:s26] =	ssyncadd.s32 $0xFFFFEC00  }
0x74: {  	[spmem:s2] =	stream.indirect.scatter.add.f32 [tilespmem:s24], [sflag:$0x3], $0x40, s30, s22, $0xb8;
	[tilespmem:$0x16440] =	vst v63  }
0x75: {  	_ =	swait.ge [sflag:s20], $0x1400  }
0x76: {  	[sflag:s20] =	ssyncset.done $0x0  }
0x77: {  	[sflag:s20] =	ssyncadd.s32 $0xFFFFEC00  }
0x78: {  	[bflag:$0x0] =	sbarrier.arrive $0xFFFF  }
0x79: {  	[hbm:s14], [sflag:s7] =	dma.local [spmem:s1], $0x400  }
0x7a: {  	_ =	swait.ge [sflag:s20], $0x400  }
0x7b: {  	[sflag:s20] =	ssyncset.done $0x0  }
0x7c: {  	[sflag:s20] =	ssyncadd.s32 $0xFFFFFC00  }
0x7d: {  	[hbm:s15], [sflag:s7] =	dma.local [spmem:s0], $0x400  }
0x7e: {  	_ =	swait.ge [sflag:s20], $0x400  }
0x7f: {  	[sflag:s20] =	ssyncset.done $0x0  }
0x80: {  	[sflag:s20] =	ssyncadd.s32 $0xFFFFFC00  }
0x81: {  	[hbm:s16], [sflag:s7] =	dma.local [spmem:s21], $0x400  }
0x82: {  	_ =	swait.ge [sflag:s20], $0x400  }
0x83: {  	[sflag:s20] =	ssyncset.done $0x0  }
0x84: {  	[sflag:s20] =	ssyncadd.s32 $0xFFFFFC00  }
0x85: {  	[hbm:s17], [sflag:s7] =	dma.local [spmem:s28], $0x400  }
0x86: {  	s31 =	sadd.s32 $0x1, s31;
	_ =	swait.ge [sflag:s20], $0x400  }
0x87: {  	p0 =	sne.s32 s31, s19;
	[sflag:s20] =	ssyncset.done $0x0  }
.Ltmp1:
0x88: {  	[sflag:s20] =	ssyncadd.s32 $0xFFFFFC00;
	(pc) =	sbr.rel @p0 .LBB2_1-.Ltmp1, $4  }
0x89: {  	[hbm:s18], [sflag:s7] =	dma.local [spmem:s29], $0x400  }
0x8a: {  	_ =	swait.ge [sflag:s20], $0x400  }
0x8b: {  	[sflag:s20] =	ssyncset.done $0x0  }
0x8c: {  	[sflag:s20] =	ssyncadd.s32 $0xFFFFFC00  }
0x8d: {  	_ =	sfence.sel $0x180000  }
0x8e: {  	[bflag:$0x0] =	sbarrier.arrive $0xFFFF  }
0x8f: {  	_ =	strace $0x90000053  }
0x90: {  	s0 =	stileid.u32;
	[bflag:$0x2] =	sbarrier.arrive $0xFFFF  }
0x91: {  	p0 =	sne.s32 s0, $0x0;
	s0 =	rddreg [dreg:$0x2]  }
0x92: {  	s0 =	sadd.s32 @!p0 $0x100000, s0  }
0x93: {  	[sflag:s0] =	ssyncadd.tile.s32 @!p0 $0x1;
	_ =	shalt  }
.Lfunc_end2:
_tile_overlayer_lowered:
.L_overlay_start_2:
0x94: {  	(tag) =	ssettag $0x2  }
0x95: {  	s0 =	rddreg [dreg:$0x0];
	s2 =	stileid.u32  }
0x96: {  	s1 =	rddreg [dreg:$0x1];
	p0 =	sne.s32 s2, $0x0  }
0x97: {  	s3 =	rddreg [dreg:$0x2];
	[bflag:$0x3] =	sbarrier.arrive $0xFFFF;
	s2 =	simm.s32 @!p0 $0x1C03  }
0x98: {  	[timem:s3], [sflag:s2] =	dma.local @!p0 [hbm:s0], s1  }
0x99: {  	s0 =	simm.s32 @!p0 $0x3  }
0x9a: {  	_ =	swait.ge @!p0 [sflag:s0], s1  }
0x9b: {  	s1 =	ssub.s32 @!p0 $0x0, s1;
	[sflag:s0] =	ssyncset.done @!p0 $0x0  }
0x9c: {  	[sflag:s0] =	ssyncadd.s32 @!p0 s1  }
0x9d: {  	[bflag:$0x3] =	sbarrier.arrive $0xFFFF  }
0x9e: {  	_ =	shalt  }

</sc_bundles>
